<compile_context>
chip_gen: v7x
topology: tpu7x:2x2x1
jax: 0.10.2.dev20260603
libtpu: 0.0.44.dev20260713+nightly
codegen_flags: <defaults>
</compile_context>

<pallas_src>
import functools

import jax
import jax.numpy as jnp
from jax import lax
from jax.experimental import pallas as pl
from jax.experimental.pallas import tpu as pltpu
from jax.experimental.pallas import tpu_sc as plsc

N_NODES = 10000
D_FEAT = 256
HALF = 128
EMBED_DIM = 128
N_REL = 3
N_EDGES = 160000
BATCH = 50000

NC = 2
NS = 16
NW = NC * NS

CH = 64
E_PAD = 163840
E_CHUNKS = E_PAD // NS // CH
G_CH = 128
DUMP = N_NODES
NP = 10240
ROWS_PER_TILE = NP // NS
SLABS = 2
SLAB = NP // SLABS
SLAB_T = SLAB + 16
SROWS = SLAB // NS
ZR = 8

B_PAD = 53248
G_CHUNKS = B_PAD // NW // G_CH


def _sc_segment_kernel(f_both, src_both, dst_hbm, summed, counts,
                       accum, cnts, src_v, dst_v, dloc_v, rows_v, ones_v,
                       zcnt, sem):
  cid = lax.axis_index("c")
  sid = lax.axis_index("s")

  def _init_ones(i, _):
    ones_v[i] = jnp.ones((16,), jnp.float32)
    return ()
  lax.fori_loop(0, CH, _init_ones, ())

  def _init_zcnt(i, _):
    zcnt[i] = jnp.zeros((16,), jnp.float32)
    return ()
  lax.fori_loop(0, CH, _init_zcnt, ())

  for r in range(N_REL):
    for slab in range(SLABS):
      lo = slab * SLAB
      r0 = sid * SROWS

      def _fill_zero(k, _):
        rows_v[k // 8, pl.ds((k % 8) * 16, 16)] = jnp.zeros((16,),
                                                            jnp.float32)
        return ()
      lax.fori_loop(0, CH * 8, _fill_zero, ())

      def _zero(i, _):
        pltpu.sync_copy(rows_v, accum.at[pl.ds(r0 + i * CH, CH)])
        pltpu.sync_copy(zcnt, cnts.at[pl.ds(r0 + i * CH, CH)])
        return ()
      lax.fori_loop(0, SROWS // CH, _zero, ())

      plsc.subcore_barrier()

      sbase = cid * (N_REL * E_PAD) + r * E_PAD + sid * (E_PAD // NS)
      dbase = r * E_PAD + sid * (E_PAD // NS)

      def _chunk(k, _):
        pltpu.sync_copy(src_both.at[pl.ds(sbase + k * CH, CH)], src_v)
        pltpu.sync_copy(dst_hbm.at[pl.ds(dbase + k * CH, CH)], dst_v)
        for t in range(CH // 16):
          d = dst_v[pl.ds(t * 16, 16)] - lo
          ok = (d >= 0) & (d < SLAB)
          dloc_v[pl.ds(t * 16, 16)] = jnp.where(ok, d, SLAB)
        pltpu.async_copy(f_both.at[src_v], rows_v, sem).wait()
        pltpu.sync_copy(rows_v, accum.at[dloc_v], add=True)
        pltpu.sync_copy(ones_v, cnts.at[dloc_v], add=True)
        return ()
      lax.fori_loop(0, E_CHUNKS, _chunk, ())

      plsc.subcore_barrier()

      def _wout(i, _):
        pltpu.sync_copy(accum.at[pl.ds(r0 + i * CH, CH)], rows_v)
        pltpu.sync_copy(
            rows_v,
            summed.at[pl.ds((r * NC + cid) * NP + lo + r0 + i * CH, CH)])
        pltpu.sync_copy(cnts.at[pl.ds(r0 + i * CH, CH)], zcnt)
        pltpu.sync_copy(
            zcnt,
            counts.at[pl.ds((cid * N_REL + r) * NP + lo + r0 + i * CH,
                            CH)])
        return ()
      lax.fori_loop(0, SROWS // CH, _wout, ())

      def _refill_zcnt(i, _):
        zcnt[i] = jnp.zeros((16,), jnp.float32)
        return ()
      lax.fori_loop(0, CH, _refill_zcnt, ())

      plsc.subcore_barrier()


def _sc_segment(f_both, src_both, dst_flat):
  mesh = plsc.VectorSubcoreMesh(core_axis_name="c", subcore_axis_name="s")
  return pl.kernel(
      _sc_segment_kernel,
      out_type=(
          jax.ShapeDtypeStruct((N_REL * NC * NP, HALF), jnp.float32),
          jax.ShapeDtypeStruct((NC * N_REL * NP, 16), jnp.float32),
      ),
      mesh=mesh,
      scratch_types=[
          pltpu.VMEM_SHARED((SLAB_T, HALF), jnp.float32),
          pltpu.VMEM_SHARED((SLAB_T, 16), jnp.float32),
          pltpu.VMEM((CH,), jnp.int32),
          pltpu.VMEM((CH,), jnp.int32),
          pltpu.VMEM((CH,), jnp.int32),
          pltpu.VMEM((CH, HALF), jnp.float32),
          pltpu.VMEM((CH, 16), jnp.float32),
          pltpu.VMEM((CH, 16), jnp.float32),
          pltpu.SemaphoreType.DMA,
      ],
  )(f_both, src_both, dst_flat)


def _sc_gather_kernel(u_hbm, idx_hbm, out_hbm, idx_v, rows_v, sem):
  wid = lax.axis_index("s") * NC + lax.axis_index("c")
  base = wid * (B_PAD // NW)

  def _chunk(k, _):
    b = base + k * G_CH
    pltpu.sync_copy(idx_hbm.at[pl.ds(b, G_CH)], idx_v)
    pltpu.async_copy(u_hbm.at[idx_v], rows_v, sem).wait()
    pltpu.sync_copy(rows_v, out_hbm.at[pl.ds(b, G_CH)])
    return ()
  lax.fori_loop(0, G_CHUNKS, _chunk, ())


def _sc_gather(u, nodes_pad):
  mesh = plsc.VectorSubcoreMesh(core_axis_name="c", subcore_axis_name="s")
  return pl.kernel(
      _sc_gather_kernel,
      out_type=jax.ShapeDtypeStruct((B_PAD, EMBED_DIM), jnp.float32),
      mesh=mesh,
      scratch_types=[
          pltpu.VMEM((G_CH,), jnp.int32),
          pltpu.VMEM((G_CH, EMBED_DIM), jnp.float32),
          pltpu.SemaphoreType.DMA,
      ],
  )(u, nodes_pad)


BLK = 1024


def _tc_dense_kernel(f_ref, s_ref, c_ref, w1_ref, b1_ref, w2_ref, b2_ref,
                     o_ref):
  f = f_ref[...]
  t = jnp.dot(f, w1_ref[0:D_FEAT, :], preferred_element_type=jnp.float32)
  for r in range(N_REL):
    cnt = jnp.maximum(c_ref[r, :, 0:1], 1.0)
    lo = s_ref[r, 0] / cnt
    hi = s_ref[r, 1] / cnt
    base = D_FEAT * (r + 1)
    t += jnp.dot(lo, w1_ref[base:base + HALF, :],
                 preferred_element_type=jnp.float32)
    t += jnp.dot(hi, w1_ref[base + HALF:base + D_FEAT, :],
                 preferred_element_type=jnp.float32)
  h = jnp.tanh(t + b1_ref[...])
  o_ref[...] = jnp.dot(h, w2_ref[...],
                       preferred_element_type=jnp.float32) + b2_ref[...]


def _tc_dense(features, summed, counts, W1, b1, W2, b2):
  grid = (NP // BLK,)
  return pl.pallas_call(
      _tc_dense_kernel,
      grid=grid,
      in_specs=[
          pl.BlockSpec((BLK, D_FEAT), lambda i: (i, 0)),
          pl.BlockSpec((N_REL, NC, BLK, HALF), lambda i: (0, 0, i, 0)),
          pl.BlockSpec((N_REL, BLK, 16), lambda i: (0, i, 0)),
          pl.BlockSpec(((N_REL + 1) * D_FEAT, D_FEAT), lambda i: (0, 0)),
          pl.BlockSpec((1, D_FEAT), lambda i: (0, 0)),
          pl.BlockSpec((D_FEAT, EMBED_DIM), lambda i: (0, 0)),
          pl.BlockSpec((1, EMBED_DIM), lambda i: (0, 0)),
      ],
      out_specs=pl.BlockSpec((BLK, EMBED_DIM), lambda i: (i, 0)),
      out_shape=jax.ShapeDtypeStruct((NP, EMBED_DIM), jnp.float32),
  )(features, summed, counts, W1, b1, W2, b2)


def kernel(nodes, features, edge_index_0, edge_index_1, edge_index_2,
           W1, b1, W2, b2):
  f_both = jnp.concatenate([features[:, :HALF], features[:, HALF:]], axis=0)

  srcs = []
  dsts = []
  pad = E_PAD - N_EDGES
  for e in (edge_index_0, edge_index_1, edge_index_2):
    srcs.append(jnp.concatenate(
        [e[0].astype(jnp.int32), jnp.zeros((pad,), jnp.int32)]))
    dsts.append(jnp.concatenate(
        [e[1].astype(jnp.int32), jnp.full((pad,), DUMP, jnp.int32)]))
  src_flat = jnp.concatenate(srcs)
  src_both = jnp.concatenate([src_flat, src_flat + N_NODES])
  dst_flat = jnp.concatenate(dsts)

  summed_flat, counts_flat = _sc_segment(f_both, src_both, dst_flat)
  summed = summed_flat.reshape(N_REL, NC, NP, HALF)
  counts = counts_flat.reshape(NC, N_REL, NP, 16)[0]

  u = _tc_dense(features, summed, counts, W1,
                b1.reshape(1, D_FEAT), W2, b2.reshape(1, EMBED_DIM))

  nodes_pad = jnp.concatenate(
      [nodes.astype(jnp.int32),
       jnp.zeros((B_PAD - BATCH,), jnp.int32)])
  out = _sc_gather(u, nodes_pad)
  return out[:BATCH]

# --- scband reference (transcript-rebuilt; emitter-appended) ---
"""Pipeline reference for scband-encoder-41412074668236 (READ-ONLY COPY).

The authoritative reference and input builder live on the scoring server;
editing this copy changes nothing except your own understanding.
"""

import jax, jax.numpy as jnp
import numpy as np

N_NODES = 10000
D_FEAT = 256
EMBED_DIM = 128
N_REL = 3
N_EDGES = N_NODES * 16
BATCH = 50000


def setup_inputs(seed: int = 0) -> dict:
    key = jax.random.key(seed)
    ks = jax.random.split(key, 10)
    nodes = jax.random.randint(ks[0], (BATCH,), 0, N_NODES, dtype=jnp.int64) if jax.config.jax_enable_x64 else jax.random.randint(ks[0], (BATCH,), 0, N_NODES).astype(jnp.int32)
    features = jax.random.normal(ks[1], (N_NODES, D_FEAT), dtype=jnp.float32)
    edge_index_0 = jax.random.randint(ks[2], (2, N_EDGES), 0, N_NODES)
    edge_index_1 = jax.random.randint(ks[3], (2, N_EDGES), 0, N_NODES)
    edge_index_2 = jax.random.randint(ks[4], (2, N_EDGES), 0, N_NODES)
    # proj = Linear((R+1)*d -> d), Tanh, Linear(d -> embed_dim); kaiming-like init
    W1 = jax.random.normal(ks[5], ((N_REL + 1) * D_FEAT, D_FEAT), dtype=jnp.float32) * np.sqrt(2.0 / ((N_REL + 1) * D_FEAT))
    b1 = jax.random.uniform(ks[6], (D_FEAT,), minval=-1.0, maxval=1.0, dtype=jnp.float32) / np.sqrt((N_REL + 1) * D_FEAT)
    W2 = jax.random.normal(ks[7], (D_FEAT, EMBED_DIM), dtype=jnp.float32) * np.sqrt(2.0 / D_FEAT)
    b2 = jax.random.uniform(ks[8], (EMBED_DIM,), minval=-1.0, maxval=1.0, dtype=jnp.float32) / np.sqrt(D_FEAT)
    return {"nodes": nodes, "features": features, "edge_index_0": edge_index_0,
            "edge_index_1": edge_index_1, "edge_index_2": edge_index_2,
            "W1": W1, "b1": b1, "W2": W2, "b2": b2}


def _mean_aggregate(features, edge_index, nodes):
    # MeanAggregator over one relation: mean of neighbor (src) features at each dst node,
    # then gather rows for the query batch `nodes`.
    src = edge_index[0]
    dst = edge_index[1]
    msgs = jnp.take(features, src, axis=0)
    summed = jax.ops.segment_sum(msgs, dst, num_segments=N_NODES)
    counts = jax.ops.segment_sum(jnp.ones((src.shape[0], 1), dtype=features.dtype), dst, num_segments=N_NODES)
    mean = summed / jnp.clip(counts, 1.0)
    return jnp.take(mean, nodes, axis=0)


def reference(nodes, features, edge_index_0, edge_index_1, edge_index_2, W1, b1, W2, b2):
    neigh_feats = [_mean_aggregate(features, ei, nodes)
                   for ei in (edge_index_0, edge_index_1, edge_index_2)]
    self_feats = jnp.take(features, nodes, axis=0)
    X = jnp.concatenate([self_feats] + neigh_feats, axis=1)
    h = jnp.tanh(X @ W1 + b1)
    return h @ W2 + b2

if __name__ == "__main__":
    import jax
    _d = setup_inputs()
    print(jax.jit(kernel)(*tuple(_d.values())))

</pallas_src>

<mosaic_0001>
#map = affine_map<(d0, d1) -> (0, 0)>
#map1 = affine_map<(d0, d1) -> (0)>
module attributes {stable_mosaic.version = 14 : i64} {
  func.func @_sc_segment_kernel(%arg0: i32, %arg1: i32, %arg2: memref<20000x128xf32, #tpu.memory_space<hbm>>, %arg3: memref<983040xi32, #tpu.memory_space<hbm>>, %arg4: memref<491520xi32, #tpu.memory_space<hbm>>, %arg5: memref<61440x128xf32, #tpu.memory_space<hbm>>, %arg6: memref<61440x16xf32, #tpu.memory_space<hbm>>, %arg7: memref<5136x128xf32, #tpu.memory_space<vmem_shared>>, %arg8: memref<5136x16xf32, #tpu.memory_space<vmem_shared>>, %arg9: memref<64xi32, #tpu.memory_space<vmem>>, %arg10: memref<64xi32, #tpu.memory_space<vmem>>, %arg11: memref<64xi32, #tpu.memory_space<vmem>>, %arg12: memref<64x128xf32, #tpu.memory_space<vmem>>, %arg13: memref<64x16xf32, #tpu.memory_space<vmem>>, %arg14: memref<64x16xf32, #tpu.memory_space<vmem>>, %arg15: memref<!tpu.dma_semaphore, #tpu.memory_space<semaphore_mem>>) attributes {dimension_semantics = [#tpu.dimension_semantics<core_parallel>, #tpu.dimension_semantics<subcore_parallel>], iteration_bounds = array<i64: 2, 16>, scalar_prefetch = 0 : i64, scratch_operands = 9 : i64, tpu.core_type = #tpu.core_type<sc_vector_subcore>, window_params = [{transform_indices = #map}, {transform_indices = #map1}, {transform_indices = #map1}, {transform_indices = #map}, {transform_indices = #map}]} {
    %scan3A = arith.constant 0 : i32
    %scan3A_0 = arith.constant 64 : i32
    %scan3A_1 = arith.addi %scan3A, %scan3A_0 : i32
    %scan3A_2 = arith.constant 1 : i32
    scf.for %scan3A_252 = %scan3A to %scan3A_1 step %scan3A_2  : i32 {
      %broadcast_in_dim3A = arith.constant 1.000000e+00 : f32
      %broadcast_in_dim3A_253 = vector.broadcast %broadcast_in_dim3A : f32 to vector<16xf32>
      %swap3A = arith.index_cast %scan3A_252 : i32 to index
      %swap3A_254 = arith.constant 0 : index
      %swap3A_255 = tpu.vector_load %arg13[%swap3A, %swap3A_254] {strides = array<i32>} : memref<64x16xf32, #tpu.memory_space<vmem>>, vector<1x16xf32>,
      %swap3A_256 = vector.shape_cast %swap3A_255 : vector<1x16xf32> to vector<16xf32>
      %swap3A_257 = vector.shape_cast %broadcast_in_dim3A_253 : vector<16xf32> to vector<1x16xf32>
      tpu.vector_store %arg13[%swap3A, %swap3A_254], %swap3A_257 {strides = array<i32>} : memref<64x16xf32, #tpu.memory_space<vmem>>, vector<1x16xf32>,
    }
    %scan3A_3 = arith.constant 64 : i32
    %scan3A_4 = arith.constant 0 : i32
    %scan3A_5 = arith.constant 64 : i32
    %scan3A_6 = arith.addi %scan3A_4, %scan3A_5 : i32
    %scan3A_7 = arith.constant 1 : i32
    scf.for %scan3A_252 = %scan3A_4 to %scan3A_6 step %scan3A_7  : i32 {
      %broadcast_in_dim3A = arith.constant 0.000000e+00 : f32
      %broadcast_in_dim3A_253 = vector.broadcast %broadcast_in_dim3A : f32 to vector<16xf32>
      %swap3A = arith.index_cast %scan3A_252 : i32 to index
      %swap3A_254 = arith.constant 0 : index
      %swap3A_255 = tpu.vector_load %arg14[%swap3A, %swap3A_254] {strides = array<i32>} : memref<64x16xf32, #tpu.memory_space<vmem>>, vector<1x16xf32>,
      %swap3A_256 = vector.shape_cast %swap3A_255 : vector<1x16xf32> to vector<16xf32>
      %swap3A_257 = vector.shape_cast %broadcast_in_dim3A_253 : vector<16xf32> to vector<1x16xf32>
      tpu.vector_store %arg14[%swap3A, %swap3A_254], %swap3A_257 {strides = array<i32>} : memref<64x16xf32, #tpu.memory_space<vmem>>, vector<1x16xf32>,
    }
    %scan3A_8 = arith.constant 64 : i32
    %mul3A = arith.constant 320 : i32
    %mul3A_9 = arith.muli %arg1, %mul3A : i32
    %scan3A_10 = arith.constant 0 : i32
    %scan3A_11 = arith.constant 512 : i32
    %scan3A_12 = arith.addi %scan3A_10, %scan3A_11 : i32
    %scan3A_13 = arith.constant 1 : i32
    scf.for %scan3A_252 = %scan3A_10 to %scan3A_12 step %scan3A_13  : i32 {
      %broadcast_in_dim3A = arith.constant 0.000000e+00 : f32
      %broadcast_in_dim3A_253 = vector.broadcast %broadcast_in_dim3A : f32 to vector<16xf32>
      %jit3A = arith.constant 8 : i32
      %div3A = arith.divsi %scan3A_252, %jit3A : i32
      %sign3A = arith.constant 0 : i32
      %sign3A_254 = arith.cmpi sgt, %scan3A_252, %sign3A : i32
      %sign3A_255 = arith.extui %sign3A_254 : i1 to i32
      %sign3A_256 = arith.constant 0 : i32
      %sign3A_257 = arith.cmpi slt, %scan3A_252, %sign3A_256 : i32
      %sign3A_258 = arith.extui %sign3A_257 : i1 to i32
      %sign3A_259 = arith.subi %sign3A_255, %sign3A_258 : i32
      %sign3A_260 = arith.constant 0 : i32
      %sign3A_261 = arith.cmpi sgt, %jit3A, %sign3A_260 : i32
      %sign3A_262 = arith.extui %sign3A_261 : i1 to i32
      %sign3A_263 = arith.constant 0 : i32
      %sign3A_264 = arith.cmpi slt, %jit3A, %sign3A_263 : i32
      %sign3A_265 = arith.extui %sign3A_264 : i1 to i32
      %sign3A_266 = arith.subi %sign3A_262, %sign3A_265 : i32
      %ne3A = arith.cmpi ne, %sign3A_259, %sign3A_266 : i32
      %rem3A = arith.remsi %scan3A_252, %jit3A : i32
      %ne3A_267 = arith.constant 0 : i32
      %ne3A_268 = arith.cmpi ne, %rem3A, %ne3A_267 : i32
      %and3A = arith.andi %ne3A, %ne3A_268 : i1
      %sub3A = arith.constant 1 : i32
      %sub3A_269 = arith.subi %div3A, %sub3A : i32
      %select_n3A = arith.select %and3A, %sub3A_269, %div3A : i32
      %jit3A_270 = arith.constant 8 : i32
      %eq3A = arith.constant 0 : i32
      %eq3A_271 = arith.cmpi eq, %jit3A_270, %eq3A : i32
      %jit3A_272 = arith.constant 1 : i32
      %select_n3A_273 = arith.select %eq3A_271, %jit3A_272, %jit3A_270 : i32
      %rem3A_274 = arith.remsi %scan3A_252, %select_n3A_273 : i32
      %ne3A_275 = arith.constant 0 : i32
      %ne3A_276 = arith.cmpi ne, %rem3A_274, %ne3A_275 : i32
      %lt3A = arith.constant 0 : i32
      %lt3A_277 = arith.cmpi slt, %rem3A_274, %lt3A : i32
      %lt3A_278 = arith.constant 0 : i32
      %lt3A_279 = arith.cmpi slt, %select_n3A_273, %lt3A_278 : i32
      %ne3A_280 = arith.xori %lt3A_277, %lt3A_279 : i1
      %and3A_281 = arith.andi %ne3A_280, %ne3A_276 : i1
      %add3A_282 = arith.addi %rem3A_274, %select_n3A_273 : i32
      %select_n3A_283 = arith.select %and3A_281, %add3A_282, %rem3A_274 : i32
      %mul3A_284 = arith.constant 16 : i32
      %mul3A_285 = arith.muli %select_n3A_283, %mul3A_284 : i32
      %swap3A = arith.index_cast %select_n3A : i32 to index
      %swap3A_286 = arith.index_cast %mul3A_285 : i32 to index
      %swap3A_287 = tpu.vector_load %arg12[%swap3A, %swap3A_286] {strides = array<i32>} : memref<64x128xf32, #tpu.memory_space<vmem>>, vector<1x16xf32>,
      %swap3A_288 = vector.shape_cast %swap3A_287 : vector<1x16xf32> to vector<16xf32>
      %swap3A_289 = vector.shape_cast %broadcast_in_dim3A_253 : vector<16xf32> to vector<1x16xf32>
      tpu.vector_store %arg12[%swap3A, %swap3A_286], %swap3A_289 {strides = array<i32>} : memref<64x128xf32, #tpu.memory_space<vmem>>, vector<1x16xf32>,
    }
    %scan3A_14 = arith.constant 512 : i32
    %scan3A_15 = arith.constant 0 : i32
    %scan3A_16 = arith.constant 5 : i32
    %scan3A_17 = arith.addi %scan3A_15, %scan3A_16 : i32
    %scan3A_18 = arith.constant 1 : i32
    scf.for %scan3A_252 = %scan3A_15 to %scan3A_17 step %scan3A_18  : i32 {
      %mul3A_253 = arith.constant 64 : i32
      %mul3A_254 = arith.muli %scan3A_252, %mul3A_253 : i32
      %add3A_255 = arith.addi %mul3A_9, %mul3A_254 : i32
      "tpu.region"() ({
        %run_scoped3A = tpu.sem_alloc : memref<!tpu.dma_semaphore, #tpu.memory_space<semaphore_mem>>
        %dma_start3A = arith.constant 0 : i32
        %dma_start3A_259 = tpu.memref_slice %arg7[%add3A_255, %dma_start3A] : memref<5136x128xf32, #tpu.memory_space<vmem_shared>> -> memref<64x128xf32, #tpu.memory_space<vmem_shared>>
        %dma_start3A_260 = arith.constant 0 : i32
        %dma_start3A_261 = tpu.memref_slice %arg7[%add3A_255, %dma_start3A_260] : memref<5136x128xf32, #tpu.memory_space<vmem_shared>> -> memref<64x128xf32, #tpu.memory_space<vmem_shared>>
        tpu.enqueue_dma source(%arg12 : memref<64x128xf32, #tpu.memory_space<vmem>>) target(%dma_start3A_261 : memref<64x128xf32, #tpu.memory_space<vmem_shared>>) target_semaphore(%run_scoped3A : memref<!tpu.dma_semaphore, #tpu.memory_space<semaphore_mem>>)
        %dma_wait3A = arith.constant 0 : i32
        %dma_wait3A_262 = tpu.memref_slice %arg7[%add3A_255, %dma_wait3A] : memref<5136x128xf32, #tpu.memory_space<vmem_shared>> -> memref<64x128xf32, #tpu.memory_space<vmem_shared>>
        %dma_wait3A_263 = arith.constant 0 : i32
        %dma_wait3A_264 = tpu.memref_slice %arg7[%add3A_255, %dma_wait3A_263] : memref<5136x128xf32, #tpu.memory_space<vmem_shared>> -> memref<64x128xf32, #tpu.memory_space<vmem_shared>>
        tpu.wait_dma2 semaphore(%run_scoped3A : memref<!tpu.dma_semaphore, #tpu.memory_space<semaphore_mem>>) src(%arg12 : memref<64x128xf32, #tpu.memory_space<vmem>>) dst(%dma_wait3A_264 : memref<64x128xf32, #tpu.memory_space<vmem_shared>>)
        tpu.yield
      }) : () -> ()
      %mul3A_256 = arith.constant 64 : i32
      %mul3A_257 = arith.muli %scan3A_252, %mul3A_256 : i32
      %add3A_258 = arith.addi %mul3A_9, %mul3A_257 : i32
      "tpu.region"() ({
        %run_scoped3A = tpu.sem_alloc : memref<!tpu.dma_semaphore, #tpu.memory_space<semaphore_mem>>
        %dma_start3A = arith.constant 0 : i32
        %dma_start3A_259 = tpu.memref_slice %arg8[%add3A_258, %dma_start3A] : memref<5136x16xf32, #tpu.memory_space<vmem_shared>> -> memref<64x16xf32, #tpu.memory_space<vmem_shared>>
        %dma_start3A_260 = arith.constant 0 : i32
        %dma_start3A_261 = tpu.memref_slice %arg8[%add3A_258, %dma_start3A_260] : memref<5136x16xf32, #tpu.memory_space<vmem_shared>> -> memref<64x16xf32, #tpu.memory_space<vmem_shared>>
        tpu.enqueue_dma source(%arg14 : memref<64x16xf32, #tpu.memory_space<vmem>>) target(%dma_start3A_261 : memref<64x16xf32, #tpu.memory_space<vmem_shared>>) target_semaphore(%run_scoped3A : memref<!tpu.dma_semaphore, #tpu.memory_space<semaphore_mem>>)
        %dma_wait3A = arith.constant 0 : i32
        %dma_wait3A_262 = tpu.memref_slice %arg8[%add3A_258, %dma_wait3A] : memref<5136x16xf32, #tpu.memory_space<vmem_shared>> -> memref<64x16xf32, #tpu.memory_space<vmem_shared>>
        %dma_wait3A_263 = arith.constant 0 : i32
        %dma_wait3A_264 = tpu.memref_slice %arg8[%add3A_258, %dma_wait3A_263] : memref<5136x16xf32, #tpu.memory_space<vmem_shared>> -> memref<64x16xf32, #tpu.memory_space<vmem_shared>>
        tpu.wait_dma2 semaphore(%run_scoped3A : memref<!tpu.dma_semaphore, #tpu.memory_space<semaphore_mem>>) src(%arg14 : memref<64x16xf32, #tpu.memory_space<vmem>>) dst(%dma_wait3A_264 : memref<64x16xf32, #tpu.memory_space<vmem_shared>>)
        tpu.yield
      }) : () -> ()
    }
    %scan3A_19 = arith.constant 5 : i32
    %barrier3A = arith.constant 0 : index
    tpu.barrier barrier_id(%barrier3A)
    %mul3A_20 = arith.constant 491520 : i32
    %mul3A_21 = arith.muli %arg0, %mul3A_20 : i32
    %add3A = arith.constant 0 : i32
    %add3A_22 = arith.addi %mul3A_21, %add3A : i32
    %mul3A_23 = arith.constant 10240 : i32
    %mul3A_24 = arith.muli %arg1, %mul3A_23 : i32
    %add3A_25 = arith.addi %add3A_22, %mul3A_24 : i32
    %mul3A_26 = arith.constant 10240 : i32
    %mul3A_27 = arith.muli %arg1, %mul3A_26 : i32
    %add3A_28 = arith.constant 0 : i32
    %add3A_29 = arith.addi %add3A_28, %mul3A_27 : i32
    %scan3A_30 = arith.constant 0 : i32
    %scan3A_31 = arith.constant 160 : i32
    %scan3A_32 = arith.addi %scan3A_30, %scan3A_31 : i32
    %scan3A_33 = arith.constant 1 : i32
    scf.for %scan3A_252 = %scan3A_30 to %scan3A_32 step %scan3A_33  : i32 {
      %mul3A_253 = arith.constant 64 : i32
      %mul3A_254 = arith.muli %scan3A_252, %mul3A_253 : i32
      %add3A_255 = arith.addi %add3A_25, %mul3A_254 : i32
      "tpu.region"() ({
        %run_scoped3A = tpu.sem_alloc : memref<!tpu.dma_semaphore, #tpu.memory_space<semaphore_mem>>
        %dma_start3A_334 = tpu.memref_slice %arg3[%add3A_255] : memref<983040xi32, #tpu.memory_space<hbm>> -> memref<64xi32, #tpu.memory_space<hbm>>
        %dma_start3A_335 = tpu.memref_slice %arg3[%add3A_255] : memref<983040xi32, #tpu.memory_space<hbm>> -> memref<64xi32, #tpu.memory_space<hbm>>
        tpu.enqueue_dma source(%dma_start3A_335 : memref<64xi32, #tpu.memory_space<hbm>>) target(%arg9 : memref<64xi32, #tpu.memory_space<vmem>>) target_semaphore(%run_scoped3A : memref<!tpu.dma_semaphore, #tpu.memory_space<semaphore_mem>>)
        %dma_wait3A_336 = tpu.memref_slice %arg3[%add3A_255] : memref<983040xi32, #tpu.memory_space<hbm>> -> memref<64xi32, #tpu.memory_space<hbm>>
        %dma_wait3A_337 = tpu.memref_slice %arg3[%add3A_255] : memref<983040xi32, #tpu.memory_space<hbm>> -> memref<64xi32, #tpu.memory_space<hbm>>
        tpu.wait_dma2 semaphore(%run_scoped3A : memref<!tpu.dma_semaphore, #tpu.memory_space<semaphore_mem>>) src(%dma_wait3A_337 : memref<64xi32, #tpu.memory_space<hbm>>) dst(%arg9 : memref<64xi32, #tpu.memory_space<vmem>>)
        tpu.yield
      }) : () -> ()
      %mul3A_256 = arith.constant 64 : i32
      %mul3A_257 = arith.muli %scan3A_252, %mul3A_256 : i32
      %add3A_258 = arith.addi %add3A_29, %mul3A_257 : i32
      "tpu.region"() ({
        %run_scoped3A = tpu.sem_alloc : memref<!tpu.dma_semaphore, #tpu.memory_space<semaphore_mem>>
        %dma_start3A_334 = tpu.memref_slice %arg4[%add3A_258] : memref<491520xi32, #tpu.memory_space<hbm>> -> memref<64xi32, #tpu.memory_space<hbm>>
        %dma_start3A_335 = tpu.memref_slice %arg4[%add3A_258] : memref<491520xi32, #tpu.memory_space<hbm>> -> memref<64xi32, #tpu.memory_space<hbm>>
        tpu.enqueue_dma source(%dma_start3A_335 : memref<64xi32, #tpu.memory_space<hbm>>) target(%arg10 : memref<64xi32, #tpu.memory_space<vmem>>) target_semaphore(%run_scoped3A : memref<!tpu.dma_semaphore, #tpu.memory_space<semaphore_mem>>)
        %dma_wait3A_336 = tpu.memref_slice %arg4[%add3A_258] : memref<491520xi32, #tpu.memory_space<hbm>> -> memref<64xi32, #tpu.memory_space<hbm>>
        %dma_wait3A_337 = tpu.memref_slice %arg4[%add3A_258] : memref<491520xi32, #tpu.memory_space<hbm>> -> memref<64xi32, #tpu.memory_space<hbm>>
        tpu.wait_dma2 semaphore(%run_scoped3A : memref<!tpu.dma_semaphore, #tpu.memory_space<semaphore_mem>>) src(%dma_wait3A_337 : memref<64xi32, #tpu.memory_space<hbm>>) dst(%arg10 : memref<64xi32, #tpu.memory_space<vmem>>)
        tpu.yield
      }) : () -> ()
      %get3A = arith.constant 0 : index
      %get3A_259 = tpu.vector_load %arg10[%get3A] {strides = array<i32>} : memref<64xi32, #tpu.memory_space<vmem>>, vector<16xi32>,
      %get3A_260 = vector.shape_cast %get3A_259 : vector<16xi32> to vector<16xi32>
      %sub3A = arith.constant 0 : i32
      %sub3A_261 = vector.broadcast %sub3A : i32 to vector<16xi32>
      %sub3A_262 = arith.subi %get3A_260, %sub3A_261 : vector<16xi32>
      %ge3A = arith.constant 0 : i32
      %ge3A_263 = vector.broadcast %ge3A : i32 to vector<16xi32>
      %ge3A_264 = arith.cmpi sge, %sub3A_262, %ge3A_263 : vector<16xi32>
      %lt3A = arith.constant 5120 : i32
      %lt3A_265 = vector.broadcast %lt3A : i32 to vector<16xi32>
      %lt3A_266 = arith.cmpi slt, %sub3A_262, %lt3A_265 : vector<16xi32>
      %and3A = arith.andi %ge3A_264, %lt3A_266 : vector<16xi1>
      %jit3A = arith.constant 5120 : i32
      %broadcast_in_dim3A = vector.broadcast %jit3A : i32 to vector<16xi32>
      %select_n3A = arith.select %and3A, %sub3A_262, %broadcast_in_dim3A : vector<16xi1>, vector<16xi32>
      %swap3A = arith.constant 0 : index
      %swap3A_267 = tpu.vector_load %arg11[%swap3A] {strides = array<i32>} : memref<64xi32, #tpu.memory_space<vmem>>, vector<16xi32>,
      %swap3A_268 = vector.shape_cast %swap3A_267 : vector<16xi32> to vector<16xi32>
      %swap3A_269 = vector.shape_cast %select_n3A : vector<16xi32> to vector<16xi32>
      tpu.vector_store %arg11[%swap3A], %swap3A_269 {strides = array<i32>} : memref<64xi32, #tpu.memory_space<vmem>>, vector<16xi32>,
      %get3A_270 = arith.constant 16 : index
      %get3A_271 = tpu.vector_load %arg10[%get3A_270] {strides = array<i32>} : memref<64xi32, #tpu.memory_space<vmem>>, vector<16xi32>,
      %get3A_272 = vector.shape_cast %get3A_271 : vector<16xi32> to vector<16xi32>
      %sub3A_273 = arith.constant 0 : i32
      %sub3A_274 = vector.broadcast %sub3A_273 : i32 to vector<16xi32>
      %sub3A_275 = arith.subi %get3A_272, %sub3A_274 : vector<16xi32>
      %ge3A_276 = arith.constant 0 : i32
      %ge3A_277 = vector.broadcast %ge3A_276 : i32 to vector<16xi32>
      %ge3A_278 = arith.cmpi sge, %sub3A_275, %ge3A_277 : vector<16xi32>
      %lt3A_279 = arith.constant 5120 : i32
      %lt3A_280 = vector.broadcast %lt3A_279 : i32 to vector<16xi32>
      %lt3A_281 = arith.cmpi slt, %sub3A_275, %lt3A_280 : vector<16xi32>
      %and3A_282 = arith.andi %ge3A_278, %lt3A_281 : vector<16xi1>
      %jit3A_283 = arith.constant 5120 : i32
      %broadcast_in_dim3A_284 = vector.broadcast %jit3A_283 : i32 to vector<16xi32>
      %select_n3A_285 = arith.select %and3A_282, %sub3A_275, %broadcast_in_dim3A_284 : vector<16xi1>, vector<16xi32>
      %swap3A_286 = arith.constant 16 : index
      %swap3A_287 = tpu.vector_load %arg11[%swap3A_286] {strides = array<i32>} : memref<64xi32, #tpu.memory_space<vmem>>, vector<16xi32>,
      %swap3A_288 = vector.shape_cast %swap3A_287 : vector<16xi32> to vector<16xi32>
      %swap3A_289 = vector.shape_cast %select_n3A_285 : vector<16xi32> to vector<16xi32>
      tpu.vector_store %arg11[%swap3A_286], %swap3A_289 {strides = array<i32>} : memref<64xi32, #tpu.memory_space<vmem>>, vector<16xi32>,
      %get3A_290 = arith.constant 32 : index
      %get3A_291 = tpu.vector_load %arg10[%get3A_290] {strides = array<i32>} : memref<64xi32, #tpu.memory_space<vmem>>, vector<16xi32>,
      %get3A_292 = vector.shape_cast %get3A_291 : vector<16xi32> to vector<16xi32>
      %sub3A_293 = arith.constant 0 : i32
      %sub3A_294 = vector.broadcast %sub3A_293 : i32 to vector<16xi32>
      %sub3A_295 = arith.subi %get3A_292, %sub3A_294 : vector<16xi32>
      %ge3A_296 = arith.constant 0 : i32
      %ge3A_297 = vector.broadcast %ge3A_296 : i32 to vector<16xi32>
      %ge3A_298 = arith.cmpi sge, %sub3A_295, %ge3A_297 : vector<16xi32>
      %lt3A_299 = arith.constant 5120 : i32
      %lt3A_300 = vector.broadcast %lt3A_299 : i32 to vector<16xi32>
      %lt3A_301 = arith.cmpi slt, %sub3A_295, %lt3A_300 : vector<16xi32>
      %and3A_302 = arith.andi %ge3A_298, %lt3A_301 : vector<16xi1>
      %jit3A_303 = arith.constant 5120 : i32
      %broadcast_in_dim3A_304 = vector.broadcast %jit3A_303 : i32 to vector<16xi32>
      %select_n3A_305 = arith.select %and3A_302, %sub3A_295, %broadcast_in_dim3A_304 : vector<16xi1>, vector<16xi32>
      %swap3A_306 = arith.constant 32 : index
      %swap3A_307 = tpu.vector_load %arg11[%swap3A_306] {strides = array<i32>} : memref<64xi32, #tpu.memory_space<vmem>>, vector<16xi32>,
      %swap3A_308 = vector.shape_cast %swap3A_307 : vector<16xi32> to vector<16xi32>
      %swap3A_309 = vector.shape_cast %select_n3A_305 : vector<16xi32> to vector<16xi32>
      tpu.vector_store %arg11[%swap3A_306], %swap3A_309 {strides = array<i32>} : memref<64xi32, #tpu.memory_space<vmem>>, vector<16xi32>,
      %get3A_310 = arith.constant 48 : index
      %get3A_311 = tpu.vector_load %arg10[%get3A_310] {strides = array<i32>} : memref<64xi32, #tpu.memory_space<vmem>>, vector<16xi32>,
      %get3A_312 = vector.shape_cast %get3A_311 : vector<16xi32> to vector<16xi32>
      %sub3A_313 = arith.constant 0 : i32
      %sub3A_314 = vector.broadcast %sub3A_313 : i32 to vector<16xi32>
      %sub3A_315 = arith.subi %get3A_312, %sub3A_314 : vector<16xi32>
      %ge3A_316 = arith.constant 0 : i32
      %ge3A_317 = vector.broadcast %ge3A_316 : i32 to vector<16xi32>
      %ge3A_318 = arith.cmpi sge, %sub3A_315, %ge3A_317 : vector<16xi32>
      %lt3A_319 = arith.constant 5120 : i32
      %lt3A_320 = vector.broadcast %lt3A_319 : i32 to vector<16xi32>
      %lt3A_321 = arith.cmpi slt, %sub3A_315, %lt3A_320 : vector<16xi32>
      %and3A_322 = arith.andi %ge3A_318, %lt3A_321 : vector<16xi1>
      %jit3A_323 = arith.constant 5120 : i32
      %broadcast_in_dim3A_324 = vector.broadcast %jit3A_323 : i32 to vector<16xi32>
      %select_n3A_325 = arith.select %and3A_322, %sub3A_315, %broadcast_in_dim3A_324 : vector<16xi1>, vector<16xi32>
      %swap3A_326 = arith.constant 48 : index
      %swap3A_327 = tpu.vector_load %arg11[%swap3A_326] {strides = array<i32>} : memref<64xi32, #tpu.memory_space<vmem>>, vector<16xi32>,
      %swap3A_328 = vector.shape_cast %swap3A_327 : vector<16xi32> to vector<16xi32>
      %swap3A_329 = vector.shape_cast %select_n3A_325 : vector<16xi32> to vector<16xi32>
      tpu.vector_store %arg11[%swap3A_326], %swap3A_329 {strides = array<i32>} : memref<64xi32, #tpu.memory_space<vmem>>, vector<16xi32>,
      %dma_start3A = arith.constant 0 : i32
      %dma_start3A_330 = arith.constant 0 : i32
      %dma_start3A_331 = tpu.memref_slice %arg2[%dma_start3A, %dma_start3A_330] : memref<20000x128xf32, #tpu.memory_space<hbm>> -> memref<20000x128xf32, #tpu.memory_space<hbm>>
      tpu.enqueue_indirect_dma source(%dma_start3A_331 : memref<20000x128xf32, #tpu.memory_space<hbm>>) target(%arg12 : memref<64x128xf32, #tpu.memory_space<vmem>>) offsets(%arg9 : memref<64xi32, #tpu.memory_space<vmem>>) semaphore(%arg15 : memref<!tpu.dma_semaphore, #tpu.memory_space<semaphore_mem>>)
      %dma_wait3A = arith.constant 0 : i32
      %dma_wait3A_332 = arith.constant 0 : i32
      %dma_wait3A_333 = tpu.memref_slice %arg2[%dma_wait3A, %dma_wait3A_332] : memref<20000x128xf32, #tpu.memory_space<hbm>> -> memref<20000x128xf32, #tpu.memory_space<hbm>>
      tpu.wait_indirect_dma semaphore(%arg15 : memref<!tpu.dma_semaphore, #tpu.memory_space<semaphore_mem>>) src(%dma_wait3A_333 : memref<20000x128xf32, #tpu.memory_space<hbm>>) dst(%arg12 : memref<64x128xf32, #tpu.memory_space<vmem>>)
      "tpu.region"() ({
        %run_scoped3A = tpu.sem_alloc : memref<!tpu.dma_semaphore, #tpu.memory_space<semaphore_mem>>
        %dma_start3A_334 = arith.constant 0 : i32
        %dma_start3A_335 = arith.constant 0 : i32
        %dma_start3A_336 = tpu.memref_slice %arg7[%dma_start3A_334, %dma_start3A_335] : memref<5136x128xf32, #tpu.memory_space<vmem_shared>> -> memref<5136x128xf32, #tpu.memory_space<vmem_shared>>
        tpu.enqueue_indirect_dma source(%arg12 : memref<64x128xf32, #tpu.memory_space<vmem>>) target(%dma_start3A_336 : memref<5136x128xf32, #tpu.memory_space<vmem_shared>>) offsets(%arg11 : memref<64xi32, #tpu.memory_space<vmem>>) semaphore(%run_scoped3A : memref<!tpu.dma_semaphore, #tpu.memory_space<semaphore_mem>>) {add = true}
        %dma_wait3A_337 = arith.constant 0 : i32
        %dma_wait3A_338 = arith.constant 0 : i32
        %dma_wait3A_339 = tpu.memref_slice %arg7[%dma_wait3A_337, %dma_wait3A_338] : memref<5136x128xf32, #tpu.memory_space<vmem_shared>> -> memref<5136x128xf32, #tpu.memory_space<vmem_shared>>
        tpu.wait_indirect_dma semaphore(%run_scoped3A : memref<!tpu.dma_semaphore, #tpu.memory_space<semaphore_mem>>) src(%arg12 : memref<64x128xf32, #tpu.memory_space<vmem>>) dst(%dma_wait3A_339 : memref<5136x128xf32, #tpu.memory_space<vmem_shared>>)
        tpu.yield
      }) : () -> ()
      "tpu.region"() ({
        %run_scoped3A = tpu.sem_alloc : memref<!tpu.dma_semaphore, #tpu.memory_space<semaphore_mem>>
        %dma_start3A_334 = arith.constant 0 : i32
        %dma_start3A_335 = arith.constant 0 : i32
        %dma_start3A_336 = tpu.memref_slice %arg8[%dma_start3A_334, %dma_start3A_335] : memref<5136x16xf32, #tpu.memory_space<vmem_shared>> -> memref<5136x16xf32, #tpu.memory_space<vmem_shared>>
        tpu.enqueue_indirect_dma source(%arg13 : memref<64x16xf32, #tpu.memory_space<vmem>>) target(%dma_start3A_336 : memref<5136x16xf32, #tpu.memory_space<vmem_shared>>) offsets(%arg11 : memref<64xi32, #tpu.memory_space<vmem>>) semaphore(%run_scoped3A : memref<!tpu.dma_semaphore, #tpu.memory_space<semaphore_mem>>) {add = true}
        %dma_wait3A_337 = arith.constant 0 : i32
        %dma_wait3A_338 = arith.constant 0 : i32
        %dma_wait3A_339 = tpu.memref_slice %arg8[%dma_wait3A_337, %dma_wait3A_338] : memref<5136x16xf32, #tpu.memory_space<vmem_shared>> -> memref<5136x16xf32, #tpu.memory_space<vmem_shared>>
        tpu.wait_indirect_dma semaphore(%run_scoped3A : memref<!tpu.dma_semaphore, #tpu.memory_space<semaphore_mem>>) src(%arg13 : memref<64x16xf32, #tpu.memory_space<vmem>>) dst(%dma_wait3A_339 : memref<5136x16xf32, #tpu.memory_space<vmem_shared>>)
        tpu.yield
      }) : () -> ()
    }
    %scan3A_34 = arith.constant 160 : i32
    %barrier3A_35 = arith.constant 0 : index
    tpu.barrier barrier_id(%barrier3A_35)
    %scan3A_36 = arith.constant 0 : i32
    %scan3A_37 = arith.constant 5 : i32
    %scan3A_38 = arith.addi %scan3A_36, %scan3A_37 : i32
    %scan3A_39 = arith.constant 1 : i32
    scf.for %scan3A_252 = %scan3A_36 to %scan3A_38 step %scan3A_39  : i32 {
      %mul3A_253 = arith.constant 64 : i32
      %mul3A_254 = arith.muli %scan3A_252, %mul3A_253 : i32
      %add3A_255 = arith.addi %mul3A_9, %mul3A_254 : i32
      "tpu.region"() ({
        %run_scoped3A = tpu.sem_alloc : memref<!tpu.dma_semaphore, #tpu.memory_space<semaphore_mem>>
        %dma_start3A = arith.constant 0 : i32
        %dma_start3A_281 = tpu.memref_slice %arg7[%add3A_255, %dma_start3A] : memref<5136x128xf32, #tpu.memory_space<vmem_shared>> -> memref<64x128xf32, #tpu.memory_space<vmem_shared>>
        %dma_start3A_282 = arith.constant 0 : i32
        %dma_start3A_283 = tpu.memref_slice %arg7[%add3A_255, %dma_start3A_282] : memref<5136x128xf32, #tpu.memory_space<vmem_shared>> -> memref<64x128xf32, #tpu.memory_space<vmem_shared>>
        tpu.enqueue_dma source(%dma_start3A_283 : memref<64x128xf32, #tpu.memory_space<vmem_shared>>) target(%arg12 : memref<64x128xf32, #tpu.memory_space<vmem>>) target_semaphore(%run_scoped3A : memref<!tpu.dma_semaphore, #tpu.memory_space<semaphore_mem>>)
        %dma_wait3A = arith.constant 0 : i32
        %dma_wait3A_284 = tpu.memref_slice %arg7[%add3A_255, %dma_wait3A] : memref<5136x128xf32, #tpu.memory_space<vmem_shared>> -> memref<64x128xf32, #tpu.memory_space<vmem_shared>>
        %dma_wait3A_285 = arith.constant 0 : i32
        %dma_wait3A_286 = tpu.memref_slice %arg7[%add3A_255, %dma_wait3A_285] : memref<5136x128xf32, #tpu.memory_space<vmem_shared>> -> memref<64x128xf32, #tpu.memory_space<vmem_shared>>
        tpu.wait_dma2 semaphore(%run_scoped3A : memref<!tpu.dma_semaphore, #tpu.memory_space<semaphore_mem>>) src(%dma_wait3A_286 : memref<64x128xf32, #tpu.memory_space<vmem_shared>>) dst(%arg12 : memref<64x128xf32, #tpu.memory_space<vmem>>)
        tpu.yield
      }) : () -> ()
      %add3A_256 = arith.constant 0 : i32
      %add3A_257 = arith.addi %add3A_256, %arg0 : i32
      %mul3A_258 = arith.constant 10240 : i32
      %mul3A_259 = arith.muli %add3A_257, %mul3A_258 : i32
      %add3A_260 = arith.constant 0 : i32
      %add3A_261 = arith.addi %mul3A_259, %add3A_260 : i32
      %add3A_262 = arith.addi %add3A_261, %mul3A_9 : i32
      %mul3A_263 = arith.constant 64 : i32
      %mul3A_264 = arith.muli %scan3A_252, %mul3A_263 : i32
      %add3A_265 = arith.addi %add3A_262, %mul3A_264 : i32
      "tpu.region"() ({
        %run_scoped3A = tpu.sem_alloc : memref<!tpu.dma_semaphore, #tpu.memory_space<semaphore_mem>>
        %dma_start3A = arith.constant 0 : i32
        %dma_start3A_281 = tpu.memref_slice %arg5[%add3A_265, %dma_start3A] : memref<61440x128xf32, #tpu.memory_space<hbm>> -> memref<64x128xf32, #tpu.memory_space<hbm>>
        %dma_start3A_282 = arith.constant 0 : i32
        %dma_start3A_283 = tpu.memref_slice %arg5[%add3A_265, %dma_start3A_282] : memref<61440x128xf32, #tpu.memory_space<hbm>> -> memref<64x128xf32, #tpu.memory_space<hbm>>
        tpu.enqueue_dma source(%arg12 : memref<64x128xf32, #tpu.memory_space<vmem>>) target(%dma_start3A_283 : memref<64x128xf32, #tpu.memory_space<hbm>>) target_semaphore(%run_scoped3A : memref<!tpu.dma_semaphore, #tpu.memory_space<semaphore_mem>>)
        %dma_wait3A = arith.constant 0 : i32
        %dma_wait3A_284 = tpu.memref_slice %arg5[%add3A_265, %dma_wait3A] : memref<61440x128xf32, #tpu.memory_space<hbm>> -> memref<64x128xf32, #tpu.memory_space<hbm>>
        %dma_wait3A_285 = arith.constant 0 : i32
        %dma_wait3A_286 = tpu.memref_slice %arg5[%add3A_265, %dma_wait3A_285] : memref<61440x128xf32, #tpu.memory_space<hbm>> -> memref<64x128xf32, #tpu.memory_space<hbm>>
        tpu.wait_dma2 semaphore(%run_scoped3A : memref<!tpu.dma_semaphore, #tpu.memory_space<semaphore_mem>>) src(%arg12 : memref<64x128xf32, #tpu.memory_space<vmem>>) dst(%dma_wait3A_286 : memref<64x128xf32, #tpu.memory_space<hbm>>)
        tpu.yield
      }) : () -> ()
      %mul3A_266 = arith.constant 64 : i32
      %mul3A_267 = arith.muli %scan3A_252, %mul3A_266 : i32
      %add3A_268 = arith.addi %mul3A_9, %mul3A_267 : i32
      "tpu.region"() ({
        %run_scoped3A = tpu.sem_alloc : memref<!tpu.dma_semaphore, #tpu.memory_space<semaphore_mem>>
        %dma_start3A = arith.constant 0 : i32
        %dma_start3A_281 = tpu.memref_slice %arg8[%add3A_268, %dma_start3A] : memref<5136x16xf32, #tpu.memory_space<vmem_shared>> -> memref<64x16xf32, #tpu.memory_space<vmem_shared>>
        %dma_start3A_282 = arith.constant 0 : i32
        %dma_start3A_283 = tpu.memref_slice %arg8[%add3A_268, %dma_start3A_282] : memref<5136x16xf32, #tpu.memory_space<vmem_shared>> -> memref<64x16xf32, #tpu.memory_space<vmem_shared>>
        tpu.enqueue_dma source(%dma_start3A_283 : memref<64x16xf32, #tpu.memory_space<vmem_shared>>) target(%arg14 : memref<64x16xf32, #tpu.memory_space<vmem>>) target_semaphore(%run_scoped3A : memref<!tpu.dma_semaphore, #tpu.memory_space<semaphore_mem>>)
        %dma_wait3A = arith.constant 0 : i32
        %dma_wait3A_284 = tpu.memref_slice %arg8[%add3A_268, %dma_wait3A] : memref<5136x16xf32, #tpu.memory_space<vmem_shared>> -> memref<64x16xf32, #tpu.memory_space<vmem_shared>>
        %dma_wait3A_285 = arith.constant 0 : i32
        %dma_wait3A_286 = tpu.memref_slice %arg8[%add3A_268, %dma_wait3A_285] : memref<5136x16xf32, #tpu.memory_space<vmem_shared>> -> memref<64x16xf32, #tpu.memory_space<vmem_shared>>
        tpu.wait_dma2 semaphore(%run_scoped3A : memref<!tpu.dma_semaphore, #tpu.memory_space<semaphore_mem>>) src(%dma_wait3A_286 : memref<64x16xf32, #tpu.memory_space<vmem_shared>>) dst(%arg14 : memref<64x16xf32, #tpu.memory_space<vmem>>)
        tpu.yield
      }) : () -> ()
      %mul3A_269 = arith.constant 3 : i32
      %mul3A_270 = arith.muli %arg0, %mul3A_269 : i32
      %add3A_271 = arith.constant 0 : i32
      %add3A_272 = arith.addi %mul3A_270, %add3A_271 : i32
      %mul3A_273 = arith.constant 10240 : i32
      %mul3A_274 = arith.muli %add3A_272, %mul3A_273 : i32
      %add3A_275 = arith.constant 0 : i32
      %add3A_276 = arith.addi %mul3A_274, %add3A_275 : i32
      %add3A_277 = arith.addi %add3A_276, %mul3A_9 : i32
      %mul3A_278 = arith.constant 64 : i32
      %mul3A_279 = arith.muli %scan3A_252, %mul3A_278 : i32
      %add3A_280 = arith.addi %add3A_277, %mul3A_279 : i32
      "tpu.region"() ({
        %run_scoped3A = tpu.sem_alloc : memref<!tpu.dma_semaphore, #tpu.memory_space<semaphore_mem>>
        %dma_start3A = arith.constant 0 : i32
        %dma_start3A_281 = tpu.memref_slice %arg6[%add3A_280, %dma_start3A] : memref<61440x16xf32, #tpu.memory_space<hbm>> -> memref<64x16xf32, #tpu.memory_space<hbm>>
        %dma_start3A_282 = arith.constant 0 : i32
        %dma_start3A_283 = tpu.memref_slice %arg6[%add3A_280, %dma_start3A_282] : memref<61440x16xf32, #tpu.memory_space<hbm>> -> memref<64x16xf32, #tpu.memory_space<hbm>>
        tpu.enqueue_dma source(%arg14 : memref<64x16xf32, #tpu.memory_space<vmem>>) target(%dma_start3A_283 : memref<64x16xf32, #tpu.memory_space<hbm>>) target_semaphore(%run_scoped3A : memref<!tpu.dma_semaphore, #tpu.memory_space<semaphore_mem>>)
        %dma_wait3A = arith.constant 0 : i32
        %dma_wait3A_284 = tpu.memref_slice %arg6[%add3A_280, %dma_wait3A] : memref<61440x16xf32, #tpu.memory_space<hbm>> -> memref<64x16xf32, #tpu.memory_space<hbm>>
        %dma_wait3A_285 = arith.constant 0 : i32
        %dma_wait3A_286 = tpu.memref_slice %arg6[%add3A_280, %dma_wait3A_285] : memref<61440x16xf32, #tpu.memory_space<hbm>> -> memref<64x16xf32, #tpu.memory_space<hbm>>
        tpu.wait_dma2 semaphore(%run_scoped3A : memref<!tpu.dma_semaphore, #tpu.memory_space<semaphore_mem>>) src(%arg14 : memref<64x16xf32, #tpu.memory_space<vmem>>) dst(%dma_wait3A_286 : memref<64x16xf32, #tpu.memory_space<hbm>>)
        tpu.yield
      }) : () -> ()
    }
    %scan3A_40 = arith.constant 5 : i32
    %scan3A_41 = arith.constant 0 : i32
    %scan3A_42 = arith.constant 64 : i32
    %scan3A_43 = arith.addi %scan3A_41, %scan3A_42 : i32
    %scan3A_44 = arith.constant 1 : i32
    scf.for %scan3A_252 = %scan3A_41 to %scan3A_43 step %scan3A_44  : i32 {
      %broadcast_in_dim3A = arith.constant 0.000000e+00 : f32
      %broadcast_in_dim3A_253 = vector.broadcast %broadcast_in_dim3A : f32 to vector<16xf32>
      %swap3A = arith.index_cast %scan3A_252 : i32 to index
      %swap3A_254 = arith.constant 0 : index
      %swap3A_255 = tpu.vector_load %arg14[%swap3A, %swap3A_254] {strides = array<i32>} : memref<64x16xf32, #tpu.memory_space<vmem>>, vector<1x16xf32>,
      %swap3A_256 = vector.shape_cast %swap3A_255 : vector<1x16xf32> to vector<16xf32>
      %swap3A_257 = vector.shape_cast %broadcast_in_dim3A_253 : vector<16xf32> to vector<1x16xf32>
      tpu.vector_store %arg14[%swap3A, %swap3A_254], %swap3A_257 {strides = array<i32>} : memref<64x16xf32, #tpu.memory_space<vmem>>, vector<1x16xf32>,
    }
    %scan3A_45 = arith.constant 64 : i32
    %barrier3A_46 = arith.constant 0 : index
    tpu.barrier barrier_id(%barrier3A_46)
    %mul3A_47 = arith.constant 320 : i32
    %mul3A_48 = arith.muli %arg1, %mul3A_47 : i32
    %scan3A_49 = arith.constant 0 : i32
    %scan3A_50 = arith.constant 512 : i32
    %scan3A_51 = arith.addi %scan3A_49, %scan3A_50 : i32
    %scan3A_52 = arith.constant 1 : i32
    scf.for %scan3A_252 = %scan3A_49 to %scan3A_51 step %scan3A_52  : i32 {
      %broadcast_in_dim3A = arith.constant 0.000000e+00 : f32
      %broadcast_in_dim3A_253 = vector.broadcast %broadcast_in_dim3A : f32 to vector<16xf32>
      %jit3A = arith.constant 8 : i32
      %div3A = arith.divsi %scan3A_252, %jit3A : i32
      %sign3A = arith.constant 0 : i32
      %sign3A_254 = arith.cmpi sgt, %scan3A_252, %sign3A : i32
      %sign3A_255 = arith.extui %sign3A_254 : i1 to i32
      %sign3A_256 = arith.constant 0 : i32
      %sign3A_257 = arith.cmpi slt, %scan3A_252, %sign3A_256 : i32
      %sign3A_258 = arith.extui %sign3A_257 : i1 to i32
      %sign3A_259 = arith.subi %sign3A_255, %sign3A_258 : i32
      %sign3A_260 = arith.constant 0 : i32
      %sign3A_261 = arith.cmpi sgt, %jit3A, %sign3A_260 : i32
      %sign3A_262 = arith.extui %sign3A_261 : i1 to i32
      %sign3A_263 = arith.constant 0 : i32
      %sign3A_264 = arith.cmpi slt, %jit3A, %sign3A_263 : i32
      %sign3A_265 = arith.extui %sign3A_264 : i1 to i32
      %sign3A_266 = arith.subi %sign3A_262, %sign3A_265 : i32
      %ne3A = arith.cmpi ne, %sign3A_259, %sign3A_266 : i32
      %rem3A = arith.remsi %scan3A_252, %jit3A : i32
      %ne3A_267 = arith.constant 0 : i32
      %ne3A_268 = arith.cmpi ne, %rem3A, %ne3A_267 : i32
      %and3A = arith.andi %ne3A, %ne3A_268 : i1
      %sub3A = arith.constant 1 : i32
      %sub3A_269 = arith.subi %div3A, %sub3A : i32
      %select_n3A = arith.select %and3A, %sub3A_269, %div3A : i32
      %jit3A_270 = arith.constant 8 : i32
      %eq3A = arith.constant 0 : i32
      %eq3A_271 = arith.cmpi eq, %jit3A_270, %eq3A : i32
      %jit3A_272 = arith.constant 1 : i32
      %select_n3A_273 = arith.select %eq3A_271, %jit3A_272, %jit3A_270 : i32
      %rem3A_274 = arith.remsi %scan3A_252, %select_n3A_273 : i32
      %ne3A_275 = arith.constant 0 : i32
      %ne3A_276 = arith.cmpi ne, %rem3A_274, %ne3A_275 : i32
      %lt3A = arith.constant 0 : i32
      %lt3A_277 = arith.cmpi slt, %rem3A_274, %lt3A : i32
      %lt3A_278 = arith.constant 0 : i32
      %lt3A_279 = arith.cmpi slt, %select_n3A_273, %lt3A_278 : i32
      %ne3A_280 = arith.xori %lt3A_277, %lt3A_279 : i1
      %and3A_281 = arith.andi %ne3A_280, %ne3A_276 : i1
      %add3A_282 = arith.addi %rem3A_274, %select_n3A_273 : i32
      %select_n3A_283 = arith.select %and3A_281, %add3A_282, %rem3A_274 : i32
      %mul3A_284 = arith.constant 16 : i32
      %mul3A_285 = arith.muli %select_n3A_283, %mul3A_284 : i32
      %swap3A = arith.index_cast %select_n3A : i32 to index
      %swap3A_286 = arith.index_cast %mul3A_285 : i32 to index
      %swap3A_287 = tpu.vector_load %arg12[%swap3A, %swap3A_286] {strides = array<i32>} : memref<64x128xf32, #tpu.memory_space<vmem>>, vector<1x16xf32>,
      %swap3A_288 = vector.shape_cast %swap3A_287 : vector<1x16xf32> to vector<16xf32>
      %swap3A_289 = vector.shape_cast %broadcast_in_dim3A_253 : vector<16xf32> to vector<1x16xf32>
      tpu.vector_store %arg12[%swap3A, %swap3A_286], %swap3A_289 {strides = array<i32>} : memref<64x128xf32, #tpu.memory_space<vmem>>, vector<1x16xf32>,
    }
    %scan3A_53 = arith.constant 512 : i32
    %scan3A_54 = arith.constant 0 : i32
    %scan3A_55 = arith.constant 5 : i32
    %scan3A_56 = arith.addi %scan3A_54, %scan3A_55 : i32
    %scan3A_57 = arith.constant 1 : i32
    scf.for %scan3A_252 = %scan3A_54 to %scan3A_56 step %scan3A_57  : i32 {
      %mul3A_253 = arith.constant 64 : i32
      %mul3A_254 = arith.muli %scan3A_252, %mul3A_253 : i32
      %add3A_255 = arith.addi %mul3A_48, %mul3A_254 : i32
      "tpu.region"() ({
        %run_scoped3A = tpu.sem_alloc : memref<!tpu.dma_semaphore, #tpu.memory_space<semaphore_mem>>
        %dma_start3A = arith.constant 0 : i32
        %dma_start3A_259 = tpu.memref_slice %arg7[%add3A_255, %dma_start3A] : memref<5136x128xf32, #tpu.memory_space<vmem_shared>> -> memref<64x128xf32, #tpu.memory_space<vmem_shared>>
        %dma_start3A_260 = arith.constant 0 : i32
        %dma_start3A_261 = tpu.memref_slice %arg7[%add3A_255, %dma_start3A_260] : memref<5136x128xf32, #tpu.memory_space<vmem_shared>> -> memref<64x128xf32, #tpu.memory_space<vmem_shared>>
        tpu.enqueue_dma source(%arg12 : memref<64x128xf32, #tpu.memory_space<vmem>>) target(%dma_start3A_261 : memref<64x128xf32, #tpu.memory_space<vmem_shared>>) target_semaphore(%run_scoped3A : memref<!tpu.dma_semaphore, #tpu.memory_space<semaphore_mem>>)
        %dma_wait3A = arith.constant 0 : i32
        %dma_wait3A_262 = tpu.memref_slice %arg7[%add3A_255, %dma_wait3A] : memref<5136x128xf32, #tpu.memory_space<vmem_shared>> -> memref<64x128xf32, #tpu.memory_space<vmem_shared>>
        %dma_wait3A_263 = arith.constant 0 : i32
        %dma_wait3A_264 = tpu.memref_slice %arg7[%add3A_255, %dma_wait3A_263] : memref<5136x128xf32, #tpu.memory_space<vmem_shared>> -> memref<64x128xf32, #tpu.memory_space<vmem_shared>>
        tpu.wait_dma2 semaphore(%run_scoped3A : memref<!tpu.dma_semaphore, #tpu.memory_space<semaphore_mem>>) src(%arg12 : memref<64x128xf32, #tpu.memory_space<vmem>>) dst(%dma_wait3A_264 : memref<64x128xf32, #tpu.memory_space<vmem_shared>>)
        tpu.yield
      }) : () -> ()
      %mul3A_256 = arith.constant 64 : i32
      %mul3A_257 = arith.muli %scan3A_252, %mul3A_256 : i32
      %add3A_258 = arith.addi %mul3A_48, %mul3A_257 : i32
      "tpu.region"() ({
        %run_scoped3A = tpu.sem_alloc : memref<!tpu.dma_semaphore, #tpu.memory_space<semaphore_mem>>
        %dma_start3A = arith.constant 0 : i32
        %dma_start3A_259 = tpu.memref_slice %arg8[%add3A_258, %dma_start3A] : memref<5136x16xf32, #tpu.memory_space<vmem_shared>> -> memref<64x16xf32, #tpu.memory_space<vmem_shared>>
        %dma_start3A_260 = arith.constant 0 : i32
        %dma_start3A_261 = tpu.memref_slice %arg8[%add3A_258, %dma_start3A_260] : memref<5136x16xf32, #tpu.memory_space<vmem_shared>> -> memref<64x16xf32, #tpu.memory_space<vmem_shared>>
        tpu.enqueue_dma source(%arg14 : memref<64x16xf32, #tpu.memory_space<vmem>>) target(%dma_start3A_261 : memref<64x16xf32, #tpu.memory_space<vmem_shared>>) target_semaphore(%run_scoped3A : memref<!tpu.dma_semaphore, #tpu.memory_space<semaphore_mem>>)
        %dma_wait3A = arith.constant 0 : i32
        %dma_wait3A_262 = tpu.memref_slice %arg8[%add3A_258, %dma_wait3A] : memref<5136x16xf32, #tpu.memory_space<vmem_shared>> -> memref<64x16xf32, #tpu.memory_space<vmem_shared>>
        %dma_wait3A_263 = arith.constant 0 : i32
        %dma_wait3A_264 = tpu.memref_slice %arg8[%add3A_258, %dma_wait3A_263] : memref<5136x16xf32, #tpu.memory_space<vmem_shared>> -> memref<64x16xf32, #tpu.memory_space<vmem_shared>>
        tpu.wait_dma2 semaphore(%run_scoped3A : memref<!tpu.dma_semaphore, #tpu.memory_space<semaphore_mem>>) src(%arg14 : memref<64x16xf32, #tpu.memory_space<vmem>>) dst(%dma_wait3A_264 : memref<64x16xf32, #tpu.memory_space<vmem_shared>>)
        tpu.yield
      }) : () -> ()
    }
    %scan3A_58 = arith.constant 5 : i32
    %barrier3A_59 = arith.constant 0 : index
    tpu.barrier barrier_id(%barrier3A_59)
    %mul3A_60 = arith.constant 491520 : i32
    %mul3A_61 = arith.muli %arg0, %mul3A_60 : i32
    %add3A_62 = arith.constant 0 : i32
    %add3A_63 = arith.addi %mul3A_61, %add3A_62 : i32
    %mul3A_64 = arith.constant 10240 : i32
    %mul3A_65 = arith.muli %arg1, %mul3A_64 : i32
    %add3A_66 = arith.addi %add3A_63, %mul3A_65 : i32
    %mul3A_67 = arith.constant 10240 : i32
    %mul3A_68 = arith.muli %arg1, %mul3A_67 : i32
    %add3A_69 = arith.constant 0 : i32
    %add3A_70 = arith.addi %add3A_69, %mul3A_68 : i32
    %scan3A_71 = arith.constant 0 : i32
    %scan3A_72 = arith.constant 160 : i32
    %scan3A_73 = arith.addi %scan3A_71, %scan3A_72 : i32
    %scan3A_74 = arith.constant 1 : i32
    scf.for %scan3A_252 = %scan3A_71 to %scan3A_73 step %scan3A_74  : i32 {
      %mul3A_253 = arith.constant 64 : i32
      %mul3A_254 = arith.muli %scan3A_252, %mul3A_253 : i32
      %add3A_255 = arith.addi %add3A_66, %mul3A_254 : i32
      "tpu.region"() ({
        %run_scoped3A = tpu.sem_alloc : memref<!tpu.dma_semaphore, #tpu.memory_space<semaphore_mem>>
        %dma_start3A_334 = tpu.memref_slice %arg3[%add3A_255] : memref<983040xi32, #tpu.memory_space<hbm>> -> memref<64xi32, #tpu.memory_space<hbm>>
        %dma_start3A_335 = tpu.memref_slice %arg3[%add3A_255] : memref<983040xi32, #tpu.memory_space<hbm>> -> memref<64xi32, #tpu.memory_space<hbm>>
        tpu.enqueue_dma source(%dma_start3A_335 : memref<64xi32, #tpu.memory_space<hbm>>) target(%arg9 : memref<64xi32, #tpu.memory_space<vmem>>) target_semaphore(%run_scoped3A : memref<!tpu.dma_semaphore, #tpu.memory_space<semaphore_mem>>)
        %dma_wait3A_336 = tpu.memref_slice %arg3[%add3A_255] : memref<983040xi32, #tpu.memory_space<hbm>> -> memref<64xi32, #tpu.memory_space<hbm>>
        %dma_wait3A_337 = tpu.memref_slice %arg3[%add3A_255] : memref<983040xi32, #tpu.memory_space<hbm>> -> memref<64xi32, #tpu.memory_space<hbm>>
        tpu.wait_dma2 semaphore(%run_scoped3A : memref<!tpu.dma_semaphore, #tpu.memory_space<semaphore_mem>>) src(%dma_wait3A_337 : memref<64xi32, #tpu.memory_space<hbm>>) dst(%arg9 : memref<64xi32, #tpu.memory_space<vmem>>)
        tpu.yield
      }) : () -> ()
      %mul3A_256 = arith.constant 64 : i32
      %mul3A_257 = arith.muli %scan3A_252, %mul3A_256 : i32
      %add3A_258 = arith.addi %add3A_70, %mul3A_257 : i32
      "tpu.region"() ({
        %run_scoped3A = tpu.sem_alloc : memref<!tpu.dma_semaphore, #tpu.memory_space<semaphore_mem>>
        %dma_start3A_334 = tpu.memref_slice %arg4[%add3A_258] : memref<491520xi32, #tpu.memory_space<hbm>> -> memref<64xi32, #tpu.memory_space<hbm>>
        %dma_start3A_335 = tpu.memref_slice %arg4[%add3A_258] : memref<491520xi32, #tpu.memory_space<hbm>> -> memref<64xi32, #tpu.memory_space<hbm>>
        tpu.enqueue_dma source(%dma_start3A_335 : memref<64xi32, #tpu.memory_space<hbm>>) target(%arg10 : memref<64xi32, #tpu.memory_space<vmem>>) target_semaphore(%run_scoped3A : memref<!tpu.dma_semaphore, #tpu.memory_space<semaphore_mem>>)
        %dma_wait3A_336 = tpu.memref_slice %arg4[%add3A_258] : memref<491520xi32, #tpu.memory_space<hbm>> -> memref<64xi32, #tpu.memory_space<hbm>>
        %dma_wait3A_337 = tpu.memref_slice %arg4[%add3A_258] : memref<491520xi32, #tpu.memory_space<hbm>> -> memref<64xi32, #tpu.memory_space<hbm>>
        tpu.wait_dma2 semaphore(%run_scoped3A : memref<!tpu.dma_semaphore, #tpu.memory_space<semaphore_mem>>) src(%dma_wait3A_337 : memref<64xi32, #tpu.memory_space<hbm>>) dst(%arg10 : memref<64xi32, #tpu.memory_space<vmem>>)
        tpu.yield
      }) : () -> ()
      %get3A = arith.constant 0 : index
      %get3A_259 = tpu.vector_load %arg10[%get3A] {strides = array<i32>} : memref<64xi32, #tpu.memory_space<vmem>>, vector<16xi32>,
      %get3A_260 = vector.shape_cast %get3A_259 : vector<16xi32> to vector<16xi32>
      %sub3A = arith.constant 5120 : i32
      %sub3A_261 = vector.broadcast %sub3A : i32 to vector<16xi32>
      %sub3A_262 = arith.subi %get3A_260, %sub3A_261 : vector<16xi32>
      %ge3A = arith.constant 0 : i32
      %ge3A_263 = vector.broadcast %ge3A : i32 to vector<16xi32>
      %ge3A_264 = arith.cmpi sge, %sub3A_262, %ge3A_263 : vector<16xi32>
      %lt3A = arith.constant 5120 : i32
      %lt3A_265 = vector.broadcast %lt3A : i32 to vector<16xi32>
      %lt3A_266 = arith.cmpi slt, %sub3A_262, %lt3A_265 : vector<16xi32>
      %and3A = arith.andi %ge3A_264, %lt3A_266 : vector<16xi1>
      %jit3A = arith.constant 5120 : i32
      %broadcast_in_dim3A = vector.broadcast %jit3A : i32 to vector<16xi32>
      %select_n3A = arith.select %and3A, %sub3A_262, %broadcast_in_dim3A : vector<16xi1>, vector<16xi32>
      %swap3A = arith.constant 0 : index
      %swap3A_267 = tpu.vector_load %arg11[%swap3A] {strides = array<i32>} : memref<64xi32, #tpu.memory_space<vmem>>, vector<16xi32>,
      %swap3A_268 = vector.shape_cast %swap3A_267 : vector<16xi32> to vector<16xi32>
      %swap3A_269 = vector.shape_cast %select_n3A : vector<16xi32> to vector<16xi32>
      tpu.vector_store %arg11[%swap3A], %swap3A_269 {strides = array<i32>} : memref<64xi32, #tpu.memory_space<vmem>>, vector<16xi32>,
      %get3A_270 = arith.constant 16 : index
      %get3A_271 = tpu.vector_load %arg10[%get3A_270] {strides = array<i32>} : memref<64xi32, #tpu.memory_space<vmem>>, vector<16xi32>,
      %get3A_272 = vector.shape_cast %get3A_271 : vector<16xi32> to vector<16xi32>
      %sub3A_273 = arith.constant 5120 : i32
      %sub3A_274 = vector.broadcast %sub3A_273 : i32 to vector<16xi32>
      %sub3A_275 = arith.subi %get3A_272, %sub3A_274 : vector<16xi32>
      %ge3A_276 = arith.constant 0 : i32
      %ge3A_277 = vector.broadcast %ge3A_276 : i32 to vector<16xi32>
      %ge3A_278 = arith.cmpi sge, %sub3A_275, %ge3A_277 : vector<16xi32>
      %lt3A_279 = arith.constant 5120 : i32
      %lt3A_280 = vector.broadcast %lt3A_279 : i32 to vector<16xi32>
      %lt3A_281 = arith.cmpi slt, %sub3A_275, %lt3A_280 : vector<16xi32>
      %and3A_282 = arith.andi %ge3A_278, %lt3A_281 : vector<16xi1>
      %jit3A_283 = arith.constant 5120 : i32
      %broadcast_in_dim3A_284 = vector.broadcast %jit3A_283 : i32 to vector<16xi32>
      %select_n3A_285 = arith.select %and3A_282, %sub3A_275, %broadcast_in_dim3A_284 : vector<16xi1>, vector<16xi32>
      %swap3A_286 = arith.constant 16 : index
      %swap3A_287 = tpu.vector_load %arg11[%swap3A_286] {strides = array<i32>} : memref<64xi32, #tpu.memory_space<vmem>>, vector<16xi32>,
      %swap3A_288 = vector.shape_cast %swap3A_287 : vector<16xi32> to vector<16xi32>
      %swap3A_289 = vector.shape_cast %select_n3A_285 : vector<16xi32> to vector<16xi32>
      tpu.vector_store %arg11[%swap3A_286], %swap3A_289 {strides = array<i32>} : memref<64xi32, #tpu.memory_space<vmem>>, vector<16xi32>,
      %get3A_290 = arith.constant 32 : index
      %get3A_291 = tpu.vector_load %arg10[%get3A_290] {strides = array<i32>} : memref<64xi32, #tpu.memory_space<vmem>>, vector<16xi32>,
      %get3A_292 = vector.shape_cast %get3A_291 : vector<16xi32> to vector<16xi32>
      %sub3A_293 = arith.constant 5120 : i32
      %sub3A_294 = vector.broadcast %sub3A_293 : i32 to vector<16xi32>
      %sub3A_295 = arith.subi %get3A_292, %sub3A_294 : vector<16xi32>
      %ge3A_296 = arith.constant 0 : i32
      %ge3A_297 = vector.broadcast %ge3A_296 : i32 to vector<16xi32>
      %ge3A_298 = arith.cmpi sge, %sub3A_295, %ge3A_297 : vector<16xi32>
      %lt3A_299 = arith.constant 5120 : i32
      %lt3A_300 = vector.broadcast %lt3A_299 : i32 to vector<16xi32>
      %lt3A_301 = arith.cmpi slt, %sub3A_295, %lt3A_300 : vector<16xi32>
      %and3A_302 = arith.andi %ge3A_298, %lt3A_301 : vector<16xi1>
      %jit3A_303 = arith.constant 5120 : i32
      %broadcast_in_dim3A_304 = vector.broadcast %jit3A_303 : i32 to vector<16xi32>
      %select_n3A_305 = arith.select %and3A_302, %sub3A_295, %broadcast_in_dim3A_304 : vector<16xi1>, vector<16xi32>
      %swap3A_306 = arith.constant 32 : index
      %swap3A_307 = tpu.vector_load %arg11[%swap3A_306] {strides = array<i32>} : memref<64xi32, #tpu.memory_space<vmem>>, vector<16xi32>,
      %swap3A_308 = vector.shape_cast %swap3A_307 : vector<16xi32> to vector<16xi32>
      %swap3A_309 = vector.shape_cast %select_n3A_305 : vector<16xi32> to vector<16xi32>
      tpu.vector_store %arg11[%swap3A_306], %swap3A_309 {strides = array<i32>} : memref<64xi32, #tpu.memory_space<vmem>>, vector<16xi32>,
      %get3A_310 = arith.constant 48 : index
      %get3A_311 = tpu.vector_load %arg10[%get3A_310] {strides = array<i32>} : memref<64xi32, #tpu.memory_space<vmem>>, vector<16xi32>,
      %get3A_312 = vector.shape_cast %get3A_311 : vector<16xi32> to vector<16xi32>
      %sub3A_313 = arith.constant 5120 : i32
      %sub3A_314 = vector.broadcast %sub3A_313 : i32 to vector<16xi32>
      %sub3A_315 = arith.subi %get3A_312, %sub3A_314 : vector<16xi32>
      %ge3A_316 = arith.constant 0 : i32
      %ge3A_317 = vector.broadcast %ge3A_316 : i32 to vector<16xi32>
      %ge3A_318 = arith.cmpi sge, %sub3A_315, %ge3A_317 : vector<16xi32>
      %lt3A_319 = arith.constant 5120 : i32
      %lt3A_320 = vector.broadcast %lt3A_319 : i32 to vector<16xi32>
      %lt3A_321 = arith.cmpi slt, %sub3A_315, %lt3A_320 : vector<16xi32>
      %and3A_322 = arith.andi %ge3A_318, %lt3A_321 : vector<16xi1>
      %jit3A_323 = arith.constant 5120 : i32
      %broadcast_in_dim3A_324 = vector.broadcast %jit3A_323 : i32 to vector<16xi32>
      %select_n3A_325 = arith.select %and3A_322, %sub3A_315, %broadcast_in_dim3A_324 : vector<16xi1>, vector<16xi32>
      %swap3A_326 = arith.constant 48 : index
      %swap3A_327 = tpu.vector_load %arg11[%swap3A_326] {strides = array<i32>} : memref<64xi32, #tpu.memory_space<vmem>>, vector<16xi32>,
      %swap3A_328 = vector.shape_cast %swap3A_327 : vector<16xi32> to vector<16xi32>
      %swap3A_329 = vector.shape_cast %select_n3A_325 : vector<16xi32> to vector<16xi32>
      tpu.vector_store %arg11[%swap3A_326], %swap3A_329 {strides = array<i32>} : memref<64xi32, #tpu.memory_space<vmem>>, vector<16xi32>,
      %dma_start3A = arith.constant 0 : i32
      %dma_start3A_330 = arith.constant 0 : i32
      %dma_start3A_331 = tpu.memref_slice %arg2[%dma_start3A, %dma_start3A_330] : memref<20000x128xf32, #tpu.memory_space<hbm>> -> memref<20000x128xf32, #tpu.memory_space<hbm>>
      tpu.enqueue_indirect_dma source(%dma_start3A_331 : memref<20000x128xf32, #tpu.memory_space<hbm>>) target(%arg12 : memref<64x128xf32, #tpu.memory_space<vmem>>) offsets(%arg9 : memref<64xi32, #tpu.memory_space<vmem>>) semaphore(%arg15 : memref<!tpu.dma_semaphore, #tpu.memory_space<semaphore_mem>>)
      %dma_wait3A = arith.constant 0 : i32
      %dma_wait3A_332 = arith.constant 0 : i32
      %dma_wait3A_333 = tpu.memref_slice %arg2[%dma_wait3A, %dma_wait3A_332] : memref<20000x128xf32, #tpu.memory_space<hbm>> -> memref<20000x128xf32, #tpu.memory_space<hbm>>
      tpu.wait_indirect_dma semaphore(%arg15 : memref<!tpu.dma_semaphore, #tpu.memory_space<semaphore_mem>>) src(%dma_wait3A_333 : memref<20000x128xf32, #tpu.memory_space<hbm>>) dst(%arg12 : memref<64x128xf32, #tpu.memory_space<vmem>>)
      "tpu.region"() ({
        %run_scoped3A = tpu.sem_alloc : memref<!tpu.dma_semaphore, #tpu.memory_space<semaphore_mem>>
        %dma_start3A_334 = arith.constant 0 : i32
        %dma_start3A_335 = arith.constant 0 : i32
        %dma_start3A_336 = tpu.memref_slice %arg7[%dma_start3A_334, %dma_start3A_335] : memref<5136x128xf32, #tpu.memory_space<vmem_shared>> -> memref<5136x128xf32, #tpu.memory_space<vmem_shared>>
        tpu.enqueue_indirect_dma source(%arg12 : memref<64x128xf32, #tpu.memory_space<vmem>>) target(%dma_start3A_336 : memref<5136x128xf32, #tpu.memory_space<vmem_shared>>) offsets(%arg11 : memref<64xi32, #tpu.memory_space<vmem>>) semaphore(%run_scoped3A : memref<!tpu.dma_semaphore, #tpu.memory_space<semaphore_mem>>) {add = true}
        %dma_wait3A_337 = arith.constant 0 : i32
        %dma_wait3A_338 = arith.constant 0 : i32
        %dma_wait3A_339 = tpu.memref_slice %arg7[%dma_wait3A_337, %dma_wait3A_338] : memref<5136x128xf32, #tpu.memory_space<vmem_shared>> -> memref<5136x128xf32, #tpu.memory_space<vmem_shared>>
        tpu.wait_indirect_dma semaphore(%run_scoped3A : memref<!tpu.dma_semaphore, #tpu.memory_space<semaphore_mem>>) src(%arg12 : memref<64x128xf32, #tpu.memory_space<vmem>>) dst(%dma_wait3A_339 : memref<5136x128xf32, #tpu.memory_space<vmem_shared>>)
        tpu.yield
      }) : () -> ()
      "tpu.region"() ({
        %run_scoped3A = tpu.sem_alloc : memref<!tpu.dma_semaphore, #tpu.memory_space<semaphore_mem>>
        %dma_start3A_334 = arith.constant 0 : i32
        %dma_start3A_335 = arith.constant 0 : i32
        %dma_start3A_336 = tpu.memref_slice %arg8[%dma_start3A_334, %dma_start3A_335] : memref<5136x16xf32, #tpu.memory_space<vmem_shared>> -> memref<5136x16xf32, #tpu.memory_space<vmem_shared>>
        tpu.enqueue_indirect_dma source(%arg13 : memref<64x16xf32, #tpu.memory_space<vmem>>) target(%dma_start3A_336 : memref<5136x16xf32, #tpu.memory_space<vmem_shared>>) offsets(%arg11 : memref<64xi32, #tpu.memory_space<vmem>>) semaphore(%run_scoped3A : memref<!tpu.dma_semaphore, #tpu.memory_space<semaphore_mem>>) {add = true}
        %dma_wait3A_337 = arith.constant 0 : i32
        %dma_wait3A_338 = arith.constant 0 : i32
        %dma_wait3A_339 = tpu.memref_slice %arg8[%dma_wait3A_337, %dma_wait3A_338] : memref<5136x16xf32, #tpu.memory_space<vmem_shared>> -> memref<5136x16xf32, #tpu.memory_space<vmem_shared>>
        tpu.wait_indirect_dma semaphore(%run_scoped3A : memref<!tpu.dma_semaphore, #tpu.memory_space<semaphore_mem>>) src(%arg13 : memref<64x16xf32, #tpu.memory_space<vmem>>) dst(%dma_wait3A_339 : memref<5136x16xf32, #tpu.memory_space<vmem_shared>>)
        tpu.yield
      }) : () -> ()
    }
    %scan3A_75 = arith.constant 160 : i32
    %barrier3A_76 = arith.constant 0 : index
    tpu.barrier barrier_id(%barrier3A_76)
    %scan3A_77 = arith.constant 0 : i32
    %scan3A_78 = arith.constant 5 : i32
    %scan3A_79 = arith.addi %scan3A_77, %scan3A_78 : i32
    %scan3A_80 = arith.constant 1 : i32
    scf.for %scan3A_252 = %scan3A_77 to %scan3A_79 step %scan3A_80  : i32 {
      %mul3A_253 = arith.constant 64 : i32
      %mul3A_254 = arith.muli %scan3A_252, %mul3A_253 : i32
      %add3A_255 = arith.addi %mul3A_48, %mul3A_254 : i32
      "tpu.region"() ({
        %run_scoped3A = tpu.sem_alloc : memref<!tpu.dma_semaphore, #tpu.memory_space<semaphore_mem>>
        %dma_start3A = arith.constant 0 : i32
        %dma_start3A_281 = tpu.memref_slice %arg7[%add3A_255, %dma_start3A] : memref<5136x128xf32, #tpu.memory_space<vmem_shared>> -> memref<64x128xf32, #tpu.memory_space<vmem_shared>>
        %dma_start3A_282 = arith.constant 0 : i32
        %dma_start3A_283 = tpu.memref_slice %arg7[%add3A_255, %dma_start3A_282] : memref<5136x128xf32, #tpu.memory_space<vmem_shared>> -> memref<64x128xf32, #tpu.memory_space<vmem_shared>>
        tpu.enqueue_dma source(%dma_start3A_283 : memref<64x128xf32, #tpu.memory_space<vmem_shared>>) target(%arg12 : memref<64x128xf32, #tpu.memory_space<vmem>>) target_semaphore(%run_scoped3A : memref<!tpu.dma_semaphore, #tpu.memory_space<semaphore_mem>>)
        %dma_wait3A = arith.constant 0 : i32
        %dma_wait3A_284 = tpu.memref_slice %arg7[%add3A_255, %dma_wait3A] : memref<5136x128xf32, #tpu.memory_space<vmem_shared>> -> memref<64x128xf32, #tpu.memory_space<vmem_shared>>
        %dma_wait3A_285 = arith.constant 0 : i32
        %dma_wait3A_286 = tpu.memref_slice %arg7[%add3A_255, %dma_wait3A_285] : memref<5136x128xf32, #tpu.memory_space<vmem_shared>> -> memref<64x128xf32, #tpu.memory_space<vmem_shared>>
        tpu.wait_dma2 semaphore(%run_scoped3A : memref<!tpu.dma_semaphore, #tpu.memory_space<semaphore_mem>>) src(%dma_wait3A_286 : memref<64x128xf32, #tpu.memory_space<vmem_shared>>) dst(%arg12 : memref<64x128xf32, #tpu.memory_space<vmem>>)
        tpu.yield
      }) : () -> ()
      %add3A_256 = arith.constant 0 : i32
      %add3A_257 = arith.addi %add3A_256, %arg0 : i32
      %mul3A_258 = arith.constant 10240 : i32
      %mul3A_259 = arith.muli %add3A_257, %mul3A_258 : i32
      %add3A_260 = arith.constant 5120 : i32
      %add3A_261 = arith.addi %mul3A_259, %add3A_260 : i32
      %add3A_262 = arith.addi %add3A_261, %mul3A_48 : i32
      %mul3A_263 = arith.constant 64 : i32
      %mul3A_264 = arith.muli %scan3A_252, %mul3A_263 : i32
      %add3A_265 = arith.addi %add3A_262, %mul3A_264 : i32
      "tpu.region"() ({
        %run_scoped3A = tpu.sem_alloc : memref<!tpu.dma_semaphore, #tpu.memory_space<semaphore_mem>>
        %dma_start3A = arith.constant 0 : i32
        %dma_start3A_281 = tpu.memref_slice %arg5[%add3A_265, %dma_start3A] : memref<61440x128xf32, #tpu.memory_space<hbm>> -> memref<64x128xf32, #tpu.memory_space<hbm>>
        %dma_start3A_282 = arith.constant 0 : i32
        %dma_start3A_283 = tpu.memref_slice %arg5[%add3A_265, %dma_start3A_282] : memref<61440x128xf32, #tpu.memory_space<hbm>> -> memref<64x128xf32, #tpu.memory_space<hbm>>
        tpu.enqueue_dma source(%arg12 : memref<64x128xf32, #tpu.memory_space<vmem>>) target(%dma_start3A_283 : memref<64x128xf32, #tpu.memory_space<hbm>>) target_semaphore(%run_scoped3A : memref<!tpu.dma_semaphore, #tpu.memory_space<semaphore_mem>>)
        %dma_wait3A = arith.constant 0 : i32
        %dma_wait3A_284 = tpu.memref_slice %arg5[%add3A_265, %dma_wait3A] : memref<61440x128xf32, #tpu.memory_space<hbm>> -> memref<64x128xf32, #tpu.memory_space<hbm>>
        %dma_wait3A_285 = arith.constant 0 : i32
        %dma_wait3A_286 = tpu.memref_slice %arg5[%add3A_265, %dma_wait3A_285] : memref<61440x128xf32, #tpu.memory_space<hbm>> -> memref<64x128xf32, #tpu.memory_space<hbm>>
        tpu.wait_dma2 semaphore(%run_scoped3A : memref<!tpu.dma_semaphore, #tpu.memory_space<semaphore_mem>>) src(%arg12 : memref<64x128xf32, #tpu.memory_space<vmem>>) dst(%dma_wait3A_286 : memref<64x128xf32, #tpu.memory_space<hbm>>)
        tpu.yield
      }) : () -> ()
      %mul3A_266 = arith.constant 64 : i32
      %mul3A_267 = arith.muli %scan3A_252, %mul3A_266 : i32
      %add3A_268 = arith.addi %mul3A_48, %mul3A_267 : i32
      "tpu.region"() ({
        %run_scoped3A = tpu.sem_alloc : memref<!tpu.dma_semaphore, #tpu.memory_space<semaphore_mem>>
        %dma_start3A = arith.constant 0 : i32
        %dma_start3A_281 = tpu.memref_slice %arg8[%add3A_268, %dma_start3A] : memref<5136x16xf32, #tpu.memory_space<vmem_shared>> -> memref<64x16xf32, #tpu.memory_space<vmem_shared>>
        %dma_start3A_282 = arith.constant 0 : i32
        %dma_start3A_283 = tpu.memref_slice %arg8[%add3A_268, %dma_start3A_282] : memref<5136x16xf32, #tpu.memory_space<vmem_shared>> -> memref<64x16xf32, #tpu.memory_space<vmem_shared>>
        tpu.enqueue_dma source(%dma_start3A_283 : memref<64x16xf32, #tpu.memory_space<vmem_shared>>) target(%arg14 : memref<64x16xf32, #tpu.memory_space<vmem>>) target_semaphore(%run_scoped3A : memref<!tpu.dma_semaphore, #tpu.memory_space<semaphore_mem>>)
        %dma_wait3A = arith.constant 0 : i32
        %dma_wait3A_284 = tpu.memref_slice %arg8[%add3A_268, %dma_wait3A] : memref<5136x16xf32, #tpu.memory_space<vmem_shared>> -> memref<64x16xf32, #tpu.memory_space<vmem_shared>>
        %dma_wait3A_285 = arith.constant 0 : i32
        %dma_wait3A_286 = tpu.memref_slice %arg8[%add3A_268, %dma_wait3A_285] : memref<5136x16xf32, #tpu.memory_space<vmem_shared>> -> memref<64x16xf32, #tpu.memory_space<vmem_shared>>
        tpu.wait_dma2 semaphore(%run_scoped3A : memref<!tpu.dma_semaphore, #tpu.memory_space<semaphore_mem>>) src(%dma_wait3A_286 : memref<64x16xf32, #tpu.memory_space<vmem_shared>>) dst(%arg14 : memref<64x16xf32, #tpu.memory_space<vmem>>)
        tpu.yield
      }) : () -> ()
      %mul3A_269 = arith.constant 3 : i32
      %mul3A_270 = arith.muli %arg0, %mul3A_269 : i32
      %add3A_271 = arith.constant 0 : i32
      %add3A_272 = arith.addi %mul3A_270, %add3A_271 : i32
      %mul3A_273 = arith.constant 10240 : i32
      %mul3A_274 = arith.muli %add3A_272, %mul3A_273 : i32
      %add3A_275 = arith.constant 5120 : i32
      %add3A_276 = arith.addi %mul3A_274, %add3A_275 : i32
      %add3A_277 = arith.addi %add3A_276, %mul3A_48 : i32
      %mul3A_278 = arith.constant 64 : i32
      %mul3A_279 = arith.muli %scan3A_252, %mul3A_278 : i32
      %add3A_280 = arith.addi %add3A_277, %mul3A_279 : i32
      "tpu.region"() ({
        %run_scoped3A = tpu.sem_alloc : memref<!tpu.dma_semaphore, #tpu.memory_space<semaphore_mem>>
        %dma_start3A = arith.constant 0 : i32
        %dma_start3A_281 = tpu.memref_slice %arg6[%add3A_280, %dma_start3A] : memref<61440x16xf32, #tpu.memory_space<hbm>> -> memref<64x16xf32, #tpu.memory_space<hbm>>
        %dma_start3A_282 = arith.constant 0 : i32
        %dma_start3A_283 = tpu.memref_slice %arg6[%add3A_280, %dma_start3A_282] : memref<61440x16xf32, #tpu.memory_space<hbm>> -> memref<64x16xf32, #tpu.memory_space<hbm>>
        tpu.enqueue_dma source(%arg14 : memref<64x16xf32, #tpu.memory_space<vmem>>) target(%dma_start3A_283 : memref<64x16xf32, #tpu.memory_space<hbm>>) target_semaphore(%run_scoped3A : memref<!tpu.dma_semaphore, #tpu.memory_space<semaphore_mem>>)
        %dma_wait3A = arith.constant 0 : i32
        %dma_wait3A_284 = tpu.memref_slice %arg6[%add3A_280, %dma_wait3A] : memref<61440x16xf32, #tpu.memory_space<hbm>> -> memref<64x16xf32, #tpu.memory_space<hbm>>
        %dma_wait3A_285 = arith.constant 0 : i32
        %dma_wait3A_286 = tpu.memref_slice %arg6[%add3A_280, %dma_wait3A_285] : memref<61440x16xf32, #tpu.memory_space<hbm>> -> memref<64x16xf32, #tpu.memory_space<hbm>>
        tpu.wait_dma2 semaphore(%run_scoped3A : memref<!tpu.dma_semaphore, #tpu.memory_space<semaphore_mem>>) src(%arg14 : memref<64x16xf32, #tpu.memory_space<vmem>>) dst(%dma_wait3A_286 : memref<64x16xf32, #tpu.memory_space<hbm>>)
        tpu.yield
      }) : () -> ()
    }
    %scan3A_81 = arith.constant 5 : i32
    %scan3A_82 = arith.constant 0 : i32
    %scan3A_83 = arith.constant 64 : i32
    %scan3A_84 = arith.addi %scan3A_82, %scan3A_83 : i32
    %scan3A_85 = arith.constant 1 : i32
    scf.for %scan3A_252 = %scan3A_82 to %scan3A_84 step %scan3A_85  : i32 {
      %broadcast_in_dim3A = arith.constant 0.000000e+00 : f32
      %broadcast_in_dim3A_253 = vector.broadcast %broadcast_in_dim3A : f32 to vector<16xf32>
      %swap3A = arith.index_cast %scan3A_252 : i32 to index
      %swap3A_254 = arith.constant 0 : index
      %swap3A_255 = tpu.vector_load %arg14[%swap3A, %swap3A_254] {strides = array<i32>} : memref<64x16xf32, #tpu.memory_space<vmem>>, vector<1x16xf32>,
      %swap3A_256 = vector.shape_cast %swap3A_255 : vector<1x16xf32> to vector<16xf32>
      %swap3A_257 = vector.shape_cast %broadcast_in_dim3A_253 : vector<16xf32> to vector<1x16xf32>
      tpu.vector_store %arg14[%swap3A, %swap3A_254], %swap3A_257 {strides = array<i32>} : memref<64x16xf32, #tpu.memory_space<vmem>>, vector<1x16xf32>,
    }
    %scan3A_86 = arith.constant 64 : i32
    %barrier3A_87 = arith.constant 0 : index
    tpu.barrier barrier_id(%barrier3A_87)
    %mul3A_88 = arith.constant 320 : i32
    %mul3A_89 = arith.muli %arg1, %mul3A_88 : i32
    %scan3A_90 = arith.constant 0 : i32
    %scan3A_91 = arith.constant 512 : i32
    %scan3A_92 = arith.addi %scan3A_90, %scan3A_91 : i32
    %scan3A_93 = arith.constant 1 : i32
    scf.for %scan3A_252 = %scan3A_90 to %scan3A_92 step %scan3A_93  : i32 {
      %broadcast_in_dim3A = arith.constant 0.000000e+00 : f32
      %broadcast_in_dim3A_253 = vector.broadcast %broadcast_in_dim3A : f32 to vector<16xf32>
      %jit3A = arith.constant 8 : i32
      %div3A = arith.divsi %scan3A_252, %jit3A : i32
      %sign3A = arith.constant 0 : i32
      %sign3A_254 = arith.cmpi sgt, %scan3A_252, %sign3A : i32
      %sign3A_255 = arith.extui %sign3A_254 : i1 to i32
      %sign3A_256 = arith.constant 0 : i32
      %sign3A_257 = arith.cmpi slt, %scan3A_252, %sign3A_256 : i32
      %sign3A_258 = arith.extui %sign3A_257 : i1 to i32
      %sign3A_259 = arith.subi %sign3A_255, %sign3A_258 : i32
      %sign3A_260 = arith.constant 0 : i32
      %sign3A_261 = arith.cmpi sgt, %jit3A, %sign3A_260 : i32
      %sign3A_262 = arith.extui %sign3A_261 : i1 to i32
      %sign3A_263 = arith.constant 0 : i32
      %sign3A_264 = arith.cmpi slt, %jit3A, %sign3A_263 : i32
      %sign3A_265 = arith.extui %sign3A_264 : i1 to i32
      %sign3A_266 = arith.subi %sign3A_262, %sign3A_265 : i32
      %ne3A = arith.cmpi ne, %sign3A_259, %sign3A_266 : i32
      %rem3A = arith.remsi %scan3A_252, %jit3A : i32
      %ne3A_267 = arith.constant 0 : i32
      %ne3A_268 = arith.cmpi ne, %rem3A, %ne3A_267 : i32
      %and3A = arith.andi %ne3A, %ne3A_268 : i1
      %sub3A = arith.constant 1 : i32
      %sub3A_269 = arith.subi %div3A, %sub3A : i32
      %select_n3A = arith.select %and3A, %sub3A_269, %div3A : i32
      %jit3A_270 = arith.constant 8 : i32
      %eq3A = arith.constant 0 : i32
      %eq3A_271 = arith.cmpi eq, %jit3A_270, %eq3A : i32
      %jit3A_272 = arith.constant 1 : i32
      %select_n3A_273 = arith.select %eq3A_271, %jit3A_272, %jit3A_270 : i32
      %rem3A_274 = arith.remsi %scan3A_252, %select_n3A_273 : i32
      %ne3A_275 = arith.constant 0 : i32
      %ne3A_276 = arith.cmpi ne, %rem3A_274, %ne3A_275 : i32
      %lt3A = arith.constant 0 : i32
      %lt3A_277 = arith.cmpi slt, %rem3A_274, %lt3A : i32
      %lt3A_278 = arith.constant 0 : i32
      %lt3A_279 = arith.cmpi slt, %select_n3A_273, %lt3A_278 : i32
      %ne3A_280 = arith.xori %lt3A_277, %lt3A_279 : i1
      %and3A_281 = arith.andi %ne3A_280, %ne3A_276 : i1
      %add3A_282 = arith.addi %rem3A_274, %select_n3A_273 : i32
      %select_n3A_283 = arith.select %and3A_281, %add3A_282, %rem3A_274 : i32
      %mul3A_284 = arith.constant 16 : i32
      %mul3A_285 = arith.muli %select_n3A_283, %mul3A_284 : i32
      %swap3A = arith.index_cast %select_n3A : i32 to index
      %swap3A_286 = arith.index_cast %mul3A_285 : i32 to index
      %swap3A_287 = tpu.vector_load %arg12[%swap3A, %swap3A_286] {strides = array<i32>} : memref<64x128xf32, #tpu.memory_space<vmem>>, vector<1x16xf32>,
      %swap3A_288 = vector.shape_cast %swap3A_287 : vector<1x16xf32> to vector<16xf32>
      %swap3A_289 = vector.shape_cast %broadcast_in_dim3A_253 : vector<16xf32> to vector<1x16xf32>
      tpu.vector_store %arg12[%swap3A, %swap3A_286], %swap3A_289 {strides = array<i32>} : memref<64x128xf32, #tpu.memory_space<vmem>>, vector<1x16xf32>,
    }
    %scan3A_94 = arith.constant 512 : i32
    %scan3A_95 = arith.constant 0 : i32
    %scan3A_96 = arith.constant 5 : i32
    %scan3A_97 = arith.addi %scan3A_95, %scan3A_96 : i32
    %scan3A_98 = arith.constant 1 : i32
    scf.for %scan3A_252 = %scan3A_95 to %scan3A_97 step %scan3A_98  : i32 {
      %mul3A_253 = arith.constant 64 : i32
      %mul3A_254 = arith.muli %scan3A_252, %mul3A_253 : i32
      %add3A_255 = arith.addi %mul3A_89, %mul3A_254 : i32
      "tpu.region"() ({
        %run_scoped3A = tpu.sem_alloc : memref<!tpu.dma_semaphore, #tpu.memory_space<semaphore_mem>>
        %dma_start3A = arith.constant 0 : i32
        %dma_start3A_259 = tpu.memref_slice %arg7[%add3A_255, %dma_start3A] : memref<5136x128xf32, #tpu.memory_space<vmem_shared>> -> memref<64x128xf32, #tpu.memory_space<vmem_shared>>
        %dma_start3A_260 = arith.constant 0 : i32
        %dma_start3A_261 = tpu.memref_slice %arg7[%add3A_255, %dma_start3A_260] : memref<5136x128xf32, #tpu.memory_space<vmem_shared>> -> memref<64x128xf32, #tpu.memory_space<vmem_shared>>
        tpu.enqueue_dma source(%arg12 : memref<64x128xf32, #tpu.memory_space<vmem>>) target(%dma_start3A_261 : memref<64x128xf32, #tpu.memory_space<vmem_shared>>) target_semaphore(%run_scoped3A : memref<!tpu.dma_semaphore, #tpu.memory_space<semaphore_mem>>)
        %dma_wait3A = arith.constant 0 : i32
        %dma_wait3A_262 = tpu.memref_slice %arg7[%add3A_255, %dma_wait3A] : memref<5136x128xf32, #tpu.memory_space<vmem_shared>> -> memref<64x128xf32, #tpu.memory_space<vmem_shared>>
        %dma_wait3A_263 = arith.constant 0 : i32
        %dma_wait3A_264 = tpu.memref_slice %arg7[%add3A_255, %dma_wait3A_263] : memref<5136x128xf32, #tpu.memory_space<vmem_shared>> -> memref<64x128xf32, #tpu.memory_space<vmem_shared>>
        tpu.wait_dma2 semaphore(%run_scoped3A : memref<!tpu.dma_semaphore, #tpu.memory_space<semaphore_mem>>) src(%arg12 : memref<64x128xf32, #tpu.memory_space<vmem>>) dst(%dma_wait3A_264 : memref<64x128xf32, #tpu.memory_space<vmem_shared>>)
        tpu.yield
      }) : () -> ()
      %mul3A_256 = arith.constant 64 : i32
      %mul3A_257 = arith.muli %scan3A_252, %mul3A_256 : i32
      %add3A_258 = arith.addi %mul3A_89, %mul3A_257 : i32
      "tpu.region"() ({
        %run_scoped3A = tpu.sem_alloc : memref<!tpu.dma_semaphore, #tpu.memory_space<semaphore_mem>>
        %dma_start3A = arith.constant 0 : i32
        %dma_start3A_259 = tpu.memref_slice %arg8[%add3A_258, %dma_start3A] : memref<5136x16xf32, #tpu.memory_space<vmem_shared>> -> memref<64x16xf32, #tpu.memory_space<vmem_shared>>
        %dma_start3A_260 = arith.constant 0 : i32
        %dma_start3A_261 = tpu.memref_slice %arg8[%add3A_258, %dma_start3A_260] : memref<5136x16xf32, #tpu.memory_space<vmem_shared>> -> memref<64x16xf32, #tpu.memory_space<vmem_shared>>
        tpu.enqueue_dma source(%arg14 : memref<64x16xf32, #tpu.memory_space<vmem>>) target(%dma_start3A_261 : memref<64x16xf32, #tpu.memory_space<vmem_shared>>) target_semaphore(%run_scoped3A : memref<!tpu.dma_semaphore, #tpu.memory_space<semaphore_mem>>)
        %dma_wait3A = arith.constant 0 : i32
        %dma_wait3A_262 = tpu.memref_slice %arg8[%add3A_258, %dma_wait3A] : memref<5136x16xf32, #tpu.memory_space<vmem_shared>> -> memref<64x16xf32, #tpu.memory_space<vmem_shared>>
        %dma_wait3A_263 = arith.constant 0 : i32
        %dma_wait3A_264 = tpu.memref_slice %arg8[%add3A_258, %dma_wait3A_263] : memref<5136x16xf32, #tpu.memory_space<vmem_shared>> -> memref<64x16xf32, #tpu.memory_space<vmem_shared>>
        tpu.wait_dma2 semaphore(%run_scoped3A : memref<!tpu.dma_semaphore, #tpu.memory_space<semaphore_mem>>) src(%arg14 : memref<64x16xf32, #tpu.memory_space<vmem>>) dst(%dma_wait3A_264 : memref<64x16xf32, #tpu.memory_space<vmem_shared>>)
        tpu.yield
      }) : () -> ()
    }
    %scan3A_99 = arith.constant 5 : i32
    %barrier3A_100 = arith.constant 0 : index
    tpu.barrier barrier_id(%barrier3A_100)
    %mul3A_101 = arith.constant 491520 : i32
    %mul3A_102 = arith.muli %arg0, %mul3A_101 : i32
    %add3A_103 = arith.constant 163840 : i32
    %add3A_104 = arith.addi %mul3A_102, %add3A_103 : i32
    %mul3A_105 = arith.constant 10240 : i32
    %mul3A_106 = arith.muli %arg1, %mul3A_105 : i32
    %add3A_107 = arith.addi %add3A_104, %mul3A_106 : i32
    %mul3A_108 = arith.constant 10240 : i32
    %mul3A_109 = arith.muli %arg1, %mul3A_108 : i32
    %add3A_110 = arith.constant 163840 : i32
    %add3A_111 = arith.addi %add3A_110, %mul3A_109 : i32
    %scan3A_112 = arith.constant 0 : i32
    %scan3A_113 = arith.constant 160 : i32
    %scan3A_114 = arith.addi %scan3A_112, %scan3A_113 : i32
    %scan3A_115 = arith.constant 1 : i32
    scf.for %scan3A_252 = %scan3A_112 to %scan3A_114 step %scan3A_115  : i32 {
      %mul3A_253 = arith.constant 64 : i32
      %mul3A_254 = arith.muli %scan3A_252, %mul3A_253 : i32
      %add3A_255 = arith.addi %add3A_107, %mul3A_254 : i32
      "tpu.region"() ({
        %run_scoped3A = tpu.sem_alloc : memref<!tpu.dma_semaphore, #tpu.memory_space<semaphore_mem>>
        %dma_start3A_334 = tpu.memref_slice %arg3[%add3A_255] : memref<983040xi32, #tpu.memory_space<hbm>> -> memref<64xi32, #tpu.memory_space<hbm>>
        %dma_start3A_335 = tpu.memref_slice %arg3[%add3A_255] : memref<983040xi32, #tpu.memory_space<hbm>> -> memref<64xi32, #tpu.memory_space<hbm>>
        tpu.enqueue_dma source(%dma_start3A_335 : memref<64xi32, #tpu.memory_space<hbm>>) target(%arg9 : memref<64xi32, #tpu.memory_space<vmem>>) target_semaphore(%run_scoped3A : memref<!tpu.dma_semaphore, #tpu.memory_space<semaphore_mem>>)
        %dma_wait3A_336 = tpu.memref_slice %arg3[%add3A_255] : memref<983040xi32, #tpu.memory_space<hbm>> -> memref<64xi32, #tpu.memory_space<hbm>>
        %dma_wait3A_337 = tpu.memref_slice %arg3[%add3A_255] : memref<983040xi32, #tpu.memory_space<hbm>> -> memref<64xi32, #tpu.memory_space<hbm>>
        tpu.wait_dma2 semaphore(%run_scoped3A : memref<!tpu.dma_semaphore, #tpu.memory_space<semaphore_mem>>) src(%dma_wait3A_337 : memref<64xi32, #tpu.memory_space<hbm>>) dst(%arg9 : memref<64xi32, #tpu.memory_space<vmem>>)
        tpu.yield
      }) : () -> ()
      %mul3A_256 = arith.constant 64 : i32
      %mul3A_257 = arith.muli %scan3A_252, %mul3A_256 : i32
      %add3A_258 = arith.addi %add3A_111, %mul3A_257 : i32
      "tpu.region"() ({
        %run_scoped3A = tpu.sem_alloc : memref<!tpu.dma_semaphore, #tpu.memory_space<semaphore_mem>>
        %dma_start3A_334 = tpu.memref_slice %arg4[%add3A_258] : memref<491520xi32, #tpu.memory_space<hbm>> -> memref<64xi32, #tpu.memory_space<hbm>>
        %dma_start3A_335 = tpu.memref_slice %arg4[%add3A_258] : memref<491520xi32, #tpu.memory_space<hbm>> -> memref<64xi32, #tpu.memory_space<hbm>>
        tpu.enqueue_dma source(%dma_start3A_335 : memref<64xi32, #tpu.memory_space<hbm>>) target(%arg10 : memref<64xi32, #tpu.memory_space<vmem>>) target_semaphore(%run_scoped3A : memref<!tpu.dma_semaphore, #tpu.memory_space<semaphore_mem>>)
        %dma_wait3A_336 = tpu.memref_slice %arg4[%add3A_258] : memref<491520xi32, #tpu.memory_space<hbm>> -> memref<64xi32, #tpu.memory_space<hbm>>
        %dma_wait3A_337 = tpu.memref_slice %arg4[%add3A_258] : memref<491520xi32, #tpu.memory_space<hbm>> -> memref<64xi32, #tpu.memory_space<hbm>>
        tpu.wait_dma2 semaphore(%run_scoped3A : memref<!tpu.dma_semaphore, #tpu.memory_space<semaphore_mem>>) src(%dma_wait3A_337 : memref<64xi32, #tpu.memory_space<hbm>>) dst(%arg10 : memref<64xi32, #tpu.memory_space<vmem>>)
        tpu.yield
      }) : () -> ()
      %get3A = arith.constant 0 : index
      %get3A_259 = tpu.vector_load %arg10[%get3A] {strides = array<i32>} : memref<64xi32, #tpu.memory_space<vmem>>, vector<16xi32>,
      %get3A_260 = vector.shape_cast %get3A_259 : vector<16xi32> to vector<16xi32>
      %sub3A = arith.constant 0 : i32
      %sub3A_261 = vector.broadcast %sub3A : i32 to vector<16xi32>
      %sub3A_262 = arith.subi %get3A_260, %sub3A_261 : vector<16xi32>
      %ge3A = arith.constant 0 : i32
      %ge3A_263 = vector.broadcast %ge3A : i32 to vector<16xi32>
      %ge3A_264 = arith.cmpi sge, %sub3A_262, %ge3A_263 : vector<16xi32>
      %lt3A = arith.constant 5120 : i32
      %lt3A_265 = vector.broadcast %lt3A : i32 to vector<16xi32>
      %lt3A_266 = arith.cmpi slt, %sub3A_262, %lt3A_265 : vector<16xi32>
      %and3A = arith.andi %ge3A_264, %lt3A_266 : vector<16xi1>
      %jit3A = arith.constant 5120 : i32
      %broadcast_in_dim3A = vector.broadcast %jit3A : i32 to vector<16xi32>
      %select_n3A = arith.select %and3A, %sub3A_262, %broadcast_in_dim3A : vector<16xi1>, vector<16xi32>
      %swap3A = arith.constant 0 : index
      %swap3A_267 = tpu.vector_load %arg11[%swap3A] {strides = array<i32>} : memref<64xi32, #tpu.memory_space<vmem>>, vector<16xi32>,
      %swap3A_268 = vector.shape_cast %swap3A_267 : vector<16xi32> to vector<16xi32>
      %swap3A_269 = vector.shape_cast %select_n3A : vector<16xi32> to vector<16xi32>
      tpu.vector_store %arg11[%swap3A], %swap3A_269 {strides = array<i32>} : memref<64xi32, #tpu.memory_space<vmem>>, vector<16xi32>,
      %get3A_270 = arith.constant 16 : index
      %get3A_271 = tpu.vector_load %arg10[%get3A_270] {strides = array<i32>} : memref<64xi32, #tpu.memory_space<vmem>>, vector<16xi32>,
      %get3A_272 = vector.shape_cast %get3A_271 : vector<16xi32> to vector<16xi32>
      %sub3A_273 = arith.constant 0 : i32
      %sub3A_274 = vector.broadcast %sub3A_273 : i32 to vector<16xi32>
      %sub3A_275 = arith.subi %get3A_272, %sub3A_274 : vector<16xi32>
      %ge3A_276 = arith.constant 0 : i32
      %ge3A_277 = vector.broadcast %ge3A_276 : i32 to vector<16xi32>
      %ge3A_278 = arith.cmpi sge, %sub3A_275, %ge3A_277 : vector<16xi32>
      %lt3A_279 = arith.constant 5120 : i32
      %lt3A_280 = vector.broadcast %lt3A_279 : i32 to vector<16xi32>
      %lt3A_281 = arith.cmpi slt, %sub3A_275, %lt3A_280 : vector<16xi32>
      %and3A_282 = arith.andi %ge3A_278, %lt3A_281 : vector<16xi1>
      %jit3A_283 = arith.constant 5120 : i32
      %broadcast_in_dim3A_284 = vector.broadcast %jit3A_283 : i32 to vector<16xi32>
      %select_n3A_285 = arith.select %and3A_282, %sub3A_275, %broadcast_in_dim3A_284 : vector<16xi1>, vector<16xi32>
      %swap3A_286 = arith.constant 16 : index
      %swap3A_287 = tpu.vector_load %arg11[%swap3A_286] {strides = array<i32>} : memref<64xi32, #tpu.memory_space<vmem>>, vector<16xi32>,
      %swap3A_288 = vector.shape_cast %swap3A_287 : vector<16xi32> to vector<16xi32>
      %swap3A_289 = vector.shape_cast %select_n3A_285 : vector<16xi32> to vector<16xi32>
      tpu.vector_store %arg11[%swap3A_286], %swap3A_289 {strides = array<i32>} : memref<64xi32, #tpu.memory_space<vmem>>, vector<16xi32>,
      %get3A_290 = arith.constant 32 : index
      %get3A_291 = tpu.vector_load %arg10[%get3A_290] {strides = array<i32>} : memref<64xi32, #tpu.memory_space<vmem>>, vector<16xi32>,
      %get3A_292 = vector.shape_cast %get3A_291 : vector<16xi32> to vector<16xi32>
      %sub3A_293 = arith.constant 0 : i32
      %sub3A_294 = vector.broadcast %sub3A_293 : i32 to vector<16xi32>
      %sub3A_295 = arith.subi %get3A_292, %sub3A_294 : vector<16xi32>
      %ge3A_296 = arith.constant 0 : i32
      %ge3A_297 = vector.broadcast %ge3A_296 : i32 to vector<16xi32>
      %ge3A_298 = arith.cmpi sge, %sub3A_295, %ge3A_297 : vector<16xi32>
      %lt3A_299 = arith.constant 5120 : i32
      %lt3A_300 = vector.broadcast %lt3A_299 : i32 to vector<16xi32>
      %lt3A_301 = arith.cmpi slt, %sub3A_295, %lt3A_300 : vector<16xi32>
      %and3A_302 = arith.andi %ge3A_298, %lt3A_301 : vector<16xi1>
      %jit3A_303 = arith.constant 5120 : i32
      %broadcast_in_dim3A_304 = vector.broadcast %jit3A_303 : i32 to vector<16xi32>
      %select_n3A_305 = arith.select %and3A_302, %sub3A_295, %broadcast_in_dim3A_304 : vector<16xi1>, vector<16xi32>
      %swap3A_306 = arith.constant 32 : index
      %swap3A_307 = tpu.vector_load %arg11[%swap3A_306] {strides = array<i32>} : memref<64xi32, #tpu.memory_space<vmem>>, vector<16xi32>,
      %swap3A_308 = vector.shape_cast %swap3A_307 : vector<16xi32> to vector<16xi32>
      %swap3A_309 = vector.shape_cast %select_n3A_305 : vector<16xi32> to vector<16xi32>
      tpu.vector_store %arg11[%swap3A_306], %swap3A_309 {strides = array<i32>} : memref<64xi32, #tpu.memory_space<vmem>>, vector<16xi32>,
      %get3A_310 = arith.constant 48 : index
      %get3A_311 = tpu.vector_load %arg10[%get3A_310] {strides = array<i32>} : memref<64xi32, #tpu.memory_space<vmem>>, vector<16xi32>,
      %get3A_312 = vector.shape_cast %get3A_311 : vector<16xi32> to vector<16xi32>
      %sub3A_313 = arith.constant 0 : i32
      %sub3A_314 = vector.broadcast %sub3A_313 : i32 to vector<16xi32>
      %sub3A_315 = arith.subi %get3A_312, %sub3A_314 : vector<16xi32>
      %ge3A_316 = arith.constant 0 : i32
      %ge3A_317 = vector.broadcast %ge3A_316 : i32 to vector<16xi32>
      %ge3A_318 = arith.cmpi sge, %sub3A_315, %ge3A_317 : vector<16xi32>
      %lt3A_319 = arith.constant 5120 : i32
      %lt3A_320 = vector.broadcast %lt3A_319 : i32 to vector<16xi32>
      %lt3A_321 = arith.cmpi slt, %sub3A_315, %lt3A_320 : vector<16xi32>
      %and3A_322 = arith.andi %ge3A_318, %lt3A_321 : vector<16xi1>
      %jit3A_323 = arith.constant 5120 : i32
      %broadcast_in_dim3A_324 = vector.broadcast %jit3A_323 : i32 to vector<16xi32>
      %select_n3A_325 = arith.select %and3A_322, %sub3A_315, %broadcast_in_dim3A_324 : vector<16xi1>, vector<16xi32>
      %swap3A_326 = arith.constant 48 : index
      %swap3A_327 = tpu.vector_load %arg11[%swap3A_326] {strides = array<i32>} : memref<64xi32, #tpu.memory_space<vmem>>, vector<16xi32>,
      %swap3A_328 = vector.shape_cast %swap3A_327 : vector<16xi32> to vector<16xi32>
      %swap3A_329 = vector.shape_cast %select_n3A_325 : vector<16xi32> to vector<16xi32>
      tpu.vector_store %arg11[%swap3A_326], %swap3A_329 {strides = array<i32>} : memref<64xi32, #tpu.memory_space<vmem>>, vector<16xi32>,
      %dma_start3A = arith.constant 0 : i32
      %dma_start3A_330 = arith.constant 0 : i32
      %dma_start3A_331 = tpu.memref_slice %arg2[%dma_start3A, %dma_start3A_330] : memref<20000x128xf32, #tpu.memory_space<hbm>> -> memref<20000x128xf32, #tpu.memory_space<hbm>>
      tpu.enqueue_indirect_dma source(%dma_start3A_331 : memref<20000x128xf32, #tpu.memory_space<hbm>>) target(%arg12 : memref<64x128xf32, #tpu.memory_space<vmem>>) offsets(%arg9 : memref<64xi32, #tpu.memory_space<vmem>>) semaphore(%arg15 : memref<!tpu.dma_semaphore, #tpu.memory_space<semaphore_mem>>)
      %dma_wait3A = arith.constant 0 : i32
      %dma_wait3A_332 = arith.constant 0 : i32
      %dma_wait3A_333 = tpu.memref_slice %arg2[%dma_wait3A, %dma_wait3A_332] : memref<20000x128xf32, #tpu.memory_space<hbm>> -> memref<20000x128xf32, #tpu.memory_space<hbm>>
      tpu.wait_indirect_dma semaphore(%arg15 : memref<!tpu.dma_semaphore, #tpu.memory_space<semaphore_mem>>) src(%dma_wait3A_333 : memref<20000x128xf32, #tpu.memory_space<hbm>>) dst(%arg12 : memref<64x128xf32, #tpu.memory_space<vmem>>)
      "tpu.region"() ({
        %run_scoped3A = tpu.sem_alloc : memref<!tpu.dma_semaphore, #tpu.memory_space<semaphore_mem>>
        %dma_start3A_334 = arith.constant 0 : i32
        %dma_start3A_335 = arith.constant 0 : i32
        %dma_start3A_336 = tpu.memref_slice %arg7[%dma_start3A_334, %dma_start3A_335] : memref<5136x128xf32, #tpu.memory_space<vmem_shared>> -> memref<5136x128xf32, #tpu.memory_space<vmem_shared>>
        tpu.enqueue_indirect_dma source(%arg12 : memref<64x128xf32, #tpu.memory_space<vmem>>) target(%dma_start3A_336 : memref<5136x128xf32, #tpu.memory_space<vmem_shared>>) offsets(%arg11 : memref<64xi32, #tpu.memory_space<vmem>>) semaphore(%run_scoped3A : memref<!tpu.dma_semaphore, #tpu.memory_space<semaphore_mem>>) {add = true}
        %dma_wait3A_337 = arith.constant 0 : i32
        %dma_wait3A_338 = arith.constant 0 : i32
        %dma_wait3A_339 = tpu.memref_slice %arg7[%dma_wait3A_337, %dma_wait3A_338] : memref<5136x128xf32, #tpu.memory_space<vmem_shared>> -> memref<5136x128xf32, #tpu.memory_space<vmem_shared>>
        tpu.wait_indirect_dma semaphore(%run_scoped3A : memref<!tpu.dma_semaphore, #tpu.memory_space<semaphore_mem>>) src(%arg12 : memref<64x128xf32, #tpu.memory_space<vmem>>) dst(%dma_wait3A_339 : memref<5136x128xf32, #tpu.memory_space<vmem_shared>>)
        tpu.yield
      }) : () -> ()
      "tpu.region"() ({
        %run_scoped3A = tpu.sem_alloc : memref<!tpu.dma_semaphore, #tpu.memory_space<semaphore_mem>>
        %dma_start3A_334 = arith.constant 0 : i32
        %dma_start3A_335 = arith.constant 0 : i32
        %dma_start3A_336 = tpu.memref_slice %arg8[%dma_start3A_334, %dma_start3A_335] : memref<5136x16xf32, #tpu.memory_space<vmem_shared>> -> memref<5136x16xf32, #tpu.memory_space<vmem_shared>>
        tpu.enqueue_indirect_dma source(%arg13 : memref<64x16xf32, #tpu.memory_space<vmem>>) target(%dma_start3A_336 : memref<5136x16xf32, #tpu.memory_space<vmem_shared>>) offsets(%arg11 : memref<64xi32, #tpu.memory_space<vmem>>) semaphore(%run_scoped3A : memref<!tpu.dma_semaphore, #tpu.memory_space<semaphore_mem>>) {add = true}
        %dma_wait3A_337 = arith.constant 0 : i32
        %dma_wait3A_338 = arith.constant 0 : i32
        %dma_wait3A_339 = tpu.memref_slice %arg8[%dma_wait3A_337, %dma_wait3A_338] : memref<5136x16xf32, #tpu.memory_space<vmem_shared>> -> memref<5136x16xf32, #tpu.memory_space<vmem_shared>>
        tpu.wait_indirect_dma semaphore(%run_scoped3A : memref<!tpu.dma_semaphore, #tpu.memory_space<semaphore_mem>>) src(%arg13 : memref<64x16xf32, #tpu.memory_space<vmem>>) dst(%dma_wait3A_339 : memref<5136x16xf32, #tpu.memory_space<vmem_shared>>)
        tpu.yield
      }) : () -> ()
    }
    %scan3A_116 = arith.constant 160 : i32
    %barrier3A_117 = arith.constant 0 : index
    tpu.barrier barrier_id(%barrier3A_117)
    %scan3A_118 = arith.constant 0 : i32
    %scan3A_119 = arith.constant 5 : i32
    %scan3A_120 = arith.addi %scan3A_118, %scan3A_119 : i32
    %scan3A_121 = arith.constant 1 : i32
    scf.for %scan3A_252 = %scan3A_118 to %scan3A_120 step %scan3A_121  : i32 {
      %mul3A_253 = arith.constant 64 : i32
      %mul3A_254 = arith.muli %scan3A_252, %mul3A_253 : i32
      %add3A_255 = arith.addi %mul3A_89, %mul3A_254 : i32
      "tpu.region"() ({
        %run_scoped3A = tpu.sem_alloc : memref<!tpu.dma_semaphore, #tpu.memory_space<semaphore_mem>>
        %dma_start3A = arith.constant 0 : i32
        %dma_start3A_281 = tpu.memref_slice %arg7[%add3A_255, %dma_start3A] : memref<5136x128xf32, #tpu.memory_space<vmem_shared>> -> memref<64x128xf32, #tpu.memory_space<vmem_shared>>
        %dma_start3A_282 = arith.constant 0 : i32
        %dma_start3A_283 = tpu.memref_slice %arg7[%add3A_255, %dma_start3A_282] : memref<5136x128xf32, #tpu.memory_space<vmem_shared>> -> memref<64x128xf32, #tpu.memory_space<vmem_shared>>
        tpu.enqueue_dma source(%dma_start3A_283 : memref<64x128xf32, #tpu.memory_space<vmem_shared>>) target(%arg12 : memref<64x128xf32, #tpu.memory_space<vmem>>) target_semaphore(%run_scoped3A : memref<!tpu.dma_semaphore, #tpu.memory_space<semaphore_mem>>)
        %dma_wait3A = arith.constant 0 : i32
        %dma_wait3A_284 = tpu.memref_slice %arg7[%add3A_255, %dma_wait3A] : memref<5136x128xf32, #tpu.memory_space<vmem_shared>> -> memref<64x128xf32, #tpu.memory_space<vmem_shared>>
        %dma_wait3A_285 = arith.constant 0 : i32
        %dma_wait3A_286 = tpu.memref_slice %arg7[%add3A_255, %dma_wait3A_285] : memref<5136x128xf32, #tpu.memory_space<vmem_shared>> -> memref<64x128xf32, #tpu.memory_space<vmem_shared>>
        tpu.wait_dma2 semaphore(%run_scoped3A : memref<!tpu.dma_semaphore, #tpu.memory_space<semaphore_mem>>) src(%dma_wait3A_286 : memref<64x128xf32, #tpu.memory_space<vmem_shared>>) dst(%arg12 : memref<64x128xf32, #tpu.memory_space<vmem>>)
        tpu.yield
      }) : () -> ()
      %add3A_256 = arith.constant 2 : i32
      %add3A_257 = arith.addi %add3A_256, %arg0 : i32
      %mul3A_258 = arith.constant 10240 : i32
      %mul3A_259 = arith.muli %add3A_257, %mul3A_258 : i32
      %add3A_260 = arith.constant 0 : i32
      %add3A_261 = arith.addi %mul3A_259, %add3A_260 : i32
      %add3A_262 = arith.addi %add3A_261, %mul3A_89 : i32
      %mul3A_263 = arith.constant 64 : i32
      %mul3A_264 = arith.muli %scan3A_252, %mul3A_263 : i32
      %add3A_265 = arith.addi %add3A_262, %mul3A_264 : i32
      "tpu.region"() ({
        %run_scoped3A = tpu.sem_alloc : memref<!tpu.dma_semaphore, #tpu.memory_space<semaphore_mem>>
        %dma_start3A = arith.constant 0 : i32
        %dma_start3A_281 = tpu.memref_slice %arg5[%add3A_265, %dma_start3A] : memref<61440x128xf32, #tpu.memory_space<hbm>> -> memref<64x128xf32, #tpu.memory_space<hbm>>
        %dma_start3A_282 = arith.constant 0 : i32
        %dma_start3A_283 = tpu.memref_slice %arg5[%add3A_265, %dma_start3A_282] : memref<61440x128xf32, #tpu.memory_space<hbm>> -> memref<64x128xf32, #tpu.memory_space<hbm>>
        tpu.enqueue_dma source(%arg12 : memref<64x128xf32, #tpu.memory_space<vmem>>) target(%dma_start3A_283 : memref<64x128xf32, #tpu.memory_space<hbm>>) target_semaphore(%run_scoped3A : memref<!tpu.dma_semaphore, #tpu.memory_space<semaphore_mem>>)
        %dma_wait3A = arith.constant 0 : i32
        %dma_wait3A_284 = tpu.memref_slice %arg5[%add3A_265, %dma_wait3A] : memref<61440x128xf32, #tpu.memory_space<hbm>> -> memref<64x128xf32, #tpu.memory_space<hbm>>
        %dma_wait3A_285 = arith.constant 0 : i32
        %dma_wait3A_286 = tpu.memref_slice %arg5[%add3A_265, %dma_wait3A_285] : memref<61440x128xf32, #tpu.memory_space<hbm>> -> memref<64x128xf32, #tpu.memory_space<hbm>>
        tpu.wait_dma2 semaphore(%run_scoped3A : memref<!tpu.dma_semaphore, #tpu.memory_space<semaphore_mem>>) src(%arg12 : memref<64x128xf32, #tpu.memory_space<vmem>>) dst(%dma_wait3A_286 : memref<64x128xf32, #tpu.memory_space<hbm>>)
        tpu.yield
      }) : () -> ()
      %mul3A_266 = arith.constant 64 : i32
      %mul3A_267 = arith.muli %scan3A_252, %mul3A_266 : i32
      %add3A_268 = arith.addi %mul3A_89, %mul3A_267 : i32
      "tpu.region"() ({
        %run_scoped3A = tpu.sem_alloc : memref<!tpu.dma_semaphore, #tpu.memory_space<semaphore_mem>>
        %dma_start3A = arith.constant 0 : i32
        %dma_start3A_281 = tpu.memref_slice %arg8[%add3A_268, %dma_start3A] : memref<5136x16xf32, #tpu.memory_space<vmem_shared>> -> memref<64x16xf32, #tpu.memory_space<vmem_shared>>
        %dma_start3A_282 = arith.constant 0 : i32
        %dma_start3A_283 = tpu.memref_slice %arg8[%add3A_268, %dma_start3A_282] : memref<5136x16xf32, #tpu.memory_space<vmem_shared>> -> memref<64x16xf32, #tpu.memory_space<vmem_shared>>
        tpu.enqueue_dma source(%dma_start3A_283 : memref<64x16xf32, #tpu.memory_space<vmem_shared>>) target(%arg14 : memref<64x16xf32, #tpu.memory_space<vmem>>) target_semaphore(%run_scoped3A : memref<!tpu.dma_semaphore, #tpu.memory_space<semaphore_mem>>)
        %dma_wait3A = arith.constant 0 : i32
        %dma_wait3A_284 = tpu.memref_slice %arg8[%add3A_268, %dma_wait3A] : memref<5136x16xf32, #tpu.memory_space<vmem_shared>> -> memref<64x16xf32, #tpu.memory_space<vmem_shared>>
        %dma_wait3A_285 = arith.constant 0 : i32
        %dma_wait3A_286 = tpu.memref_slice %arg8[%add3A_268, %dma_wait3A_285] : memref<5136x16xf32, #tpu.memory_space<vmem_shared>> -> memref<64x16xf32, #tpu.memory_space<vmem_shared>>
        tpu.wait_dma2 semaphore(%run_scoped3A : memref<!tpu.dma_semaphore, #tpu.memory_space<semaphore_mem>>) src(%dma_wait3A_286 : memref<64x16xf32, #tpu.memory_space<vmem_shared>>) dst(%arg14 : memref<64x16xf32, #tpu.memory_space<vmem>>)
        tpu.yield
      }) : () -> ()
      %mul3A_269 = arith.constant 3 : i32
      %mul3A_270 = arith.muli %arg0, %mul3A_269 : i32
      %add3A_271 = arith.constant 1 : i32
      %add3A_272 = arith.addi %mul3A_270, %add3A_271 : i32
      %mul3A_273 = arith.constant 10240 : i32
      %mul3A_274 = arith.muli %add3A_272, %mul3A_273 : i32
      %add3A_275 = arith.constant 0 : i32
      %add3A_276 = arith.addi %mul3A_274, %add3A_275 : i32
      %add3A_277 = arith.addi %add3A_276, %mul3A_89 : i32
      %mul3A_278 = arith.constant 64 : i32
      %mul3A_279 = arith.muli %scan3A_252, %mul3A_278 : i32
      %add3A_280 = arith.addi %add3A_277, %mul3A_279 : i32
      "tpu.region"() ({
        %run_scoped3A = tpu.sem_alloc : memref<!tpu.dma_semaphore, #tpu.memory_space<semaphore_mem>>
        %dma_start3A = arith.constant 0 : i32
        %dma_start3A_281 = tpu.memref_slice %arg6[%add3A_280, %dma_start3A] : memref<61440x16xf32, #tpu.memory_space<hbm>> -> memref<64x16xf32, #tpu.memory_space<hbm>>
        %dma_start3A_282 = arith.constant 0 : i32
        %dma_start3A_283 = tpu.memref_slice %arg6[%add3A_280, %dma_start3A_282] : memref<61440x16xf32, #tpu.memory_space<hbm>> -> memref<64x16xf32, #tpu.memory_space<hbm>>
        tpu.enqueue_dma source(%arg14 : memref<64x16xf32, #tpu.memory_space<vmem>>) target(%dma_start3A_283 : memref<64x16xf32, #tpu.memory_space<hbm>>) target_semaphore(%run_scoped3A : memref<!tpu.dma_semaphore, #tpu.memory_space<semaphore_mem>>)
        %dma_wait3A = arith.constant 0 : i32
        %dma_wait3A_284 = tpu.memref_slice %arg6[%add3A_280, %dma_wait3A] : memref<61440x16xf32, #tpu.memory_space<hbm>> -> memref<64x16xf32, #tpu.memory_space<hbm>>
        %dma_wait3A_285 = arith.constant 0 : i32
        %dma_wait3A_286 = tpu.memref_slice %arg6[%add3A_280, %dma_wait3A_285] : memref<61440x16xf32, #tpu.memory_space<hbm>> -> memref<64x16xf32, #tpu.memory_space<hbm>>
        tpu.wait_dma2 semaphore(%run_scoped3A : memref<!tpu.dma_semaphore, #tpu.memory_space<semaphore_mem>>) src(%arg14 : memref<64x16xf32, #tpu.memory_space<vmem>>) dst(%dma_wait3A_286 : memref<64x16xf32, #tpu.memory_space<hbm>>)
        tpu.yield
      }) : () -> ()
    }
    %scan3A_122 = arith.constant 5 : i32
    %scan3A_123 = arith.constant 0 : i32
    %scan3A_124 = arith.constant 64 : i32
    %scan3A_125 = arith.addi %scan3A_123, %scan3A_124 : i32
    %scan3A_126 = arith.constant 1 : i32
    scf.for %scan3A_252 = %scan3A_123 to %scan3A_125 step %scan3A_126  : i32 {
      %broadcast_in_dim3A = arith.constant 0.000000e+00 : f32
      %broadcast_in_dim3A_253 = vector.broadcast %broadcast_in_dim3A : f32 to vector<16xf32>
      %swap3A = arith.index_cast %scan3A_252 : i32 to index
      %swap3A_254 = arith.constant 0 : index
      %swap3A_255 = tpu.vector_load %arg14[%swap3A, %swap3A_254] {strides = array<i32>} : memref<64x16xf32, #tpu.memory_space<vmem>>, vector<1x16xf32>,
      %swap3A_256 = vector.shape_cast %swap3A_255 : vector<1x16xf32> to vector<16xf32>
      %swap3A_257 = vector.shape_cast %broadcast_in_dim3A_253 : vector<16xf32> to vector<1x16xf32>
      tpu.vector_store %arg14[%swap3A, %swap3A_254], %swap3A_257 {strides = array<i32>} : memref<64x16xf32, #tpu.memory_space<vmem>>, vector<1x16xf32>,
    }
    %scan3A_127 = arith.constant 64 : i32
    %barrier3A_128 = arith.constant 0 : index
    tpu.barrier barrier_id(%barrier3A_128)
    %mul3A_129 = arith.constant 320 : i32
    %mul3A_130 = arith.muli %arg1, %mul3A_129 : i32
    %scan3A_131 = arith.constant 0 : i32
    %scan3A_132 = arith.constant 512 : i32
    %scan3A_133 = arith.addi %scan3A_131, %scan3A_132 : i32
    %scan3A_134 = arith.constant 1 : i32
    scf.for %scan3A_252 = %scan3A_131 to %scan3A_133 step %scan3A_134  : i32 {
      %broadcast_in_dim3A = arith.constant 0.000000e+00 : f32
      %broadcast_in_dim3A_253 = vector.broadcast %broadcast_in_dim3A : f32 to vector<16xf32>
      %jit3A = arith.constant 8 : i32
      %div3A = arith.divsi %scan3A_252, %jit3A : i32
      %sign3A = arith.constant 0 : i32
      %sign3A_254 = arith.cmpi sgt, %scan3A_252, %sign3A : i32
      %sign3A_255 = arith.extui %sign3A_254 : i1 to i32
      %sign3A_256 = arith.constant 0 : i32
      %sign3A_257 = arith.cmpi slt, %scan3A_252, %sign3A_256 : i32
      %sign3A_258 = arith.extui %sign3A_257 : i1 to i32
      %sign3A_259 = arith.subi %sign3A_255, %sign3A_258 : i32
      %sign3A_260 = arith.constant 0 : i32
      %sign3A_261 = arith.cmpi sgt, %jit3A, %sign3A_260 : i32
      %sign3A_262 = arith.extui %sign3A_261 : i1 to i32
      %sign3A_263 = arith.constant 0 : i32
      %sign3A_264 = arith.cmpi slt, %jit3A, %sign3A_263 : i32
      %sign3A_265 = arith.extui %sign3A_264 : i1 to i32
      %sign3A_266 = arith.subi %sign3A_262, %sign3A_265 : i32
      %ne3A = arith.cmpi ne, %sign3A_259, %sign3A_266 : i32
      %rem3A = arith.remsi %scan3A_252, %jit3A : i32
      %ne3A_267 = arith.constant 0 : i32
      %ne3A_268 = arith.cmpi ne, %rem3A, %ne3A_267 : i32
      %and3A = arith.andi %ne3A, %ne3A_268 : i1
      %sub3A = arith.constant 1 : i32
      %sub3A_269 = arith.subi %div3A, %sub3A : i32
      %select_n3A = arith.select %and3A, %sub3A_269, %div3A : i32
      %jit3A_270 = arith.constant 8 : i32
      %eq3A = arith.constant 0 : i32
      %eq3A_271 = arith.cmpi eq, %jit3A_270, %eq3A : i32
      %jit3A_272 = arith.constant 1 : i32
      %select_n3A_273 = arith.select %eq3A_271, %jit3A_272, %jit3A_270 : i32
      %rem3A_274 = arith.remsi %scan3A_252, %select_n3A_273 : i32
      %ne3A_275 = arith.constant 0 : i32
      %ne3A_276 = arith.cmpi ne, %rem3A_274, %ne3A_275 : i32
      %lt3A = arith.constant 0 : i32
      %lt3A_277 = arith.cmpi slt, %rem3A_274, %lt3A : i32
      %lt3A_278 = arith.constant 0 : i32
      %lt3A_279 = arith.cmpi slt, %select_n3A_273, %lt3A_278 : i32
      %ne3A_280 = arith.xori %lt3A_277, %lt3A_279 : i1
      %and3A_281 = arith.andi %ne3A_280, %ne3A_276 : i1
      %add3A_282 = arith.addi %rem3A_274, %select_n3A_273 : i32
      %select_n3A_283 = arith.select %and3A_281, %add3A_282, %rem3A_274 : i32
      %mul3A_284 = arith.constant 16 : i32
      %mul3A_285 = arith.muli %select_n3A_283, %mul3A_284 : i32
      %swap3A = arith.index_cast %select_n3A : i32 to index
      %swap3A_286 = arith.index_cast %mul3A_285 : i32 to index
      %swap3A_287 = tpu.vector_load %arg12[%swap3A, %swap3A_286] {strides = array<i32>} : memref<64x128xf32, #tpu.memory_space<vmem>>, vector<1x16xf32>,
      %swap3A_288 = vector.shape_cast %swap3A_287 : vector<1x16xf32> to vector<16xf32>
      %swap3A_289 = vector.shape_cast %broadcast_in_dim3A_253 : vector<16xf32> to vector<1x16xf32>
      tpu.vector_store %arg12[%swap3A, %swap3A_286], %swap3A_289 {strides = array<i32>} : memref<64x128xf32, #tpu.memory_space<vmem>>, vector<1x16xf32>,
    }
    %scan3A_135 = arith.constant 512 : i32
    %scan3A_136 = arith.constant 0 : i32
    %scan3A_137 = arith.constant 5 : i32
    %scan3A_138 = arith.addi %scan3A_136, %scan3A_137 : i32
    %scan3A_139 = arith.constant 1 : i32
    scf.for %scan3A_252 = %scan3A_136 to %scan3A_138 step %scan3A_139  : i32 {
      %mul3A_253 = arith.constant 64 : i32
      %mul3A_254 = arith.muli %scan3A_252, %mul3A_253 : i32
      %add3A_255 = arith.addi %mul3A_130, %mul3A_254 : i32
      "tpu.region"() ({
        %run_scoped3A = tpu.sem_alloc : memref<!tpu.dma_semaphore, #tpu.memory_space<semaphore_mem>>
        %dma_start3A = arith.constant 0 : i32
        %dma_start3A_259 = tpu.memref_slice %arg7[%add3A_255, %dma_start3A] : memref<5136x128xf32, #tpu.memory_space<vmem_shared>> -> memref<64x128xf32, #tpu.memory_space<vmem_shared>>
        %dma_start3A_260 = arith.constant 0 : i32
        %dma_start3A_261 = tpu.memref_slice %arg7[%add3A_255, %dma_start3A_260] : memref<5136x128xf32, #tpu.memory_space<vmem_shared>> -> memref<64x128xf32, #tpu.memory_space<vmem_shared>>
        tpu.enqueue_dma source(%arg12 : memref<64x128xf32, #tpu.memory_space<vmem>>) target(%dma_start3A_261 : memref<64x128xf32, #tpu.memory_space<vmem_shared>>) target_semaphore(%run_scoped3A : memref<!tpu.dma_semaphore, #tpu.memory_space<semaphore_mem>>)
        %dma_wait3A = arith.constant 0 : i32
        %dma_wait3A_262 = tpu.memref_slice %arg7[%add3A_255, %dma_wait3A] : memref<5136x128xf32, #tpu.memory_space<vmem_shared>> -> memref<64x128xf32, #tpu.memory_space<vmem_shared>>
        %dma_wait3A_263 = arith.constant 0 : i32
        %dma_wait3A_264 = tpu.memref_slice %arg7[%add3A_255, %dma_wait3A_263] : memref<5136x128xf32, #tpu.memory_space<vmem_shared>> -> memref<64x128xf32, #tpu.memory_space<vmem_shared>>
        tpu.wait_dma2 semaphore(%run_scoped3A : memref<!tpu.dma_semaphore, #tpu.memory_space<semaphore_mem>>) src(%arg12 : memref<64x128xf32, #tpu.memory_space<vmem>>) dst(%dma_wait3A_264 : memref<64x128xf32, #tpu.memory_space<vmem_shared>>)
        tpu.yield
      }) : () -> ()
      %mul3A_256 = arith.constant 64 : i32
      %mul3A_257 = arith.muli %scan3A_252, %mul3A_256 : i32
      %add3A_258 = arith.addi %mul3A_130, %mul3A_257 : i32
      "tpu.region"() ({
        %run_scoped3A = tpu.sem_alloc : memref<!tpu.dma_semaphore, #tpu.memory_space<semaphore_mem>>
        %dma_start3A = arith.constant 0 : i32
        %dma_start3A_259 = tpu.memref_slice %arg8[%add3A_258, %dma_start3A] : memref<5136x16xf32, #tpu.memory_space<vmem_shared>> -> memref<64x16xf32, #tpu.memory_space<vmem_shared>>
        %dma_start3A_260 = arith.constant 0 : i32
        %dma_start3A_261 = tpu.memref_slice %arg8[%add3A_258, %dma_start3A_260] : memref<5136x16xf32, #tpu.memory_space<vmem_shared>> -> memref<64x16xf32, #tpu.memory_space<vmem_shared>>
        tpu.enqueue_dma source(%arg14 : memref<64x16xf32, #tpu.memory_space<vmem>>) target(%dma_start3A_261 : memref<64x16xf32, #tpu.memory_space<vmem_shared>>) target_semaphore(%run_scoped3A : memref<!tpu.dma_semaphore, #tpu.memory_space<semaphore_mem>>)
        %dma_wait3A = arith.constant 0 : i32
        %dma_wait3A_262 = tpu.memref_slice %arg8[%add3A_258, %dma_wait3A] : memref<5136x16xf32, #tpu.memory_space<vmem_shared>> -> memref<64x16xf32, #tpu.memory_space<vmem_shared>>
        %dma_wait3A_263 = arith.constant 0 : i32
        %dma_wait3A_264 = tpu.memref_slice %arg8[%add3A_258, %dma_wait3A_263] : memref<5136x16xf32, #tpu.memory_space<vmem_shared>> -> memref<64x16xf32, #tpu.memory_space<vmem_shared>>
        tpu.wait_dma2 semaphore(%run_scoped3A : memref<!tpu.dma_semaphore, #tpu.memory_space<semaphore_mem>>) src(%arg14 : memref<64x16xf32, #tpu.memory_space<vmem>>) dst(%dma_wait3A_264 : memref<64x16xf32, #tpu.memory_space<vmem_shared>>)
        tpu.yield
      }) : () -> ()
    }
    %scan3A_140 = arith.constant 5 : i32
    %barrier3A_141 = arith.constant 0 : index
    tpu.barrier barrier_id(%barrier3A_141)
    %mul3A_142 = arith.constant 491520 : i32
    %mul3A_143 = arith.muli %arg0, %mul3A_142 : i32
    %add3A_144 = arith.constant 163840 : i32
    %add3A_145 = arith.addi %mul3A_143, %add3A_144 : i32
    %mul3A_146 = arith.constant 10240 : i32
    %mul3A_147 = arith.muli %arg1, %mul3A_146 : i32
    %add3A_148 = arith.addi %add3A_145, %mul3A_147 : i32
    %mul3A_149 = arith.constant 10240 : i32
    %mul3A_150 = arith.muli %arg1, %mul3A_149 : i32
    %add3A_151 = arith.constant 163840 : i32
    %add3A_152 = arith.addi %add3A_151, %mul3A_150 : i32
    %scan3A_153 = arith.constant 0 : i32
    %scan3A_154 = arith.constant 160 : i32
    %scan3A_155 = arith.addi %scan3A_153, %scan3A_154 : i32
    %scan3A_156 = arith.constant 1 : i32
    scf.for %scan3A_252 = %scan3A_153 to %scan3A_155 step %scan3A_156  : i32 {
      %mul3A_253 = arith.constant 64 : i32
      %mul3A_254 = arith.muli %scan3A_252, %mul3A_253 : i32
      %add3A_255 = arith.addi %add3A_148, %mul3A_254 : i32
      "tpu.region"() ({
        %run_scoped3A = tpu.sem_alloc : memref<!tpu.dma_semaphore, #tpu.memory_space<semaphore_mem>>
        %dma_start3A_334 = tpu.memref_slice %arg3[%add3A_255] : memref<983040xi32, #tpu.memory_space<hbm>> -> memref<64xi32, #tpu.memory_space<hbm>>
        %dma_start3A_335 = tpu.memref_slice %arg3[%add3A_255] : memref<983040xi32, #tpu.memory_space<hbm>> -> memref<64xi32, #tpu.memory_space<hbm>>
        tpu.enqueue_dma source(%dma_start3A_335 : memref<64xi32, #tpu.memory_space<hbm>>) target(%arg9 : memref<64xi32, #tpu.memory_space<vmem>>) target_semaphore(%run_scoped3A : memref<!tpu.dma_semaphore, #tpu.memory_space<semaphore_mem>>)
        %dma_wait3A_336 = tpu.memref_slice %arg3[%add3A_255] : memref<983040xi32, #tpu.memory_space<hbm>> -> memref<64xi32, #tpu.memory_space<hbm>>
        %dma_wait3A_337 = tpu.memref_slice %arg3[%add3A_255] : memref<983040xi32, #tpu.memory_space<hbm>> -> memref<64xi32, #tpu.memory_space<hbm>>
        tpu.wait_dma2 semaphore(%run_scoped3A : memref<!tpu.dma_semaphore, #tpu.memory_space<semaphore_mem>>) src(%dma_wait3A_337 : memref<64xi32, #tpu.memory_space<hbm>>) dst(%arg9 : memref<64xi32, #tpu.memory_space<vmem>>)
        tpu.yield
      }) : () -> ()
      %mul3A_256 = arith.constant 64 : i32
      %mul3A_257 = arith.muli %scan3A_252, %mul3A_256 : i32
      %add3A_258 = arith.addi %add3A_152, %mul3A_257 : i32
      "tpu.region"() ({
        %run_scoped3A = tpu.sem_alloc : memref<!tpu.dma_semaphore, #tpu.memory_space<semaphore_mem>>
        %dma_start3A_334 = tpu.memref_slice %arg4[%add3A_258] : memref<491520xi32, #tpu.memory_space<hbm>> -> memref<64xi32, #tpu.memory_space<hbm>>
        %dma_start3A_335 = tpu.memref_slice %arg4[%add3A_258] : memref<491520xi32, #tpu.memory_space<hbm>> -> memref<64xi32, #tpu.memory_space<hbm>>
        tpu.enqueue_dma source(%dma_start3A_335 : memref<64xi32, #tpu.memory_space<hbm>>) target(%arg10 : memref<64xi32, #tpu.memory_space<vmem>>) target_semaphore(%run_scoped3A : memref<!tpu.dma_semaphore, #tpu.memory_space<semaphore_mem>>)
        %dma_wait3A_336 = tpu.memref_slice %arg4[%add3A_258] : memref<491520xi32, #tpu.memory_space<hbm>> -> memref<64xi32, #tpu.memory_space<hbm>>
        %dma_wait3A_337 = tpu.memref_slice %arg4[%add3A_258] : memref<491520xi32, #tpu.memory_space<hbm>> -> memref<64xi32, #tpu.memory_space<hbm>>
        tpu.wait_dma2 semaphore(%run_scoped3A : memref<!tpu.dma_semaphore, #tpu.memory_space<semaphore_mem>>) src(%dma_wait3A_337 : memref<64xi32, #tpu.memory_space<hbm>>) dst(%arg10 : memref<64xi32, #tpu.memory_space<vmem>>)
        tpu.yield
      }) : () -> ()
      %get3A = arith.constant 0 : index
      %get3A_259 = tpu.vector_load %arg10[%get3A] {strides = array<i32>} : memref<64xi32, #tpu.memory_space<vmem>>, vector<16xi32>,
      %get3A_260 = vector.shape_cast %get3A_259 : vector<16xi32> to vector<16xi32>
      %sub3A = arith.constant 5120 : i32
      %sub3A_261 = vector.broadcast %sub3A : i32 to vector<16xi32>
      %sub3A_262 = arith.subi %get3A_260, %sub3A_261 : vector<16xi32>
      %ge3A = arith.constant 0 : i32
      %ge3A_263 = vector.broadcast %ge3A : i32 to vector<16xi32>
      %ge3A_264 = arith.cmpi sge, %sub3A_262, %ge3A_263 : vector<16xi32>
      %lt3A = arith.constant 5120 : i32
      %lt3A_265 = vector.broadcast %lt3A : i32 to vector<16xi32>
      %lt3A_266 = arith.cmpi slt, %sub3A_262, %lt3A_265 : vector<16xi32>
      %and3A = arith.andi %ge3A_264, %lt3A_266 : vector<16xi1>
      %jit3A = arith.constant 5120 : i32
      %broadcast_in_dim3A = vector.broadcast %jit3A : i32 to vector<16xi32>
      %select_n3A = arith.select %and3A, %sub3A_262, %broadcast_in_dim3A : vector<16xi1>, vector<16xi32>
      %swap3A = arith.constant 0 : index
      %swap3A_267 = tpu.vector_load %arg11[%swap3A] {strides = array<i32>} : memref<64xi32, #tpu.memory_space<vmem>>, vector<16xi32>,
      %swap3A_268 = vector.shape_cast %swap3A_267 : vector<16xi32> to vector<16xi32>
      %swap3A_269 = vector.shape_cast %select_n3A : vector<16xi32> to vector<16xi32>
      tpu.vector_store %arg11[%swap3A], %swap3A_269 {strides = array<i32>} : memref<64xi32, #tpu.memory_space<vmem>>, vector<16xi32>,
      %get3A_270 = arith.constant 16 : index
      %get3A_271 = tpu.vector_load %arg10[%get3A_270] {strides = array<i32>} : memref<64xi32, #tpu.memory_space<vmem>>, vector<16xi32>,
      %get3A_272 = vector.shape_cast %get3A_271 : vector<16xi32> to vector<16xi32>
      %sub3A_273 = arith.constant 5120 : i32
      %sub3A_274 = vector.broadcast %sub3A_273 : i32 to vector<16xi32>
      %sub3A_275 = arith.subi %get3A_272, %sub3A_274 : vector<16xi32>
      %ge3A_276 = arith.constant 0 : i32
      %ge3A_277 = vector.broadcast %ge3A_276 : i32 to vector<16xi32>
      %ge3A_278 = arith.cmpi sge, %sub3A_275, %ge3A_277 : vector<16xi32>
      %lt3A_279 = arith.constant 5120 : i32
      %lt3A_280 = vector.broadcast %lt3A_279 : i32 to vector<16xi32>
      %lt3A_281 = arith.cmpi slt, %sub3A_275, %lt3A_280 : vector<16xi32>
      %and3A_282 = arith.andi %ge3A_278, %lt3A_281 : vector<16xi1>
      %jit3A_283 = arith.constant 5120 : i32
      %broadcast_in_dim3A_284 = vector.broadcast %jit3A_283 : i32 to vector<16xi32>
      %select_n3A_285 = arith.select %and3A_282, %sub3A_275, %broadcast_in_dim3A_284 : vector<16xi1>, vector<16xi32>
      %swap3A_286 = arith.constant 16 : index
      %swap3A_287 = tpu.vector_load %arg11[%swap3A_286] {strides = array<i32>} : memref<64xi32, #tpu.memory_space<vmem>>, vector<16xi32>,
      %swap3A_288 = vector.shape_cast %swap3A_287 : vector<16xi32> to vector<16xi32>
      %swap3A_289 = vector.shape_cast %select_n3A_285 : vector<16xi32> to vector<16xi32>
      tpu.vector_store %arg11[%swap3A_286], %swap3A_289 {strides = array<i32>} : memref<64xi32, #tpu.memory_space<vmem>>, vector<16xi32>,
      %get3A_290 = arith.constant 32 : index
      %get3A_291 = tpu.vector_load %arg10[%get3A_290] {strides = array<i32>} : memref<64xi32, #tpu.memory_space<vmem>>, vector<16xi32>,
      %get3A_292 = vector.shape_cast %get3A_291 : vector<16xi32> to vector<16xi32>
      %sub3A_293 = arith.constant 5120 : i32
      %sub3A_294 = vector.broadcast %sub3A_293 : i32 to vector<16xi32>
      %sub3A_295 = arith.subi %get3A_292, %sub3A_294 : vector<16xi32>
      %ge3A_296 = arith.constant 0 : i32
      %ge3A_297 = vector.broadcast %ge3A_296 : i32 to vector<16xi32>
      %ge3A_298 = arith.cmpi sge, %sub3A_295, %ge3A_297 : vector<16xi32>
      %lt3A_299 = arith.constant 5120 : i32
      %lt3A_300 = vector.broadcast %lt3A_299 : i32 to vector<16xi32>
      %lt3A_301 = arith.cmpi slt, %sub3A_295, %lt3A_300 : vector<16xi32>
      %and3A_302 = arith.andi %ge3A_298, %lt3A_301 : vector<16xi1>
      %jit3A_303 = arith.constant 5120 : i32
      %broadcast_in_dim3A_304 = vector.broadcast %jit3A_303 : i32 to vector<16xi32>
      %select_n3A_305 = arith.select %and3A_302, %sub3A_295, %broadcast_in_dim3A_304 : vector<16xi1>, vector<16xi32>
      %swap3A_306 = arith.constant 32 : index
      %swap3A_307 = tpu.vector_load %arg11[%swap3A_306] {strides = array<i32>} : memref<64xi32, #tpu.memory_space<vmem>>, vector<16xi32>,
      %swap3A_308 = vector.shape_cast %swap3A_307 : vector<16xi32> to vector<16xi32>
      %swap3A_309 = vector.shape_cast %select_n3A_305 : vector<16xi32> to vector<16xi32>
      tpu.vector_store %arg11[%swap3A_306], %swap3A_309 {strides = array<i32>} : memref<64xi32, #tpu.memory_space<vmem>>, vector<16xi32>,
      %get3A_310 = arith.constant 48 : index
      %get3A_311 = tpu.vector_load %arg10[%get3A_310] {strides = array<i32>} : memref<64xi32, #tpu.memory_space<vmem>>, vector<16xi32>,
      %get3A_312 = vector.shape_cast %get3A_311 : vector<16xi32> to vector<16xi32>
      %sub3A_313 = arith.constant 5120 : i32
      %sub3A_314 = vector.broadcast %sub3A_313 : i32 to vector<16xi32>
      %sub3A_315 = arith.subi %get3A_312, %sub3A_314 : vector<16xi32>
      %ge3A_316 = arith.constant 0 : i32
      %ge3A_317 = vector.broadcast %ge3A_316 : i32 to vector<16xi32>
      %ge3A_318 = arith.cmpi sge, %sub3A_315, %ge3A_317 : vector<16xi32>
      %lt3A_319 = arith.constant 5120 : i32
      %lt3A_320 = vector.broadcast %lt3A_319 : i32 to vector<16xi32>
      %lt3A_321 = arith.cmpi slt, %sub3A_315, %lt3A_320 : vector<16xi32>
      %and3A_322 = arith.andi %ge3A_318, %lt3A_321 : vector<16xi1>
      %jit3A_323 = arith.constant 5120 : i32
      %broadcast_in_dim3A_324 = vector.broadcast %jit3A_323 : i32 to vector<16xi32>
      %select_n3A_325 = arith.select %and3A_322, %sub3A_315, %broadcast_in_dim3A_324 : vector<16xi1>, vector<16xi32>
      %swap3A_326 = arith.constant 48 : index
      %swap3A_327 = tpu.vector_load %arg11[%swap3A_326] {strides = array<i32>} : memref<64xi32, #tpu.memory_space<vmem>>, vector<16xi32>,
      %swap3A_328 = vector.shape_cast %swap3A_327 : vector<16xi32> to vector<16xi32>
      %swap3A_329 = vector.shape_cast %select_n3A_325 : vector<16xi32> to vector<16xi32>
      tpu.vector_store %arg11[%swap3A_326], %swap3A_329 {strides = array<i32>} : memref<64xi32, #tpu.memory_space<vmem>>, vector<16xi32>,
      %dma_start3A = arith.constant 0 : i32
      %dma_start3A_330 = arith.constant 0 : i32
      %dma_start3A_331 = tpu.memref_slice %arg2[%dma_start3A, %dma_start3A_330] : memref<20000x128xf32, #tpu.memory_space<hbm>> -> memref<20000x128xf32, #tpu.memory_space<hbm>>
      tpu.enqueue_indirect_dma source(%dma_start3A_331 : memref<20000x128xf32, #tpu.memory_space<hbm>>) target(%arg12 : memref<64x128xf32, #tpu.memory_space<vmem>>) offsets(%arg9 : memref<64xi32, #tpu.memory_space<vmem>>) semaphore(%arg15 : memref<!tpu.dma_semaphore, #tpu.memory_space<semaphore_mem>>)
      %dma_wait3A = arith.constant 0 : i32
      %dma_wait3A_332 = arith.constant 0 : i32
      %dma_wait3A_333 = tpu.memref_slice %arg2[%dma_wait3A, %dma_wait3A_332] : memref<20000x128xf32, #tpu.memory_space<hbm>> -> memref<20000x128xf32, #tpu.memory_space<hbm>>
      tpu.wait_indirect_dma semaphore(%arg15 : memref<!tpu.dma_semaphore, #tpu.memory_space<semaphore_mem>>) src(%dma_wait3A_333 : memref<20000x128xf32, #tpu.memory_space<hbm>>) dst(%arg12 : memref<64x128xf32, #tpu.memory_space<vmem>>)
      "tpu.region"() ({
        %run_scoped3A = tpu.sem_alloc : memref<!tpu.dma_semaphore, #tpu.memory_space<semaphore_mem>>
        %dma_start3A_334 = arith.constant 0 : i32
        %dma_start3A_335 = arith.constant 0 : i32
        %dma_start3A_336 = tpu.memref_slice %arg7[%dma_start3A_334, %dma_start3A_335] : memref<5136x128xf32, #tpu.memory_space<vmem_shared>> -> memref<5136x128xf32, #tpu.memory_space<vmem_shared>>
        tpu.enqueue_indirect_dma source(%arg12 : memref<64x128xf32, #tpu.memory_space<vmem>>) target(%dma_start3A_336 : memref<5136x128xf32, #tpu.memory_space<vmem_shared>>) offsets(%arg11 : memref<64xi32, #tpu.memory_space<vmem>>) semaphore(%run_scoped3A : memref<!tpu.dma_semaphore, #tpu.memory_space<semaphore_mem>>) {add = true}
        %dma_wait3A_337 = arith.constant 0 : i32
        %dma_wait3A_338 = arith.constant 0 : i32
        %dma_wait3A_339 = tpu.memref_slice %arg7[%dma_wait3A_337, %dma_wait3A_338] : memref<5136x128xf32, #tpu.memory_space<vmem_shared>> -> memref<5136x128xf32, #tpu.memory_space<vmem_shared>>
        tpu.wait_indirect_dma semaphore(%run_scoped3A : memref<!tpu.dma_semaphore, #tpu.memory_space<semaphore_mem>>) src(%arg12 : memref<64x128xf32, #tpu.memory_space<vmem>>) dst(%dma_wait3A_339 : memref<5136x128xf32, #tpu.memory_space<vmem_shared>>)
        tpu.yield
      }) : () -> ()
      "tpu.region"() ({
        %run_scoped3A = tpu.sem_alloc : memref<!tpu.dma_semaphore, #tpu.memory_space<semaphore_mem>>
        %dma_start3A_334 = arith.constant 0 : i32
        %dma_start3A_335 = arith.constant 0 : i32
        %dma_start3A_336 = tpu.memref_slice %arg8[%dma_start3A_334, %dma_start3A_335] : memref<5136x16xf32, #tpu.memory_space<vmem_shared>> -> memref<5136x16xf32, #tpu.memory_space<vmem_shared>>
        tpu.enqueue_indirect_dma source(%arg13 : memref<64x16xf32, #tpu.memory_space<vmem>>) target(%dma_start3A_336 : memref<5136x16xf32, #tpu.memory_space<vmem_shared>>) offsets(%arg11 : memref<64xi32, #tpu.memory_space<vmem>>) semaphore(%run_scoped3A : memref<!tpu.dma_semaphore, #tpu.memory_space<semaphore_mem>>) {add = true}
        %dma_wait3A_337 = arith.constant 0 : i32
        %dma_wait3A_338 = arith.constant 0 : i32
        %dma_wait3A_339 = tpu.memref_slice %arg8[%dma_wait3A_337, %dma_wait3A_338] : memref<5136x16xf32, #tpu.memory_space<vmem_shared>> -> memref<5136x16xf32, #tpu.memory_space<vmem_shared>>
        tpu.wait_indirect_dma semaphore(%run_scoped3A : memref<!tpu.dma_semaphore, #tpu.memory_space<semaphore_mem>>) src(%arg13 : memref<64x16xf32, #tpu.memory_space<vmem>>) dst(%dma_wait3A_339 : memref<5136x16xf32, #tpu.memory_space<vmem_shared>>)
        tpu.yield
      }) : () -> ()
    }
    %scan3A_157 = arith.constant 160 : i32
    %barrier3A_158 = arith.constant 0 : index
    tpu.barrier barrier_id(%barrier3A_158)
    %scan3A_159 = arith.constant 0 : i32
    %scan3A_160 = arith.constant 5 : i32
    %scan3A_161 = arith.addi %scan3A_159, %scan3A_160 : i32
    %scan3A_162 = arith.constant 1 : i32
    scf.for %scan3A_252 = %scan3A_159 to %scan3A_161 step %scan3A_162  : i32 {
      %mul3A_253 = arith.constant 64 : i32
      %mul3A_254 = arith.muli %scan3A_252, %mul3A_253 : i32
      %add3A_255 = arith.addi %mul3A_130, %mul3A_254 : i32
      "tpu.region"() ({
        %run_scoped3A = tpu.sem_alloc : memref<!tpu.dma_semaphore, #tpu.memory_space<semaphore_mem>>
        %dma_start3A = arith.constant 0 : i32
        %dma_start3A_281 = tpu.memref_slice %arg7[%add3A_255, %dma_start3A] : memref<5136x128xf32, #tpu.memory_space<vmem_shared>> -> memref<64x128xf32, #tpu.memory_space<vmem_shared>>
        %dma_start3A_282 = arith.constant 0 : i32
        %dma_start3A_283 = tpu.memref_slice %arg7[%add3A_255, %dma_start3A_282] : memref<5136x128xf32, #tpu.memory_space<vmem_shared>> -> memref<64x128xf32, #tpu.memory_space<vmem_shared>>
        tpu.enqueue_dma source(%dma_start3A_283 : memref<64x128xf32, #tpu.memory_space<vmem_shared>>) target(%arg12 : memref<64x128xf32, #tpu.memory_space<vmem>>) target_semaphore(%run_scoped3A : memref<!tpu.dma_semaphore, #tpu.memory_space<semaphore_mem>>)
        %dma_wait3A = arith.constant 0 : i32
        %dma_wait3A_284 = tpu.memref_slice %arg7[%add3A_255, %dma_wait3A] : memref<5136x128xf32, #tpu.memory_space<vmem_shared>> -> memref<64x128xf32, #tpu.memory_space<vmem_shared>>
        %dma_wait3A_285 = arith.constant 0 : i32
        %dma_wait3A_286 = tpu.memref_slice %arg7[%add3A_255, %dma_wait3A_285] : memref<5136x128xf32, #tpu.memory_space<vmem_shared>> -> memref<64x128xf32, #tpu.memory_space<vmem_shared>>
        tpu.wait_dma2 semaphore(%run_scoped3A : memref<!tpu.dma_semaphore, #tpu.memory_space<semaphore_mem>>) src(%dma_wait3A_286 : memref<64x128xf32, #tpu.memory_space<vmem_shared>>) dst(%arg12 : memref<64x128xf32, #tpu.memory_space<vmem>>)
        tpu.yield
      }) : () -> ()
      %add3A_256 = arith.constant 2 : i32
      %add3A_257 = arith.addi %add3A_256, %arg0 : i32
      %mul3A_258 = arith.constant 10240 : i32
      %mul3A_259 = arith.muli %add3A_257, %mul3A_258 : i32
      %add3A_260 = arith.constant 5120 : i32
      %add3A_261 = arith.addi %mul3A_259, %add3A_260 : i32
      %add3A_262 = arith.addi %add3A_261, %mul3A_130 : i32
      %mul3A_263 = arith.constant 64 : i32
      %mul3A_264 = arith.muli %scan3A_252, %mul3A_263 : i32
      %add3A_265 = arith.addi %add3A_262, %mul3A_264 : i32
      "tpu.region"() ({
        %run_scoped3A = tpu.sem_alloc : memref<!tpu.dma_semaphore, #tpu.memory_space<semaphore_mem>>
        %dma_start3A = arith.constant 0 : i32
        %dma_start3A_281 = tpu.memref_slice %arg5[%add3A_265, %dma_start3A] : memref<61440x128xf32, #tpu.memory_space<hbm>> -> memref<64x128xf32, #tpu.memory_space<hbm>>
        %dma_start3A_282 = arith.constant 0 : i32
        %dma_start3A_283 = tpu.memref_slice %arg5[%add3A_265, %dma_start3A_282] : memref<61440x128xf32, #tpu.memory_space<hbm>> -> memref<64x128xf32, #tpu.memory_space<hbm>>
        tpu.enqueue_dma source(%arg12 : memref<64x128xf32, #tpu.memory_space<vmem>>) target(%dma_start3A_283 : memref<64x128xf32, #tpu.memory_space<hbm>>) target_semaphore(%run_scoped3A : memref<!tpu.dma_semaphore, #tpu.memory_space<semaphore_mem>>)
        %dma_wait3A = arith.constant 0 : i32
        %dma_wait3A_284 = tpu.memref_slice %arg5[%add3A_265, %dma_wait3A] : memref<61440x128xf32, #tpu.memory_space<hbm>> -> memref<64x128xf32, #tpu.memory_space<hbm>>
        %dma_wait3A_285 = arith.constant 0 : i32
        %dma_wait3A_286 = tpu.memref_slice %arg5[%add3A_265, %dma_wait3A_285] : memref<61440x128xf32, #tpu.memory_space<hbm>> -> memref<64x128xf32, #tpu.memory_space<hbm>>
        tpu.wait_dma2 semaphore(%run_scoped3A : memref<!tpu.dma_semaphore, #tpu.memory_space<semaphore_mem>>) src(%arg12 : memref<64x128xf32, #tpu.memory_space<vmem>>) dst(%dma_wait3A_286 : memref<64x128xf32, #tpu.memory_space<hbm>>)
        tpu.yield
      }) : () -> ()
      %mul3A_266 = arith.constant 64 : i32
      %mul3A_267 = arith.muli %scan3A_252, %mul3A_266 : i32
      %add3A_268 = arith.addi %mul3A_130, %mul3A_267 : i32
      "tpu.region"() ({
        %run_scoped3A = tpu.sem_alloc : memref<!tpu.dma_semaphore, #tpu.memory_space<semaphore_mem>>
        %dma_start3A = arith.constant 0 : i32
        %dma_start3A_281 = tpu.memref_slice %arg8[%add3A_268, %dma_start3A] : memref<5136x16xf32, #tpu.memory_space<vmem_shared>> -> memref<64x16xf32, #tpu.memory_space<vmem_shared>>
        %dma_start3A_282 = arith.constant 0 : i32
        %dma_start3A_283 = tpu.memref_slice %arg8[%add3A_268, %dma_start3A_282] : memref<5136x16xf32, #tpu.memory_space<vmem_shared>> -> memref<64x16xf32, #tpu.memory_space<vmem_shared>>
        tpu.enqueue_dma source(%dma_start3A_283 : memref<64x16xf32, #tpu.memory_space<vmem_shared>>) target(%arg14 : memref<64x16xf32, #tpu.memory_space<vmem>>) target_semaphore(%run_scoped3A : memref<!tpu.dma_semaphore, #tpu.memory_space<semaphore_mem>>)
        %dma_wait3A = arith.constant 0 : i32
        %dma_wait3A_284 = tpu.memref_slice %arg8[%add3A_268, %dma_wait3A] : memref<5136x16xf32, #tpu.memory_space<vmem_shared>> -> memref<64x16xf32, #tpu.memory_space<vmem_shared>>
        %dma_wait3A_285 = arith.constant 0 : i32
        %dma_wait3A_286 = tpu.memref_slice %arg8[%add3A_268, %dma_wait3A_285] : memref<5136x16xf32, #tpu.memory_space<vmem_shared>> -> memref<64x16xf32, #tpu.memory_space<vmem_shared>>
        tpu.wait_dma2 semaphore(%run_scoped3A : memref<!tpu.dma_semaphore, #tpu.memory_space<semaphore_mem>>) src(%dma_wait3A_286 : memref<64x16xf32, #tpu.memory_space<vmem_shared>>) dst(%arg14 : memref<64x16xf32, #tpu.memory_space<vmem>>)
        tpu.yield
      }) : () -> ()
      %mul3A_269 = arith.constant 3 : i32
      %mul3A_270 = arith.muli %arg0, %mul3A_269 : i32
      %add3A_271 = arith.constant 1 : i32
      %add3A_272 = arith.addi %mul3A_270, %add3A_271 : i32
      %mul3A_273 = arith.constant 10240 : i32
      %mul3A_274 = arith.muli %add3A_272, %mul3A_273 : i32
      %add3A_275 = arith.constant 5120 : i32
      %add3A_276 = arith.addi %mul3A_274, %add3A_275 : i32
      %add3A_277 = arith.addi %add3A_276, %mul3A_130 : i32
      %mul3A_278 = arith.constant 64 : i32
      %mul3A_279 = arith.muli %scan3A_252, %mul3A_278 : i32
      %add3A_280 = arith.addi %add3A_277, %mul3A_279 : i32
      "tpu.region"() ({
        %run_scoped3A = tpu.sem_alloc : memref<!tpu.dma_semaphore, #tpu.memory_space<semaphore_mem>>
        %dma_start3A = arith.constant 0 : i32
        %dma_start3A_281 = tpu.memref_slice %arg6[%add3A_280, %dma_start3A] : memref<61440x16xf32, #tpu.memory_space<hbm>> -> memref<64x16xf32, #tpu.memory_space<hbm>>
        %dma_start3A_282 = arith.constant 0 : i32
        %dma_start3A_283 = tpu.memref_slice %arg6[%add3A_280, %dma_start3A_282] : memref<61440x16xf32, #tpu.memory_space<hbm>> -> memref<64x16xf32, #tpu.memory_space<hbm>>
        tpu.enqueue_dma source(%arg14 : memref<64x16xf32, #tpu.memory_space<vmem>>) target(%dma_start3A_283 : memref<64x16xf32, #tpu.memory_space<hbm>>) target_semaphore(%run_scoped3A : memref<!tpu.dma_semaphore, #tpu.memory_space<semaphore_mem>>)
        %dma_wait3A = arith.constant 0 : i32
        %dma_wait3A_284 = tpu.memref_slice %arg6[%add3A_280, %dma_wait3A] : memref<61440x16xf32, #tpu.memory_space<hbm>> -> memref<64x16xf32, #tpu.memory_space<hbm>>
        %dma_wait3A_285 = arith.constant 0 : i32
        %dma_wait3A_286 = tpu.memref_slice %arg6[%add3A_280, %dma_wait3A_285] : memref<61440x16xf32, #tpu.memory_space<hbm>> -> memref<64x16xf32, #tpu.memory_space<hbm>>
        tpu.wait_dma2 semaphore(%run_scoped3A : memref<!tpu.dma_semaphore, #tpu.memory_space<semaphore_mem>>) src(%arg14 : memref<64x16xf32, #tpu.memory_space<vmem>>) dst(%dma_wait3A_286 : memref<64x16xf32, #tpu.memory_space<hbm>>)
        tpu.yield
      }) : () -> ()
    }
    %scan3A_163 = arith.constant 5 : i32
    %scan3A_164 = arith.constant 0 : i32
    %scan3A_165 = arith.constant 64 : i32
    %scan3A_166 = arith.addi %scan3A_164, %scan3A_165 : i32
    %scan3A_167 = arith.constant 1 : i32
    scf.for %scan3A_252 = %scan3A_164 to %scan3A_166 step %scan3A_167  : i32 {
      %broadcast_in_dim3A = arith.constant 0.000000e+00 : f32
      %broadcast_in_dim3A_253 = vector.broadcast %broadcast_in_dim3A : f32 to vector<16xf32>
      %swap3A = arith.index_cast %scan3A_252 : i32 to index
      %swap3A_254 = arith.constant 0 : index
      %swap3A_255 = tpu.vector_load %arg14[%swap3A, %swap3A_254] {strides = array<i32>} : memref<64x16xf32, #tpu.memory_space<vmem>>, vector<1x16xf32>,
      %swap3A_256 = vector.shape_cast %swap3A_255 : vector<1x16xf32> to vector<16xf32>
      %swap3A_257 = vector.shape_cast %broadcast_in_dim3A_253 : vector<16xf32> to vector<1x16xf32>
      tpu.vector_store %arg14[%swap3A, %swap3A_254], %swap3A_257 {strides = array<i32>} : memref<64x16xf32, #tpu.memory_space<vmem>>, vector<1x16xf32>,
    }
    %scan3A_168 = arith.constant 64 : i32
    %barrier3A_169 = arith.constant 0 : index
    tpu.barrier barrier_id(%barrier3A_169)
    %mul3A_170 = arith.constant 320 : i32
    %mul3A_171 = arith.muli %arg1, %mul3A_170 : i32
    %scan3A_172 = arith.constant 0 : i32
    %scan3A_173 = arith.constant 512 : i32
    %scan3A_174 = arith.addi %scan3A_172, %scan3A_173 : i32
    %scan3A_175 = arith.constant 1 : i32
    scf.for %scan3A_252 = %scan3A_172 to %scan3A_174 step %scan3A_175  : i32 {
      %broadcast_in_dim3A = arith.constant 0.000000e+00 : f32
      %broadcast_in_dim3A_253 = vector.broadcast %broadcast_in_dim3A : f32 to vector<16xf32>
      %jit3A = arith.constant 8 : i32
      %div3A = arith.divsi %scan3A_252, %jit3A : i32
      %sign3A = arith.constant 0 : i32
      %sign3A_254 = arith.cmpi sgt, %scan3A_252, %sign3A : i32
      %sign3A_255 = arith.extui %sign3A_254 : i1 to i32
      %sign3A_256 = arith.constant 0 : i32
      %sign3A_257 = arith.cmpi slt, %scan3A_252, %sign3A_256 : i32
      %sign3A_258 = arith.extui %sign3A_257 : i1 to i32
      %sign3A_259 = arith.subi %sign3A_255, %sign3A_258 : i32
      %sign3A_260 = arith.constant 0 : i32
      %sign3A_261 = arith.cmpi sgt, %jit3A, %sign3A_260 : i32
      %sign3A_262 = arith.extui %sign3A_261 : i1 to i32
      %sign3A_263 = arith.constant 0 : i32
      %sign3A_264 = arith.cmpi slt, %jit3A, %sign3A_263 : i32
      %sign3A_265 = arith.extui %sign3A_264 : i1 to i32
      %sign3A_266 = arith.subi %sign3A_262, %sign3A_265 : i32
      %ne3A = arith.cmpi ne, %sign3A_259, %sign3A_266 : i32
      %rem3A = arith.remsi %scan3A_252, %jit3A : i32
      %ne3A_267 = arith.constant 0 : i32
      %ne3A_268 = arith.cmpi ne, %rem3A, %ne3A_267 : i32
      %and3A = arith.andi %ne3A, %ne3A_268 : i1
      %sub3A = arith.constant 1 : i32
      %sub3A_269 = arith.subi %div3A, %sub3A : i32
      %select_n3A = arith.select %and3A, %sub3A_269, %div3A : i32
      %jit3A_270 = arith.constant 8 : i32
      %eq3A = arith.constant 0 : i32
      %eq3A_271 = arith.cmpi eq, %jit3A_270, %eq3A : i32
      %jit3A_272 = arith.constant 1 : i32
      %select_n3A_273 = arith.select %eq3A_271, %jit3A_272, %jit3A_270 : i32
      %rem3A_274 = arith.remsi %scan3A_252, %select_n3A_273 : i32
      %ne3A_275 = arith.constant 0 : i32
      %ne3A_276 = arith.cmpi ne, %rem3A_274, %ne3A_275 : i32
      %lt3A = arith.constant 0 : i32
      %lt3A_277 = arith.cmpi slt, %rem3A_274, %lt3A : i32
      %lt3A_278 = arith.constant 0 : i32
      %lt3A_279 = arith.cmpi slt, %select_n3A_273, %lt3A_278 : i32
      %ne3A_280 = arith.xori %lt3A_277, %lt3A_279 : i1
      %and3A_281 = arith.andi %ne3A_280, %ne3A_276 : i1
      %add3A_282 = arith.addi %rem3A_274, %select_n3A_273 : i32
      %select_n3A_283 = arith.select %and3A_281, %add3A_282, %rem3A_274 : i32
      %mul3A_284 = arith.constant 16 : i32
      %mul3A_285 = arith.muli %select_n3A_283, %mul3A_284 : i32
      %swap3A = arith.index_cast %select_n3A : i32 to index
      %swap3A_286 = arith.index_cast %mul3A_285 : i32 to index
      %swap3A_287 = tpu.vector_load %arg12[%swap3A, %swap3A_286] {strides = array<i32>} : memref<64x128xf32, #tpu.memory_space<vmem>>, vector<1x16xf32>,
      %swap3A_288 = vector.shape_cast %swap3A_287 : vector<1x16xf32> to vector<16xf32>
      %swap3A_289 = vector.shape_cast %broadcast_in_dim3A_253 : vector<16xf32> to vector<1x16xf32>
      tpu.vector_store %arg12[%swap3A, %swap3A_286], %swap3A_289 {strides = array<i32>} : memref<64x128xf32, #tpu.memory_space<vmem>>, vector<1x16xf32>,
    }
    %scan3A_176 = arith.constant 512 : i32
    %scan3A_177 = arith.constant 0 : i32
    %scan3A_178 = arith.constant 5 : i32
    %scan3A_179 = arith.addi %scan3A_177, %scan3A_178 : i32
    %scan3A_180 = arith.constant 1 : i32
    scf.for %scan3A_252 = %scan3A_177 to %scan3A_179 step %scan3A_180  : i32 {
      %mul3A_253 = arith.constant 64 : i32
      %mul3A_254 = arith.muli %scan3A_252, %mul3A_253 : i32
      %add3A_255 = arith.addi %mul3A_171, %mul3A_254 : i32
      "tpu.region"() ({
        %run_scoped3A = tpu.sem_alloc : memref<!tpu.dma_semaphore, #tpu.memory_space<semaphore_mem>>
        %dma_start3A = arith.constant 0 : i32
        %dma_start3A_259 = tpu.memref_slice %arg7[%add3A_255, %dma_start3A] : memref<5136x128xf32, #tpu.memory_space<vmem_shared>> -> memref<64x128xf32, #tpu.memory_space<vmem_shared>>
        %dma_start3A_260 = arith.constant 0 : i32
        %dma_start3A_261 = tpu.memref_slice %arg7[%add3A_255, %dma_start3A_260] : memref<5136x128xf32, #tpu.memory_space<vmem_shared>> -> memref<64x128xf32, #tpu.memory_space<vmem_shared>>
        tpu.enqueue_dma source(%arg12 : memref<64x128xf32, #tpu.memory_space<vmem>>) target(%dma_start3A_261 : memref<64x128xf32, #tpu.memory_space<vmem_shared>>) target_semaphore(%run_scoped3A : memref<!tpu.dma_semaphore, #tpu.memory_space<semaphore_mem>>)
        %dma_wait3A = arith.constant 0 : i32
        %dma_wait3A_262 = tpu.memref_slice %arg7[%add3A_255, %dma_wait3A] : memref<5136x128xf32, #tpu.memory_space<vmem_shared>> -> memref<64x128xf32, #tpu.memory_space<vmem_shared>>
        %dma_wait3A_263 = arith.constant 0 : i32
        %dma_wait3A_264 = tpu.memref_slice %arg7[%add3A_255, %dma_wait3A_263] : memref<5136x128xf32, #tpu.memory_space<vmem_shared>> -> memref<64x128xf32, #tpu.memory_space<vmem_shared>>
        tpu.wait_dma2 semaphore(%run_scoped3A : memref<!tpu.dma_semaphore, #tpu.memory_space<semaphore_mem>>) src(%arg12 : memref<64x128xf32, #tpu.memory_space<vmem>>) dst(%dma_wait3A_264 : memref<64x128xf32, #tpu.memory_space<vmem_shared>>)
        tpu.yield
      }) : () -> ()
      %mul3A_256 = arith.constant 64 : i32
      %mul3A_257 = arith.muli %scan3A_252, %mul3A_256 : i32
      %add3A_258 = arith.addi %mul3A_171, %mul3A_257 : i32
      "tpu.region"() ({
        %run_scoped3A = tpu.sem_alloc : memref<!tpu.dma_semaphore, #tpu.memory_space<semaphore_mem>>
        %dma_start3A = arith.constant 0 : i32
        %dma_start3A_259 = tpu.memref_slice %arg8[%add3A_258, %dma_start3A] : memref<5136x16xf32, #tpu.memory_space<vmem_shared>> -> memref<64x16xf32, #tpu.memory_space<vmem_shared>>
        %dma_start3A_260 = arith.constant 0 : i32
        %dma_start3A_261 = tpu.memref_slice %arg8[%add3A_258, %dma_start3A_260] : memref<5136x16xf32, #tpu.memory_space<vmem_shared>> -> memref<64x16xf32, #tpu.memory_space<vmem_shared>>
        tpu.enqueue_dma source(%arg14 : memref<64x16xf32, #tpu.memory_space<vmem>>) target(%dma_start3A_261 : memref<64x16xf32, #tpu.memory_space<vmem_shared>>) target_semaphore(%run_scoped3A : memref<!tpu.dma_semaphore, #tpu.memory_space<semaphore_mem>>)
        %dma_wait3A = arith.constant 0 : i32
        %dma_wait3A_262 = tpu.memref_slice %arg8[%add3A_258, %dma_wait3A] : memref<5136x16xf32, #tpu.memory_space<vmem_shared>> -> memref<64x16xf32, #tpu.memory_space<vmem_shared>>
        %dma_wait3A_263 = arith.constant 0 : i32
        %dma_wait3A_264 = tpu.memref_slice %arg8[%add3A_258, %dma_wait3A_263] : memref<5136x16xf32, #tpu.memory_space<vmem_shared>> -> memref<64x16xf32, #tpu.memory_space<vmem_shared>>
        tpu.wait_dma2 semaphore(%run_scoped3A : memref<!tpu.dma_semaphore, #tpu.memory_space<semaphore_mem>>) src(%arg14 : memref<64x16xf32, #tpu.memory_space<vmem>>) dst(%dma_wait3A_264 : memref<64x16xf32, #tpu.memory_space<vmem_shared>>)
        tpu.yield
      }) : () -> ()
    }
    %scan3A_181 = arith.constant 5 : i32
    %barrier3A_182 = arith.constant 0 : index
    tpu.barrier barrier_id(%barrier3A_182)
    %mul3A_183 = arith.constant 491520 : i32
    %mul3A_184 = arith.muli %arg0, %mul3A_183 : i32
    %add3A_185 = arith.constant 327680 : i32
    %add3A_186 = arith.addi %mul3A_184, %add3A_185 : i32
    %mul3A_187 = arith.constant 10240 : i32
    %mul3A_188 = arith.muli %arg1, %mul3A_187 : i32
    %add3A_189 = arith.addi %add3A_186, %mul3A_188 : i32
    %mul3A_190 = arith.constant 10240 : i32
    %mul3A_191 = arith.muli %arg1, %mul3A_190 : i32
    %add3A_192 = arith.constant 327680 : i32
    %add3A_193 = arith.addi %add3A_192, %mul3A_191 : i32
    %scan3A_194 = arith.constant 0 : i32
    %scan3A_195 = arith.constant 160 : i32
    %scan3A_196 = arith.addi %scan3A_194, %scan3A_195 : i32
    %scan3A_197 = arith.constant 1 : i32
    scf.for %scan3A_252 = %scan3A_194 to %scan3A_196 step %scan3A_197  : i32 {
      %mul3A_253 = arith.constant 64 : i32
      %mul3A_254 = arith.muli %scan3A_252, %mul3A_253 : i32
      %add3A_255 = arith.addi %add3A_189, %mul3A_254 : i32
      "tpu.region"() ({
        %run_scoped3A = tpu.sem_alloc : memref<!tpu.dma_semaphore, #tpu.memory_space<semaphore_mem>>
        %dma_start3A_334 = tpu.memref_slice %arg3[%add3A_255] : memref<983040xi32, #tpu.memory_space<hbm>> -> memref<64xi32, #tpu.memory_space<hbm>>
        %dma_start3A_335 = tpu.memref_slice %arg3[%add3A_255] : memref<983040xi32, #tpu.memory_space<hbm>> -> memref<64xi32, #tpu.memory_space<hbm>>
        tpu.enqueue_dma source(%dma_start3A_335 : memref<64xi32, #tpu.memory_space<hbm>>) target(%arg9 : memref<64xi32, #tpu.memory_space<vmem>>) target_semaphore(%run_scoped3A : memref<!tpu.dma_semaphore, #tpu.memory_space<semaphore_mem>>)
        %dma_wait3A_336 = tpu.memref_slice %arg3[%add3A_255] : memref<983040xi32, #tpu.memory_space<hbm>> -> memref<64xi32, #tpu.memory_space<hbm>>
        %dma_wait3A_337 = tpu.memref_slice %arg3[%add3A_255] : memref<983040xi32, #tpu.memory_space<hbm>> -> memref<64xi32, #tpu.memory_space<hbm>>
        tpu.wait_dma2 semaphore(%run_scoped3A : memref<!tpu.dma_semaphore, #tpu.memory_space<semaphore_mem>>) src(%dma_wait3A_337 : memref<64xi32, #tpu.memory_space<hbm>>) dst(%arg9 : memref<64xi32, #tpu.memory_space<vmem>>)
        tpu.yield
      }) : () -> ()
      %mul3A_256 = arith.constant 64 : i32
      %mul3A_257 = arith.muli %scan3A_252, %mul3A_256 : i32
      %add3A_258 = arith.addi %add3A_193, %mul3A_257 : i32
      "tpu.region"() ({
        %run_scoped3A = tpu.sem_alloc : memref<!tpu.dma_semaphore, #tpu.memory_space<semaphore_mem>>
        %dma_start3A_334 = tpu.memref_slice %arg4[%add3A_258] : memref<491520xi32, #tpu.memory_space<hbm>> -> memref<64xi32, #tpu.memory_space<hbm>>
        %dma_start3A_335 = tpu.memref_slice %arg4[%add3A_258] : memref<491520xi32, #tpu.memory_space<hbm>> -> memref<64xi32, #tpu.memory_space<hbm>>
        tpu.enqueue_dma source(%dma_start3A_335 : memref<64xi32, #tpu.memory_space<hbm>>) target(%arg10 : memref<64xi32, #tpu.memory_space<vmem>>) target_semaphore(%run_scoped3A : memref<!tpu.dma_semaphore, #tpu.memory_space<semaphore_mem>>)
        %dma_wait3A_336 = tpu.memref_slice %arg4[%add3A_258] : memref<491520xi32, #tpu.memory_space<hbm>> -> memref<64xi32, #tpu.memory_space<hbm>>
        %dma_wait3A_337 = tpu.memref_slice %arg4[%add3A_258] : memref<491520xi32, #tpu.memory_space<hbm>> -> memref<64xi32, #tpu.memory_space<hbm>>
        tpu.wait_dma2 semaphore(%run_scoped3A : memref<!tpu.dma_semaphore, #tpu.memory_space<semaphore_mem>>) src(%dma_wait3A_337 : memref<64xi32, #tpu.memory_space<hbm>>) dst(%arg10 : memref<64xi32, #tpu.memory_space<vmem>>)
        tpu.yield
      }) : () -> ()
      %get3A = arith.constant 0 : index
      %get3A_259 = tpu.vector_load %arg10[%get3A] {strides = array<i32>} : memref<64xi32, #tpu.memory_space<vmem>>, vector<16xi32>,
      %get3A_260 = vector.shape_cast %get3A_259 : vector<16xi32> to vector<16xi32>
      %sub3A = arith.constant 0 : i32
      %sub3A_261 = vector.broadcast %sub3A : i32 to vector<16xi32>
      %sub3A_262 = arith.subi %get3A_260, %sub3A_261 : vector<16xi32>
      %ge3A = arith.constant 0 : i32
      %ge3A_263 = vector.broadcast %ge3A : i32 to vector<16xi32>
      %ge3A_264 = arith.cmpi sge, %sub3A_262, %ge3A_263 : vector<16xi32>
      %lt3A = arith.constant 5120 : i32
      %lt3A_265 = vector.broadcast %lt3A : i32 to vector<16xi32>
      %lt3A_266 = arith.cmpi slt, %sub3A_262, %lt3A_265 : vector<16xi32>
      %and3A = arith.andi %ge3A_264, %lt3A_266 : vector<16xi1>
      %jit3A = arith.constant 5120 : i32
      %broadcast_in_dim3A = vector.broadcast %jit3A : i32 to vector<16xi32>
      %select_n3A = arith.select %and3A, %sub3A_262, %broadcast_in_dim3A : vector<16xi1>, vector<16xi32>
      %swap3A = arith.constant 0 : index
      %swap3A_267 = tpu.vector_load %arg11[%swap3A] {strides = array<i32>} : memref<64xi32, #tpu.memory_space<vmem>>, vector<16xi32>,
      %swap3A_268 = vector.shape_cast %swap3A_267 : vector<16xi32> to vector<16xi32>
      %swap3A_269 = vector.shape_cast %select_n3A : vector<16xi32> to vector<16xi32>
      tpu.vector_store %arg11[%swap3A], %swap3A_269 {strides = array<i32>} : memref<64xi32, #tpu.memory_space<vmem>>, vector<16xi32>,
      %get3A_270 = arith.constant 16 : index
      %get3A_271 = tpu.vector_load %arg10[%get3A_270] {strides = array<i32>} : memref<64xi32, #tpu.memory_space<vmem>>, vector<16xi32>,
      %get3A_272 = vector.shape_cast %get3A_271 : vector<16xi32> to vector<16xi32>
      %sub3A_273 = arith.constant 0 : i32
      %sub3A_274 = vector.broadcast %sub3A_273 : i32 to vector<16xi32>
      %sub3A_275 = arith.subi %get3A_272, %sub3A_274 : vector<16xi32>
      %ge3A_276 = arith.constant 0 : i32
      %ge3A_277 = vector.broadcast %ge3A_276 : i32 to vector<16xi32>
      %ge3A_278 = arith.cmpi sge, %sub3A_275, %ge3A_277 : vector<16xi32>
      %lt3A_279 = arith.constant 5120 : i32
      %lt3A_280 = vector.broadcast %lt3A_279 : i32 to vector<16xi32>
      %lt3A_281 = arith.cmpi slt, %sub3A_275, %lt3A_280 : vector<16xi32>
      %and3A_282 = arith.andi %ge3A_278, %lt3A_281 : vector<16xi1>
      %jit3A_283 = arith.constant 5120 : i32
      %broadcast_in_dim3A_284 = vector.broadcast %jit3A_283 : i32 to vector<16xi32>
      %select_n3A_285 = arith.select %and3A_282, %sub3A_275, %broadcast_in_dim3A_284 : vector<16xi1>, vector<16xi32>
      %swap3A_286 = arith.constant 16 : index
      %swap3A_287 = tpu.vector_load %arg11[%swap3A_286] {strides = array<i32>} : memref<64xi32, #tpu.memory_space<vmem>>, vector<16xi32>,
      %swap3A_288 = vector.shape_cast %swap3A_287 : vector<16xi32> to vector<16xi32>
      %swap3A_289 = vector.shape_cast %select_n3A_285 : vector<16xi32> to vector<16xi32>
      tpu.vector_store %arg11[%swap3A_286], %swap3A_289 {strides = array<i32>} : memref<64xi32, #tpu.memory_space<vmem>>, vector<16xi32>,
      %get3A_290 = arith.constant 32 : index
      %get3A_291 = tpu.vector_load %arg10[%get3A_290] {strides = array<i32>} : memref<64xi32, #tpu.memory_space<vmem>>, vector<16xi32>,
      %get3A_292 = vector.shape_cast %get3A_291 : vector<16xi32> to vector<16xi32>
      %sub3A_293 = arith.constant 0 : i32
      %sub3A_294 = vector.broadcast %sub3A_293 : i32 to vector<16xi32>
      %sub3A_295 = arith.subi %get3A_292, %sub3A_294 : vector<16xi32>
      %ge3A_296 = arith.constant 0 : i32
      %ge3A_297 = vector.broadcast %ge3A_296 : i32 to vector<16xi32>
      %ge3A_298 = arith.cmpi sge, %sub3A_295, %ge3A_297 : vector<16xi32>
      %lt3A_299 = arith.constant 5120 : i32
      %lt3A_300 = vector.broadcast %lt3A_299 : i32 to vector<16xi32>
      %lt3A_301 = arith.cmpi slt, %sub3A_295, %lt3A_300 : vector<16xi32>
      %and3A_302 = arith.andi %ge3A_298, %lt3A_301 : vector<16xi1>
      %jit3A_303 = arith.constant 5120 : i32
      %broadcast_in_dim3A_304 = vector.broadcast %jit3A_303 : i32 to vector<16xi32>
      %select_n3A_305 = arith.select %and3A_302, %sub3A_295, %broadcast_in_dim3A_304 : vector<16xi1>, vector<16xi32>
      %swap3A_306 = arith.constant 32 : index
      %swap3A_307 = tpu.vector_load %arg11[%swap3A_306] {strides = array<i32>} : memref<64xi32, #tpu.memory_space<vmem>>, vector<16xi32>,
      %swap3A_308 = vector.shape_cast %swap3A_307 : vector<16xi32> to vector<16xi32>
      %swap3A_309 = vector.shape_cast %select_n3A_305 : vector<16xi32> to vector<16xi32>
      tpu.vector_store %arg11[%swap3A_306], %swap3A_309 {strides = array<i32>} : memref<64xi32, #tpu.memory_space<vmem>>, vector<16xi32>,
      %get3A_310 = arith.constant 48 : index
      %get3A_311 = tpu.vector_load %arg10[%get3A_310] {strides = array<i32>} : memref<64xi32, #tpu.memory_space<vmem>>, vector<16xi32>,
      %get3A_312 = vector.shape_cast %get3A_311 : vector<16xi32> to vector<16xi32>
      %sub3A_313 = arith.constant 0 : i32
      %sub3A_314 = vector.broadcast %sub3A_313 : i32 to vector<16xi32>
      %sub3A_315 = arith.subi %get3A_312, %sub3A_314 : vector<16xi32>
      %ge3A_316 = arith.constant 0 : i32
      %ge3A_317 = vector.broadcast %ge3A_316 : i32 to vector<16xi32>
      %ge3A_318 = arith.cmpi sge, %sub3A_315, %ge3A_317 : vector<16xi32>
      %lt3A_319 = arith.constant 5120 : i32
      %lt3A_320 = vector.broadcast %lt3A_319 : i32 to vector<16xi32>
      %lt3A_321 = arith.cmpi slt, %sub3A_315, %lt3A_320 : vector<16xi32>
      %and3A_322 = arith.andi %ge3A_318, %lt3A_321 : vector<16xi1>
      %jit3A_323 = arith.constant 5120 : i32
      %broadcast_in_dim3A_324 = vector.broadcast %jit3A_323 : i32 to vector<16xi32>
      %select_n3A_325 = arith.select %and3A_322, %sub3A_315, %broadcast_in_dim3A_324 : vector<16xi1>, vector<16xi32>
      %swap3A_326 = arith.constant 48 : index
      %swap3A_327 = tpu.vector_load %arg11[%swap3A_326] {strides = array<i32>} : memref<64xi32, #tpu.memory_space<vmem>>, vector<16xi32>,
      %swap3A_328 = vector.shape_cast %swap3A_327 : vector<16xi32> to vector<16xi32>
      %swap3A_329 = vector.shape_cast %select_n3A_325 : vector<16xi32> to vector<16xi32>
      tpu.vector_store %arg11[%swap3A_326], %swap3A_329 {strides = array<i32>} : memref<64xi32, #tpu.memory_space<vmem>>, vector<16xi32>,
      %dma_start3A = arith.constant 0 : i32
      %dma_start3A_330 = arith.constant 0 : i32
      %dma_start3A_331 = tpu.memref_slice %arg2[%dma_start3A, %dma_start3A_330] : memref<20000x128xf32, #tpu.memory_space<hbm>> -> memref<20000x128xf32, #tpu.memory_space<hbm>>
      tpu.enqueue_indirect_dma source(%dma_start3A_331 : memref<20000x128xf32, #tpu.memory_space<hbm>>) target(%arg12 : memref<64x128xf32, #tpu.memory_space<vmem>>) offsets(%arg9 : memref<64xi32, #tpu.memory_space<vmem>>) semaphore(%arg15 : memref<!tpu.dma_semaphore, #tpu.memory_space<semaphore_mem>>)
      %dma_wait3A = arith.constant 0 : i32
      %dma_wait3A_332 = arith.constant 0 : i32
      %dma_wait3A_333 = tpu.memref_slice %arg2[%dma_wait3A, %dma_wait3A_332] : memref<20000x128xf32, #tpu.memory_space<hbm>> -> memref<20000x128xf32, #tpu.memory_space<hbm>>
      tpu.wait_indirect_dma semaphore(%arg15 : memref<!tpu.dma_semaphore, #tpu.memory_space<semaphore_mem>>) src(%dma_wait3A_333 : memref<20000x128xf32, #tpu.memory_space<hbm>>) dst(%arg12 : memref<64x128xf32, #tpu.memory_space<vmem>>)
      "tpu.region"() ({
        %run_scoped3A = tpu.sem_alloc : memref<!tpu.dma_semaphore, #tpu.memory_space<semaphore_mem>>
        %dma_start3A_334 = arith.constant 0 : i32
        %dma_start3A_335 = arith.constant 0 : i32
        %dma_start3A_336 = tpu.memref_slice %arg7[%dma_start3A_334, %dma_start3A_335] : memref<5136x128xf32, #tpu.memory_space<vmem_shared>> -> memref<5136x128xf32, #tpu.memory_space<vmem_shared>>
        tpu.enqueue_indirect_dma source(%arg12 : memref<64x128xf32, #tpu.memory_space<vmem>>) target(%dma_start3A_336 : memref<5136x128xf32, #tpu.memory_space<vmem_shared>>) offsets(%arg11 : memref<64xi32, #tpu.memory_space<vmem>>) semaphore(%run_scoped3A : memref<!tpu.dma_semaphore, #tpu.memory_space<semaphore_mem>>) {add = true}
        %dma_wait3A_337 = arith.constant 0 : i32
        %dma_wait3A_338 = arith.constant 0 : i32
        %dma_wait3A_339 = tpu.memref_slice %arg7[%dma_wait3A_337, %dma_wait3A_338] : memref<5136x128xf32, #tpu.memory_space<vmem_shared>> -> memref<5136x128xf32, #tpu.memory_space<vmem_shared>>
        tpu.wait_indirect_dma semaphore(%run_scoped3A : memref<!tpu.dma_semaphore, #tpu.memory_space<semaphore_mem>>) src(%arg12 : memref<64x128xf32, #tpu.memory_space<vmem>>) dst(%dma_wait3A_339 : memref<5136x128xf32, #tpu.memory_space<vmem_shared>>)
        tpu.yield
      }) : () -> ()
      "tpu.region"() ({
        %run_scoped3A = tpu.sem_alloc : memref<!tpu.dma_semaphore, #tpu.memory_space<semaphore_mem>>
        %dma_start3A_334 = arith.constant 0 : i32
        %dma_start3A_335 = arith.constant 0 : i32
        %dma_start3A_336 = tpu.memref_slice %arg8[%dma_start3A_334, %dma_start3A_335] : memref<5136x16xf32, #tpu.memory_space<vmem_shared>> -> memref<5136x16xf32, #tpu.memory_space<vmem_shared>>
        tpu.enqueue_indirect_dma source(%arg13 : memref<64x16xf32, #tpu.memory_space<vmem>>) target(%dma_start3A_336 : memref<5136x16xf32, #tpu.memory_space<vmem_shared>>) offsets(%arg11 : memref<64xi32, #tpu.memory_space<vmem>>) semaphore(%run_scoped3A : memref<!tpu.dma_semaphore, #tpu.memory_space<semaphore_mem>>) {add = true}
        %dma_wait3A_337 = arith.constant 0 : i32
        %dma_wait3A_338 = arith.constant 0 : i32
        %dma_wait3A_339 = tpu.memref_slice %arg8[%dma_wait3A_337, %dma_wait3A_338] : memref<5136x16xf32, #tpu.memory_space<vmem_shared>> -> memref<5136x16xf32, #tpu.memory_space<vmem_shared>>
        tpu.wait_indirect_dma semaphore(%run_scoped3A : memref<!tpu.dma_semaphore, #tpu.memory_space<semaphore_mem>>) src(%arg13 : memref<64x16xf32, #tpu.memory_space<vmem>>) dst(%dma_wait3A_339 : memref<5136x16xf32, #tpu.memory_space<vmem_shared>>)
        tpu.yield
      }) : () -> ()
    }
    %scan3A_198 = arith.constant 160 : i32
    %barrier3A_199 = arith.constant 0 : index
    tpu.barrier barrier_id(%barrier3A_199)
    %scan3A_200 = arith.constant 0 : i32
    %scan3A_201 = arith.constant 5 : i32
    %scan3A_202 = arith.addi %scan3A_200, %scan3A_201 : i32
    %scan3A_203 = arith.constant 1 : i32
    scf.for %scan3A_252 = %scan3A_200 to %scan3A_202 step %scan3A_203  : i32 {
      %mul3A_253 = arith.constant 64 : i32
      %mul3A_254 = arith.muli %scan3A_252, %mul3A_253 : i32
      %add3A_255 = arith.addi %mul3A_171, %mul3A_254 : i32
      "tpu.region"() ({
        %run_scoped3A = tpu.sem_alloc : memref<!tpu.dma_semaphore, #tpu.memory_space<semaphore_mem>>
        %dma_start3A = arith.constant 0 : i32
        %dma_start3A_281 = tpu.memref_slice %arg7[%add3A_255, %dma_start3A] : memref<5136x128xf32, #tpu.memory_space<vmem_shared>> -> memref<64x128xf32, #tpu.memory_space<vmem_shared>>
        %dma_start3A_282 = arith.constant 0 : i32
        %dma_start3A_283 = tpu.memref_slice %arg7[%add3A_255, %dma_start3A_282] : memref<5136x128xf32, #tpu.memory_space<vmem_shared>> -> memref<64x128xf32, #tpu.memory_space<vmem_shared>>
        tpu.enqueue_dma source(%dma_start3A_283 : memref<64x128xf32, #tpu.memory_space<vmem_shared>>) target(%arg12 : memref<64x128xf32, #tpu.memory_space<vmem>>) target_semaphore(%run_scoped3A : memref<!tpu.dma_semaphore, #tpu.memory_space<semaphore_mem>>)
        %dma_wait3A = arith.constant 0 : i32
        %dma_wait3A_284 = tpu.memref_slice %arg7[%add3A_255, %dma_wait3A] : memref<5136x128xf32, #tpu.memory_space<vmem_shared>> -> memref<64x128xf32, #tpu.memory_space<vmem_shared>>
        %dma_wait3A_285 = arith.constant 0 : i32
        %dma_wait3A_286 = tpu.memref_slice %arg7[%add3A_255, %dma_wait3A_285] : memref<5136x128xf32, #tpu.memory_space<vmem_shared>> -> memref<64x128xf32, #tpu.memory_space<vmem_shared>>
        tpu.wait_dma2 semaphore(%run_scoped3A : memref<!tpu.dma_semaphore, #tpu.memory_space<semaphore_mem>>) src(%dma_wait3A_286 : memref<64x128xf32, #tpu.memory_space<vmem_shared>>) dst(%arg12 : memref<64x128xf32, #tpu.memory_space<vmem>>)
        tpu.yield
      }) : () -> ()
      %add3A_256 = arith.constant 4 : i32
      %add3A_257 = arith.addi %add3A_256, %arg0 : i32
      %mul3A_258 = arith.constant 10240 : i32
      %mul3A_259 = arith.muli %add3A_257, %mul3A_258 : i32
      %add3A_260 = arith.constant 0 : i32
      %add3A_261 = arith.addi %mul3A_259, %add3A_260 : i32
      %add3A_262 = arith.addi %add3A_261, %mul3A_171 : i32
      %mul3A_263 = arith.constant 64 : i32
      %mul3A_264 = arith.muli %scan3A_252, %mul3A_263 : i32
      %add3A_265 = arith.addi %add3A_262, %mul3A_264 : i32
      "tpu.region"() ({
        %run_scoped3A = tpu.sem_alloc : memref<!tpu.dma_semaphore, #tpu.memory_space<semaphore_mem>>
        %dma_start3A = arith.constant 0 : i32
        %dma_start3A_281 = tpu.memref_slice %arg5[%add3A_265, %dma_start3A] : memref<61440x128xf32, #tpu.memory_space<hbm>> -> memref<64x128xf32, #tpu.memory_space<hbm>>
        %dma_start3A_282 = arith.constant 0 : i32
        %dma_start3A_283 = tpu.memref_slice %arg5[%add3A_265, %dma_start3A_282] : memref<61440x128xf32, #tpu.memory_space<hbm>> -> memref<64x128xf32, #tpu.memory_space<hbm>>
        tpu.enqueue_dma source(%arg12 : memref<64x128xf32, #tpu.memory_space<vmem>>) target(%dma_start3A_283 : memref<64x128xf32, #tpu.memory_space<hbm>>) target_semaphore(%run_scoped3A : memref<!tpu.dma_semaphore, #tpu.memory_space<semaphore_mem>>)
        %dma_wait3A = arith.constant 0 : i32
        %dma_wait3A_284 = tpu.memref_slice %arg5[%add3A_265, %dma_wait3A] : memref<61440x128xf32, #tpu.memory_space<hbm>> -> memref<64x128xf32, #tpu.memory_space<hbm>>
        %dma_wait3A_285 = arith.constant 0 : i32
        %dma_wait3A_286 = tpu.memref_slice %arg5[%add3A_265, %dma_wait3A_285] : memref<61440x128xf32, #tpu.memory_space<hbm>> -> memref<64x128xf32, #tpu.memory_space<hbm>>
        tpu.wait_dma2 semaphore(%run_scoped3A : memref<!tpu.dma_semaphore, #tpu.memory_space<semaphore_mem>>) src(%arg12 : memref<64x128xf32, #tpu.memory_space<vmem>>) dst(%dma_wait3A_286 : memref<64x128xf32, #tpu.memory_space<hbm>>)
        tpu.yield
      }) : () -> ()
      %mul3A_266 = arith.constant 64 : i32
      %mul3A_267 = arith.muli %scan3A_252, %mul3A_266 : i32
      %add3A_268 = arith.addi %mul3A_171, %mul3A_267 : i32
      "tpu.region"() ({
        %run_scoped3A = tpu.sem_alloc : memref<!tpu.dma_semaphore, #tpu.memory_space<semaphore_mem>>
        %dma_start3A = arith.constant 0 : i32
        %dma_start3A_281 = tpu.memref_slice %arg8[%add3A_268, %dma_start3A] : memref<5136x16xf32, #tpu.memory_space<vmem_shared>> -> memref<64x16xf32, #tpu.memory_space<vmem_shared>>
        %dma_start3A_282 = arith.constant 0 : i32
        %dma_start3A_283 = tpu.memref_slice %arg8[%add3A_268, %dma_start3A_282] : memref<5136x16xf32, #tpu.memory_space<vmem_shared>> -> memref<64x16xf32, #tpu.memory_space<vmem_shared>>
        tpu.enqueue_dma source(%dma_start3A_283 : memref<64x16xf32, #tpu.memory_space<vmem_shared>>) target(%arg14 : memref<64x16xf32, #tpu.memory_space<vmem>>) target_semaphore(%run_scoped3A : memref<!tpu.dma_semaphore, #tpu.memory_space<semaphore_mem>>)
        %dma_wait3A = arith.constant 0 : i32
        %dma_wait3A_284 = tpu.memref_slice %arg8[%add3A_268, %dma_wait3A] : memref<5136x16xf32, #tpu.memory_space<vmem_shared>> -> memref<64x16xf32, #tpu.memory_space<vmem_shared>>
        %dma_wait3A_285 = arith.constant 0 : i32
        %dma_wait3A_286 = tpu.memref_slice %arg8[%add3A_268, %dma_wait3A_285] : memref<5136x16xf32, #tpu.memory_space<vmem_shared>> -> memref<64x16xf32, #tpu.memory_space<vmem_shared>>
        tpu.wait_dma2 semaphore(%run_scoped3A : memref<!tpu.dma_semaphore, #tpu.memory_space<semaphore_mem>>) src(%dma_wait3A_286 : memref<64x16xf32, #tpu.memory_space<vmem_shared>>) dst(%arg14 : memref<64x16xf32, #tpu.memory_space<vmem>>)
        tpu.yield
      }) : () -> ()
      %mul3A_269 = arith.constant 3 : i32
      %mul3A_270 = arith.muli %arg0, %mul3A_269 : i32
      %add3A_271 = arith.constant 2 : i32
      %add3A_272 = arith.addi %mul3A_270, %add3A_271 : i32
      %mul3A_273 = arith.constant 10240 : i32
      %mul3A_274 = arith.muli %add3A_272, %mul3A_273 : i32
      %add3A_275 = arith.constant 0 : i32
      %add3A_276 = arith.addi %mul3A_274, %add3A_275 : i32
      %add3A_277 = arith.addi %add3A_276, %mul3A_171 : i32
      %mul3A_278 = arith.constant 64 : i32
      %mul3A_279 = arith.muli %scan3A_252, %mul3A_278 : i32
      %add3A_280 = arith.addi %add3A_277, %mul3A_279 : i32
      "tpu.region"() ({
        %run_scoped3A = tpu.sem_alloc : memref<!tpu.dma_semaphore, #tpu.memory_space<semaphore_mem>>
        %dma_start3A = arith.constant 0 : i32
        %dma_start3A_281 = tpu.memref_slice %arg6[%add3A_280, %dma_start3A] : memref<61440x16xf32, #tpu.memory_space<hbm>> -> memref<64x16xf32, #tpu.memory_space<hbm>>
        %dma_start3A_282 = arith.constant 0 : i32
        %dma_start3A_283 = tpu.memref_slice %arg6[%add3A_280, %dma_start3A_282] : memref<61440x16xf32, #tpu.memory_space<hbm>> -> memref<64x16xf32, #tpu.memory_space<hbm>>
        tpu.enqueue_dma source(%arg14 : memref<64x16xf32, #tpu.memory_space<vmem>>) target(%dma_start3A_283 : memref<64x16xf32, #tpu.memory_space<hbm>>) target_semaphore(%run_scoped3A : memref<!tpu.dma_semaphore, #tpu.memory_space<semaphore_mem>>)
        %dma_wait3A = arith.constant 0 : i32
        %dma_wait3A_284 = tpu.memref_slice %arg6[%add3A_280, %dma_wait3A] : memref<61440x16xf32, #tpu.memory_space<hbm>> -> memref<64x16xf32, #tpu.memory_space<hbm>>
        %dma_wait3A_285 = arith.constant 0 : i32
        %dma_wait3A_286 = tpu.memref_slice %arg6[%add3A_280, %dma_wait3A_285] : memref<61440x16xf32, #tpu.memory_space<hbm>> -> memref<64x16xf32, #tpu.memory_space<hbm>>
        tpu.wait_dma2 semaphore(%run_scoped3A : memref<!tpu.dma_semaphore, #tpu.memory_space<semaphore_mem>>) src(%arg14 : memref<64x16xf32, #tpu.memory_space<vmem>>) dst(%dma_wait3A_286 : memref<64x16xf32, #tpu.memory_space<hbm>>)
        tpu.yield
      }) : () -> ()
    }
    %scan3A_204 = arith.constant 5 : i32
    %scan3A_205 = arith.constant 0 : i32
    %scan3A_206 = arith.constant 64 : i32
    %scan3A_207 = arith.addi %scan3A_205, %scan3A_206 : i32
    %scan3A_208 = arith.constant 1 : i32
    scf.for %scan3A_252 = %scan3A_205 to %scan3A_207 step %scan3A_208  : i32 {
      %broadcast_in_dim3A = arith.constant 0.000000e+00 : f32
      %broadcast_in_dim3A_253 = vector.broadcast %broadcast_in_dim3A : f32 to vector<16xf32>
      %swap3A = arith.index_cast %scan3A_252 : i32 to index
      %swap3A_254 = arith.constant 0 : index
      %swap3A_255 = tpu.vector_load %arg14[%swap3A, %swap3A_254] {strides = array<i32>} : memref<64x16xf32, #tpu.memory_space<vmem>>, vector<1x16xf32>,
      %swap3A_256 = vector.shape_cast %swap3A_255 : vector<1x16xf32> to vector<16xf32>
      %swap3A_257 = vector.shape_cast %broadcast_in_dim3A_253 : vector<16xf32> to vector<1x16xf32>
      tpu.vector_store %arg14[%swap3A, %swap3A_254], %swap3A_257 {strides = array<i32>} : memref<64x16xf32, #tpu.memory_space<vmem>>, vector<1x16xf32>,
    }
    %scan3A_209 = arith.constant 64 : i32
    %barrier3A_210 = arith.constant 0 : index
    tpu.barrier barrier_id(%barrier3A_210)
    %mul3A_211 = arith.constant 320 : i32
    %mul3A_212 = arith.muli %arg1, %mul3A_211 : i32
    %scan3A_213 = arith.constant 0 : i32
    %scan3A_214 = arith.constant 512 : i32
    %scan3A_215 = arith.addi %scan3A_213, %scan3A_214 : i32
    %scan3A_216 = arith.constant 1 : i32
    scf.for %scan3A_252 = %scan3A_213 to %scan3A_215 step %scan3A_216  : i32 {
      %broadcast_in_dim3A = arith.constant 0.000000e+00 : f32
      %broadcast_in_dim3A_253 = vector.broadcast %broadcast_in_dim3A : f32 to vector<16xf32>
      %jit3A = arith.constant 8 : i32
      %div3A = arith.divsi %scan3A_252, %jit3A : i32
      %sign3A = arith.constant 0 : i32
      %sign3A_254 = arith.cmpi sgt, %scan3A_252, %sign3A : i32
      %sign3A_255 = arith.extui %sign3A_254 : i1 to i32
      %sign3A_256 = arith.constant 0 : i32
      %sign3A_257 = arith.cmpi slt, %scan3A_252, %sign3A_256 : i32
      %sign3A_258 = arith.extui %sign3A_257 : i1 to i32
      %sign3A_259 = arith.subi %sign3A_255, %sign3A_258 : i32
      %sign3A_260 = arith.constant 0 : i32
      %sign3A_261 = arith.cmpi sgt, %jit3A, %sign3A_260 : i32
      %sign3A_262 = arith.extui %sign3A_261 : i1 to i32
      %sign3A_263 = arith.constant 0 : i32
      %sign3A_264 = arith.cmpi slt, %jit3A, %sign3A_263 : i32
      %sign3A_265 = arith.extui %sign3A_264 : i1 to i32
      %sign3A_266 = arith.subi %sign3A_262, %sign3A_265 : i32
      %ne3A = arith.cmpi ne, %sign3A_259, %sign3A_266 : i32
      %rem3A = arith.remsi %scan3A_252, %jit3A : i32
      %ne3A_267 = arith.constant 0 : i32
      %ne3A_268 = arith.cmpi ne, %rem3A, %ne3A_267 : i32
      %and3A = arith.andi %ne3A, %ne3A_268 : i1
      %sub3A = arith.constant 1 : i32
      %sub3A_269 = arith.subi %div3A, %sub3A : i32
      %select_n3A = arith.select %and3A, %sub3A_269, %div3A : i32
      %jit3A_270 = arith.constant 8 : i32
      %eq3A = arith.constant 0 : i32
      %eq3A_271 = arith.cmpi eq, %jit3A_270, %eq3A : i32
      %jit3A_272 = arith.constant 1 : i32
      %select_n3A_273 = arith.select %eq3A_271, %jit3A_272, %jit3A_270 : i32
      %rem3A_274 = arith.remsi %scan3A_252, %select_n3A_273 : i32
      %ne3A_275 = arith.constant 0 : i32
      %ne3A_276 = arith.cmpi ne, %rem3A_274, %ne3A_275 : i32
      %lt3A = arith.constant 0 : i32
      %lt3A_277 = arith.cmpi slt, %rem3A_274, %lt3A : i32
      %lt3A_278 = arith.constant 0 : i32
      %lt3A_279 = arith.cmpi slt, %select_n3A_273, %lt3A_278 : i32
      %ne3A_280 = arith.xori %lt3A_277, %lt3A_279 : i1
      %and3A_281 = arith.andi %ne3A_280, %ne3A_276 : i1
      %add3A_282 = arith.addi %rem3A_274, %select_n3A_273 : i32
      %select_n3A_283 = arith.select %and3A_281, %add3A_282, %rem3A_274 : i32
      %mul3A_284 = arith.constant 16 : i32
      %mul3A_285 = arith.muli %select_n3A_283, %mul3A_284 : i32
      %swap3A = arith.index_cast %select_n3A : i32 to index
      %swap3A_286 = arith.index_cast %mul3A_285 : i32 to index
      %swap3A_287 = tpu.vector_load %arg12[%swap3A, %swap3A_286] {strides = array<i32>} : memref<64x128xf32, #tpu.memory_space<vmem>>, vector<1x16xf32>,
      %swap3A_288 = vector.shape_cast %swap3A_287 : vector<1x16xf32> to vector<16xf32>
      %swap3A_289 = vector.shape_cast %broadcast_in_dim3A_253 : vector<16xf32> to vector<1x16xf32>
      tpu.vector_store %arg12[%swap3A, %swap3A_286], %swap3A_289 {strides = array<i32>} : memref<64x128xf32, #tpu.memory_space<vmem>>, vector<1x16xf32>,
    }
    %scan3A_217 = arith.constant 512 : i32
    %scan3A_218 = arith.constant 0 : i32
    %scan3A_219 = arith.constant 5 : i32
    %scan3A_220 = arith.addi %scan3A_218, %scan3A_219 : i32
    %scan3A_221 = arith.constant 1 : i32
    scf.for %scan3A_252 = %scan3A_218 to %scan3A_220 step %scan3A_221  : i32 {
      %mul3A_253 = arith.constant 64 : i32
      %mul3A_254 = arith.muli %scan3A_252, %mul3A_253 : i32
      %add3A_255 = arith.addi %mul3A_212, %mul3A_254 : i32
      "tpu.region"() ({
        %run_scoped3A = tpu.sem_alloc : memref<!tpu.dma_semaphore, #tpu.memory_space<semaphore_mem>>
        %dma_start3A = arith.constant 0 : i32
        %dma_start3A_259 = tpu.memref_slice %arg7[%add3A_255, %dma_start3A] : memref<5136x128xf32, #tpu.memory_space<vmem_shared>> -> memref<64x128xf32, #tpu.memory_space<vmem_shared>>
        %dma_start3A_260 = arith.constant 0 : i32
        %dma_start3A_261 = tpu.memref_slice %arg7[%add3A_255, %dma_start3A_260] : memref<5136x128xf32, #tpu.memory_space<vmem_shared>> -> memref<64x128xf32, #tpu.memory_space<vmem_shared>>
        tpu.enqueue_dma source(%arg12 : memref<64x128xf32, #tpu.memory_space<vmem>>) target(%dma_start3A_261 : memref<64x128xf32, #tpu.memory_space<vmem_shared>>) target_semaphore(%run_scoped3A : memref<!tpu.dma_semaphore, #tpu.memory_space<semaphore_mem>>)
        %dma_wait3A = arith.constant 0 : i32
        %dma_wait3A_262 = tpu.memref_slice %arg7[%add3A_255, %dma_wait3A] : memref<5136x128xf32, #tpu.memory_space<vmem_shared>> -> memref<64x128xf32, #tpu.memory_space<vmem_shared>>
        %dma_wait3A_263 = arith.constant 0 : i32
        %dma_wait3A_264 = tpu.memref_slice %arg7[%add3A_255, %dma_wait3A_263] : memref<5136x128xf32, #tpu.memory_space<vmem_shared>> -> memref<64x128xf32, #tpu.memory_space<vmem_shared>>
        tpu.wait_dma2 semaphore(%run_scoped3A : memref<!tpu.dma_semaphore, #tpu.memory_space<semaphore_mem>>) src(%arg12 : memref<64x128xf32, #tpu.memory_space<vmem>>) dst(%dma_wait3A_264 : memref<64x128xf32, #tpu.memory_space<vmem_shared>>)
        tpu.yield
      }) : () -> ()
      %mul3A_256 = arith.constant 64 : i32
      %mul3A_257 = arith.muli %scan3A_252, %mul3A_256 : i32
      %add3A_258 = arith.addi %mul3A_212, %mul3A_257 : i32
      "tpu.region"() ({
        %run_scoped3A = tpu.sem_alloc : memref<!tpu.dma_semaphore, #tpu.memory_space<semaphore_mem>>
        %dma_start3A = arith.constant 0 : i32
        %dma_start3A_259 = tpu.memref_slice %arg8[%add3A_258, %dma_start3A] : memref<5136x16xf32, #tpu.memory_space<vmem_shared>> -> memref<64x16xf32, #tpu.memory_space<vmem_shared>>
        %dma_start3A_260 = arith.constant 0 : i32
        %dma_start3A_261 = tpu.memref_slice %arg8[%add3A_258, %dma_start3A_260] : memref<5136x16xf32, #tpu.memory_space<vmem_shared>> -> memref<64x16xf32, #tpu.memory_space<vmem_shared>>
        tpu.enqueue_dma source(%arg14 : memref<64x16xf32, #tpu.memory_space<vmem>>) target(%dma_start3A_261 : memref<64x16xf32, #tpu.memory_space<vmem_shared>>) target_semaphore(%run_scoped3A : memref<!tpu.dma_semaphore, #tpu.memory_space<semaphore_mem>>)
        %dma_wait3A = arith.constant 0 : i32
        %dma_wait3A_262 = tpu.memref_slice %arg8[%add3A_258, %dma_wait3A] : memref<5136x16xf32, #tpu.memory_space<vmem_shared>> -> memref<64x16xf32, #tpu.memory_space<vmem_shared>>
        %dma_wait3A_263 = arith.constant 0 : i32
        %dma_wait3A_264 = tpu.memref_slice %arg8[%add3A_258, %dma_wait3A_263] : memref<5136x16xf32, #tpu.memory_space<vmem_shared>> -> memref<64x16xf32, #tpu.memory_space<vmem_shared>>
        tpu.wait_dma2 semaphore(%run_scoped3A : memref<!tpu.dma_semaphore, #tpu.memory_space<semaphore_mem>>) src(%arg14 : memref<64x16xf32, #tpu.memory_space<vmem>>) dst(%dma_wait3A_264 : memref<64x16xf32, #tpu.memory_space<vmem_shared>>)
        tpu.yield
      }) : () -> ()
    }
    %scan3A_222 = arith.constant 5 : i32
    %barrier3A_223 = arith.constant 0 : index
    tpu.barrier barrier_id(%barrier3A_223)
    %mul3A_224 = arith.constant 491520 : i32
    %mul3A_225 = arith.muli %arg0, %mul3A_224 : i32
    %add3A_226 = arith.constant 327680 : i32
    %add3A_227 = arith.addi %mul3A_225, %add3A_226 : i32
    %mul3A_228 = arith.constant 10240 : i32
    %mul3A_229 = arith.muli %arg1, %mul3A_228 : i32
    %add3A_230 = arith.addi %add3A_227, %mul3A_229 : i32
    %mul3A_231 = arith.constant 10240 : i32
    %mul3A_232 = arith.muli %arg1, %mul3A_231 : i32
    %add3A_233 = arith.constant 327680 : i32
    %add3A_234 = arith.addi %add3A_233, %mul3A_232 : i32
    %scan3A_235 = arith.constant 0 : i32
    %scan3A_236 = arith.constant 160 : i32
    %scan3A_237 = arith.addi %scan3A_235, %scan3A_236 : i32
    %scan3A_238 = arith.constant 1 : i32
    scf.for %scan3A_252 = %scan3A_235 to %scan3A_237 step %scan3A_238  : i32 {
      %mul3A_253 = arith.constant 64 : i32
      %mul3A_254 = arith.muli %scan3A_252, %mul3A_253 : i32
      %add3A_255 = arith.addi %add3A_230, %mul3A_254 : i32
      "tpu.region"() ({
        %run_scoped3A = tpu.sem_alloc : memref<!tpu.dma_semaphore, #tpu.memory_space<semaphore_mem>>
        %dma_start3A_334 = tpu.memref_slice %arg3[%add3A_255] : memref<983040xi32, #tpu.memory_space<hbm>> -> memref<64xi32, #tpu.memory_space<hbm>>
        %dma_start3A_335 = tpu.memref_slice %arg3[%add3A_255] : memref<983040xi32, #tpu.memory_space<hbm>> -> memref<64xi32, #tpu.memory_space<hbm>>
        tpu.enqueue_dma source(%dma_start3A_335 : memref<64xi32, #tpu.memory_space<hbm>>) target(%arg9 : memref<64xi32, #tpu.memory_space<vmem>>) target_semaphore(%run_scoped3A : memref<!tpu.dma_semaphore, #tpu.memory_space<semaphore_mem>>)
        %dma_wait3A_336 = tpu.memref_slice %arg3[%add3A_255] : memref<983040xi32, #tpu.memory_space<hbm>> -> memref<64xi32, #tpu.memory_space<hbm>>
        %dma_wait3A_337 = tpu.memref_slice %arg3[%add3A_255] : memref<983040xi32, #tpu.memory_space<hbm>> -> memref<64xi32, #tpu.memory_space<hbm>>
        tpu.wait_dma2 semaphore(%run_scoped3A : memref<!tpu.dma_semaphore, #tpu.memory_space<semaphore_mem>>) src(%dma_wait3A_337 : memref<64xi32, #tpu.memory_space<hbm>>) dst(%arg9 : memref<64xi32, #tpu.memory_space<vmem>>)
        tpu.yield
      }) : () -> ()
      %mul3A_256 = arith.constant 64 : i32
      %mul3A_257 = arith.muli %scan3A_252, %mul3A_256 : i32
      %add3A_258 = arith.addi %add3A_234, %mul3A_257 : i32
      "tpu.region"() ({
        %run_scoped3A = tpu.sem_alloc : memref<!tpu.dma_semaphore, #tpu.memory_space<semaphore_mem>>
        %dma_start3A_334 = tpu.memref_slice %arg4[%add3A_258] : memref<491520xi32, #tpu.memory_space<hbm>> -> memref<64xi32, #tpu.memory_space<hbm>>
        %dma_start3A_335 = tpu.memref_slice %arg4[%add3A_258] : memref<491520xi32, #tpu.memory_space<hbm>> -> memref<64xi32, #tpu.memory_space<hbm>>
        tpu.enqueue_dma source(%dma_start3A_335 : memref<64xi32, #tpu.memory_space<hbm>>) target(%arg10 : memref<64xi32, #tpu.memory_space<vmem>>) target_semaphore(%run_scoped3A : memref<!tpu.dma_semaphore, #tpu.memory_space<semaphore_mem>>)
        %dma_wait3A_336 = tpu.memref_slice %arg4[%add3A_258] : memref<491520xi32, #tpu.memory_space<hbm>> -> memref<64xi32, #tpu.memory_space<hbm>>
        %dma_wait3A_337 = tpu.memref_slice %arg4[%add3A_258] : memref<491520xi32, #tpu.memory_space<hbm>> -> memref<64xi32, #tpu.memory_space<hbm>>
        tpu.wait_dma2 semaphore(%run_scoped3A : memref<!tpu.dma_semaphore, #tpu.memory_space<semaphore_mem>>) src(%dma_wait3A_337 : memref<64xi32, #tpu.memory_space<hbm>>) dst(%arg10 : memref<64xi32, #tpu.memory_space<vmem>>)
        tpu.yield
      }) : () -> ()
      %get3A = arith.constant 0 : index
      %get3A_259 = tpu.vector_load %arg10[%get3A] {strides = array<i32>} : memref<64xi32, #tpu.memory_space<vmem>>, vector<16xi32>,
      %get3A_260 = vector.shape_cast %get3A_259 : vector<16xi32> to vector<16xi32>
      %sub3A = arith.constant 5120 : i32
      %sub3A_261 = vector.broadcast %sub3A : i32 to vector<16xi32>
      %sub3A_262 = arith.subi %get3A_260, %sub3A_261 : vector<16xi32>
      %ge3A = arith.constant 0 : i32
      %ge3A_263 = vector.broadcast %ge3A : i32 to vector<16xi32>
      %ge3A_264 = arith.cmpi sge, %sub3A_262, %ge3A_263 : vector<16xi32>
      %lt3A = arith.constant 5120 : i32
      %lt3A_265 = vector.broadcast %lt3A : i32 to vector<16xi32>
      %lt3A_266 = arith.cmpi slt, %sub3A_262, %lt3A_265 : vector<16xi32>
      %and3A = arith.andi %ge3A_264, %lt3A_266 : vector<16xi1>
      %jit3A = arith.constant 5120 : i32
      %broadcast_in_dim3A = vector.broadcast %jit3A : i32 to vector<16xi32>
      %select_n3A = arith.select %and3A, %sub3A_262, %broadcast_in_dim3A : vector<16xi1>, vector<16xi32>
      %swap3A = arith.constant 0 : index
      %swap3A_267 = tpu.vector_load %arg11[%swap3A] {strides = array<i32>} : memref<64xi32, #tpu.memory_space<vmem>>, vector<16xi32>,
      %swap3A_268 = vector.shape_cast %swap3A_267 : vector<16xi32> to vector<16xi32>
      %swap3A_269 = vector.shape_cast %select_n3A : vector<16xi32> to vector<16xi32>
      tpu.vector_store %arg11[%swap3A], %swap3A_269 {strides = array<i32>} : memref<64xi32, #tpu.memory_space<vmem>>, vector<16xi32>,
      %get3A_270 = arith.constant 16 : index
      %get3A_271 = tpu.vector_load %arg10[%get3A_270] {strides = array<i32>} : memref<64xi32, #tpu.memory_space<vmem>>, vector<16xi32>,
      %get3A_272 = vector.shape_cast %get3A_271 : vector<16xi32> to vector<16xi32>
      %sub3A_273 = arith.constant 5120 : i32
      %sub3A_274 = vector.broadcast %sub3A_273 : i32 to vector<16xi32>
      %sub3A_275 = arith.subi %get3A_272, %sub3A_274 : vector<16xi32>
      %ge3A_276 = arith.constant 0 : i32
      %ge3A_277 = vector.broadcast %ge3A_276 : i32 to vector<16xi32>
      %ge3A_278 = arith.cmpi sge, %sub3A_275, %ge3A_277 : vector<16xi32>
      %lt3A_279 = arith.constant 5120 : i32
      %lt3A_280 = vector.broadcast %lt3A_279 : i32 to vector<16xi32>
      %lt3A_281 = arith.cmpi slt, %sub3A_275, %lt3A_280 : vector<16xi32>
      %and3A_282 = arith.andi %ge3A_278, %lt3A_281 : vector<16xi1>
      %jit3A_283 = arith.constant 5120 : i32
      %broadcast_in_dim3A_284 = vector.broadcast %jit3A_283 : i32 to vector<16xi32>
      %select_n3A_285 = arith.select %and3A_282, %sub3A_275, %broadcast_in_dim3A_284 : vector<16xi1>, vector<16xi32>
      %swap3A_286 = arith.constant 16 : index
      %swap3A_287 = tpu.vector_load %arg11[%swap3A_286] {strides = array<i32>} : memref<64xi32, #tpu.memory_space<vmem>>, vector<16xi32>,
      %swap3A_288 = vector.shape_cast %swap3A_287 : vector<16xi32> to vector<16xi32>
      %swap3A_289 = vector.shape_cast %select_n3A_285 : vector<16xi32> to vector<16xi32>
      tpu.vector_store %arg11[%swap3A_286], %swap3A_289 {strides = array<i32>} : memref<64xi32, #tpu.memory_space<vmem>>, vector<16xi32>,
      %get3A_290 = arith.constant 32 : index
      %get3A_291 = tpu.vector_load %arg10[%get3A_290] {strides = array<i32>} : memref<64xi32, #tpu.memory_space<vmem>>, vector<16xi32>,
      %get3A_292 = vector.shape_cast %get3A_291 : vector<16xi32> to vector<16xi32>
      %sub3A_293 = arith.constant 5120 : i32
      %sub3A_294 = vector.broadcast %sub3A_293 : i32 to vector<16xi32>
      %sub3A_295 = arith.subi %get3A_292, %sub3A_294 : vector<16xi32>
      %ge3A_296 = arith.constant 0 : i32
      %ge3A_297 = vector.broadcast %ge3A_296 : i32 to vector<16xi32>
      %ge3A_298 = arith.cmpi sge, %sub3A_295, %ge3A_297 : vector<16xi32>
      %lt3A_299 = arith.constant 5120 : i32
      %lt3A_300 = vector.broadcast %lt3A_299 : i32 to vector<16xi32>
      %lt3A_301 = arith.cmpi slt, %sub3A_295, %lt3A_300 : vector<16xi32>
      %and3A_302 = arith.andi %ge3A_298, %lt3A_301 : vector<16xi1>
      %jit3A_303 = arith.constant 5120 : i32
      %broadcast_in_dim3A_304 = vector.broadcast %jit3A_303 : i32 to vector<16xi32>
      %select_n3A_305 = arith.select %and3A_302, %sub3A_295, %broadcast_in_dim3A_304 : vector<16xi1>, vector<16xi32>
      %swap3A_306 = arith.constant 32 : index
      %swap3A_307 = tpu.vector_load %arg11[%swap3A_306] {strides = array<i32>} : memref<64xi32, #tpu.memory_space<vmem>>, vector<16xi32>,
      %swap3A_308 = vector.shape_cast %swap3A_307 : vector<16xi32> to vector<16xi32>
      %swap3A_309 = vector.shape_cast %select_n3A_305 : vector<16xi32> to vector<16xi32>
      tpu.vector_store %arg11[%swap3A_306], %swap3A_309 {strides = array<i32>} : memref<64xi32, #tpu.memory_space<vmem>>, vector<16xi32>,
      %get3A_310 = arith.constant 48 : index
      %get3A_311 = tpu.vector_load %arg10[%get3A_310] {strides = array<i32>} : memref<64xi32, #tpu.memory_space<vmem>>, vector<16xi32>,
      %get3A_312 = vector.shape_cast %get3A_311 : vector<16xi32> to vector<16xi32>
      %sub3A_313 = arith.constant 5120 : i32
      %sub3A_314 = vector.broadcast %sub3A_313 : i32 to vector<16xi32>
      %sub3A_315 = arith.subi %get3A_312, %sub3A_314 : vector<16xi32>
      %ge3A_316 = arith.constant 0 : i32
      %ge3A_317 = vector.broadcast %ge3A_316 : i32 to vector<16xi32>
      %ge3A_318 = arith.cmpi sge, %sub3A_315, %ge3A_317 : vector<16xi32>
      %lt3A_319 = arith.constant 5120 : i32
      %lt3A_320 = vector.broadcast %lt3A_319 : i32 to vector<16xi32>
      %lt3A_321 = arith.cmpi slt, %sub3A_315, %lt3A_320 : vector<16xi32>
      %and3A_322 = arith.andi %ge3A_318, %lt3A_321 : vector<16xi1>
      %jit3A_323 = arith.constant 5120 : i32
      %broadcast_in_dim3A_324 = vector.broadcast %jit3A_323 : i32 to vector<16xi32>
      %select_n3A_325 = arith.select %and3A_322, %sub3A_315, %broadcast_in_dim3A_324 : vector<16xi1>, vector<16xi32>
      %swap3A_326 = arith.constant 48 : index
      %swap3A_327 = tpu.vector_load %arg11[%swap3A_326] {strides = array<i32>} : memref<64xi32, #tpu.memory_space<vmem>>, vector<16xi32>,
      %swap3A_328 = vector.shape_cast %swap3A_327 : vector<16xi32> to vector<16xi32>
      %swap3A_329 = vector.shape_cast %select_n3A_325 : vector<16xi32> to vector<16xi32>
      tpu.vector_store %arg11[%swap3A_326], %swap3A_329 {strides = array<i32>} : memref<64xi32, #tpu.memory_space<vmem>>, vector<16xi32>,
      %dma_start3A = arith.constant 0 : i32
      %dma_start3A_330 = arith.constant 0 : i32
      %dma_start3A_331 = tpu.memref_slice %arg2[%dma_start3A, %dma_start3A_330] : memref<20000x128xf32, #tpu.memory_space<hbm>> -> memref<20000x128xf32, #tpu.memory_space<hbm>>
      tpu.enqueue_indirect_dma source(%dma_start3A_331 : memref<20000x128xf32, #tpu.memory_space<hbm>>) target(%arg12 : memref<64x128xf32, #tpu.memory_space<vmem>>) offsets(%arg9 : memref<64xi32, #tpu.memory_space<vmem>>) semaphore(%arg15 : memref<!tpu.dma_semaphore, #tpu.memory_space<semaphore_mem>>)
      %dma_wait3A = arith.constant 0 : i32
      %dma_wait3A_332 = arith.constant 0 : i32
      %dma_wait3A_333 = tpu.memref_slice %arg2[%dma_wait3A, %dma_wait3A_332] : memref<20000x128xf32, #tpu.memory_space<hbm>> -> memref<20000x128xf32, #tpu.memory_space<hbm>>
      tpu.wait_indirect_dma semaphore(%arg15 : memref<!tpu.dma_semaphore, #tpu.memory_space<semaphore_mem>>) src(%dma_wait3A_333 : memref<20000x128xf32, #tpu.memory_space<hbm>>) dst(%arg12 : memref<64x128xf32, #tpu.memory_space<vmem>>)
      "tpu.region"() ({
        %run_scoped3A = tpu.sem_alloc : memref<!tpu.dma_semaphore, #tpu.memory_space<semaphore_mem>>
        %dma_start3A_334 = arith.constant 0 : i32
        %dma_start3A_335 = arith.constant 0 : i32
        %dma_start3A_336 = tpu.memref_slice %arg7[%dma_start3A_334, %dma_start3A_335] : memref<5136x128xf32, #tpu.memory_space<vmem_shared>> -> memref<5136x128xf32, #tpu.memory_space<vmem_shared>>
        tpu.enqueue_indirect_dma source(%arg12 : memref<64x128xf32, #tpu.memory_space<vmem>>) target(%dma_start3A_336 : memref<5136x128xf32, #tpu.memory_space<vmem_shared>>) offsets(%arg11 : memref<64xi32, #tpu.memory_space<vmem>>) semaphore(%run_scoped3A : memref<!tpu.dma_semaphore, #tpu.memory_space<semaphore_mem>>) {add = true}
        %dma_wait3A_337 = arith.constant 0 : i32
        %dma_wait3A_338 = arith.constant 0 : i32
        %dma_wait3A_339 = tpu.memref_slice %arg7[%dma_wait3A_337, %dma_wait3A_338] : memref<5136x128xf32, #tpu.memory_space<vmem_shared>> -> memref<5136x128xf32, #tpu.memory_space<vmem_shared>>
        tpu.wait_indirect_dma semaphore(%run_scoped3A : memref<!tpu.dma_semaphore, #tpu.memory_space<semaphore_mem>>) src(%arg12 : memref<64x128xf32, #tpu.memory_space<vmem>>) dst(%dma_wait3A_339 : memref<5136x128xf32, #tpu.memory_space<vmem_shared>>)
        tpu.yield
      }) : () -> ()
      "tpu.region"() ({
        %run_scoped3A = tpu.sem_alloc : memref<!tpu.dma_semaphore, #tpu.memory_space<semaphore_mem>>
        %dma_start3A_334 = arith.constant 0 : i32
        %dma_start3A_335 = arith.constant 0 : i32
        %dma_start3A_336 = tpu.memref_slice %arg8[%dma_start3A_334, %dma_start3A_335] : memref<5136x16xf32, #tpu.memory_space<vmem_shared>> -> memref<5136x16xf32, #tpu.memory_space<vmem_shared>>
        tpu.enqueue_indirect_dma source(%arg13 : memref<64x16xf32, #tpu.memory_space<vmem>>) target(%dma_start3A_336 : memref<5136x16xf32, #tpu.memory_space<vmem_shared>>) offsets(%arg11 : memref<64xi32, #tpu.memory_space<vmem>>) semaphore(%run_scoped3A : memref<!tpu.dma_semaphore, #tpu.memory_space<semaphore_mem>>) {add = true}
        %dma_wait3A_337 = arith.constant 0 : i32
        %dma_wait3A_338 = arith.constant 0 : i32
        %dma_wait3A_339 = tpu.memref_slice %arg8[%dma_wait3A_337, %dma_wait3A_338] : memref<5136x16xf32, #tpu.memory_space<vmem_shared>> -> memref<5136x16xf32, #tpu.memory_space<vmem_shared>>
        tpu.wait_indirect_dma semaphore(%run_scoped3A : memref<!tpu.dma_semaphore, #tpu.memory_space<semaphore_mem>>) src(%arg13 : memref<64x16xf32, #tpu.memory_space<vmem>>) dst(%dma_wait3A_339 : memref<5136x16xf32, #tpu.memory_space<vmem_shared>>)
        tpu.yield
      }) : () -> ()
    }
    %scan3A_239 = arith.constant 160 : i32
    %barrier3A_240 = arith.constant 0 : index
    tpu.barrier barrier_id(%barrier3A_240)
    %scan3A_241 = arith.constant 0 : i32
    %scan3A_242 = arith.constant 5 : i32
    %scan3A_243 = arith.addi %scan3A_241, %scan3A_242 : i32
    %scan3A_244 = arith.constant 1 : i32
    scf.for %scan3A_252 = %scan3A_241 to %scan3A_243 step %scan3A_244  : i32 {
      %mul3A_253 = arith.constant 64 : i32
      %mul3A_254 = arith.muli %scan3A_252, %mul3A_253 : i32
      %add3A_255 = arith.addi %mul3A_212, %mul3A_254 : i32
      "tpu.region"() ({
        %run_scoped3A = tpu.sem_alloc : memref<!tpu.dma_semaphore, #tpu.memory_space<semaphore_mem>>
        %dma_start3A = arith.constant 0 : i32
        %dma_start3A_281 = tpu.memref_slice %arg7[%add3A_255, %dma_start3A] : memref<5136x128xf32, #tpu.memory_space<vmem_shared>> -> memref<64x128xf32, #tpu.memory_space<vmem_shared>>
        %dma_start3A_282 = arith.constant 0 : i32
        %dma_start3A_283 = tpu.memref_slice %arg7[%add3A_255, %dma_start3A_282] : memref<5136x128xf32, #tpu.memory_space<vmem_shared>> -> memref<64x128xf32, #tpu.memory_space<vmem_shared>>
        tpu.enqueue_dma source(%dma_start3A_283 : memref<64x128xf32, #tpu.memory_space<vmem_shared>>) target(%arg12 : memref<64x128xf32, #tpu.memory_space<vmem>>) target_semaphore(%run_scoped3A : memref<!tpu.dma_semaphore, #tpu.memory_space<semaphore_mem>>)
        %dma_wait3A = arith.constant 0 : i32
        %dma_wait3A_284 = tpu.memref_slice %arg7[%add3A_255, %dma_wait3A] : memref<5136x128xf32, #tpu.memory_space<vmem_shared>> -> memref<64x128xf32, #tpu.memory_space<vmem_shared>>
        %dma_wait3A_285 = arith.constant 0 : i32
        %dma_wait3A_286 = tpu.memref_slice %arg7[%add3A_255, %dma_wait3A_285] : memref<5136x128xf32, #tpu.memory_space<vmem_shared>> -> memref<64x128xf32, #tpu.memory_space<vmem_shared>>
        tpu.wait_dma2 semaphore(%run_scoped3A : memref<!tpu.dma_semaphore, #tpu.memory_space<semaphore_mem>>) src(%dma_wait3A_286 : memref<64x128xf32, #tpu.memory_space<vmem_shared>>) dst(%arg12 : memref<64x128xf32, #tpu.memory_space<vmem>>)
        tpu.yield
      }) : () -> ()
      %add3A_256 = arith.constant 4 : i32
      %add3A_257 = arith.addi %add3A_256, %arg0 : i32
      %mul3A_258 = arith.constant 10240 : i32
      %mul3A_259 = arith.muli %add3A_257, %mul3A_258 : i32
      %add3A_260 = arith.constant 5120 : i32
      %add3A_261 = arith.addi %mul3A_259, %add3A_260 : i32
      %add3A_262 = arith.addi %add3A_261, %mul3A_212 : i32
      %mul3A_263 = arith.constant 64 : i32
      %mul3A_264 = arith.muli %scan3A_252, %mul3A_263 : i32
      %add3A_265 = arith.addi %add3A_262, %mul3A_264 : i32
      "tpu.region"() ({
        %run_scoped3A = tpu.sem_alloc : memref<!tpu.dma_semaphore, #tpu.memory_space<semaphore_mem>>
        %dma_start3A = arith.constant 0 : i32
        %dma_start3A_281 = tpu.memref_slice %arg5[%add3A_265, %dma_start3A] : memref<61440x128xf32, #tpu.memory_space<hbm>> -> memref<64x128xf32, #tpu.memory_space<hbm>>
        %dma_start3A_282 = arith.constant 0 : i32
        %dma_start3A_283 = tpu.memref_slice %arg5[%add3A_265, %dma_start3A_282] : memref<61440x128xf32, #tpu.memory_space<hbm>> -> memref<64x128xf32, #tpu.memory_space<hbm>>
        tpu.enqueue_dma source(%arg12 : memref<64x128xf32, #tpu.memory_space<vmem>>) target(%dma_start3A_283 : memref<64x128xf32, #tpu.memory_space<hbm>>) target_semaphore(%run_scoped3A : memref<!tpu.dma_semaphore, #tpu.memory_space<semaphore_mem>>)
        %dma_wait3A = arith.constant 0 : i32
        %dma_wait3A_284 = tpu.memref_slice %arg5[%add3A_265, %dma_wait3A] : memref<61440x128xf32, #tpu.memory_space<hbm>> -> memref<64x128xf32, #tpu.memory_space<hbm>>
        %dma_wait3A_285 = arith.constant 0 : i32
        %dma_wait3A_286 = tpu.memref_slice %arg5[%add3A_265, %dma_wait3A_285] : memref<61440x128xf32, #tpu.memory_space<hbm>> -> memref<64x128xf32, #tpu.memory_space<hbm>>
        tpu.wait_dma2 semaphore(%run_scoped3A : memref<!tpu.dma_semaphore, #tpu.memory_space<semaphore_mem>>) src(%arg12 : memref<64x128xf32, #tpu.memory_space<vmem>>) dst(%dma_wait3A_286 : memref<64x128xf32, #tpu.memory_space<hbm>>)
        tpu.yield
      }) : () -> ()
      %mul3A_266 = arith.constant 64 : i32
      %mul3A_267 = arith.muli %scan3A_252, %mul3A_266 : i32
      %add3A_268 = arith.addi %mul3A_212, %mul3A_267 : i32
      "tpu.region"() ({
        %run_scoped3A = tpu.sem_alloc : memref<!tpu.dma_semaphore, #tpu.memory_space<semaphore_mem>>
        %dma_start3A = arith.constant 0 : i32
        %dma_start3A_281 = tpu.memref_slice %arg8[%add3A_268, %dma_start3A] : memref<5136x16xf32, #tpu.memory_space<vmem_shared>> -> memref<64x16xf32, #tpu.memory_space<vmem_shared>>
        %dma_start3A_282 = arith.constant 0 : i32
        %dma_start3A_283 = tpu.memref_slice %arg8[%add3A_268, %dma_start3A_282] : memref<5136x16xf32, #tpu.memory_space<vmem_shared>> -> memref<64x16xf32, #tpu.memory_space<vmem_shared>>
        tpu.enqueue_dma source(%dma_start3A_283 : memref<64x16xf32, #tpu.memory_space<vmem_shared>>) target(%arg14 : memref<64x16xf32, #tpu.memory_space<vmem>>) target_semaphore(%run_scoped3A : memref<!tpu.dma_semaphore, #tpu.memory_space<semaphore_mem>>)
        %dma_wait3A = arith.constant 0 : i32
        %dma_wait3A_284 = tpu.memref_slice %arg8[%add3A_268, %dma_wait3A] : memref<5136x16xf32, #tpu.memory_space<vmem_shared>> -> memref<64x16xf32, #tpu.memory_space<vmem_shared>>
        %dma_wait3A_285 = arith.constant 0 : i32
        %dma_wait3A_286 = tpu.memref_slice %arg8[%add3A_268, %dma_wait3A_285] : memref<5136x16xf32, #tpu.memory_space<vmem_shared>> -> memref<64x16xf32, #tpu.memory_space<vmem_shared>>
        tpu.wait_dma2 semaphore(%run_scoped3A : memref<!tpu.dma_semaphore, #tpu.memory_space<semaphore_mem>>) src(%dma_wait3A_286 : memref<64x16xf32, #tpu.memory_space<vmem_shared>>) dst(%arg14 : memref<64x16xf32, #tpu.memory_space<vmem>>)
        tpu.yield
      }) : () -> ()
      %mul3A_269 = arith.constant 3 : i32
      %mul3A_270 = arith.muli %arg0, %mul3A_269 : i32
      %add3A_271 = arith.constant 2 : i32
      %add3A_272 = arith.addi %mul3A_270, %add3A_271 : i32
      %mul3A_273 = arith.constant 10240 : i32
      %mul3A_274 = arith.muli %add3A_272, %mul3A_273 : i32
      %add3A_275 = arith.constant 5120 : i32
      %add3A_276 = arith.addi %mul3A_274, %add3A_275 : i32
      %add3A_277 = arith.addi %add3A_276, %mul3A_212 : i32
      %mul3A_278 = arith.constant 64 : i32
      %mul3A_279 = arith.muli %scan3A_252, %mul3A_278 : i32
      %add3A_280 = arith.addi %add3A_277, %mul3A_279 : i32
      "tpu.region"() ({
        %run_scoped3A = tpu.sem_alloc : memref<!tpu.dma_semaphore, #tpu.memory_space<semaphore_mem>>
        %dma_start3A = arith.constant 0 : i32
        %dma_start3A_281 = tpu.memref_slice %arg6[%add3A_280, %dma_start3A] : memref<61440x16xf32, #tpu.memory_space<hbm>> -> memref<64x16xf32, #tpu.memory_space<hbm>>
        %dma_start3A_282 = arith.constant 0 : i32
        %dma_start3A_283 = tpu.memref_slice %arg6[%add3A_280, %dma_start3A_282] : memref<61440x16xf32, #tpu.memory_space<hbm>> -> memref<64x16xf32, #tpu.memory_space<hbm>>
        tpu.enqueue_dma source(%arg14 : memref<64x16xf32, #tpu.memory_space<vmem>>) target(%dma_start3A_283 : memref<64x16xf32, #tpu.memory_space<hbm>>) target_semaphore(%run_scoped3A : memref<!tpu.dma_semaphore, #tpu.memory_space<semaphore_mem>>)
        %dma_wait3A = arith.constant 0 : i32
        %dma_wait3A_284 = tpu.memref_slice %arg6[%add3A_280, %dma_wait3A] : memref<61440x16xf32, #tpu.memory_space<hbm>> -> memref<64x16xf32, #tpu.memory_space<hbm>>
        %dma_wait3A_285 = arith.constant 0 : i32
        %dma_wait3A_286 = tpu.memref_slice %arg6[%add3A_280, %dma_wait3A_285] : memref<61440x16xf32, #tpu.memory_space<hbm>> -> memref<64x16xf32, #tpu.memory_space<hbm>>
        tpu.wait_dma2 semaphore(%run_scoped3A : memref<!tpu.dma_semaphore, #tpu.memory_space<semaphore_mem>>) src(%arg14 : memref<64x16xf32, #tpu.memory_space<vmem>>) dst(%dma_wait3A_286 : memref<64x16xf32, #tpu.memory_space<hbm>>)
        tpu.yield
      }) : () -> ()
    }
    %scan3A_245 = arith.constant 5 : i32
    %scan3A_246 = arith.constant 0 : i32
    %scan3A_247 = arith.constant 64 : i32
    %scan3A_248 = arith.addi %scan3A_246, %scan3A_247 : i32
    %scan3A_249 = arith.constant 1 : i32
    scf.for %scan3A_252 = %scan3A_246 to %scan3A_248 step %scan3A_249  : i32 {
      %broadcast_in_dim3A = arith.constant 0.000000e+00 : f32
      %broadcast_in_dim3A_253 = vector.broadcast %broadcast_in_dim3A : f32 to vector<16xf32>
      %swap3A = arith.index_cast %scan3A_252 : i32 to index
      %swap3A_254 = arith.constant 0 : index
      %swap3A_255 = tpu.vector_load %arg14[%swap3A, %swap3A_254] {strides = array<i32>} : memref<64x16xf32, #tpu.memory_space<vmem>>, vector<1x16xf32>,
      %swap3A_256 = vector.shape_cast %swap3A_255 : vector<1x16xf32> to vector<16xf32>
      %swap3A_257 = vector.shape_cast %broadcast_in_dim3A_253 : vector<16xf32> to vector<1x16xf32>
      tpu.vector_store %arg14[%swap3A, %swap3A_254], %swap3A_257 {strides = array<i32>} : memref<64x16xf32, #tpu.memory_space<vmem>>, vector<1x16xf32>,
    }
    %scan3A_250 = arith.constant 64 : i32
    %barrier3A_251 = arith.constant 0 : index
    tpu.barrier barrier_id(%barrier3A_251)
    return
  }
}

#map = affine_map<(d0, d1) -> (0, 0)>
#map1 = affine_map<(d0, d1) -> (0)>
module attributes {stable_mosaic.version = 14 : i64} {
  func.func @_sc_gather_kernel(%arg0: i32, %arg1: i32, %arg2: memref<10240x128xf32, #tpu.memory_space<hbm>>, %arg3: memref<53248xi32, #tpu.memory_space<hbm>>, %arg4: memref<53248x128xf32, #tpu.memory_space<hbm>>, %arg5: memref<128xi32, #tpu.memory_space<vmem>>, %arg6: memref<128x128xf32, #tpu.memory_space<vmem>>, %arg7: memref<!tpu.dma_semaphore, #tpu.memory_space<semaphore_mem>>) attributes {dimension_semantics = [#tpu.dimension_semantics<core_parallel>, #tpu.dimension_semantics<subcore_parallel>], iteration_bounds = array<i64: 2, 16>, scalar_prefetch = 0 : i64, scratch_operands = 3 : i64, tpu.core_type = #tpu.core_type<sc_vector_subcore>, window_params = [{transform_indices = #map}, {transform_indices = #map1}, {transform_indices = #map}]} {
    %mul3A = arith.constant 2 : i32
    %mul3A_0 = arith.muli %arg1, %mul3A : i32
    %add3A = arith.addi %mul3A_0, %arg0 : i32
    %mul3A_1 = arith.constant 1664 : i32
    %mul3A_2 = arith.muli %add3A, %mul3A_1 : i32
    %scan3A = arith.constant 0 : i32
    %scan3A_3 = arith.constant 13 : i32
    %scan3A_4 = arith.addi %scan3A, %scan3A_3 : i32
    %scan3A_5 = arith.constant 1 : i32
    scf.for %scan3A_7 = %scan3A to %scan3A_4 step %scan3A_5  : i32 {
      %mul3A_8 = arith.constant 128 : i32
      %mul3A_9 = arith.muli %scan3A_7, %mul3A_8 : i32
      %add3A_10 = arith.addi %mul3A_2, %mul3A_9 : i32
      "tpu.region"() ({
        %run_scoped3A = tpu.sem_alloc : memref<!tpu.dma_semaphore, #tpu.memory_space<semaphore_mem>>
        %dma_start3A_15 = tpu.memref_slice %arg3[%add3A_10] : memref<53248xi32, #tpu.memory_space<hbm>> -> memref<128xi32, #tpu.memory_space<hbm>>
        %dma_start3A_16 = tpu.memref_slice %arg3[%add3A_10] : memref<53248xi32, #tpu.memory_space<hbm>> -> memref<128xi32, #tpu.memory_space<hbm>>
        tpu.enqueue_dma source(%dma_start3A_16 : memref<128xi32, #tpu.memory_space<hbm>>) target(%arg5 : memref<128xi32, #tpu.memory_space<vmem>>) target_semaphore(%run_scoped3A : memref<!tpu.dma_semaphore, #tpu.memory_space<semaphore_mem>>)
        %dma_wait3A_17 = tpu.memref_slice %arg3[%add3A_10] : memref<53248xi32, #tpu.memory_space<hbm>> -> memref<128xi32, #tpu.memory_space<hbm>>
        %dma_wait3A_18 = tpu.memref_slice %arg3[%add3A_10] : memref<53248xi32, #tpu.memory_space<hbm>> -> memref<128xi32, #tpu.memory_space<hbm>>
        tpu.wait_dma2 semaphore(%run_scoped3A : memref<!tpu.dma_semaphore, #tpu.memory_space<semaphore_mem>>) src(%dma_wait3A_18 : memref<128xi32, #tpu.memory_space<hbm>>) dst(%arg5 : memref<128xi32, #tpu.memory_space<vmem>>)
        tpu.yield
      }) : () -> ()
      %dma_start3A = arith.constant 0 : i32
      %dma_start3A_11 = arith.constant 0 : i32
      %dma_start3A_12 = tpu.memref_slice %arg2[%dma_start3A, %dma_start3A_11] : memref<10240x128xf32, #tpu.memory_space<hbm>> -> memref<10240x128xf32, #tpu.memory_space<hbm>>
      tpu.enqueue_indirect_dma source(%dma_start3A_12 : memref<10240x128xf32, #tpu.memory_space<hbm>>) target(%arg6 : memref<128x128xf32, #tpu.memory_space<vmem>>) offsets(%arg5 : memref<128xi32, #tpu.memory_space<vmem>>) semaphore(%arg7 : memref<!tpu.dma_semaphore, #tpu.memory_space<semaphore_mem>>)
      %dma_wait3A = arith.constant 0 : i32
      %dma_wait3A_13 = arith.constant 0 : i32
      %dma_wait3A_14 = tpu.memref_slice %arg2[%dma_wait3A, %dma_wait3A_13] : memref<10240x128xf32, #tpu.memory_space<hbm>> -> memref<10240x128xf32, #tpu.memory_space<hbm>>
      tpu.wait_indirect_dma semaphore(%arg7 : memref<!tpu.dma_semaphore, #tpu.memory_space<semaphore_mem>>) src(%dma_wait3A_14 : memref<10240x128xf32, #tpu.memory_space<hbm>>) dst(%arg6 : memref<128x128xf32, #tpu.memory_space<vmem>>)
      "tpu.region"() ({
        %run_scoped3A = tpu.sem_alloc : memref<!tpu.dma_semaphore, #tpu.memory_space<semaphore_mem>>
        %dma_start3A_15 = arith.constant 0 : i32
        %dma_start3A_16 = tpu.memref_slice %arg4[%add3A_10, %dma_start3A_15] : memref<53248x128xf32, #tpu.memory_space<hbm>> -> memref<128x128xf32, #tpu.memory_space<hbm>>
        %dma_start3A_17 = arith.constant 0 : i32
        %dma_start3A_18 = tpu.memref_slice %arg4[%add3A_10, %dma_start3A_17] : memref<53248x128xf32, #tpu.memory_space<hbm>> -> memref<128x128xf32, #tpu.memory_space<hbm>>
        tpu.enqueue_dma source(%arg6 : memref<128x128xf32, #tpu.memory_space<vmem>>) target(%dma_start3A_18 : memref<128x128xf32, #tpu.memory_space<hbm>>) target_semaphore(%run_scoped3A : memref<!tpu.dma_semaphore, #tpu.memory_space<semaphore_mem>>)
        %dma_wait3A_19 = arith.constant 0 : i32
        %dma_wait3A_20 = tpu.memref_slice %arg4[%add3A_10, %dma_wait3A_19] : memref<53248x128xf32, #tpu.memory_space<hbm>> -> memref<128x128xf32, #tpu.memory_space<hbm>>
        %dma_wait3A_21 = arith.constant 0 : i32
        %dma_wait3A_22 = tpu.memref_slice %arg4[%add3A_10, %dma_wait3A_21] : memref<53248x128xf32, #tpu.memory_space<hbm>> -> memref<128x128xf32, #tpu.memory_space<hbm>>
        tpu.wait_dma2 semaphore(%run_scoped3A : memref<!tpu.dma_semaphore, #tpu.memory_space<semaphore_mem>>) src(%arg6 : memref<128x128xf32, #tpu.memory_space<vmem>>) dst(%dma_wait3A_22 : memref<128x128xf32, #tpu.memory_space<hbm>>)
        tpu.yield
      }) : () -> ()
    }
    %scan3A_6 = arith.constant 13 : i32
    return
  }
}

module attributes {stable_mosaic.version = 14 : i64} {
  func.func @_tc_dense_kernel(%arg0: i32, %arg1: memref<1024x256xf32, #tpu.memory_space<vmem>>, %arg2: memref<3x2x1024x128xf32, #tpu.memory_space<vmem>>, %arg3: memref<3x1024x16xf32, #tpu.memory_space<vmem>>, %arg4: memref<1024x256xf32, #tpu.memory_space<vmem>>, %arg5: memref<1x256xf32, #tpu.memory_space<vmem>>, %arg6: memref<256x128xf32, #tpu.memory_space<vmem>>, %arg7: memref<1x128xf32, #tpu.memory_space<vmem>>, %arg8: memref<1024x128xf32, #tpu.memory_space<vmem>>) attributes {dimension_semantics = [#tpu.dimension_semantics<arbitrary>], iteration_bounds = array<i64: 10>, scalar_prefetch = 0 : i64, scratch_operands = 0 : i64, tpu.core_type = #tpu.core_type<tc>, window_params = [{transform_indices = @transform_0, window_bounds = array<i64: 1024, 256>}, {transform_indices = @transform_1, window_bounds = array<i64: 3, 2, 1024, 128>}, {transform_indices = @transform_2, window_bounds = array<i64: 3, 1024, 16>}, {pipeline_mode = #tpu.pipeline_mode<synchronous>, transform_indices = @transform_3, window_bounds = array<i64: 1024, 256>}, {pipeline_mode = #tpu.pipeline_mode<synchronous>, transform_indices = @transform_4, window_bounds = array<i64: 1, 256>}, {pipeline_mode = #tpu.pipeline_mode<synchronous>, transform_indices = @transform_5, window_bounds = array<i64: 256, 128>}, {pipeline_mode = #tpu.pipeline_mode<synchronous>, transform_indices = @transform_6, window_bounds = array<i64: 1, 128>}, {transform_indices = @transform_7, window_bounds = array<i64: 1024, 128>}]} {
    %get3A = arith.constant 0 : index
    %get3A_0 = arith.constant 0 : index
    %get3A_1 = vector.load %arg1[%get3A, %get3A_0] : memref<1024x256xf32, #tpu.memory_space<vmem>>, vector<1024x256xf32>
    %get3A_2 = arith.constant 0 : index
    %get3A_3 = arith.constant 0 : index
    %get3A_4 = vector.load %arg4[%get3A_2, %get3A_3] : memref<1024x256xf32, #tpu.memory_space<vmem>>, vector<256x256xf32>
    %dot_general3A = arith.constant dense<0.000000e+00> : vector<1024x256xf32>
    %dot_general3A_5 = tpu.matmul %get3A_1, %get3A_4, %dot_general3A {dimension_numbers = #tpu.dot_dimension_numbers<[1], [0], [0], [1], [0, 0, 1, 1], [], []>, transpose_lhs_hint = false} : vector<1024x256xf32>, vector<256x256xf32>, vector<1024x256xf32> -> vector<1024x256xf32>
    %get3A_6 = arith.constant 0 : index
    %get3A_7 = arith.constant 0 : index
    %get3A_8 = arith.constant 0 : index
    %get3A_9 = vector.load %arg3[%get3A_6, %get3A_7, %get3A_8] : memref<3x1024x16xf32, #tpu.memory_space<vmem>>, vector<1x1024x1xf32>
    %get3A_10 = vector.shape_cast %get3A_9 : vector<1x1024x1xf32> to vector<1024x1xf32>
    %max3A = arith.constant 1.000000e+00 : f32
    %max3A_11 = vector.broadcast %max3A : f32 to vector<1024x1xf32>
    %max3A_12 = arith.maximumf %get3A_10, %max3A_11 : vector<1024x1xf32>
    %get3A_13 = arith.constant 0 : index
    %get3A_14 = arith.constant 0 : index
    %get3A_15 = arith.constant 0 : index
    %get3A_16 = arith.constant 0 : index
    %get3A_17 = vector.load %arg2[%get3A_13, %get3A_14, %get3A_15, %get3A_16] : memref<3x2x1024x128xf32, #tpu.memory_space<vmem>>, vector<1x1x1024x128xf32>
    %get3A_18 = vector.shape_cast %get3A_17 : vector<1x1x1024x128xf32> to vector<1024x128xf32>
    %div3A = vector.broadcast %max3A_12 : vector<1024x1xf32> to vector<1024x128xf32>
    %div3A_19 = arith.divf %get3A_18, %div3A : vector<1024x128xf32>
    %get3A_20 = arith.constant 0 : index
    %get3A_21 = arith.constant 1 : index
    %get3A_22 = arith.constant 0 : index
    %get3A_23 = arith.constant 0 : index
    %get3A_24 = vector.load %arg2[%get3A_20, %get3A_21, %get3A_22, %get3A_23] : memref<3x2x1024x128xf32, #tpu.memory_space<vmem>>, vector<1x1x1024x128xf32>
    %get3A_25 = vector.shape_cast %get3A_24 : vector<1x1x1024x128xf32> to vector<1024x128xf32>
    %div3A_26 = vector.broadcast %max3A_12 : vector<1024x1xf32> to vector<1024x128xf32>
    %div3A_27 = arith.divf %get3A_25, %div3A_26 : vector<1024x128xf32>
    %get3A_28 = arith.constant 256 : index
    %get3A_29 = arith.constant 0 : index
    %get3A_30 = vector.load %arg4[%get3A_28, %get3A_29] : memref<1024x256xf32, #tpu.memory_space<vmem>>, vector<128x256xf32>
    %dot_general3A_31 = arith.constant dense<0.000000e+00> : vector<1024x256xf32>
    %dot_general3A_32 = tpu.matmul %div3A_19, %get3A_30, %dot_general3A_31 {dimension_numbers = #tpu.dot_dimension_numbers<[1], [0], [0], [1], [0, 0, 1, 1], [], []>, transpose_lhs_hint = false} : vector<1024x128xf32>, vector<128x256xf32>, vector<1024x256xf32> -> vector<1024x256xf32>
    %add3A = arith.addf %dot_general3A_5, %dot_general3A_32 : vector<1024x256xf32>
    %get3A_33 = arith.constant 384 : index
    %get3A_34 = arith.constant 0 : index
    %get3A_35 = vector.load %arg4[%get3A_33, %get3A_34] : memref<1024x256xf32, #tpu.memory_space<vmem>>, vector<128x256xf32>
    %dot_general3A_36 = arith.constant dense<0.000000e+00> : vector<1024x256xf32>
    %dot_general3A_37 = tpu.matmul %div3A_27, %get3A_35, %dot_general3A_36 {dimension_numbers = #tpu.dot_dimension_numbers<[1], [0], [0], [1], [0, 0, 1, 1], [], []>, transpose_lhs_hint = false} : vector<1024x128xf32>, vector<128x256xf32>, vector<1024x256xf32> -> vector<1024x256xf32>
    %add3A_38 = arith.addf %add3A, %dot_general3A_37 : vector<1024x256xf32>
    %get3A_39 = arith.constant 1 : index
    %get3A_40 = arith.constant 0 : index
    %get3A_41 = arith.constant 0 : index
    %get3A_42 = vector.load %arg3[%get3A_39, %get3A_40, %get3A_41] : memref<3x1024x16xf32, #tpu.memory_space<vmem>>, vector<1x1024x1xf32>
    %get3A_43 = vector.shape_cast %get3A_42 : vector<1x1024x1xf32> to vector<1024x1xf32>
    %max3A_44 = arith.constant 1.000000e+00 : f32
    %max3A_45 = vector.broadcast %max3A_44 : f32 to vector<1024x1xf32>
    %max3A_46 = arith.maximumf %get3A_43, %max3A_45 : vector<1024x1xf32>
    %get3A_47 = arith.constant 1 : index
    %get3A_48 = arith.constant 0 : index
    %get3A_49 = arith.constant 0 : index
    %get3A_50 = arith.constant 0 : index
    %get3A_51 = vector.load %arg2[%get3A_47, %get3A_48, %get3A_49, %get3A_50] : memref<3x2x1024x128xf32, #tpu.memory_space<vmem>>, vector<1x1x1024x128xf32>
    %get3A_52 = vector.shape_cast %get3A_51 : vector<1x1x1024x128xf32> to vector<1024x128xf32>
    %div3A_53 = vector.broadcast %max3A_46 : vector<1024x1xf32> to vector<1024x128xf32>
    %div3A_54 = arith.divf %get3A_52, %div3A_53 : vector<1024x128xf32>
    %get3A_55 = arith.constant 1 : index
    %get3A_56 = arith.constant 1 : index
    %get3A_57 = arith.constant 0 : index
    %get3A_58 = arith.constant 0 : index
    %get3A_59 = vector.load %arg2[%get3A_55, %get3A_56, %get3A_57, %get3A_58] : memref<3x2x1024x128xf32, #tpu.memory_space<vmem>>, vector<1x1x1024x128xf32>
    %get3A_60 = vector.shape_cast %get3A_59 : vector<1x1x1024x128xf32> to vector<1024x128xf32>
    %div3A_61 = vector.broadcast %max3A_46 : vector<1024x1xf32> to vector<1024x128xf32>
    %div3A_62 = arith.divf %get3A_60, %div3A_61 : vector<1024x128xf32>
    %get3A_63 = arith.constant 512 : index
    %get3A_64 = arith.constant 0 : index
    %get3A_65 = vector.load %arg4[%get3A_63, %get3A_64] : memref<1024x256xf32, #tpu.memory_space<vmem>>, vector<128x256xf32>
    %dot_general3A_66 = arith.constant dense<0.000000e+00> : vector<1024x256xf32>
    %dot_general3A_67 = tpu.matmul %div3A_54, %get3A_65, %dot_general3A_66 {dimension_numbers = #tpu.dot_dimension_numbers<[1], [0], [0], [1], [0, 0, 1, 1], [], []>, transpose_lhs_hint = false} : vector<1024x128xf32>, vector<128x256xf32>, vector<1024x256xf32> -> vector<1024x256xf32>
    %add3A_68 = arith.addf %add3A_38, %dot_general3A_67 : vector<1024x256xf32>
    %get3A_69 = arith.constant 640 : index
    %get3A_70 = arith.constant 0 : index
    %get3A_71 = vector.load %arg4[%get3A_69, %get3A_70] : memref<1024x256xf32, #tpu.memory_space<vmem>>, vector<128x256xf32>
    %dot_general3A_72 = arith.constant dense<0.000000e+00> : vector<1024x256xf32>
    %dot_general3A_73 = tpu.matmul %div3A_62, %get3A_71, %dot_general3A_72 {dimension_numbers = #tpu.dot_dimension_numbers<[1], [0], [0], [1], [0, 0, 1, 1], [], []>, transpose_lhs_hint = false} : vector<1024x128xf32>, vector<128x256xf32>, vector<1024x256xf32> -> vector<1024x256xf32>
    %add3A_74 = arith.addf %add3A_68, %dot_general3A_73 : vector<1024x256xf32>
    %get3A_75 = arith.constant 2 : index
    %get3A_76 = arith.constant 0 : index
    %get3A_77 = arith.constant 0 : index
    %get3A_78 = vector.load %arg3[%get3A_75, %get3A_76, %get3A_77] : memref<3x1024x16xf32, #tpu.memory_space<vmem>>, vector<1x1024x1xf32>
    %get3A_79 = vector.shape_cast %get3A_78 : vector<1x1024x1xf32> to vector<1024x1xf32>
    %max3A_80 = arith.constant 1.000000e+00 : f32
    %max3A_81 = vector.broadcast %max3A_80 : f32 to vector<1024x1xf32>
    %max3A_82 = arith.maximumf %get3A_79, %max3A_81 : vector<1024x1xf32>
    %get3A_83 = arith.constant 2 : index
    %get3A_84 = arith.constant 0 : index
    %get3A_85 = arith.constant 0 : index
    %get3A_86 = arith.constant 0 : index
    %get3A_87 = vector.load %arg2[%get3A_83, %get3A_84, %get3A_85, %get3A_86] : memref<3x2x1024x128xf32, #tpu.memory_space<vmem>>, vector<1x1x1024x128xf32>
    %get3A_88 = vector.shape_cast %get3A_87 : vector<1x1x1024x128xf32> to vector<1024x128xf32>
    %div3A_89 = vector.broadcast %max3A_82 : vector<1024x1xf32> to vector<1024x128xf32>
    %div3A_90 = arith.divf %get3A_88, %div3A_89 : vector<1024x128xf32>
    %get3A_91 = arith.constant 2 : index
    %get3A_92 = arith.constant 1 : index
    %get3A_93 = arith.constant 0 : index
    %get3A_94 = arith.constant 0 : index
    %get3A_95 = vector.load %arg2[%get3A_91, %get3A_92, %get3A_93, %get3A_94] : memref<3x2x1024x128xf32, #tpu.memory_space<vmem>>, vector<1x1x1024x128xf32>
    %get3A_96 = vector.shape_cast %get3A_95 : vector<1x1x1024x128xf32> to vector<1024x128xf32>
    %div3A_97 = vector.broadcast %max3A_82 : vector<1024x1xf32> to vector<1024x128xf32>
    %div3A_98 = arith.divf %get3A_96, %div3A_97 : vector<1024x128xf32>
    %get3A_99 = arith.constant 768 : index
    %get3A_100 = arith.constant 0 : index
    %get3A_101 = vector.load %arg4[%get3A_99, %get3A_100] : memref<1024x256xf32, #tpu.memory_space<vmem>>, vector<128x256xf32>
    %dot_general3A_102 = arith.constant dense<0.000000e+00> : vector<1024x256xf32>
    %dot_general3A_103 = tpu.matmul %div3A_90, %get3A_101, %dot_general3A_102 {dimension_numbers = #tpu.dot_dimension_numbers<[1], [0], [0], [1], [0, 0, 1, 1], [], []>, transpose_lhs_hint = false} : vector<1024x128xf32>, vector<128x256xf32>, vector<1024x256xf32> -> vector<1024x256xf32>
    %add3A_104 = arith.addf %add3A_74, %dot_general3A_103 : vector<1024x256xf32>
    %get3A_105 = arith.constant 896 : index
    %get3A_106 = arith.constant 0 : index
    %get3A_107 = vector.load %arg4[%get3A_105, %get3A_106] : memref<1024x256xf32, #tpu.memory_space<vmem>>, vector<128x256xf32>
    %dot_general3A_108 = arith.constant dense<0.000000e+00> : vector<1024x256xf32>
    %dot_general3A_109 = tpu.matmul %div3A_98, %get3A_107, %dot_general3A_108 {dimension_numbers = #tpu.dot_dimension_numbers<[1], [0], [0], [1], [0, 0, 1, 1], [], []>, transpose_lhs_hint = false} : vector<1024x128xf32>, vector<128x256xf32>, vector<1024x256xf32> -> vector<1024x256xf32>
    %add3A_110 = arith.addf %add3A_104, %dot_general3A_109 : vector<1024x256xf32>
    %get3A_111 = arith.constant 0 : index
    %get3A_112 = arith.constant 0 : index
    %get3A_113 = vector.load %arg5[%get3A_111, %get3A_112] : memref<1x256xf32, #tpu.memory_space<vmem>>, vector<1x256xf32>
    %add3A_114 = vector.broadcast %get3A_113 : vector<1x256xf32> to vector<1024x256xf32>
    %add3A_115 = arith.addf %add3A_110, %add3A_114 : vector<1024x256xf32>
    %tanh3A = math.tanh %add3A_115 : vector<1024x256xf32>
    %get3A_116 = arith.constant 0 : index
    %get3A_117 = arith.constant 0 : index
    %get3A_118 = vector.load %arg6[%get3A_116, %get3A_117] : memref<256x128xf32, #tpu.memory_space<vmem>>, vector<256x128xf32>
    %dot_general3A_119 = arith.constant dense<0.000000e+00> : vector<1024x128xf32>
    %dot_general3A_120 = tpu.matmul %tanh3A, %get3A_118, %dot_general3A_119 {dimension_numbers = #tpu.dot_dimension_numbers<[1], [0], [0], [1], [0, 0, 1, 1], [], []>, transpose_lhs_hint = false} : vector<1024x256xf32>, vector<256x128xf32>, vector<1024x128xf32> -> vector<1024x128xf32>
    %get3A_121 = arith.constant 0 : index
    %get3A_122 = arith.constant 0 : index
    %get3A_123 = vector.load %arg7[%get3A_121, %get3A_122] : memref<1x128xf32, #tpu.memory_space<vmem>>, vector<1x128xf32>
    %add3A_124 = vector.broadcast %get3A_123 : vector<1x128xf32> to vector<1024x128xf32>
    %add3A_125 = arith.addf %dot_general3A_120, %add3A_124 : vector<1024x128xf32>
    %swap3A = arith.constant 0 : index
    %swap3A_126 = arith.constant 0 : index
    %swap3A_127 = vector.load %arg8[%swap3A, %swap3A_126] : memref<1024x128xf32, #tpu.memory_space<vmem>>, vector<1024x128xf32>
    tpu.vector_store %arg8[%swap3A, %swap3A_126], %add3A_125 {strides = array<i32>} : memref<1024x128xf32, #tpu.memory_space<vmem>>, vector<1024x128xf32>,
    return
  }
  func.func @transform_0(%arg0: i32) -> (i32, i32) {
    %c0_i32 = arith.constant 0 : i32
    %c0_i32_0 = arith.constant 0 : i32
    return %arg0, %c0_i32 : i32, i32
  }
  func.func @transform_1(%arg0: i32) -> (i32, i32, i32, i32) {
    %c0_i32 = arith.constant 0 : i32
    %c0_i32_0 = arith.constant 0 : i32
    %c0_i32_1 = arith.constant 0 : i32
    %c0_i32_2 = arith.constant 0 : i32
    return %c0_i32, %c0_i32_0, %arg0, %c0_i32_1 : i32, i32, i32, i32
  }
  func.func @transform_2(%arg0: i32) -> (i32, i32, i32) {
    %c0_i32 = arith.constant 0 : i32
    %c0_i32_0 = arith.constant 0 : i32
    %c0_i32_1 = arith.constant 0 : i32
    return %c0_i32, %arg0, %c0_i32_0 : i32, i32, i32
  }
  func.func @transform_3(%arg0: i32) -> (i32, i32) {
    %c0_i32 = arith.constant 0 : i32
    %c0_i32_0 = arith.constant 0 : i32
    %c0_i32_1 = arith.constant 0 : i32
    return %c0_i32, %c0_i32_0 : i32, i32
  }
  func.func @transform_4(%arg0: i32) -> (i32, i32) {
    %c0_i32 = arith.constant 0 : i32
    %c0_i32_0 = arith.constant 0 : i32
    %c0_i32_1 = arith.constant 0 : i32
    return %c0_i32, %c0_i32_0 : i32, i32
  }
  func.func @transform_5(%arg0: i32) -> (i32, i32) {
    %c0_i32 = arith.constant 0 : i32
    %c0_i32_0 = arith.constant 0 : i32
    %c0_i32_1 = arith.constant 0 : i32
    return %c0_i32, %c0_i32_0 : i32, i32
  }
  func.func @transform_6(%arg0: i32) -> (i32, i32) {
    %c0_i32 = arith.constant 0 : i32
    %c0_i32_0 = arith.constant 0 : i32
    %c0_i32_1 = arith.constant 0 : i32
    return %c0_i32, %c0_i32_0 : i32, i32
  }
  func.func @transform_7(%arg0: i32) -> (i32, i32) {
    %c0_i32 = arith.constant 0 : i32
    %c0_i32_0 = arith.constant 0 : i32
    return %arg0, %c0_i32 : i32, i32
  }
}

</mosaic_0001>

<sc_bundles>
// kernel: kernel.5.cloned.1.call-start
scs
__scs_entry_jumppad:
0x0: {  	(pc) =	sbr.rel $0x88, $3  }
0x1: {  	(tag) =	ssettag $0x0;
	lr =	simm.s32 $0x1  }
0x2: {  	[smem:$0x3F98] =	sst lr;
	_ =	strace $0xD0000000  }
0x3: {  	_ = 	snop  }
0x4: {  	_ = 	snop  }
0x5: {  	_ = 	snop  }
0x6: {  	_ = 	snop  }
0x7: {  	_ = 	snop  }
__scs_overlays_trampoline_lowered:
0x8: {  	[smem:$0x3FA7] =	sst s0  }
0x9: {  	[smem:$0x3FA8] =	sst s1  }
0xa: {  	[smem:$0x3FA9] =	sst s2  }
0xb: {  	[smem:$0x3FAA] =	sst s3  }
0xc: {  	[smem:$0x3FAB] =	sst s4  }
0xd: {  	[smem:$0x3FAC] =	sst s5  }
0xe: {  	[smem:$0x3FAD] =	sst s6  }
0xf: {  	[smem:$0x3FAE] =	sst s7  }
0x10: {  	[smem:$0x3FAF] =	sst s8  }
0x11: {  	[smem:$0x3FB0] =	sst s9;
	s0 =	simm.s32 @!p0 $0x0  }
0x12: {  	s1 =	sld [smem:$0x3F96];
	s0 =	simm.s32 @p0 $0x1  }
0x13: {  	[smem:$0x3FB1] =	sst s0;
	s0 =	simm.s32 @!p1 $0x0  }
0x14: {  	s2 =	sld [smem:$0x3F95];
	s0 =	simm.s32 @p1 $0x1  }
0x15: {  	[smem:$0x3FB2] =	sst s0;
	s0 =	simm.s32 @!p2 $0x0  }
0x16: {  	s3 =	sld [smem:$0x3FDB];
	s0 =	simm.s32 @p2 $0x1  }
0x17: {  	s4 =	simm.s32 $0x1BF5;
	[smem:$0x3FB4] =	sst s0  }
0x18: {  	s0 =	sld [smem:$0x3F97];
	_ =	swait.ge [sflag:s4], $0x0  }
0x19: {  	s7 =	sld [smem:$0x3F98]  }
0x1a: {  	s8 =	sadd.s32 $0xFFFFE003, lr  }
0x1b: {  	s9 =	sadd.s32 $0xFFFFFEF7, lr;
	s5 =	simm.s32 $0xFFFFFFFF;
	p2 =	slt.u32 s8, $0xFFFFF086  }
0x1c: {  	p1 =	slt.u32 s9, $0xF7A;
	s5 =	simm.s32 @!p2 $0x0  }
0x1d: {  	s5 =	simm.s32 @p1 $0x1;
	p0 =	seq.s32 s7, s2  }
0x1e: {  	s7 =	smul.u32 @!p0 $0xF7A, s2;
	p2 =	seq.s32 @!p0 s5, $0x0  }
0x1f: {  	s9 =	smul.u32 $0xF7A, s1;
	s8 =	simm.s32 @!p0 $0x1BF5;
	p2 =	por !p2, p0  }
0x20: {  	[sflag:s8] =	ssyncset.s32 @!p0 $0xFFFFF086;
	s6 =	sadd.s32 @!p0 s3, s7;
	s7 =	simm.s32 @!p0 $0x108  }
0x21: {  	s3 =	sadd.s32 s3, s9;
	s6 =	sadd.s32 @!p0 $0x88, s6;
	s7 =	simm.s32 @p2 $0x1082  }
0x22: {  	[simem:s7], [sflag:s8] =	dma.local @!p0 [hbm:s6], $0xF7A  }
0x23: {  	s9 =	sor.u32 $0xD0000000, s2;
	s6 =	simm.s32 $0x108;
	_ =	swait.ge @!p0 [sflag:s8], $0x0  }
0x24: {  	s3 =	sadd.s32 $0x88, s3;
	s6 =	simm.s32 @!p1 $0x1082;
	[sflag:s4] =	ssyncset.s32 $0xFFFFF086  }
0x25: {  	[simem:s6], [sflag:s4] =	dma.local [hbm:s3], $0xF7A  }
0x26: {  	[smem:$0x3F98] =	sst s1;
	(tag) =	ssettag s2;
	_ =	strace s9  }
0x27: {  	s1 =	sld [smem:$0x3FA8]  }
0x28: {  	s2 =	sld [smem:$0x3FA9]  }
0x29: {  	s4 =	sld [smem:$0x3FAB]  }
0x2a: {  	p0 =	seq.s32 s5, $0x0;
	s5 =	sld [smem:$0x3FAC]  }
0x2b: {  	s6 =	sld [smem:$0x3FAD]  }
0x2c: {  	s7 =	sld [smem:$0x3FAE]  }
0x2d: {  	s3 =	simm.s32 $0x108;
	s8 =	sld [smem:$0x3FAF]  }
0x2e: {  	s3 =	simm.s32 @!p0 $0x1082;
	s9 =	sld [smem:$0x3FB0]  }
0x2f: {  	lr =	sadd.s32 s0, s3;
	s0 =	sld [smem:$0x3FA7]  }
0x30: {  	s3 =	sld [smem:$0x3FAA]  }
0x31: {  	[smem:$0x3FB3] =	sst s10  }
0x32: {  	s10 =	sld [smem:$0x3FB1];
	_ =	sdelay $0x3  }
0x33: {  	p0 =	seq.s32 s10, $0x1;
	s10 =	sld [smem:$0x3FB3];
	_ =	sdelay $0x3  }
0x34: {  	[smem:$0x3FB3] =	sst s10  }
0x35: {  	s10 =	sld [smem:$0x3FB2];
	_ =	sdelay $0x3  }
0x36: {  	p1 =	seq.s32 s10, $0x1;
	s10 =	sld [smem:$0x3FB3];
	_ =	sdelay $0x3  }
0x37: {  	[smem:$0x3FB3] =	sst s10  }
0x38: {  	s10 =	sld [smem:$0x3FB4]  }
0x39: {  	_ = 	snop;
	(pc) =	sbr.ind lr, $3  }
0x3a: {  	_ = 	snop  }
0x3b: {  	_ = 	snop  }
0x3c: {  	p2 =	seq.s32 s10, $0x1;
	s10 =	sld [smem:$0x3FB3]  }
0x3d: {  	_ =	shalt  }
0x3e: {  	_ =	shalt  }
0x3f: {  	_ =	shalt  }
0x40: {  	_ =	shalt  }
0x41: {  	_ =	shalt  }
0x42: {  	_ =	shalt  }
0x43: {  	_ =	shalt  }
0x44: {  	_ =	shalt  }
0x45: {  	_ =	shalt  }
0x46: {  	_ =	shalt  }
0x47: {  	_ =	shalt  }
0x48: {  	_ =	shalt  }
0x49: {  	_ =	shalt  }
0x4a: {  	_ =	shalt  }
0x4b: {  	_ =	shalt  }
0x4c: {  	_ =	shalt  }
0x4d: {  	_ =	shalt  }
0x4e: {  	_ =	shalt  }
0x4f: {  	_ =	shalt  }
0x50: {  	_ =	shalt  }
0x51: {  	_ =	shalt  }
0x52: {  	_ =	shalt  }
0x53: {  	_ =	shalt  }
0x54: {  	_ =	shalt  }
0x55: {  	_ =	shalt  }
0x56: {  	_ =	shalt  }
0x57: {  	_ =	shalt  }
0x58: {  	_ =	shalt  }
0x59: {  	_ =	shalt  }
0x5a: {  	_ =	shalt  }
0x5b: {  	_ =	shalt  }
0x5c: {  	_ =	shalt  }
0x5d: {  	_ =	shalt  }
0x5e: {  	_ =	shalt  }
0x5f: {  	_ =	shalt  }
0x60: {  	_ =	shalt  }
0x61: {  	_ =	shalt  }
0x62: {  	_ =	shalt  }
0x63: {  	_ =	shalt  }
0x64: {  	_ =	shalt  }
0x65: {  	_ =	shalt  }
0x66: {  	_ =	shalt  }
0x67: {  	_ =	shalt  }
0x68: {  	_ =	shalt  }
0x69: {  	_ =	shalt  }
0x6a: {  	_ =	shalt  }
0x6b: {  	_ =	shalt  }
0x6c: {  	_ =	shalt  }
0x6d: {  	_ =	shalt  }
0x6e: {  	_ =	shalt  }
0x6f: {  	_ =	shalt  }
0x70: {  	_ =	shalt  }
0x71: {  	_ =	shalt  }
0x72: {  	_ =	shalt  }
0x73: {  	_ =	shalt  }
0x74: {  	_ =	shalt  }
0x75: {  	_ =	shalt  }
0x76: {  	_ =	shalt  }
0x77: {  	_ =	shalt  }
0x78: {  	_ =	shalt  }
0x79: {  	_ =	shalt  }
0x7a: {  	_ =	shalt  }
0x7b: {  	_ =	shalt  }
0x7c: {  	_ =	shalt  }
0x7d: {  	_ =	shalt  }
0x7e: {  	_ =	shalt  }
0x7f: {  	_ =	shalt  }
0x80: {  	_ =	shalt  }
0x81: {  	_ =	shalt  }
0x82: {  	_ =	shalt  }
0x83: {  	_ =	shalt  }
0x84: {  	_ =	shalt  }
0x85: {  	_ =	shalt  }
0x86: {  	_ =	shalt  }
0x87: {  	_ =	shalt  }
.Lfunc_end0:
.L_simem_size_0:
called_computation_lowered:
.L_overlay_start_0:
0x88: {  	s2 =	sld [smem:$0x3FD9]  }
0x89: {  	s3 =	sld [smem:$0x3FFE];
	_ =	sdelay $0x1  }
0x8a: {  	s1 =	srdreg.scid  }
0x8b: {  	s0 =	sand.u32 $0x1, s1  }
0x8c: {  	s17 =	sshll.u32 s0, $0xA;
	s2 =	sadd.s32 s3, s2  }
0x8d: {  	s2 =	sadd.s32 s2, s17  }
0x8e: {  	[smem:$0x3FBF] =	sst s2  }
0x8f: {  	_ = 	snop  }
0x90: {  	s2 =	sld [smem:$0x3FD0];
	(tm) =	ssettm $0x1  }
0x91: {  	s18 =	sld [smem:$0x3FFB];
	_ =	sdelay $0x3  }
0x92: {  	_ =	strace s18  }
0x93: {  	s3 =	sld [smem:$0x3FFC];
	_ =	sdelay $0x3  }
0x94: {  	_ =	strace s3  }
0x95: {  	s3 =	sld [smem:$0x3FFD];
	_ =	sdelay $0x3  }
0x96: {  	_ =	strace s3  }
0x97: {  	_ =	strace $0x8FFFFFFF  }
0x98: {  	s19 =	sld [smem:$0x3FDB];
	_ =	sdelay $0x1  }
0x99: {  	s4 =	simm.s32 $_scs_section_size  }
0x9a: {  	s5 =	simm.s32 $_size__tile_overlayer_lowered;
	s6 =	simm.s32 $_tile_overlayer_lowered  }
0x9b: {  	s22 =	simm.s32 $0x1BFF;
	s21 =	sshll.u32 s6, $0x1;
	s3 =	sadd.s32 s4, s19  }
0x9c: {  	s7 =	simm.s32 $0x0;
	s20 =	sshll.u32 s5, $0x1;
	s5 =	sadd.s32 s21, s3  }
0x9d: {  	[timem:s7], [sflag:s22] =	dma.local [hbm:s5], s20  }
0x9e: {  	_ =	swait.ge [sflag:s22], s20  }
0x9f: {  	s4 =	ssub.s32 $0x0, s20;
	[sflag:s22] =	ssyncset.done $0x0  }
0xa0: {  	[sflag:s22] =	ssyncadd.s32 s4;
	_ =	sdelay $0x1  }
0xa1: {  	s23 =	simm.s32 $0x1B8B  }
0xa2: {  	_ =	swait.ge [sflag:s23], $0x1  }
0xa3: {  	[sflag:s23] =	ssyncset.done $0x0  }
0xa4: {  	s25 =	simm.s32 $0x1B8E;
	s24 =	sld [smem:$0x3FFE];
	[sflag:s23] =	ssyncadd.s32 $0xFFFFFFFF  }
0xa5: {  	s26 =	simm.s32 $execute0_lowered;
	[smem:$0x3FD2] =	sst s25  }
0xa6: {  	s5 =	sshll.u32 s26, $0x1;
	_ =	strace $0x80000046;
	[dreg:$0x1] =	wrdreg $0xFFFFFFFF  }
0xa7: {  	s28 =	simm.s32 $_size_execute0_lowered;
	s3 =	sadd.s32 s3, s5;
	[dreg:$0x0] =	wrdreg $0x0  }
0xa8: {  	s5 =	sshll.u32 s28, $0x1;
	[dreg:$0x2] =	wrdreg s3  }
0xa9: {  	[dreg:$0x3] =	wrdreg s5  }
0xaa: {  	[dreg:$0x4] =	wrdreg $0xC0  }
0xab: {  	_ =	task [dreg:s7], $0x5FFFF  }
0xac: {  	[dreg:$0x1] =	wrdreg $0xFFFFFFFF  }
0xad: {  	[dreg:$0x0] =	wrdreg $0x60  }
0xae: {  	[dreg:$0x2] =	wrdreg s2  }
0xaf: {  	[dreg:$0x3] =	wrdreg s24  }
0xb0: {  	[dreg:$0x4] =	wrdreg $0x0  }
0xb1: {  	[dreg:$0x5] =	wrdreg $0xA0800  }
0xb2: {  	[dreg:$0x6] =	wrdreg $0x9  }
0xb3: {  	_ =	task.clear_ibuf [dreg:s7], $0x7FFFF;
	_ =	strace $0x90000046  }
0xb4: {  	s29 =	simm.s32 $0x9;
	_ =	strace $0x80000048  }
0xb5: {  	_ =	swait.ge [sflag:s29], $0x1  }
0xb6: {  	[sflag:s29] =	ssyncadd.s32 $0xFFFFFFFF  }
0xb7: {  	_ =	strace $0x90000048  }
0xb8: {  	_ =	sfence  }
0xb9: {  	s30 =	sld [smem:$0x0];
	_ =	sdelay $0x2  }
0xba: {  	s31 =	sshll.u32 s1, $0xD;
	s1 =	sshrl.u32 s1, $0x2  }
0xbb: {  	s3 =	sand.u32 $0x4000, s31;
	s1 =	sadd.s32 s1, s30  }
0xbc: {  	s0 =	sor.u32 s3, s0;
	s1 =	sshll.u32 s1, $0x11  }
0xbd: {  	s0 =	sor.u32 s1, s0  }
0xbe: {  	s0 =	sadd.s32 $0x8F2B, s0  }
0xbf: {  	[sflag:s0] =	ssyncadd.remote.s32 $0x1  }
0xc0: {  	_ =	sfence.sel $0xFFFF  }
0xc1: {  	[dreg:$0x0] =	wrdreg $0xFFFFFFFF;
	(pc) =	sbr.abs _section_cstart, $3  }
0xc2: {  	[dreg:$0x1] =	wrdreg $0xFFFFFFFF  }
0xc3: {  	_ =	task.clear_ibuf [dreg:s7], $0x2FFFF;
	_ =	strace $0x9FFFFFFF  }
0xc4: {  	(tm) =	ssettm $0x7FFFFFFF  }
0xc5: {  	_ =	shalt  }
tec
execute0_lowered:
.L_overlay_start_1:
0x0: {  	(tag) =	ssettag $0x1  }
0x1: {  	s1 =	rddreg [dreg:$0x0]  }
0x2: {  	s0 =	srdreg.scid;
	s12 =	stileid.u32  }
0x3: {  	s2 =	rddreg [dreg:$0x1];
	s7 =	smul.u32 $0x2800, s12  }
0x4: {  	s3 =	rddreg [dreg:$0x2];
	s24 =	smul.u32 $0x500, s12  }
0x5: {  	s4 =	rddreg [dreg:$0x3];
	s9 =	smul.u32 $0x140, s12  }
0x6: {  	s5 =	simm.s32 $0x0;
	s0 =	sand.u32 $0x1, s0;
	s14 =	smul.u32 $0xA000, s12  }
0x7: {  	[smem:$0x7FF] =	sst s5;
	s6 =	smul.u32 $0x78000, s0  }
0x8: {  	s13 =	sadd.s32 $0x11DE00, s2;
	s8 =	ssub.s32 $0x2, s0;
	s11 =	smul.u32 $0x2800, s0  }
0x9: {  	_ =	strace $0x80000047;
	s0 =	smul.u32 $0x7800, s0;
	s10 =	sshrl.u32 s8, $0x1  }
0xa: {  	s26 =	sadd.s32 $0x1400, s9;
	s17 =	sadd.s32 $0x5000, s9;
	s18 =	sadd.s32 s14, s4  }
0xb: {  	s6 =	sadd.s32 s7, s6;
	s7 =	sadd.s32 s24, s2;
	s8 =	ssub.s32 s8, s10  }
0xc: {  	s25 =	sadd.s32 s11, s9;
	s15 =	sadd.s32 s0, s9;
	s16 =	sadd.s32 s26, s11  }
0xd: {  	s23 =	sadd.s32 s26, s0;
	s19 =	sadd.s32 s17, s11;
	s9 =	sadd.s32 $0x6400, s9  }
0xe: {  	s17 =	sadd.s32 s17, s0;
	[dreg:$0x6] =	wrdreg s18;
	s24 =	sadd.s32 $0x6000, s14  }
0xf: {  	s6 =	sshrl.u32 s6, $0x3;
	s20 =	sadd.s32 s9, s11;
	s0 =	sadd.s32 s9, s0  }
0x10: {  	s8 =	smax.u32 s8, $0x1;
	s9 =	sadd.s32 s14, s3;
	s11 =	sadd.s32 $0x2000, s14  }
0x11: {  	s15 =	sshll.u32 s15, $0x4;
	s16 =	sshll.u32 s16, $0x4;
	s19 =	sshll.u32 s19, $0x4  }
0x12: {  	s26 =	sshll.u32 s17, $0x4;
	s29 =	sadd.s32 $0xE00, s7;
	s30 =	sadd.s32 $0x5E00, s7  }
0x13: {  	s31 =	sadd.s32 $0xAE00, s7;
	s6 =	sadd.s32 s6, s2;
	s2 =	sadd.s32 $0x2DE00, s2  }
0x14: {  	[dreg:$0x5] =	wrdreg s8;
	s21 =	sadd.s32 s11, s3;
	s22 =	sadd.s32 s11, s4  }
0x15: {  	s20 =	sshll.u32 s20, $0x4;
	s10 =	sadd.s32 s13, s16;
	s19 =	sadd.s32 s13, s19  }
0x16: {  	s0 =	sshll.u32 s0, $0x4;
	[dreg:$0x7] =	wrdreg s21;
	s21 =	sadd.s32 $0x4000, s14  }
0x17: {  	[dreg:$0x8] =	wrdreg s22;
	s22 =	sshll.u32 s25, $0x4;
	s20 =	sadd.s32 s13, s20  }
0x18: {  	s14 =	sadd.s32 $0x8000, s14;
	s18 =	sadd.s32 s2, s15;
	[dreg:$0xa] =	wrdreg s10  }
0x19: {  	s25 =	sshll.u32 s23, $0x4;
	s16 =	sadd.s32 s2, s26;
	[dreg:$0xb] =	wrdreg s19  }
0x1a: {  	s0 =	sadd.s32 s2, s0;
	s11 =	sadd.s32 s21, s3;
	[dreg:$0xc] =	wrdreg s20  }
0x1b: {  	s12 =	sadd.s32 s21, s4;
	s8 =	sadd.s32 s13, s22;
	[dreg:$0xd] =	wrdreg s18  }
0x1c: {  	s21 =	sadd.s32 s24, s3;
	s22 =	sadd.s32 s24, s4;
	[dreg:$0xf] =	wrdreg s16  }
0x1d: {  	s23 =	sadd.s32 s14, s3;
	s7 =	sadd.s32 $0x400, s18;
	[dreg:$0x10] =	wrdreg s0  }
0x1e: {  	s24 =	sadd.s32 s14, s4;
	s14 =	sadd.s32 $0x800, s18;
	[dreg:$0x12] =	wrdreg s7  }
0x1f: {  	s15 =	sadd.s32 s2, s25;
	[dreg:$0x14] =	wrdreg s14  }
0x20: {  	s26 =	sadd.s32 $0x14E00, s6;
	s28 =	sadd.s32 $0x19E00, s6;
	[dreg:$0xe] =	wrdreg s15  }
0x21: {  	s25 =	sadd.s32 $0xFE00, s6;
	s6 =	sadd.s32 $0x400, s8;
	[dreg:$0x9] =	wrdreg s8  }
0x22: {  	s13 =	sadd.s32 $0x800, s8;
	[dreg:$0x11] =	wrdreg s6  }
0x23: {  	s17 =	sadd.s32 $0xC00, s8;
	[dreg:$0x13] =	wrdreg s13  }
0x24: {  	s7 =	sadd.s32 $0x1000, s8;
	[dreg:$0x15] =	wrdreg s17  }
0x25: {  	s14 =	sadd.s32 $0x400, s10;
	[dreg:$0x17] =	wrdreg s7  }
0x26: {  	s6 =	sadd.s32 $0xC00, s18;
	[dreg:$0x19] =	wrdreg s14  }
0x27: {  	s13 =	sadd.s32 $0x1000, s18;
	[dreg:$0x16] =	wrdreg s6  }
0x28: {  	s17 =	sadd.s32 $0x400, s15;
	[dreg:$0x18] =	wrdreg s13  }
0x29: {  	s7 =	sadd.s32 $0x800, s15;
	[dreg:$0x1a] =	wrdreg s17  }
0x2a: {  	s14 =	sadd.s32 $0xC00, s15;
	[dreg:$0x1c] =	wrdreg s7  }
0x2b: {  	s6 =	sadd.s32 $0x800, s10;
	[dreg:$0x1e] =	wrdreg s14  }
0x2c: {  	s13 =	sadd.s32 $0xC00, s10;
	[dreg:$0x1b] =	wrdreg s6  }
0x2d: {  	s17 =	sadd.s32 $0x1000, s10;
	[dreg:$0x1d] =	wrdreg s13  }
0x2e: {  	s7 =	sadd.s32 $0x28000, s18;
	[dreg:$0x1f] =	wrdreg s17  }
0x2f: {  	s10 =	sadd.s32 $0x400, s19;
	[smem:$0x7DA] =	sst s7  }
0x30: {  	s14 =	sadd.s32 $0x800, s19;
	[smem:$0x7DB] =	sst s10  }
0x31: {  	s6 =	sadd.s32 $0x1000, s15;
	[smem:$0x7DD] =	sst s14  }
0x32: {  	s13 =	sadd.s32 $0x28400, s18;
	[smem:$0x7D9] =	sst s6  }
0x33: {  	s15 =	sadd.s32 $0x28800, s18;
	[smem:$0x7DC] =	sst s13  }
0x34: {  	s17 =	sadd.s32 $0xC00, s19;
	[smem:$0x7DE] =	sst s15  }
0x35: {  	s7 =	sadd.s32 $0x1000, s19;
	[smem:$0x7DF] =	sst s17  }
0x36: {  	s10 =	sadd.s32 $0x29000, s18;
	[smem:$0x7E1] =	sst s7  }
0x37: {  	s14 =	sadd.s32 $0x400, s20;
	[smem:$0x7E2] =	sst s10  }
0x38: {  	s19 =	sadd.s32 $0x3C800, s18;
	[smem:$0x7E4] =	sst s14  }
0x39: {  	s6 =	sadd.s32 $0x28C00, s18;
	[smem:$0x7E7] =	sst s19  }
0x3a: {  	s13 =	sadd.s32 $0x3C000, s18;
	[smem:$0x7E0] =	sst s6  }
0x3b: {  	s15 =	sadd.s32 $0x3C400, s18;
	[smem:$0x7E3] =	sst s13  }
0x3c: {  	s17 =	sadd.s32 $0x800, s20;
	[smem:$0x7E5] =	sst s15  }
0x3d: {  	s7 =	sadd.s32 $0x3CC00, s18;
	[smem:$0x7E6] =	sst s17  }
0x3e: {  	s10 =	sadd.s32 $0x1000, s20;
	[smem:$0x7E9] =	sst s7  }
0x3f: {  	s14 =	sadd.s32 $0xA0000, s8;
	[smem:$0x7EA] =	sst s10  }
0x40: {  	s19 =	sadd.s32 $0x800, s16;
	[smem:$0x7EC] =	sst s14  }
0x41: {  	s6 =	sadd.s32 $0xC00, s20;
	[smem:$0x7F0] =	sst s19  }
0x42: {  	s13 =	sadd.s32 $0x3D000, s18;
	[smem:$0x7E8] =	sst s6  }
0x43: {  	s15 =	sadd.s32 $0xA0400, s8;
	[smem:$0x7EB] =	sst s13  }
0x44: {  	s17 =	sadd.s32 $0x400, s16;
	[smem:$0x7ED] =	sst s15  }
0x45: {  	s18 =	sadd.s32 $0xA0800, s8;
	[smem:$0x7EE] =	sst s17  }
0x46: {  	s20 =	sadd.s32 $0xA0C00, s8;
	[smem:$0x7EF] =	sst s18  }
0x47: {  	s7 =	sadd.s32 $0xA1000, s8;
	[smem:$0x7F1] =	sst s20  }
0x48: {  	s10 =	sadd.s32 $0x1000, s16;
	[smem:$0x7F3] =	sst s7  }
0x49: {  	s14 =	sadd.s32 $0xB4400, s8;
	[smem:$0x7F4] =	sst s10  }
0x4a: {  	s19 =	sadd.s32 $0xC00, s0;
	[smem:$0x7F6] =	sst s14  }
0x4b: {  	s6 =	sadd.s32 $0xC00, s16;
	[smem:$0x7FB] =	sst s19  }
0x4c: {  	s13 =	sadd.s32 $0xB4000, s8;
	[smem:$0x7F2] =	sst s6  }
0x4d: {  	s15 =	sadd.s32 $0x400, s0;
	[smem:$0x7F5] =	sst s13  }
0x4e: {  	s16 =	sadd.s32 $0xB4800, s8;
	[smem:$0x7F7] =	sst s15  }
0x4f: {  	s17 =	sadd.s32 $0x800, s0;
	[smem:$0x7F8] =	sst s16  }
0x50: {  	s18 =	sadd.s32 $0xB4C00, s8;
	[smem:$0x7F9] =	sst s17  }
0x51: {  	s2 =	simm.s32 $0xF610;
	s20 =	sadd.s32 $0xB5000, s8;
	[smem:$0x7FA] =	sst s18  }
0x52: {  	s0 =	sadd.s32 $0x1000, s0;
	s14 =	simm.s32 $0xB490;
	[smem:$0x7FC] =	sst s20  }
0x53: {  	s19 =	simm.s32 $0xB590;
	s8 =	simm.s32 $0x0;
	[smem:$0x7FD] =	sst s0  }
0x54: {  	s0 =	simm.s32 $0xB610;
	s6 =	simm.s32 $0x2;
	s15 =	simm.s32 $0xB510  }
0x55: {  	v0 =	vimm.f32 $1.000000000e+00;
	v1 =	vimm.f32 $0.0e+00;
	s16 =	simm.s32 $0x40;
	s18 =	simm.s32 $0x1;
	s20 =	simm.s32 $0xD610  }
.LBB2_1:
0x56: {  	s13 =	simm.s32 $0x200;
	s7 =	simm.s32 $0x0  }
.LBB2_2:
0x57: {  	p0 =	sne.s32 s13, $0x7E00;
	[tilespmem:s7+$0xD610] =	vst v0;
	s7 =	smov.u32 s13;
	s13 =	sadd.s32 $0x200, s13  }
.Ltmp0:
0x58: {  	(pc) =	sbr.rel @p0 .LBB2_2-.Ltmp0, $2  }
0x59: {  	_ =	sdelay $0x2  }
0x5a: {  	s7 =	sshra.s32 s7, $0x2  }
0x5b: {  	[smem:$0x7D8] =	sst s8;
	s10 =	smov.u32 s9  }
0x5c: {  	[tilespmem:s7+$0xD610] =	vst v0;
	s17 =	simm.s32 $0x0;
	s13 =	simm.s32 $0x200;
	s7 =	simm.s32 $0x0  }
.LBB2_4:
0x5d: {  	p0 =	sne.s32 s13, $0x7E00;
	[tilespmem:s7+$0xF610] =	vst v1;
	s7 =	smov.u32 s13;
	s13 =	sadd.s32 $0x200, s13  }
.Ltmp1:
0x5e: {  	(pc) =	sbr.rel @p0 .LBB2_4-.Ltmp1, $2  }
0x5f: {  	_ =	sdelay $0x2  }
0x60: {  	s7 =	sshra.s32 s7, $0x2  }
0x61: {  	s13 =	sand.u32 $0x7E00, s17  }
0x62: {  	s8 =	sand.u32 $0x70, s17;
	s9 =	sshrl.u32 s13, $0x2  }
0x63: {  	[tilespmem:s7+$0xF610] =	vst v1;
	s13 =	simm.s32 $0x40;
	s7 =	sor.u32 s8, s9  }
.LBB2_6:
0x64: {  	p0 =	sne.s32 s13, $0x7FC0  }
0x65: {  	[tilespmem:s7+$0xB610] =	vst v1;
	s17 =	sadd.s32 $0x10, s17;
	s7 =	smov.u32 s13;
	s13 =	sadd.s32 $0x40, s13  }
.Ltmp2:
0x66: {  	(pc) =	sbr.rel @p0 .LBB2_6-.Ltmp2, $4  }
0x67: {  	_ = 	snop  }
0x68: {  	s7 =	sand.u32 $0x7E00, s7  }
0x69: {  	s8 =	sand.u32 $0x70, s17;
	s7 =	sshrl.u32 s7, $0x2  }
0x6a: {  	s7 =	sor.u32 s8, s7  }
0x6b: {  	[tilespmem:s7+$0xB610] =	vst v1  }
0x6c: {  	[spmem:s10] =	stream.linear.scatter [tilespmem:s0], [sflag:$0x2], $0x2000, $0x38;
	[tilespmem:$0x11610] =	vst v63  }
0x6d: {  	_ =	swait.ge [sflag:s6], $0x2000  }
0x6e: {  	[sflag:s6] =	ssyncset.done $0x0  }
0x6f: {  	s9 =	smov.u32 s10;
	s10 =	rddreg [dreg:$0x6];
	[sflag:s6] =	ssyncadd.s32 $0xFFFFE000  }
0x70: {  	[spmem:s10] =	stream.linear.scatter [tilespmem:s2], [sflag:$0x2], $0x2000, $0x38;
	[tilespmem:$0x11610] =	vst v63  }
0x71: {  	_ =	swait.ge [sflag:s6], $0x2000  }
0x72: {  	[sflag:s6] =	ssyncset.done $0x0  }
0x73: {  	s17 =	rddreg [dreg:$0x7];
	[sflag:s6] =	ssyncadd.s32 $0xFFFFE000  }
0x74: {  	[spmem:s17] =	stream.linear.scatter [tilespmem:s0], [sflag:$0x2], $0x2000, $0x38;
	[tilespmem:$0x11610] =	vst v63  }
0x75: {  	_ =	swait.ge [sflag:s6], $0x2000  }
0x76: {  	[sflag:s6] =	ssyncset.done $0x0  }
0x77: {  	s8 =	rddreg [dreg:$0x8];
	[sflag:s6] =	ssyncadd.s32 $0xFFFFE000  }
0x78: {  	[spmem:s8] =	stream.linear.scatter [tilespmem:s2], [sflag:$0x2], $0x2000, $0x38;
	[tilespmem:$0x11610] =	vst v63  }
0x79: {  	_ =	swait.ge [sflag:s6], $0x2000  }
0x7a: {  	[sflag:s6] =	ssyncset.done $0x0  }
0x7b: {  	[sflag:s6] =	ssyncadd.s32 $0xFFFFE000  }
0x7c: {  	[spmem:s11] =	stream.linear.scatter [tilespmem:s0], [sflag:$0x2], $0x2000, $0x38;
	[tilespmem:$0x11610] =	vst v63  }
0x7d: {  	_ =	swait.ge [sflag:s6], $0x2000  }
0x7e: {  	[sflag:s6] =	ssyncset.done $0x0  }
0x7f: {  	[sflag:s6] =	ssyncadd.s32 $0xFFFFE000  }
0x80: {  	[spmem:s12] =	stream.linear.scatter [tilespmem:s2], [sflag:$0x2], $0x2000, $0x38;
	[tilespmem:$0x11610] =	vst v63  }
0x81: {  	_ =	swait.ge [sflag:s6], $0x2000  }
0x82: {  	[sflag:s6] =	ssyncset.done $0x0  }
0x83: {  	[sflag:s6] =	ssyncadd.s32 $0xFFFFE000  }
0x84: {  	[spmem:s21] =	stream.linear.scatter [tilespmem:s0], [sflag:$0x2], $0x2000, $0x38;
	[tilespmem:$0x11610] =	vst v63  }
0x85: {  	_ =	swait.ge [sflag:s6], $0x2000  }
0x86: {  	[sflag:s6] =	ssyncset.done $0x0  }
0x87: {  	[sflag:s6] =	ssyncadd.s32 $0xFFFFE000  }
0x88: {  	[spmem:s22] =	stream.linear.scatter [tilespmem:s2], [sflag:$0x2], $0x2000, $0x38;
	[tilespmem:$0x11610] =	vst v63  }
0x89: {  	_ =	swait.ge [sflag:s6], $0x2000  }
0x8a: {  	[sflag:s6] =	ssyncset.done $0x0  }
0x8b: {  	[sflag:s6] =	ssyncadd.s32 $0xFFFFE000  }
0x8c: {  	[spmem:s23] =	stream.linear.scatter [tilespmem:s0], [sflag:$0x2], $0x2000, $0x38;
	[tilespmem:$0x11610] =	vst v63  }
0x8d: {  	_ =	swait.ge [sflag:s6], $0x2000  }
0x8e: {  	[sflag:s6] =	ssyncset.done $0x0  }
0x8f: {  	[sflag:s6] =	ssyncadd.s32 $0xFFFFE000  }
0x90: {  	[spmem:s24] =	stream.linear.scatter [tilespmem:s2], [sflag:$0x2], $0x2000, $0x38;
	[tilespmem:$0x11610] =	vst v63  }
0x91: {  	_ =	swait.ge [sflag:s6], $0x2000  }
0x92: {  	[sflag:s6] =	ssyncset.done $0x0  }
0x93: {  	[sflag:s6] =	ssyncadd.s32 $0xFFFFE000  }
0x94: {  	s13 =	sadd.s32 $0x0, s25;
	[bflag:$0x0] =	sbarrier.arrive $0xFFFF  }
0x95: {  	[tilespmem:s14], [sflag:$0x2] =	stream.linear.gather [hbm4b:s13+s5], $0x40, $0x38;
	[tilespmem:$0x11610] =	vst v63  }
0x96: {  	_ =	swait.ge [sflag:s6], $0x40  }
0x97: {  	[sflag:s6] =	ssyncset.done $0x0  }
0x98: {  	s17 =	sadd.s32 $0x0, s29;
	[sflag:s6] =	ssyncadd.s32 $0xFFFFFFC0  }
0x99: {  	[tilespmem:s15], [sflag:$0x2] =	stream.linear.gather [hbm4b:s17+s5], $0x40, $0x38;
	[tilespmem:$0x11610] =	vst v63  }
0x9a: {  	_ =	swait.ge [sflag:s6], $0x40  }
0x9b: {  	[sflag:s6] =	ssyncset.done $0x0  }
0x9c: {  	[sflag:s6] =	ssyncadd.s32 $0xFFFFFFC0  }
0x9d: {  	v2 =	vld [tilespmem:$0xB540]  }
0x9e: {  	v3 =	vld [tilespmem:$0xB530]  }
0x9f: {  	v4 =	vld [tilespmem:$0xB510]  }
0xa0: {  	v5 =	vld [tilespmem:$0xB520];
	_ =	sdelay $0x1  }
0xa1: {  	v2 =	vmin.u32 v2, $0x1400  }
0xa2: {  	v3 =	vmin.u32 v3, $0x1400;
	[tilespmem:$0xB5C0] =	vst v2  }
0xa3: {  	v2 =	vmin.u32 v4, $0x1400;
	[tilespmem:$0xB5B0] =	vst v3  }
0xa4: {  	[tilespmem:$0xB590] =	vst v2;
	v2 =	vmin.u32 v5, $0x1400  }
0xa5: {  	[tilespmem:$0xB5A0] =	vst v2  }
0xa6: {  	[tilespmem:s0], [sflag:$0x1] =	stream.indirect.gather [hbm4b:s1+s16], $0x80, s14, s16, $0xb8;
	[tilespmem:$0x11610] =	vst v63  }
0xa7: {  	_ =	swait.ge [sflag:s18], $0x2000  }
0xa8: {  	[sflag:s18] =	ssyncset.done $0x0  }
0xa9: {  	[sflag:s18] =	ssyncadd.s32 $0xFFFFE000  }
0xaa: {  	[spmem:s3] =	stream.indirect.scatter.add.f32 [tilespmem:s0], [sflag:$0x2], $0x80, s19, s16, $0xb8;
	[tilespmem:$0x11610] =	vst v63  }
0xab: {  	_ =	swait.ge [sflag:s6], $0x2000  }
0xac: {  	[sflag:s6] =	ssyncset.done $0x0  }
0xad: {  	s17 =	simm.s32 $0x8;
	[sflag:s6] =	ssyncadd.s32 $0xFFFFE000  }
.LBB2_8:
0xae: {  	[spmem:s4] =	stream.indirect.scatter.add.f32 [tilespmem:s20], [sflag:$0x2], $0x10, s19, s16, $0xb8;
	[tilespmem:$0x11610] =	vst v63  }
0xaf: {  	s7 =	smov.u32 s17  }
0xb0: {  	p0 =	sne.s32 s17, $0x4F8;
	s17 =	sadd.s32 $0x8, s17;
	_ =	swait.ge [sflag:s6], $0x400  }
0xb1: {  	[sflag:s6] =	ssyncset.done $0x0  }
0xb2: {  	s8 =	sadd.s32 s7, s25;
	[sflag:s6] =	ssyncadd.s32 $0xFFFFFC00  }
0xb3: {  	[tilespmem:s14], [sflag:$0x2] =	stream.linear.gather [hbm4b:s8+s5], $0x40, $0x38;
	[tilespmem:$0x11610] =	vst v63  }
0xb4: {  	_ =	swait.ge [sflag:s6], $0x40  }
0xb5: {  	[sflag:s6] =	ssyncset.done $0x0  }
0xb6: {  	s7 =	sadd.s32 s7, s29;
	[sflag:s6] =	ssyncadd.s32 $0xFFFFFFC0  }
0xb7: {  	[tilespmem:s15], [sflag:$0x2] =	stream.linear.gather [hbm4b:s7+s5], $0x40, $0x38;
	[tilespmem:$0x11610] =	vst v63  }
0xb8: {  	_ =	swait.ge [sflag:s6], $0x40  }
0xb9: {  	[sflag:s6] =	ssyncset.done $0x0  }
0xba: {  	[sflag:s6] =	ssyncadd.s32 $0xFFFFFFC0  }
0xbb: {  	v2 =	vld [tilespmem:$0xB540]  }
0xbc: {  	v3 =	vld [tilespmem:$0xB530]  }
0xbd: {  	v4 =	vld [tilespmem:$0xB510]  }
0xbe: {  	v5 =	vld [tilespmem:$0xB520];
	_ =	sdelay $0x1  }
0xbf: {  	v2 =	vmin.u32 v2, $0x1400  }
0xc0: {  	v3 =	vmin.u32 v3, $0x1400;
	[tilespmem:$0xB5C0] =	vst v2  }
0xc1: {  	v2 =	vmin.u32 v4, $0x1400;
	[tilespmem:$0xB5B0] =	vst v3  }
0xc2: {  	[tilespmem:$0xB590] =	vst v2;
	v2 =	vmin.u32 v5, $0x1400  }
0xc3: {  	[tilespmem:$0xB5A0] =	vst v2  }
0xc4: {  	[tilespmem:s0], [sflag:$0x1] =	stream.indirect.gather [hbm4b:s1+s16], $0x80, s14, s16, $0xb8;
	[tilespmem:$0x11610] =	vst v63  }
0xc5: {  	_ =	swait.ge [sflag:s18], $0x2000  }
0xc6: {  	[sflag:s18] =	ssyncset.done $0x0  }
.Ltmp3:
0xc7: {  	[sflag:s18] =	ssyncadd.s32 $0xFFFFE000;
	(pc) =	sbr.rel @p0 .LBB2_8-.Ltmp3, $4  }
0xc8: {  	[spmem:s3] =	stream.indirect.scatter.add.f32 [tilespmem:s0], [sflag:$0x2], $0x80, s19, s16, $0xb8;
	[tilespmem:$0x11610] =	vst v63  }
0xc9: {  	_ =	swait.ge [sflag:s6], $0x2000  }
0xca: {  	[sflag:s6] =	ssyncset.done $0x0  }
0xcb: {  	[sflag:s6] =	ssyncadd.s32 $0xFFFFE000  }
0xcc: {  	[spmem:s4] =	stream.indirect.scatter.add.f32 [tilespmem:s20], [sflag:$0x2], $0x10, s19, s16, $0xb8;
	[tilespmem:$0x11610] =	vst v63  }
0xcd: {  	_ =	swait.ge [sflag:s6], $0x400  }
0xce: {  	[sflag:s6] =	ssyncset.done $0x0  }
0xcf: {  	[sflag:s6] =	ssyncadd.s32 $0xFFFFFC00  }
0xd0: {  	[bflag:$0x0] =	sbarrier.arrive $0xFFFF  }
0xd1: {  	[tilespmem:s0], [sflag:$0x2] =	stream.linear.gather [spmem:s9], $0x2000, $0x38;
	[tilespmem:$0x11610] =	vst v63  }
0xd2: {  	_ =	swait.ge [sflag:s6], $0x2000  }
0xd3: {  	[sflag:s6] =	ssyncset.done $0x0  }
0xd4: {  	s17 =	simm.s32 $0x0;
	s7 =	rddreg [dreg:$0x9];
	[sflag:s6] =	ssyncadd.s32 $0xFFFFE000  }
0xd5: {  	[hbm4b:s7+s17] =	stream.linear.scatter [tilespmem:s0], [sflag:$0x2], $0x2000, $0x38;
	[tilespmem:$0x11610] =	vst v63  }
0xd6: {  	_ =	swait.ge [sflag:s6], $0x2000  }
0xd7: {  	[sflag:s6] =	ssyncset.done $0x0  }
0xd8: {  	[sflag:s6] =	ssyncadd.s32 $0xFFFFE000  }
0xd9: {  	[tilespmem:s2], [sflag:$0x2] =	stream.linear.gather [spmem:s10], $0x2000, $0x38;
	[tilespmem:$0x11610] =	vst v63  }
0xda: {  	_ =	swait.ge [sflag:s6], $0x2000  }
0xdb: {  	[sflag:s6] =	ssyncset.done $0x0  }
0xdc: {  	s13 =	rddreg [dreg:$0xd];
	[sflag:s6] =	ssyncadd.s32 $0xFFFFE000  }
0xdd: {  	[hbm4b:s13+s17] =	stream.linear.scatter [tilespmem:s2], [sflag:$0x2], $0x2000, $0x38;
	[tilespmem:$0x11610] =	vst v63  }
0xde: {  	_ =	swait.ge [sflag:s6], $0x2000  }
0xdf: {  	[sflag:s6] =	ssyncset.done $0x0  }
0xe0: {  	s8 =	rddreg [dreg:$0x7];
	[sflag:s6] =	ssyncadd.s32 $0xFFFFE000  }
0xe1: {  	[tilespmem:s0], [sflag:$0x2] =	stream.linear.gather [spmem:s8], $0x2000, $0x38;
	[tilespmem:$0x11610] =	vst v63  }
0xe2: {  	_ =	swait.ge [sflag:s6], $0x2000  }
0xe3: {  	[sflag:s6] =	ssyncset.done $0x0  }
0xe4: {  	s13 =	rddreg [dreg:$0x11];
	[sflag:s6] =	ssyncadd.s32 $0xFFFFE000  }
0xe5: {  	[hbm4b:s13+s17] =	stream.linear.scatter [tilespmem:s0], [sflag:$0x2], $0x2000, $0x38;
	[tilespmem:$0x11610] =	vst v63  }
0xe6: {  	_ =	swait.ge [sflag:s6], $0x2000  }
0xe7: {  	[sflag:s6] =	ssyncset.done $0x0  }
0xe8: {  	s8 =	rddreg [dreg:$0x8];
	[sflag:s6] =	ssyncadd.s32 $0xFFFFE000  }
0xe9: {  	[tilespmem:s2], [sflag:$0x2] =	stream.linear.gather [spmem:s8], $0x2000, $0x38;
	[tilespmem:$0x11610] =	vst v63  }
0xea: {  	_ =	swait.ge [sflag:s6], $0x2000  }
0xeb: {  	[sflag:s6] =	ssyncset.done $0x0  }
0xec: {  	s13 =	rddreg [dreg:$0x12];
	[sflag:s6] =	ssyncadd.s32 $0xFFFFE000  }
0xed: {  	[hbm4b:s13+s17] =	stream.linear.scatter [tilespmem:s2], [sflag:$0x2], $0x2000, $0x38;
	[tilespmem:$0x11610] =	vst v63  }
0xee: {  	_ =	swait.ge [sflag:s6], $0x2000  }
0xef: {  	[sflag:s6] =	ssyncset.done $0x0  }
0xf0: {  	[sflag:s6] =	ssyncadd.s32 $0xFFFFE000  }
0xf1: {  	[tilespmem:s0], [sflag:$0x2] =	stream.linear.gather [spmem:s11], $0x2000, $0x38;
	[tilespmem:$0x11610] =	vst v63  }
0xf2: {  	_ =	swait.ge [sflag:s6], $0x2000  }
0xf3: {  	[sflag:s6] =	ssyncset.done $0x0  }
0xf4: {  	s8 =	rddreg [dreg:$0x13];
	[sflag:s6] =	ssyncadd.s32 $0xFFFFE000  }
0xf5: {  	[hbm4b:s8+s17] =	stream.linear.scatter [tilespmem:s0], [sflag:$0x2], $0x2000, $0x38;
	[tilespmem:$0x11610] =	vst v63  }
0xf6: {  	_ =	swait.ge [sflag:s6], $0x2000  }
0xf7: {  	[sflag:s6] =	ssyncset.done $0x0  }
0xf8: {  	[sflag:s6] =	ssyncadd.s32 $0xFFFFE000  }
0xf9: {  	[tilespmem:s2], [sflag:$0x2] =	stream.linear.gather [spmem:s12], $0x2000, $0x38;
	[tilespmem:$0x11610] =	vst v63  }
0xfa: {  	_ =	swait.ge [sflag:s6], $0x2000  }
0xfb: {  	[sflag:s6] =	ssyncset.done $0x0  }
0xfc: {  	s13 =	rddreg [dreg:$0x14];
	[sflag:s6] =	ssyncadd.s32 $0xFFFFE000  }
0xfd: {  	[hbm4b:s13+s17] =	stream.linear.scatter [tilespmem:s2], [sflag:$0x2], $0x2000, $0x38;
	[tilespmem:$0x11610] =	vst v63  }
0xfe: {  	_ =	swait.ge [sflag:s6], $0x2000  }
0xff: {  	[sflag:s6] =	ssyncset.done $0x0  }
0x100: {  	[sflag:s6] =	ssyncadd.s32 $0xFFFFE000  }
0x101: {  	[tilespmem:s0], [sflag:$0x2] =	stream.linear.gather [spmem:s21], $0x2000, $0x38;
	[tilespmem:$0x11610] =	vst v63  }
0x102: {  	_ =	swait.ge [sflag:s6], $0x2000  }
0x103: {  	[sflag:s6] =	ssyncset.done $0x0  }
0x104: {  	s8 =	rddreg [dreg:$0x15];
	[sflag:s6] =	ssyncadd.s32 $0xFFFFE000  }
0x105: {  	[hbm4b:s8+s17] =	stream.linear.scatter [tilespmem:s0], [sflag:$0x2], $0x2000, $0x38;
	[tilespmem:$0x11610] =	vst v63  }
0x106: {  	_ =	swait.ge [sflag:s6], $0x2000  }
0x107: {  	[sflag:s6] =	ssyncset.done $0x0  }
0x108: {  	[sflag:s6] =	ssyncadd.s32 $0xFFFFE000  }
0x109: {  	[tilespmem:s2], [sflag:$0x2] =	stream.linear.gather [spmem:s22], $0x2000, $0x38;
	[tilespmem:$0x11610] =	vst v63  }
0x10a: {  	_ =	swait.ge [sflag:s6], $0x2000  }
0x10b: {  	[sflag:s6] =	ssyncset.done $0x0  }
0x10c: {  	s13 =	rddreg [dreg:$0x16];
	[sflag:s6] =	ssyncadd.s32 $0xFFFFE000  }
0x10d: {  	[hbm4b:s13+s17] =	stream.linear.scatter [tilespmem:s2], [sflag:$0x2], $0x2000, $0x38;
	[tilespmem:$0x11610] =	vst v63  }
0x10e: {  	_ =	swait.ge [sflag:s6], $0x2000  }
0x10f: {  	[sflag:s6] =	ssyncset.done $0x0  }
0x110: {  	[sflag:s6] =	ssyncadd.s32 $0xFFFFE000  }
0x111: {  	[tilespmem:s0], [sflag:$0x2] =	stream.linear.gather [spmem:s23], $0x2000, $0x38;
	[tilespmem:$0x11610] =	vst v63  }
0x112: {  	_ =	swait.ge [sflag:s6], $0x2000  }
0x113: {  	[sflag:s6] =	ssyncset.done $0x0  }
0x114: {  	s8 =	rddreg [dreg:$0x17];
	[sflag:s6] =	ssyncadd.s32 $0xFFFFE000  }
0x115: {  	[hbm4b:s8+s17] =	stream.linear.scatter [tilespmem:s0], [sflag:$0x2], $0x2000, $0x38;
	[tilespmem:$0x11610] =	vst v63  }
0x116: {  	_ =	swait.ge [sflag:s6], $0x2000  }
0x117: {  	[sflag:s6] =	ssyncset.done $0x0  }
0x118: {  	[sflag:s6] =	ssyncadd.s32 $0xFFFFE000  }
0x119: {  	[tilespmem:s2], [sflag:$0x2] =	stream.linear.gather [spmem:s24], $0x2000, $0x38;
	[tilespmem:$0x11610] =	vst v63  }
0x11a: {  	_ =	swait.ge [sflag:s6], $0x2000  }
0x11b: {  	[sflag:s6] =	ssyncset.done $0x0  }
0x11c: {  	s13 =	rddreg [dreg:$0x18];
	[sflag:s6] =	ssyncadd.s32 $0xFFFFE000  }
0x11d: {  	[hbm4b:s13+s17] =	stream.linear.scatter [tilespmem:s2], [sflag:$0x2], $0x2000, $0x38;
	[tilespmem:$0x11610] =	vst v63  }
0x11e: {  	_ =	swait.ge [sflag:s6], $0x2000  }
0x11f: {  	[sflag:s6] =	ssyncset.done $0x0  }
0x120: {  	s7 =	simm.s32 $0x0;
	s13 =	simm.s32 $0x200;
	[sflag:s6] =	ssyncadd.s32 $0xFFFFE000  }
.LBB2_10:
0x121: {  	p0 =	sne.s32 s13, $0x7E00;
	[tilespmem:s7+$0xF610] =	vst v1;
	s7 =	smov.u32 s13;
	s13 =	sadd.s32 $0x200, s13  }
.Ltmp4:
0x122: {  	(pc) =	sbr.rel @p0 .LBB2_10-.Ltmp4, $2  }
0x123: {  	_ =	sdelay $0x2  }
0x124: {  	s7 =	sshra.s32 s7, $0x2  }
0x125: {  	s17 =	simm.s32 $0x0  }
0x126: {  	s13 =	sand.u32 $0x7E00, s17  }
0x127: {  	[tilespmem:s7+$0xF610] =	vst v1;
	s8 =	sand.u32 $0x70, s17;
	s7 =	sshrl.u32 s13, $0x2  }
0x128: {  	[bflag:$0x0] =	sbarrier.arrive $0xFFFF;
	s13 =	simm.s32 $0x40;
	s7 =	sor.u32 s8, s7  }
.LBB2_12:
0x129: {  	p0 =	seq.s32 s13, $0x7FC0  }
0x12a: {  	[tilespmem:s7+$0xB610] =	vst v1;
	s17 =	sadd.s32 $0x10, s17;
	s7 =	smov.u32 s13;
	s13 =	sadd.s32 $0x40, s13  }
.Ltmp5:
0x12b: {  	(pc) =	sbr.rel @!p0 .LBB2_12-.Ltmp5, $4  }
0x12c: {  	_ = 	snop  }
0x12d: {  	s7 =	sand.u32 $0x7E00, s7  }
0x12e: {  	s8 =	sand.u32 $0x70, s17;
	s7 =	sshrl.u32 s7, $0x2  }
0x12f: {  	s7 =	sor.u32 s8, s7  }
0x130: {  	[tilespmem:s7+$0xB610] =	vst v1  }
0x131: {  	[spmem:s9] =	stream.linear.scatter [tilespmem:s0], [sflag:$0x2], $0x2000, $0x38;
	[tilespmem:$0x11610] =	vst v63  }
0x132: {  	_ =	swait.ge [sflag:s6], $0x2000  }
0x133: {  	[sflag:s6] =	ssyncset.done $0x0  }
0x134: {  	[sflag:s6] =	ssyncadd.s32 $0xFFFFE000  }
0x135: {  	[spmem:s10] =	stream.linear.scatter [tilespmem:s2], [sflag:$0x2], $0x2000, $0x38;
	[tilespmem:$0x11610] =	vst v63  }
0x136: {  	_ =	swait.ge [sflag:s6], $0x2000  }
0x137: {  	[sflag:s6] =	ssyncset.done $0x0  }
0x138: {  	s17 =	rddreg [dreg:$0x7];
	[sflag:s6] =	ssyncadd.s32 $0xFFFFE000  }
0x139: {  	[spmem:s17] =	stream.linear.scatter [tilespmem:s0], [sflag:$0x2], $0x2000, $0x38;
	[tilespmem:$0x11610] =	vst v63  }
0x13a: {  	_ =	swait.ge [sflag:s6], $0x2000  }
0x13b: {  	[sflag:s6] =	ssyncset.done $0x0  }
0x13c: {  	s8 =	rddreg [dreg:$0x8];
	[sflag:s6] =	ssyncadd.s32 $0xFFFFE000  }
0x13d: {  	[spmem:s8] =	stream.linear.scatter [tilespmem:s2], [sflag:$0x2], $0x2000, $0x38;
	[tilespmem:$0x11610] =	vst v63  }
0x13e: {  	_ =	swait.ge [sflag:s6], $0x2000  }
0x13f: {  	[sflag:s6] =	ssyncset.done $0x0  }
0x140: {  	[sflag:s6] =	ssyncadd.s32 $0xFFFFE000  }
0x141: {  	[spmem:s11] =	stream.linear.scatter [tilespmem:s0], [sflag:$0x2], $0x2000, $0x38;
	[tilespmem:$0x11610] =	vst v63  }
0x142: {  	_ =	swait.ge [sflag:s6], $0x2000  }
0x143: {  	[sflag:s6] =	ssyncset.done $0x0  }
0x144: {  	[sflag:s6] =	ssyncadd.s32 $0xFFFFE000  }
0x145: {  	[spmem:s12] =	stream.linear.scatter [tilespmem:s2], [sflag:$0x2], $0x2000, $0x38;
	[tilespmem:$0x11610] =	vst v63  }
0x146: {  	_ =	swait.ge [sflag:s6], $0x2000  }
0x147: {  	[sflag:s6] =	ssyncset.done $0x0  }
0x148: {  	[sflag:s6] =	ssyncadd.s32 $0xFFFFE000  }
0x149: {  	[spmem:s21] =	stream.linear.scatter [tilespmem:s0], [sflag:$0x2], $0x2000, $0x38;
	[tilespmem:$0x11610] =	vst v63  }
0x14a: {  	_ =	swait.ge [sflag:s6], $0x2000  }
0x14b: {  	[sflag:s6] =	ssyncset.done $0x0  }
0x14c: {  	[sflag:s6] =	ssyncadd.s32 $0xFFFFE000  }
0x14d: {  	[spmem:s22] =	stream.linear.scatter [tilespmem:s2], [sflag:$0x2], $0x2000, $0x38;
	[tilespmem:$0x11610] =	vst v63  }
0x14e: {  	_ =	swait.ge [sflag:s6], $0x2000  }
0x14f: {  	[sflag:s6] =	ssyncset.done $0x0  }
0x150: {  	[sflag:s6] =	ssyncadd.s32 $0xFFFFE000  }
0x151: {  	[spmem:s23] =	stream.linear.scatter [tilespmem:s0], [sflag:$0x2], $0x2000, $0x38;
	[tilespmem:$0x11610] =	vst v63  }
0x152: {  	_ =	swait.ge [sflag:s6], $0x2000  }
0x153: {  	[sflag:s6] =	ssyncset.done $0x0  }
0x154: {  	[sflag:s6] =	ssyncadd.s32 $0xFFFFE000  }
0x155: {  	[spmem:s24] =	stream.linear.scatter [tilespmem:s2], [sflag:$0x2], $0x2000, $0x38;
	[tilespmem:$0x11610] =	vst v63  }
0x156: {  	_ =	swait.ge [sflag:s6], $0x2000  }
0x157: {  	[sflag:s6] =	ssyncset.done $0x0  }
0x158: {  	[sflag:s6] =	ssyncadd.s32 $0xFFFFE000  }
0x159: {  	s13 =	sadd.s32 $0x0, s25;
	[bflag:$0x0] =	sbarrier.arrive $0xFFFF  }
0x15a: {  	[tilespmem:s14], [sflag:$0x2] =	stream.linear.gather [hbm4b:s13+s5], $0x40, $0x38;
	[tilespmem:$0x11610] =	vst v63  }
0x15b: {  	_ =	swait.ge [sflag:s6], $0x40  }
0x15c: {  	[sflag:s6] =	ssyncset.done $0x0  }
0x15d: {  	s17 =	sadd.s32 $0x0, s29;
	[sflag:s6] =	ssyncadd.s32 $0xFFFFFFC0  }
0x15e: {  	[tilespmem:s15], [sflag:$0x2] =	stream.linear.gather [hbm4b:s17+s5], $0x40, $0x38;
	[tilespmem:$0x11610] =	vst v63  }
0x15f: {  	_ =	swait.ge [sflag:s6], $0x40  }
0x160: {  	[sflag:s6] =	ssyncset.done $0x0  }
0x161: {  	[sflag:s6] =	ssyncadd.s32 $0xFFFFFFC0  }
0x162: {  	v2 =	vld [tilespmem:$0xB540]  }
0x163: {  	v3 =	vld [tilespmem:$0xB530]  }
0x164: {  	v4 =	vld [tilespmem:$0xB510]  }
0x165: {  	v5 =	vld [tilespmem:$0xB520];
	_ =	sdelay $0x1  }
0x166: {  	v2 =	vadd.s32 $0xFFFFEC00, v2  }
0x167: {  	v3 =	vadd.s32 $0xFFFFEC00, v3;
	v2 =	vmin.u32 v2, $0x1400  }
0x168: {  	v4 =	vadd.s32 $0xFFFFEC00, v4;
	v3 =	vmin.u32 v3, $0x1400;
	[tilespmem:$0xB5C0] =	vst v2  }
0x169: {  	v63 =	vadd.s32 $0xFFFFEC00, v5;
	v2 =	vmin.u32 v4, $0x1400;
	[tilespmem:$0xB5B0] =	vst v3  }
0x16a: {  	[tilespmem:$0xB590] =	vst v2;
	v2 =	vmin.u32 v63, $0x1400  }
0x16b: {  	[tilespmem:$0xB5A0] =	vst v2  }
0x16c: {  	[tilespmem:s0], [sflag:$0x1] =	stream.indirect.gather [hbm4b:s1+s16], $0x80, s14, s16, $0xb8;
	[tilespmem:$0x11610] =	vst v63  }
0x16d: {  	_ =	swait.ge [sflag:s18], $0x2000  }
0x16e: {  	[sflag:s18] =	ssyncset.done $0x0  }
0x16f: {  	[sflag:s18] =	ssyncadd.s32 $0xFFFFE000  }
0x170: {  	[spmem:s3] =	stream.indirect.scatter.add.f32 [tilespmem:s0], [sflag:$0x2], $0x80, s19, s16, $0xb8;
	[tilespmem:$0x11610] =	vst v63  }
0x171: {  	_ =	swait.ge [sflag:s6], $0x2000  }
0x172: {  	[sflag:s6] =	ssyncset.done $0x0  }
0x173: {  	s17 =	simm.s32 $0x8;
	[sflag:s6] =	ssyncadd.s32 $0xFFFFE000  }
.LBB2_14:
0x174: {  	[spmem:s4] =	stream.indirect.scatter.add.f32 [tilespmem:s20], [sflag:$0x2], $0x10, s19, s16, $0xb8;
	[tilespmem:$0x11610] =	vst v63  }
0x175: {  	s7 =	smov.u32 s17  }
0x176: {  	p0 =	sne.s32 s17, $0x4F8;
	s17 =	sadd.s32 $0x8, s17;
	_ =	swait.ge [sflag:s6], $0x400  }
0x177: {  	[sflag:s6] =	ssyncset.done $0x0  }
0x178: {  	s8 =	sadd.s32 s7, s25;
	[sflag:s6] =	ssyncadd.s32 $0xFFFFFC00  }
0x179: {  	[tilespmem:s14], [sflag:$0x2] =	stream.linear.gather [hbm4b:s8+s5], $0x40, $0x38;
	[tilespmem:$0x11610] =	vst v63  }
0x17a: {  	_ =	swait.ge [sflag:s6], $0x40  }
0x17b: {  	[sflag:s6] =	ssyncset.done $0x0  }
0x17c: {  	s7 =	sadd.s32 s7, s29;
	[sflag:s6] =	ssyncadd.s32 $0xFFFFFFC0  }
0x17d: {  	[tilespmem:s15], [sflag:$0x2] =	stream.linear.gather [hbm4b:s7+s5], $0x40, $0x38;
	[tilespmem:$0x11610] =	vst v63  }
0x17e: {  	_ =	swait.ge [sflag:s6], $0x40  }
0x17f: {  	[sflag:s6] =	ssyncset.done $0x0  }
0x180: {  	[sflag:s6] =	ssyncadd.s32 $0xFFFFFFC0  }
0x181: {  	v2 =	vld [tilespmem:$0xB540]  }
0x182: {  	v3 =	vld [tilespmem:$0xB530]  }
0x183: {  	v4 =	vld [tilespmem:$0xB510]  }
0x184: {  	v5 =	vld [tilespmem:$0xB520];
	_ =	sdelay $0x1  }
0x185: {  	v2 =	vadd.s32 $0xFFFFEC00, v2  }
0x186: {  	v3 =	vadd.s32 $0xFFFFEC00, v3;
	v2 =	vmin.u32 v2, $0x1400  }
0x187: {  	v4 =	vadd.s32 $0xFFFFEC00, v4;
	v3 =	vmin.u32 v3, $0x1400;
	[tilespmem:$0xB5C0] =	vst v2  }
0x188: {  	v2 =	vmin.u32 v4, $0x1400;
	v4 =	vadd.s32 $0xFFFFEC00, v5;
	[tilespmem:$0xB5B0] =	vst v3  }
0x189: {  	[tilespmem:$0xB590] =	vst v2;
	v2 =	vmin.u32 v4, $0x1400  }
0x18a: {  	[tilespmem:$0xB5A0] =	vst v2  }
0x18b: {  	[tilespmem:s0], [sflag:$0x1] =	stream.indirect.gather [hbm4b:s1+s16], $0x80, s14, s16, $0xb8;
	[tilespmem:$0x11610] =	vst v63  }
0x18c: {  	_ =	swait.ge [sflag:s18], $0x2000  }
0x18d: {  	[sflag:s18] =	ssyncset.done $0x0  }
.Ltmp6:
0x18e: {  	[sflag:s18] =	ssyncadd.s32 $0xFFFFE000;
	(pc) =	sbr.rel @p0 .LBB2_14-.Ltmp6, $4  }
0x18f: {  	[spmem:s3] =	stream.indirect.scatter.add.f32 [tilespmem:s0], [sflag:$0x2], $0x80, s19, s16, $0xb8;
	[tilespmem:$0x11610] =	vst v63  }
0x190: {  	_ =	swait.ge [sflag:s6], $0x2000  }
0x191: {  	[sflag:s6] =	ssyncset.done $0x0  }
0x192: {  	[sflag:s6] =	ssyncadd.s32 $0xFFFFE000  }
0x193: {  	[spmem:s4] =	stream.indirect.scatter.add.f32 [tilespmem:s20], [sflag:$0x2], $0x10, s19, s16, $0xb8;
	[tilespmem:$0x11610] =	vst v63  }
0x194: {  	_ =	swait.ge [sflag:s6], $0x400  }
0x195: {  	[sflag:s6] =	ssyncset.done $0x0  }
0x196: {  	[sflag:s6] =	ssyncadd.s32 $0xFFFFFC00  }
0x197: {  	[bflag:$0x0] =	sbarrier.arrive $0xFFFF  }
0x198: {  	[tilespmem:s0], [sflag:$0x2] =	stream.linear.gather [spmem:s9], $0x2000, $0x38;
	[tilespmem:$0x11610] =	vst v63  }
0x199: {  	_ =	swait.ge [sflag:s6], $0x2000  }
0x19a: {  	[sflag:s6] =	ssyncset.done $0x0  }
0x19b: {  	s17 =	simm.s32 $0x0;
	s7 =	rddreg [dreg:$0xa];
	[sflag:s6] =	ssyncadd.s32 $0xFFFFE000  }
0x19c: {  	[hbm4b:s7+s17] =	stream.linear.scatter [tilespmem:s0], [sflag:$0x2], $0x2000, $0x38;
	[tilespmem:$0x11610] =	vst v63  }
0x19d: {  	_ =	swait.ge [sflag:s6], $0x2000  }
0x19e: {  	[sflag:s6] =	ssyncset.done $0x0  }
0x19f: {  	[sflag:s6] =	ssyncadd.s32 $0xFFFFE000  }
0x1a0: {  	[tilespmem:s2], [sflag:$0x2] =	stream.linear.gather [spmem:s10], $0x2000, $0x38;
	[tilespmem:$0x11610] =	vst v63  }
0x1a1: {  	_ =	swait.ge [sflag:s6], $0x2000  }
0x1a2: {  	[sflag:s6] =	ssyncset.done $0x0  }
0x1a3: {  	s13 =	rddreg [dreg:$0xe];
	[sflag:s6] =	ssyncadd.s32 $0xFFFFE000  }
0x1a4: {  	[hbm4b:s13+s17] =	stream.linear.scatter [tilespmem:s2], [sflag:$0x2], $0x2000, $0x38;
	[tilespmem:$0x11610] =	vst v63  }
0x1a5: {  	_ =	swait.ge [sflag:s6], $0x2000  }
0x1a6: {  	[sflag:s6] =	ssyncset.done $0x0  }
0x1a7: {  	s8 =	rddreg [dreg:$0x7];
	[sflag:s6] =	ssyncadd.s32 $0xFFFFE000  }
0x1a8: {  	[tilespmem:s0], [sflag:$0x2] =	stream.linear.gather [spmem:s8], $0x2000, $0x38;
	[tilespmem:$0x11610] =	vst v63  }
0x1a9: {  	_ =	swait.ge [sflag:s6], $0x2000  }
0x1aa: {  	[sflag:s6] =	ssyncset.done $0x0  }
0x1ab: {  	s13 =	rddreg [dreg:$0x19];
	[sflag:s6] =	ssyncadd.s32 $0xFFFFE000  }
0x1ac: {  	[hbm4b:s13+s17] =	stream.linear.scatter [tilespmem:s0], [sflag:$0x2], $0x2000, $0x38;
	[tilespmem:$0x11610] =	vst v63  }
0x1ad: {  	_ =	swait.ge [sflag:s6], $0x2000  }
0x1ae: {  	[sflag:s6] =	ssyncset.done $0x0  }
0x1af: {  	s8 =	rddreg [dreg:$0x8];
	[sflag:s6] =	ssyncadd.s32 $0xFFFFE000  }
0x1b0: {  	[tilespmem:s2], [sflag:$0x2] =	stream.linear.gather [spmem:s8], $0x2000, $0x38;
	[tilespmem:$0x11610] =	vst v63  }
0x1b1: {  	_ =	swait.ge [sflag:s6], $0x2000  }
0x1b2: {  	[sflag:s6] =	ssyncset.done $0x0  }
0x1b3: {  	s13 =	rddreg [dreg:$0x1a];
	[sflag:s6] =	ssyncadd.s32 $0xFFFFE000  }
0x1b4: {  	[hbm4b:s13+s17] =	stream.linear.scatter [tilespmem:s2], [sflag:$0x2], $0x2000, $0x38;
	[tilespmem:$0x11610] =	vst v63  }
0x1b5: {  	_ =	swait.ge [sflag:s6], $0x2000  }
0x1b6: {  	[sflag:s6] =	ssyncset.done $0x0  }
0x1b7: {  	[sflag:s6] =	ssyncadd.s32 $0xFFFFE000  }
0x1b8: {  	[tilespmem:s0], [sflag:$0x2] =	stream.linear.gather [spmem:s11], $0x2000, $0x38;
	[tilespmem:$0x11610] =	vst v63  }
0x1b9: {  	_ =	swait.ge [sflag:s6], $0x2000  }
0x1ba: {  	[sflag:s6] =	ssyncset.done $0x0  }
0x1bb: {  	s8 =	rddreg [dreg:$0x1b];
	[sflag:s6] =	ssyncadd.s32 $0xFFFFE000  }
0x1bc: {  	[hbm4b:s8+s17] =	stream.linear.scatter [tilespmem:s0], [sflag:$0x2], $0x2000, $0x38;
	[tilespmem:$0x11610] =	vst v63  }
0x1bd: {  	_ =	swait.ge [sflag:s6], $0x2000  }
0x1be: {  	[sflag:s6] =	ssyncset.done $0x0  }
0x1bf: {  	[sflag:s6] =	ssyncadd.s32 $0xFFFFE000  }
0x1c0: {  	[tilespmem:s2], [sflag:$0x2] =	stream.linear.gather [spmem:s12], $0x2000, $0x38;
	[tilespmem:$0x11610] =	vst v63  }
0x1c1: {  	_ =	swait.ge [sflag:s6], $0x2000  }
0x1c2: {  	[sflag:s6] =	ssyncset.done $0x0  }
0x1c3: {  	s13 =	rddreg [dreg:$0x1c];
	[sflag:s6] =	ssyncadd.s32 $0xFFFFE000  }
0x1c4: {  	[hbm4b:s13+s17] =	stream.linear.scatter [tilespmem:s2], [sflag:$0x2], $0x2000, $0x38;
	[tilespmem:$0x11610] =	vst v63  }
0x1c5: {  	_ =	swait.ge [sflag:s6], $0x2000  }
0x1c6: {  	[sflag:s6] =	ssyncset.done $0x0  }
0x1c7: {  	[sflag:s6] =	ssyncadd.s32 $0xFFFFE000  }
0x1c8: {  	[tilespmem:s0], [sflag:$0x2] =	stream.linear.gather [spmem:s21], $0x2000, $0x38;
	[tilespmem:$0x11610] =	vst v63  }
0x1c9: {  	_ =	swait.ge [sflag:s6], $0x2000  }
0x1ca: {  	[sflag:s6] =	ssyncset.done $0x0  }
0x1cb: {  	s8 =	rddreg [dreg:$0x1d];
	[sflag:s6] =	ssyncadd.s32 $0xFFFFE000  }
0x1cc: {  	[hbm4b:s8+s17] =	stream.linear.scatter [tilespmem:s0], [sflag:$0x2], $0x2000, $0x38;
	[tilespmem:$0x11610] =	vst v63  }
0x1cd: {  	_ =	swait.ge [sflag:s6], $0x2000  }
0x1ce: {  	[sflag:s6] =	ssyncset.done $0x0  }
0x1cf: {  	[sflag:s6] =	ssyncadd.s32 $0xFFFFE000  }
0x1d0: {  	[tilespmem:s2], [sflag:$0x2] =	stream.linear.gather [spmem:s22], $0x2000, $0x38;
	[tilespmem:$0x11610] =	vst v63  }
0x1d1: {  	_ =	swait.ge [sflag:s6], $0x2000  }
0x1d2: {  	[sflag:s6] =	ssyncset.done $0x0  }
0x1d3: {  	s13 =	rddreg [dreg:$0x1e];
	[sflag:s6] =	ssyncadd.s32 $0xFFFFE000  }
0x1d4: {  	[hbm4b:s13+s17] =	stream.linear.scatter [tilespmem:s2], [sflag:$0x2], $0x2000, $0x38;
	[tilespmem:$0x11610] =	vst v63  }
0x1d5: {  	_ =	swait.ge [sflag:s6], $0x2000  }
0x1d6: {  	[sflag:s6] =	ssyncset.done $0x0  }
0x1d7: {  	[sflag:s6] =	ssyncadd.s32 $0xFFFFE000  }
0x1d8: {  	[tilespmem:s0], [sflag:$0x2] =	stream.linear.gather [spmem:s23], $0x2000, $0x38;
	[tilespmem:$0x11610] =	vst v63  }
0x1d9: {  	_ =	swait.ge [sflag:s6], $0x2000  }
0x1da: {  	[sflag:s6] =	ssyncset.done $0x0  }
0x1db: {  	s8 =	rddreg [dreg:$0x1f];
	[sflag:s6] =	ssyncadd.s32 $0xFFFFE000  }
0x1dc: {  	[hbm4b:s8+s17] =	stream.linear.scatter [tilespmem:s0], [sflag:$0x2], $0x2000, $0x38;
	[tilespmem:$0x11610] =	vst v63  }
0x1dd: {  	_ =	swait.ge [sflag:s6], $0x2000  }
0x1de: {  	[sflag:s6] =	ssyncset.done $0x0  }
0x1df: {  	[sflag:s6] =	ssyncadd.s32 $0xFFFFE000  }
0x1e0: {  	[tilespmem:s2], [sflag:$0x2] =	stream.linear.gather [spmem:s24], $0x2000, $0x38;
	[tilespmem:$0x11610] =	vst v63  }
0x1e1: {  	_ =	swait.ge [sflag:s6], $0x2000  }
0x1e2: {  	s13 =	sld [smem:$0x7D9]  }
0x1e3: {  	[sflag:s6] =	ssyncset.done $0x0  }
0x1e4: {  	[sflag:s6] =	ssyncadd.s32 $0xFFFFE000  }
0x1e5: {  	[hbm4b:s13+s17] =	stream.linear.scatter [tilespmem:s2], [sflag:$0x2], $0x2000, $0x38;
	[tilespmem:$0x11610] =	vst v63  }
0x1e6: {  	_ =	swait.ge [sflag:s6], $0x2000  }
0x1e7: {  	[sflag:s6] =	ssyncset.done $0x0  }
0x1e8: {  	s7 =	simm.s32 $0x0;
	s13 =	simm.s32 $0x200;
	[sflag:s6] =	ssyncadd.s32 $0xFFFFE000  }
.LBB2_16:
0x1e9: {  	p0 =	sne.s32 s13, $0x7E00;
	[tilespmem:s7+$0xF610] =	vst v1;
	s7 =	smov.u32 s13;
	s13 =	sadd.s32 $0x200, s13  }
.Ltmp7:
0x1ea: {  	(pc) =	sbr.rel @p0 .LBB2_16-.Ltmp7, $2  }
0x1eb: {  	_ =	sdelay $0x2  }
0x1ec: {  	s7 =	sshra.s32 s7, $0x2  }
0x1ed: {  	s17 =	simm.s32 $0x0  }
0x1ee: {  	s13 =	sand.u32 $0x7E00, s17  }
0x1ef: {  	[tilespmem:s7+$0xF610] =	vst v1;
	s8 =	sand.u32 $0x70, s17;
	s7 =	sshrl.u32 s13, $0x2  }
0x1f0: {  	[bflag:$0x0] =	sbarrier.arrive $0xFFFF;
	s13 =	simm.s32 $0x40;
	s7 =	sor.u32 s8, s7  }
.LBB2_18:
0x1f1: {  	p0 =	seq.s32 s13, $0x7FC0  }
0x1f2: {  	[tilespmem:s7+$0xB610] =	vst v1;
	s17 =	sadd.s32 $0x10, s17;
	s7 =	smov.u32 s13;
	s13 =	sadd.s32 $0x40, s13  }
.Ltmp8:
0x1f3: {  	(pc) =	sbr.rel @!p0 .LBB2_18-.Ltmp8, $4  }
0x1f4: {  	_ = 	snop  }
0x1f5: {  	s7 =	sand.u32 $0x7E00, s7  }
0x1f6: {  	s8 =	sand.u32 $0x70, s17;
	s7 =	sshrl.u32 s7, $0x2  }
0x1f7: {  	s7 =	sor.u32 s8, s7  }
0x1f8: {  	[tilespmem:s7+$0xB610] =	vst v1  }
0x1f9: {  	[spmem:s9] =	stream.linear.scatter [tilespmem:s0], [sflag:$0x2], $0x2000, $0x38;
	[tilespmem:$0x11610] =	vst v63  }
0x1fa: {  	_ =	swait.ge [sflag:s6], $0x2000  }
0x1fb: {  	[sflag:s6] =	ssyncset.done $0x0  }
0x1fc: {  	[sflag:s6] =	ssyncadd.s32 $0xFFFFE000  }
0x1fd: {  	[spmem:s10] =	stream.linear.scatter [tilespmem:s2], [sflag:$0x2], $0x2000, $0x38;
	[tilespmem:$0x11610] =	vst v63  }
0x1fe: {  	_ =	swait.ge [sflag:s6], $0x2000  }
0x1ff: {  	[sflag:s6] =	ssyncset.done $0x0  }
0x200: {  	s17 =	rddreg [dreg:$0x7];
	[sflag:s6] =	ssyncadd.s32 $0xFFFFE000  }
0x201: {  	[spmem:s17] =	stream.linear.scatter [tilespmem:s0], [sflag:$0x2], $0x2000, $0x38;
	[tilespmem:$0x11610] =	vst v63  }
0x202: {  	_ =	swait.ge [sflag:s6], $0x2000  }
0x203: {  	[sflag:s6] =	ssyncset.done $0x0  }
0x204: {  	s8 =	rddreg [dreg:$0x8];
	[sflag:s6] =	ssyncadd.s32 $0xFFFFE000  }
0x205: {  	[spmem:s8] =	stream.linear.scatter [tilespmem:s2], [sflag:$0x2], $0x2000, $0x38;
	[tilespmem:$0x11610] =	vst v63  }
0x206: {  	_ =	swait.ge [sflag:s6], $0x2000  }
0x207: {  	[sflag:s6] =	ssyncset.done $0x0  }
0x208: {  	[sflag:s6] =	ssyncadd.s32 $0xFFFFE000  }
0x209: {  	[spmem:s11] =	stream.linear.scatter [tilespmem:s0], [sflag:$0x2], $0x2000, $0x38;
	[tilespmem:$0x11610] =	vst v63  }
0x20a: {  	_ =	swait.ge [sflag:s6], $0x2000  }
0x20b: {  	[sflag:s6] =	ssyncset.done $0x0  }
0x20c: {  	[sflag:s6] =	ssyncadd.s32 $0xFFFFE000  }
0x20d: {  	[spmem:s12] =	stream.linear.scatter [tilespmem:s2], [sflag:$0x2], $0x2000, $0x38;
	[tilespmem:$0x11610] =	vst v63  }
0x20e: {  	_ =	swait.ge [sflag:s6], $0x2000  }
0x20f: {  	[sflag:s6] =	ssyncset.done $0x0  }
0x210: {  	[sflag:s6] =	ssyncadd.s32 $0xFFFFE000  }
0x211: {  	[spmem:s21] =	stream.linear.scatter [tilespmem:s0], [sflag:$0x2], $0x2000, $0x38;
	[tilespmem:$0x11610] =	vst v63  }
0x212: {  	_ =	swait.ge [sflag:s6], $0x2000  }
0x213: {  	[sflag:s6] =	ssyncset.done $0x0  }
0x214: {  	[sflag:s6] =	ssyncadd.s32 $0xFFFFE000  }
0x215: {  	[spmem:s22] =	stream.linear.scatter [tilespmem:s2], [sflag:$0x2], $0x2000, $0x38;
	[tilespmem:$0x11610] =	vst v63  }
0x216: {  	_ =	swait.ge [sflag:s6], $0x2000  }
0x217: {  	[sflag:s6] =	ssyncset.done $0x0  }
0x218: {  	[sflag:s6] =	ssyncadd.s32 $0xFFFFE000  }
0x219: {  	[spmem:s23] =	stream.linear.scatter [tilespmem:s0], [sflag:$0x2], $0x2000, $0x38;
	[tilespmem:$0x11610] =	vst v63  }
0x21a: {  	_ =	swait.ge [sflag:s6], $0x2000  }
0x21b: {  	[sflag:s6] =	ssyncset.done $0x0  }
0x21c: {  	[sflag:s6] =	ssyncadd.s32 $0xFFFFE000  }
0x21d: {  	[spmem:s24] =	stream.linear.scatter [tilespmem:s2], [sflag:$0x2], $0x2000, $0x38;
	[tilespmem:$0x11610] =	vst v63  }
0x21e: {  	_ =	swait.ge [sflag:s6], $0x2000  }
0x21f: {  	[sflag:s6] =	ssyncset.done $0x0  }
0x220: {  	[sflag:s6] =	ssyncadd.s32 $0xFFFFE000  }
0x221: {  	s13 =	sadd.s32 $0x0, s26;
	[bflag:$0x0] =	sbarrier.arrive $0xFFFF  }
0x222: {  	[tilespmem:s14], [sflag:$0x2] =	stream.linear.gather [hbm4b:s13+s5], $0x40, $0x38;
	[tilespmem:$0x11610] =	vst v63  }
0x223: {  	_ =	swait.ge [sflag:s6], $0x40  }
0x224: {  	[sflag:s6] =	ssyncset.done $0x0  }
0x225: {  	s17 =	sadd.s32 $0x0, s30;
	[sflag:s6] =	ssyncadd.s32 $0xFFFFFFC0  }
0x226: {  	[tilespmem:s15], [sflag:$0x2] =	stream.linear.gather [hbm4b:s17+s5], $0x40, $0x38;
	[tilespmem:$0x11610] =	vst v63  }
0x227: {  	_ =	swait.ge [sflag:s6], $0x40  }
0x228: {  	[sflag:s6] =	ssyncset.done $0x0  }
0x229: {  	[sflag:s6] =	ssyncadd.s32 $0xFFFFFFC0  }
0x22a: {  	v2 =	vld [tilespmem:$0xB540]  }
0x22b: {  	v3 =	vld [tilespmem:$0xB530]  }
0x22c: {  	v4 =	vld [tilespmem:$0xB510]  }
0x22d: {  	v5 =	vld [tilespmem:$0xB520];
	_ =	sdelay $0x1  }
0x22e: {  	v2 =	vmin.u32 v2, $0x1400  }
0x22f: {  	v3 =	vmin.u32 v3, $0x1400;
	[tilespmem:$0xB5C0] =	vst v2  }
0x230: {  	v2 =	vmin.u32 v4, $0x1400;
	[tilespmem:$0xB5B0] =	vst v3  }
0x231: {  	[tilespmem:$0xB590] =	vst v2;
	v2 =	vmin.u32 v5, $0x1400  }
0x232: {  	[tilespmem:$0xB5A0] =	vst v2  }
0x233: {  	[tilespmem:s0], [sflag:$0x1] =	stream.indirect.gather [hbm4b:s1+s16], $0x80, s14, s16, $0xb8;
	[tilespmem:$0x11610] =	vst v63  }
0x234: {  	_ =	swait.ge [sflag:s18], $0x2000  }
0x235: {  	[sflag:s18] =	ssyncset.done $0x0  }
0x236: {  	[sflag:s18] =	ssyncadd.s32 $0xFFFFE000  }
0x237: {  	[spmem:s3] =	stream.indirect.scatter.add.f32 [tilespmem:s0], [sflag:$0x2], $0x80, s19, s16, $0xb8;
	[tilespmem:$0x11610] =	vst v63  }
0x238: {  	_ =	swait.ge [sflag:s6], $0x2000  }
0x239: {  	[sflag:s6] =	ssyncset.done $0x0  }
0x23a: {  	s17 =	simm.s32 $0x8;
	[sflag:s6] =	ssyncadd.s32 $0xFFFFE000  }
.LBB2_20:
0x23b: {  	[spmem:s4] =	stream.indirect.scatter.add.f32 [tilespmem:s20], [sflag:$0x2], $0x10, s19, s16, $0xb8;
	[tilespmem:$0x11610] =	vst v63  }
0x23c: {  	s7 =	smov.u32 s17  }
0x23d: {  	p0 =	sne.s32 s17, $0x4F8;
	s17 =	sadd.s32 $0x8, s17;
	_ =	swait.ge [sflag:s6], $0x400  }
0x23e: {  	[sflag:s6] =	ssyncset.done $0x0  }
0x23f: {  	s8 =	sadd.s32 s7, s26;
	[sflag:s6] =	ssyncadd.s32 $0xFFFFFC00  }
0x240: {  	[tilespmem:s14], [sflag:$0x2] =	stream.linear.gather [hbm4b:s8+s5], $0x40, $0x38;
	[tilespmem:$0x11610] =	vst v63  }
0x241: {  	_ =	swait.ge [sflag:s6], $0x40  }
0x242: {  	[sflag:s6] =	ssyncset.done $0x0  }
0x243: {  	s7 =	sadd.s32 s7, s30;
	[sflag:s6] =	ssyncadd.s32 $0xFFFFFFC0  }
0x244: {  	[tilespmem:s15], [sflag:$0x2] =	stream.linear.gather [hbm4b:s7+s5], $0x40, $0x38;
	[tilespmem:$0x11610] =	vst v63  }
0x245: {  	_ =	swait.ge [sflag:s6], $0x40  }
0x246: {  	[sflag:s6] =	ssyncset.done $0x0  }
0x247: {  	[sflag:s6] =	ssyncadd.s32 $0xFFFFFFC0  }
0x248: {  	v2 =	vld [tilespmem:$0xB540]  }
0x249: {  	v3 =	vld [tilespmem:$0xB530]  }
0x24a: {  	v4 =	vld [tilespmem:$0xB510]  }
0x24b: {  	v5 =	vld [tilespmem:$0xB520];
	_ =	sdelay $0x1  }
0x24c: {  	v2 =	vmin.u32 v2, $0x1400  }
0x24d: {  	v3 =	vmin.u32 v3, $0x1400;
	[tilespmem:$0xB5C0] =	vst v2  }
0x24e: {  	v2 =	vmin.u32 v4, $0x1400;
	[tilespmem:$0xB5B0] =	vst v3  }
0x24f: {  	[tilespmem:$0xB590] =	vst v2;
	v2 =	vmin.u32 v5, $0x1400  }
0x250: {  	[tilespmem:$0xB5A0] =	vst v2  }
0x251: {  	[tilespmem:s0], [sflag:$0x1] =	stream.indirect.gather [hbm4b:s1+s16], $0x80, s14, s16, $0xb8;
	[tilespmem:$0x11610] =	vst v63  }
0x252: {  	_ =	swait.ge [sflag:s18], $0x2000  }
0x253: {  	[sflag:s18] =	ssyncset.done $0x0  }
.Ltmp9:
0x254: {  	[sflag:s18] =	ssyncadd.s32 $0xFFFFE000;
	(pc) =	sbr.rel @p0 .LBB2_20-.Ltmp9, $4  }
0x255: {  	[spmem:s3] =	stream.indirect.scatter.add.f32 [tilespmem:s0], [sflag:$0x2], $0x80, s19, s16, $0xb8;
	[tilespmem:$0x11610] =	vst v63  }
0x256: {  	_ =	swait.ge [sflag:s6], $0x2000  }
0x257: {  	[sflag:s6] =	ssyncset.done $0x0  }
0x258: {  	[sflag:s6] =	ssyncadd.s32 $0xFFFFE000  }
0x259: {  	[spmem:s4] =	stream.indirect.scatter.add.f32 [tilespmem:s20], [sflag:$0x2], $0x10, s19, s16, $0xb8;
	[tilespmem:$0x11610] =	vst v63  }
0x25a: {  	_ =	swait.ge [sflag:s6], $0x400  }
0x25b: {  	[sflag:s6] =	ssyncset.done $0x0  }
0x25c: {  	[sflag:s6] =	ssyncadd.s32 $0xFFFFFC00  }
0x25d: {  	[bflag:$0x0] =	sbarrier.arrive $0xFFFF  }
0x25e: {  	[tilespmem:s0], [sflag:$0x2] =	stream.linear.gather [spmem:s9], $0x2000, $0x38;
	[tilespmem:$0x11610] =	vst v63  }
0x25f: {  	_ =	swait.ge [sflag:s6], $0x2000  }
0x260: {  	[sflag:s6] =	ssyncset.done $0x0  }
0x261: {  	s17 =	simm.s32 $0x0;
	s7 =	rddreg [dreg:$0xb];
	[sflag:s6] =	ssyncadd.s32 $0xFFFFE000  }
0x262: {  	[hbm4b:s7+s17] =	stream.linear.scatter [tilespmem:s0], [sflag:$0x2], $0x2000, $0x38;
	[tilespmem:$0x11610] =	vst v63  }
0x263: {  	_ =	swait.ge [sflag:s6], $0x2000  }
0x264: {  	[sflag:s6] =	ssyncset.done $0x0  }
0x265: {  	[sflag:s6] =	ssyncadd.s32 $0xFFFFE000  }
0x266: {  	[tilespmem:s2], [sflag:$0x2] =	stream.linear.gather [spmem:s10], $0x2000, $0x38;
	[tilespmem:$0x11610] =	vst v63  }
0x267: {  	_ =	swait.ge [sflag:s6], $0x2000  }
0x268: {  	s13 =	sld [smem:$0x7DA]  }
0x269: {  	[sflag:s6] =	ssyncset.done $0x0  }
0x26a: {  	[sflag:s6] =	ssyncadd.s32 $0xFFFFE000  }
0x26b: {  	[hbm4b:s13+s17] =	stream.linear.scatter [tilespmem:s2], [sflag:$0x2], $0x2000, $0x38;
	[tilespmem:$0x11610] =	vst v63  }
0x26c: {  	_ =	swait.ge [sflag:s6], $0x2000  }
0x26d: {  	[sflag:s6] =	ssyncset.done $0x0  }
0x26e: {  	s8 =	rddreg [dreg:$0x7];
	[sflag:s6] =	ssyncadd.s32 $0xFFFFE000  }
0x26f: {  	[tilespmem:s0], [sflag:$0x2] =	stream.linear.gather [spmem:s8], $0x2000, $0x38;
	[tilespmem:$0x11610] =	vst v63  }
0x270: {  	_ =	swait.ge [sflag:s6], $0x2000  }
0x271: {  	s13 =	sld [smem:$0x7DB]  }
0x272: {  	[sflag:s6] =	ssyncset.done $0x0  }
0x273: {  	[sflag:s6] =	ssyncadd.s32 $0xFFFFE000  }
0x274: {  	[hbm4b:s13+s17] =	stream.linear.scatter [tilespmem:s0], [sflag:$0x2], $0x2000, $0x38;
	[tilespmem:$0x11610] =	vst v63  }
0x275: {  	_ =	swait.ge [sflag:s6], $0x2000  }
0x276: {  	[sflag:s6] =	ssyncset.done $0x0  }
0x277: {  	s8 =	rddreg [dreg:$0x8];
	[sflag:s6] =	ssyncadd.s32 $0xFFFFE000  }
0x278: {  	[tilespmem:s2], [sflag:$0x2] =	stream.linear.gather [spmem:s8], $0x2000, $0x38;
	[tilespmem:$0x11610] =	vst v63  }
0x279: {  	_ =	swait.ge [sflag:s6], $0x2000  }
0x27a: {  	s13 =	sld [smem:$0x7DC]  }
0x27b: {  	[sflag:s6] =	ssyncset.done $0x0  }
0x27c: {  	[sflag:s6] =	ssyncadd.s32 $0xFFFFE000  }
0x27d: {  	[hbm4b:s13+s17] =	stream.linear.scatter [tilespmem:s2], [sflag:$0x2], $0x2000, $0x38;
	[tilespmem:$0x11610] =	vst v63  }
0x27e: {  	_ =	swait.ge [sflag:s6], $0x2000  }
0x27f: {  	[sflag:s6] =	ssyncset.done $0x0  }
0x280: {  	[sflag:s6] =	ssyncadd.s32 $0xFFFFE000  }
0x281: {  	[tilespmem:s0], [sflag:$0x2] =	stream.linear.gather [spmem:s11], $0x2000, $0x38;
	[tilespmem:$0x11610] =	vst v63  }
0x282: {  	_ =	swait.ge [sflag:s6], $0x2000  }
0x283: {  	s8 =	sld [smem:$0x7DD]  }
0x284: {  	[sflag:s6] =	ssyncset.done $0x0  }
0x285: {  	[sflag:s6] =	ssyncadd.s32 $0xFFFFE000  }
0x286: {  	[hbm4b:s8+s17] =	stream.linear.scatter [tilespmem:s0], [sflag:$0x2], $0x2000, $0x38;
	[tilespmem:$0x11610] =	vst v63  }
0x287: {  	_ =	swait.ge [sflag:s6], $0x2000  }
0x288: {  	[sflag:s6] =	ssyncset.done $0x0  }
0x289: {  	[sflag:s6] =	ssyncadd.s32 $0xFFFFE000  }
0x28a: {  	[tilespmem:s2], [sflag:$0x2] =	stream.linear.gather [spmem:s12], $0x2000, $0x38;
	[tilespmem:$0x11610] =	vst v63  }
0x28b: {  	_ =	swait.ge [sflag:s6], $0x2000  }
0x28c: {  	s13 =	sld [smem:$0x7DE]  }
0x28d: {  	[sflag:s6] =	ssyncset.done $0x0  }
0x28e: {  	[sflag:s6] =	ssyncadd.s32 $0xFFFFE000  }
0x28f: {  	[hbm4b:s13+s17] =	stream.linear.scatter [tilespmem:s2], [sflag:$0x2], $0x2000, $0x38;
	[tilespmem:$0x11610] =	vst v63  }
0x290: {  	_ =	swait.ge [sflag:s6], $0x2000  }
0x291: {  	[sflag:s6] =	ssyncset.done $0x0  }
0x292: {  	[sflag:s6] =	ssyncadd.s32 $0xFFFFE000  }
0x293: {  	[tilespmem:s0], [sflag:$0x2] =	stream.linear.gather [spmem:s21], $0x2000, $0x38;
	[tilespmem:$0x11610] =	vst v63  }
0x294: {  	_ =	swait.ge [sflag:s6], $0x2000  }
0x295: {  	s8 =	sld [smem:$0x7DF]  }
0x296: {  	[sflag:s6] =	ssyncset.done $0x0  }
0x297: {  	[sflag:s6] =	ssyncadd.s32 $0xFFFFE000  }
0x298: {  	[hbm4b:s8+s17] =	stream.linear.scatter [tilespmem:s0], [sflag:$0x2], $0x2000, $0x38;
	[tilespmem:$0x11610] =	vst v63  }
0x299: {  	_ =	swait.ge [sflag:s6], $0x2000  }
0x29a: {  	[sflag:s6] =	ssyncset.done $0x0  }
0x29b: {  	[sflag:s6] =	ssyncadd.s32 $0xFFFFE000  }
0x29c: {  	[tilespmem:s2], [sflag:$0x2] =	stream.linear.gather [spmem:s22], $0x2000, $0x38;
	[tilespmem:$0x11610] =	vst v63  }
0x29d: {  	_ =	swait.ge [sflag:s6], $0x2000  }
0x29e: {  	s13 =	sld [smem:$0x7E0]  }
0x29f: {  	[sflag:s6] =	ssyncset.done $0x0  }
0x2a0: {  	[sflag:s6] =	ssyncadd.s32 $0xFFFFE000  }
0x2a1: {  	[hbm4b:s13+s17] =	stream.linear.scatter [tilespmem:s2], [sflag:$0x2], $0x2000, $0x38;
	[tilespmem:$0x11610] =	vst v63  }
0x2a2: {  	_ =	swait.ge [sflag:s6], $0x2000  }
0x2a3: {  	[sflag:s6] =	ssyncset.done $0x0  }
0x2a4: {  	[sflag:s6] =	ssyncadd.s32 $0xFFFFE000  }
0x2a5: {  	[tilespmem:s0], [sflag:$0x2] =	stream.linear.gather [spmem:s23], $0x2000, $0x38;
	[tilespmem:$0x11610] =	vst v63  }
0x2a6: {  	_ =	swait.ge [sflag:s6], $0x2000  }
0x2a7: {  	s8 =	sld [smem:$0x7E1]  }
0x2a8: {  	[sflag:s6] =	ssyncset.done $0x0  }
0x2a9: {  	[sflag:s6] =	ssyncadd.s32 $0xFFFFE000  }
0x2aa: {  	[hbm4b:s8+s17] =	stream.linear.scatter [tilespmem:s0], [sflag:$0x2], $0x2000, $0x38;
	[tilespmem:$0x11610] =	vst v63  }
0x2ab: {  	_ =	swait.ge [sflag:s6], $0x2000  }
0x2ac: {  	[sflag:s6] =	ssyncset.done $0x0  }
0x2ad: {  	[sflag:s6] =	ssyncadd.s32 $0xFFFFE000  }
0x2ae: {  	[tilespmem:s2], [sflag:$0x2] =	stream.linear.gather [spmem:s24], $0x2000, $0x38;
	[tilespmem:$0x11610] =	vst v63  }
0x2af: {  	_ =	swait.ge [sflag:s6], $0x2000  }
0x2b0: {  	s13 =	sld [smem:$0x7E2]  }
0x2b1: {  	[sflag:s6] =	ssyncset.done $0x0  }
0x2b2: {  	[sflag:s6] =	ssyncadd.s32 $0xFFFFE000  }
0x2b3: {  	[hbm4b:s13+s17] =	stream.linear.scatter [tilespmem:s2], [sflag:$0x2], $0x2000, $0x38;
	[tilespmem:$0x11610] =	vst v63  }
0x2b4: {  	_ =	swait.ge [sflag:s6], $0x2000  }
0x2b5: {  	[sflag:s6] =	ssyncset.done $0x0  }
0x2b6: {  	s7 =	simm.s32 $0x0;
	s13 =	simm.s32 $0x200;
	[sflag:s6] =	ssyncadd.s32 $0xFFFFE000  }
.LBB2_22:
0x2b7: {  	p0 =	sne.s32 s13, $0x7E00;
	[tilespmem:s7+$0xF610] =	vst v1;
	s7 =	smov.u32 s13;
	s13 =	sadd.s32 $0x200, s13  }
.Ltmp10:
0x2b8: {  	(pc) =	sbr.rel @p0 .LBB2_22-.Ltmp10, $2  }
0x2b9: {  	_ =	sdelay $0x2  }
0x2ba: {  	s7 =	sshra.s32 s7, $0x2  }
0x2bb: {  	s17 =	simm.s32 $0x0  }
0x2bc: {  	s13 =	sand.u32 $0x7E00, s17  }
0x2bd: {  	[tilespmem:s7+$0xF610] =	vst v1;
	s8 =	sand.u32 $0x70, s17;
	s7 =	sshrl.u32 s13, $0x2  }
0x2be: {  	[bflag:$0x0] =	sbarrier.arrive $0xFFFF;
	s13 =	simm.s32 $0x40;
	s7 =	sor.u32 s8, s7  }
.LBB2_24:
0x2bf: {  	p0 =	seq.s32 s13, $0x7FC0  }
0x2c0: {  	[tilespmem:s7+$0xB610] =	vst v1;
	s17 =	sadd.s32 $0x10, s17;
	s7 =	smov.u32 s13;
	s13 =	sadd.s32 $0x40, s13  }
.Ltmp11:
0x2c1: {  	(pc) =	sbr.rel @!p0 .LBB2_24-.Ltmp11, $4  }
0x2c2: {  	_ = 	snop  }
0x2c3: {  	s7 =	sand.u32 $0x7E00, s7  }
0x2c4: {  	s8 =	sand.u32 $0x70, s17;
	s7 =	sshrl.u32 s7, $0x2  }
0x2c5: {  	s7 =	sor.u32 s8, s7  }
0x2c6: {  	[tilespmem:s7+$0xB610] =	vst v1  }
0x2c7: {  	[spmem:s9] =	stream.linear.scatter [tilespmem:s0], [sflag:$0x2], $0x2000, $0x38;
	[tilespmem:$0x11610] =	vst v63  }
0x2c8: {  	_ =	swait.ge [sflag:s6], $0x2000  }
0x2c9: {  	[sflag:s6] =	ssyncset.done $0x0  }
0x2ca: {  	[sflag:s6] =	ssyncadd.s32 $0xFFFFE000  }
0x2cb: {  	[spmem:s10] =	stream.linear.scatter [tilespmem:s2], [sflag:$0x2], $0x2000, $0x38;
	[tilespmem:$0x11610] =	vst v63  }
0x2cc: {  	_ =	swait.ge [sflag:s6], $0x2000  }
0x2cd: {  	[sflag:s6] =	ssyncset.done $0x0  }
0x2ce: {  	s17 =	rddreg [dreg:$0x7];
	[sflag:s6] =	ssyncadd.s32 $0xFFFFE000  }
0x2cf: {  	[spmem:s17] =	stream.linear.scatter [tilespmem:s0], [sflag:$0x2], $0x2000, $0x38;
	[tilespmem:$0x11610] =	vst v63  }
0x2d0: {  	_ =	swait.ge [sflag:s6], $0x2000  }
0x2d1: {  	[sflag:s6] =	ssyncset.done $0x0  }
0x2d2: {  	s8 =	rddreg [dreg:$0x8];
	[sflag:s6] =	ssyncadd.s32 $0xFFFFE000  }
0x2d3: {  	[spmem:s8] =	stream.linear.scatter [tilespmem:s2], [sflag:$0x2], $0x2000, $0x38;
	[tilespmem:$0x11610] =	vst v63  }
0x2d4: {  	_ =	swait.ge [sflag:s6], $0x2000  }
0x2d5: {  	[sflag:s6] =	ssyncset.done $0x0  }
0x2d6: {  	[sflag:s6] =	ssyncadd.s32 $0xFFFFE000  }
0x2d7: {  	[spmem:s11] =	stream.linear.scatter [tilespmem:s0], [sflag:$0x2], $0x2000, $0x38;
	[tilespmem:$0x11610] =	vst v63  }
0x2d8: {  	_ =	swait.ge [sflag:s6], $0x2000  }
0x2d9: {  	[sflag:s6] =	ssyncset.done $0x0  }
0x2da: {  	[sflag:s6] =	ssyncadd.s32 $0xFFFFE000  }
0x2db: {  	[spmem:s12] =	stream.linear.scatter [tilespmem:s2], [sflag:$0x2], $0x2000, $0x38;
	[tilespmem:$0x11610] =	vst v63  }
0x2dc: {  	_ =	swait.ge [sflag:s6], $0x2000  }
0x2dd: {  	[sflag:s6] =	ssyncset.done $0x0  }
0x2de: {  	[sflag:s6] =	ssyncadd.s32 $0xFFFFE000  }
0x2df: {  	[spmem:s21] =	stream.linear.scatter [tilespmem:s0], [sflag:$0x2], $0x2000, $0x38;
	[tilespmem:$0x11610] =	vst v63  }
0x2e0: {  	_ =	swait.ge [sflag:s6], $0x2000  }
0x2e1: {  	[sflag:s6] =	ssyncset.done $0x0  }
0x2e2: {  	[sflag:s6] =	ssyncadd.s32 $0xFFFFE000  }
0x2e3: {  	[spmem:s22] =	stream.linear.scatter [tilespmem:s2], [sflag:$0x2], $0x2000, $0x38;
	[tilespmem:$0x11610] =	vst v63  }
0x2e4: {  	_ =	swait.ge [sflag:s6], $0x2000  }
0x2e5: {  	[sflag:s6] =	ssyncset.done $0x0  }
0x2e6: {  	[sflag:s6] =	ssyncadd.s32 $0xFFFFE000  }
0x2e7: {  	[spmem:s23] =	stream.linear.scatter [tilespmem:s0], [sflag:$0x2], $0x2000, $0x38;
	[tilespmem:$0x11610] =	vst v63  }
0x2e8: {  	_ =	swait.ge [sflag:s6], $0x2000  }
0x2e9: {  	[sflag:s6] =	ssyncset.done $0x0  }
0x2ea: {  	[sflag:s6] =	ssyncadd.s32 $0xFFFFE000  }
0x2eb: {  	[spmem:s24] =	stream.linear.scatter [tilespmem:s2], [sflag:$0x2], $0x2000, $0x38;
	[tilespmem:$0x11610] =	vst v63  }
0x2ec: {  	_ =	swait.ge [sflag:s6], $0x2000  }
0x2ed: {  	[sflag:s6] =	ssyncset.done $0x0  }
0x2ee: {  	[sflag:s6] =	ssyncadd.s32 $0xFFFFE000  }
0x2ef: {  	s13 =	sadd.s32 $0x0, s26;
	[bflag:$0x0] =	sbarrier.arrive $0xFFFF  }
0x2f0: {  	[tilespmem:s14], [sflag:$0x2] =	stream.linear.gather [hbm4b:s13+s5], $0x40, $0x38;
	[tilespmem:$0x11610] =	vst v63  }
0x2f1: {  	_ =	swait.ge [sflag:s6], $0x40  }
0x2f2: {  	[sflag:s6] =	ssyncset.done $0x0  }
0x2f3: {  	s17 =	sadd.s32 $0x0, s30;
	[sflag:s6] =	ssyncadd.s32 $0xFFFFFFC0  }
0x2f4: {  	[tilespmem:s15], [sflag:$0x2] =	stream.linear.gather [hbm4b:s17+s5], $0x40, $0x38;
	[tilespmem:$0x11610] =	vst v63  }
0x2f5: {  	_ =	swait.ge [sflag:s6], $0x40  }
0x2f6: {  	[sflag:s6] =	ssyncset.done $0x0  }
0x2f7: {  	[sflag:s6] =	ssyncadd.s32 $0xFFFFFFC0  }
0x2f8: {  	v2 =	vld [tilespmem:$0xB540]  }
0x2f9: {  	v3 =	vld [tilespmem:$0xB530]  }
0x2fa: {  	v4 =	vld [tilespmem:$0xB510]  }
0x2fb: {  	v5 =	vld [tilespmem:$0xB520];
	_ =	sdelay $0x1  }
0x2fc: {  	v2 =	vadd.s32 $0xFFFFEC00, v2  }
0x2fd: {  	v3 =	vadd.s32 $0xFFFFEC00, v3;
	v2 =	vmin.u32 v2, $0x1400  }
0x2fe: {  	v4 =	vadd.s32 $0xFFFFEC00, v4;
	v3 =	vmin.u32 v3, $0x1400;
	[tilespmem:$0xB5C0] =	vst v2  }
0x2ff: {  	v63 =	vadd.s32 $0xFFFFEC00, v5;
	v2 =	vmin.u32 v4, $0x1400;
	[tilespmem:$0xB5B0] =	vst v3  }
0x300: {  	[tilespmem:$0xB590] =	vst v2;
	v2 =	vmin.u32 v63, $0x1400  }
0x301: {  	[tilespmem:$0xB5A0] =	vst v2  }
0x302: {  	[tilespmem:s0], [sflag:$0x1] =	stream.indirect.gather [hbm4b:s1+s16], $0x80, s14, s16, $0xb8;
	[tilespmem:$0x11610] =	vst v63  }
0x303: {  	_ =	swait.ge [sflag:s18], $0x2000  }
0x304: {  	[sflag:s18] =	ssyncset.done $0x0  }
0x305: {  	[sflag:s18] =	ssyncadd.s32 $0xFFFFE000  }
0x306: {  	[spmem:s3] =	stream.indirect.scatter.add.f32 [tilespmem:s0], [sflag:$0x2], $0x80, s19, s16, $0xb8;
	[tilespmem:$0x11610] =	vst v63  }
0x307: {  	_ =	swait.ge [sflag:s6], $0x2000  }
0x308: {  	[sflag:s6] =	ssyncset.done $0x0  }
0x309: {  	s17 =	simm.s32 $0x8;
	[sflag:s6] =	ssyncadd.s32 $0xFFFFE000  }
.LBB2_26:
0x30a: {  	[spmem:s4] =	stream.indirect.scatter.add.f32 [tilespmem:s20], [sflag:$0x2], $0x10, s19, s16, $0xb8;
	[tilespmem:$0x11610] =	vst v63  }
0x30b: {  	s7 =	smov.u32 s17  }
0x30c: {  	p0 =	sne.s32 s17, $0x4F8;
	s17 =	sadd.s32 $0x8, s17;
	_ =	swait.ge [sflag:s6], $0x400  }
0x30d: {  	[sflag:s6] =	ssyncset.done $0x0  }
0x30e: {  	s8 =	sadd.s32 s7, s26;
	[sflag:s6] =	ssyncadd.s32 $0xFFFFFC00  }
0x30f: {  	[tilespmem:s14], [sflag:$0x2] =	stream.linear.gather [hbm4b:s8+s5], $0x40, $0x38;
	[tilespmem:$0x11610] =	vst v63  }
0x310: {  	_ =	swait.ge [sflag:s6], $0x40  }
0x311: {  	[sflag:s6] =	ssyncset.done $0x0  }
0x312: {  	s7 =	sadd.s32 s7, s30;
	[sflag:s6] =	ssyncadd.s32 $0xFFFFFFC0  }
0x313: {  	[tilespmem:s15], [sflag:$0x2] =	stream.linear.gather [hbm4b:s7+s5], $0x40, $0x38;
	[tilespmem:$0x11610] =	vst v63  }
0x314: {  	_ =	swait.ge [sflag:s6], $0x40  }
0x315: {  	[sflag:s6] =	ssyncset.done $0x0  }
0x316: {  	[sflag:s6] =	ssyncadd.s32 $0xFFFFFFC0  }
0x317: {  	v2 =	vld [tilespmem:$0xB540]  }
0x318: {  	v3 =	vld [tilespmem:$0xB530]  }
0x319: {  	v4 =	vld [tilespmem:$0xB510]  }
0x31a: {  	v5 =	vld [tilespmem:$0xB520];
	_ =	sdelay $0x1  }
0x31b: {  	v2 =	vadd.s32 $0xFFFFEC00, v2  }
0x31c: {  	v3 =	vadd.s32 $0xFFFFEC00, v3;
	v2 =	vmin.u32 v2, $0x1400  }
0x31d: {  	v4 =	vadd.s32 $0xFFFFEC00, v4;
	v3 =	vmin.u32 v3, $0x1400;
	[tilespmem:$0xB5C0] =	vst v2  }
0x31e: {  	v2 =	vmin.u32 v4, $0x1400;
	v4 =	vadd.s32 $0xFFFFEC00, v5;
	[tilespmem:$0xB5B0] =	vst v3  }
0x31f: {  	[tilespmem:$0xB590] =	vst v2;
	v2 =	vmin.u32 v4, $0x1400  }
0x320: {  	[tilespmem:$0xB5A0] =	vst v2  }
0x321: {  	[tilespmem:s0], [sflag:$0x1] =	stream.indirect.gather [hbm4b:s1+s16], $0x80, s14, s16, $0xb8;
	[tilespmem:$0x11610] =	vst v63  }
0x322: {  	_ =	swait.ge [sflag:s18], $0x2000  }
0x323: {  	[sflag:s18] =	ssyncset.done $0x0  }
.Ltmp12:
0x324: {  	[sflag:s18] =	ssyncadd.s32 $0xFFFFE000;
	(pc) =	sbr.rel @p0 .LBB2_26-.Ltmp12, $4  }
0x325: {  	[spmem:s3] =	stream.indirect.scatter.add.f32 [tilespmem:s0], [sflag:$0x2], $0x80, s19, s16, $0xb8;
	[tilespmem:$0x11610] =	vst v63  }
0x326: {  	_ =	swait.ge [sflag:s6], $0x2000  }
0x327: {  	[sflag:s6] =	ssyncset.done $0x0  }
0x328: {  	[sflag:s6] =	ssyncadd.s32 $0xFFFFE000  }
0x329: {  	[spmem:s4] =	stream.indirect.scatter.add.f32 [tilespmem:s20], [sflag:$0x2], $0x10, s19, s16, $0xb8;
	[tilespmem:$0x11610] =	vst v63  }
0x32a: {  	_ =	swait.ge [sflag:s6], $0x400  }
0x32b: {  	[sflag:s6] =	ssyncset.done $0x0  }
0x32c: {  	[sflag:s6] =	ssyncadd.s32 $0xFFFFFC00  }
0x32d: {  	[bflag:$0x0] =	sbarrier.arrive $0xFFFF  }
0x32e: {  	[tilespmem:s0], [sflag:$0x2] =	stream.linear.gather [spmem:s9], $0x2000, $0x38;
	[tilespmem:$0x11610] =	vst v63  }
0x32f: {  	_ =	swait.ge [sflag:s6], $0x2000  }
0x330: {  	[sflag:s6] =	ssyncset.done $0x0  }
0x331: {  	s17 =	simm.s32 $0x0;
	s7 =	rddreg [dreg:$0xc];
	[sflag:s6] =	ssyncadd.s32 $0xFFFFE000  }
0x332: {  	[hbm4b:s7+s17] =	stream.linear.scatter [tilespmem:s0], [sflag:$0x2], $0x2000, $0x38;
	[tilespmem:$0x11610] =	vst v63  }
0x333: {  	_ =	swait.ge [sflag:s6], $0x2000  }
0x334: {  	[sflag:s6] =	ssyncset.done $0x0  }
0x335: {  	[sflag:s6] =	ssyncadd.s32 $0xFFFFE000  }
0x336: {  	[tilespmem:s2], [sflag:$0x2] =	stream.linear.gather [spmem:s10], $0x2000, $0x38;
	[tilespmem:$0x11610] =	vst v63  }
0x337: {  	_ =	swait.ge [sflag:s6], $0x2000  }
0x338: {  	s13 =	sld [smem:$0x7E3]  }
0x339: {  	[sflag:s6] =	ssyncset.done $0x0  }
0x33a: {  	[sflag:s6] =	ssyncadd.s32 $0xFFFFE000  }
0x33b: {  	[hbm4b:s13+s17] =	stream.linear.scatter [tilespmem:s2], [sflag:$0x2], $0x2000, $0x38;
	[tilespmem:$0x11610] =	vst v63  }
0x33c: {  	_ =	swait.ge [sflag:s6], $0x2000  }
0x33d: {  	[sflag:s6] =	ssyncset.done $0x0  }
0x33e: {  	s8 =	rddreg [dreg:$0x7];
	[sflag:s6] =	ssyncadd.s32 $0xFFFFE000  }
0x33f: {  	[tilespmem:s0], [sflag:$0x2] =	stream.linear.gather [spmem:s8], $0x2000, $0x38;
	[tilespmem:$0x11610] =	vst v63  }
0x340: {  	_ =	swait.ge [sflag:s6], $0x2000  }
0x341: {  	s13 =	sld [smem:$0x7E4]  }
0x342: {  	[sflag:s6] =	ssyncset.done $0x0  }
0x343: {  	[sflag:s6] =	ssyncadd.s32 $0xFFFFE000  }
0x344: {  	[hbm4b:s13+s17] =	stream.linear.scatter [tilespmem:s0], [sflag:$0x2], $0x2000, $0x38;
	[tilespmem:$0x11610] =	vst v63  }
0x345: {  	_ =	swait.ge [sflag:s6], $0x2000  }
0x346: {  	[sflag:s6] =	ssyncset.done $0x0  }
0x347: {  	s8 =	rddreg [dreg:$0x8];
	[sflag:s6] =	ssyncadd.s32 $0xFFFFE000  }
0x348: {  	[tilespmem:s2], [sflag:$0x2] =	stream.linear.gather [spmem:s8], $0x2000, $0x38;
	[tilespmem:$0x11610] =	vst v63  }
0x349: {  	_ =	swait.ge [sflag:s6], $0x2000  }
0x34a: {  	s13 =	sld [smem:$0x7E5]  }
0x34b: {  	[sflag:s6] =	ssyncset.done $0x0  }
0x34c: {  	[sflag:s6] =	ssyncadd.s32 $0xFFFFE000  }
0x34d: {  	[hbm4b:s13+s17] =	stream.linear.scatter [tilespmem:s2], [sflag:$0x2], $0x2000, $0x38;
	[tilespmem:$0x11610] =	vst v63  }
0x34e: {  	_ =	swait.ge [sflag:s6], $0x2000  }
0x34f: {  	[sflag:s6] =	ssyncset.done $0x0  }
0x350: {  	[sflag:s6] =	ssyncadd.s32 $0xFFFFE000  }
0x351: {  	[tilespmem:s0], [sflag:$0x2] =	stream.linear.gather [spmem:s11], $0x2000, $0x38;
	[tilespmem:$0x11610] =	vst v63  }
0x352: {  	_ =	swait.ge [sflag:s6], $0x2000  }
0x353: {  	s8 =	sld [smem:$0x7E6]  }
0x354: {  	[sflag:s6] =	ssyncset.done $0x0  }
0x355: {  	[sflag:s6] =	ssyncadd.s32 $0xFFFFE000  }
0x356: {  	[hbm4b:s8+s17] =	stream.linear.scatter [tilespmem:s0], [sflag:$0x2], $0x2000, $0x38;
	[tilespmem:$0x11610] =	vst v63  }
0x357: {  	_ =	swait.ge [sflag:s6], $0x2000  }
0x358: {  	[sflag:s6] =	ssyncset.done $0x0  }
0x359: {  	[sflag:s6] =	ssyncadd.s32 $0xFFFFE000  }
0x35a: {  	[tilespmem:s2], [sflag:$0x2] =	stream.linear.gather [spmem:s12], $0x2000, $0x38;
	[tilespmem:$0x11610] =	vst v63  }
0x35b: {  	_ =	swait.ge [sflag:s6], $0x2000  }
0x35c: {  	s13 =	sld [smem:$0x7E7]  }
0x35d: {  	[sflag:s6] =	ssyncset.done $0x0  }
0x35e: {  	[sflag:s6] =	ssyncadd.s32 $0xFFFFE000  }
0x35f: {  	[hbm4b:s13+s17] =	stream.linear.scatter [tilespmem:s2], [sflag:$0x2], $0x2000, $0x38;
	[tilespmem:$0x11610] =	vst v63  }
0x360: {  	_ =	swait.ge [sflag:s6], $0x2000  }
0x361: {  	[sflag:s6] =	ssyncset.done $0x0  }
0x362: {  	[sflag:s6] =	ssyncadd.s32 $0xFFFFE000  }
0x363: {  	[tilespmem:s0], [sflag:$0x2] =	stream.linear.gather [spmem:s21], $0x2000, $0x38;
	[tilespmem:$0x11610] =	vst v63  }
0x364: {  	_ =	swait.ge [sflag:s6], $0x2000  }
0x365: {  	s8 =	sld [smem:$0x7E8]  }
0x366: {  	[sflag:s6] =	ssyncset.done $0x0  }
0x367: {  	[sflag:s6] =	ssyncadd.s32 $0xFFFFE000  }
0x368: {  	[hbm4b:s8+s17] =	stream.linear.scatter [tilespmem:s0], [sflag:$0x2], $0x2000, $0x38;
	[tilespmem:$0x11610] =	vst v63  }
0x369: {  	_ =	swait.ge [sflag:s6], $0x2000  }
0x36a: {  	[sflag:s6] =	ssyncset.done $0x0  }
0x36b: {  	[sflag:s6] =	ssyncadd.s32 $0xFFFFE000  }
0x36c: {  	[tilespmem:s2], [sflag:$0x2] =	stream.linear.gather [spmem:s22], $0x2000, $0x38;
	[tilespmem:$0x11610] =	vst v63  }
0x36d: {  	_ =	swait.ge [sflag:s6], $0x2000  }
0x36e: {  	s13 =	sld [smem:$0x7E9]  }
0x36f: {  	[sflag:s6] =	ssyncset.done $0x0  }
0x370: {  	[sflag:s6] =	ssyncadd.s32 $0xFFFFE000  }
0x371: {  	[hbm4b:s13+s17] =	stream.linear.scatter [tilespmem:s2], [sflag:$0x2], $0x2000, $0x38;
	[tilespmem:$0x11610] =	vst v63  }
0x372: {  	_ =	swait.ge [sflag:s6], $0x2000  }
0x373: {  	[sflag:s6] =	ssyncset.done $0x0  }
0x374: {  	[sflag:s6] =	ssyncadd.s32 $0xFFFFE000  }
0x375: {  	[tilespmem:s0], [sflag:$0x2] =	stream.linear.gather [spmem:s23], $0x2000, $0x38;
	[tilespmem:$0x11610] =	vst v63  }
0x376: {  	_ =	swait.ge [sflag:s6], $0x2000  }
0x377: {  	s8 =	sld [smem:$0x7EA]  }
0x378: {  	[sflag:s6] =	ssyncset.done $0x0  }
0x379: {  	[sflag:s6] =	ssyncadd.s32 $0xFFFFE000  }
0x37a: {  	[hbm4b:s8+s17] =	stream.linear.scatter [tilespmem:s0], [sflag:$0x2], $0x2000, $0x38;
	[tilespmem:$0x11610] =	vst v63  }
0x37b: {  	_ =	swait.ge [sflag:s6], $0x2000  }
0x37c: {  	[sflag:s6] =	ssyncset.done $0x0  }
0x37d: {  	[sflag:s6] =	ssyncadd.s32 $0xFFFFE000  }
0x37e: {  	[tilespmem:s2], [sflag:$0x2] =	stream.linear.gather [spmem:s24], $0x2000, $0x38;
	[tilespmem:$0x11610] =	vst v63  }
0x37f: {  	_ =	swait.ge [sflag:s6], $0x2000  }
0x380: {  	s13 =	sld [smem:$0x7EB]  }
0x381: {  	[sflag:s6] =	ssyncset.done $0x0  }
0x382: {  	[sflag:s6] =	ssyncadd.s32 $0xFFFFE000  }
0x383: {  	[hbm4b:s13+s17] =	stream.linear.scatter [tilespmem:s2], [sflag:$0x2], $0x2000, $0x38;
	[tilespmem:$0x11610] =	vst v63  }
0x384: {  	_ =	swait.ge [sflag:s6], $0x2000  }
0x385: {  	[sflag:s6] =	ssyncset.done $0x0  }
0x386: {  	s7 =	simm.s32 $0x0;
	s13 =	simm.s32 $0x200;
	[sflag:s6] =	ssyncadd.s32 $0xFFFFE000  }
.LBB2_28:
0x387: {  	p0 =	sne.s32 s13, $0x7E00;
	[tilespmem:s7+$0xF610] =	vst v1;
	s7 =	smov.u32 s13;
	s13 =	sadd.s32 $0x200, s13  }
.Ltmp13:
0x388: {  	(pc) =	sbr.rel @p0 .LBB2_28-.Ltmp13, $2  }
0x389: {  	_ =	sdelay $0x2  }
0x38a: {  	s7 =	sshra.s32 s7, $0x2  }
0x38b: {  	s17 =	simm.s32 $0x0  }
0x38c: {  	s13 =	sand.u32 $0x7E00, s17  }
0x38d: {  	[tilespmem:s7+$0xF610] =	vst v1;
	s8 =	sand.u32 $0x70, s17;
	s7 =	sshrl.u32 s13, $0x2  }
0x38e: {  	[bflag:$0x0] =	sbarrier.arrive $0xFFFF;
	s13 =	simm.s32 $0x40;
	s7 =	sor.u32 s8, s7  }
.LBB2_30:
0x38f: {  	p0 =	seq.s32 s13, $0x7FC0  }
0x390: {  	[tilespmem:s7+$0xB610] =	vst v1;
	s17 =	sadd.s32 $0x10, s17;
	s7 =	smov.u32 s13;
	s13 =	sadd.s32 $0x40, s13  }
.Ltmp14:
0x391: {  	(pc) =	sbr.rel @!p0 .LBB2_30-.Ltmp14, $4  }
0x392: {  	_ = 	snop  }
0x393: {  	s7 =	sand.u32 $0x7E00, s7  }
0x394: {  	s8 =	sand.u32 $0x70, s17;
	s7 =	sshrl.u32 s7, $0x2  }
0x395: {  	s7 =	sor.u32 s8, s7  }
0x396: {  	[tilespmem:s7+$0xB610] =	vst v1  }
0x397: {  	[spmem:s9] =	stream.linear.scatter [tilespmem:s0], [sflag:$0x2], $0x2000, $0x38;
	[tilespmem:$0x11610] =	vst v63  }
0x398: {  	_ =	swait.ge [sflag:s6], $0x2000  }
0x399: {  	[sflag:s6] =	ssyncset.done $0x0  }
0x39a: {  	[sflag:s6] =	ssyncadd.s32 $0xFFFFE000  }
0x39b: {  	[spmem:s10] =	stream.linear.scatter [tilespmem:s2], [sflag:$0x2], $0x2000, $0x38;
	[tilespmem:$0x11610] =	vst v63  }
0x39c: {  	_ =	swait.ge [sflag:s6], $0x2000  }
0x39d: {  	[sflag:s6] =	ssyncset.done $0x0  }
0x39e: {  	s17 =	rddreg [dreg:$0x7];
	[sflag:s6] =	ssyncadd.s32 $0xFFFFE000  }
0x39f: {  	[spmem:s17] =	stream.linear.scatter [tilespmem:s0], [sflag:$0x2], $0x2000, $0x38;
	[tilespmem:$0x11610] =	vst v63  }
0x3a0: {  	_ =	swait.ge [sflag:s6], $0x2000  }
0x3a1: {  	[sflag:s6] =	ssyncset.done $0x0  }
0x3a2: {  	s8 =	rddreg [dreg:$0x8];
	[sflag:s6] =	ssyncadd.s32 $0xFFFFE000  }
0x3a3: {  	[spmem:s8] =	stream.linear.scatter [tilespmem:s2], [sflag:$0x2], $0x2000, $0x38;
	[tilespmem:$0x11610] =	vst v63  }
0x3a4: {  	_ =	swait.ge [sflag:s6], $0x2000  }
0x3a5: {  	[sflag:s6] =	ssyncset.done $0x0  }
0x3a6: {  	[sflag:s6] =	ssyncadd.s32 $0xFFFFE000  }
0x3a7: {  	[spmem:s11] =	stream.linear.scatter [tilespmem:s0], [sflag:$0x2], $0x2000, $0x38;
	[tilespmem:$0x11610] =	vst v63  }
0x3a8: {  	_ =	swait.ge [sflag:s6], $0x2000  }
0x3a9: {  	[sflag:s6] =	ssyncset.done $0x0  }
0x3aa: {  	[sflag:s6] =	ssyncadd.s32 $0xFFFFE000  }
0x3ab: {  	[spmem:s12] =	stream.linear.scatter [tilespmem:s2], [sflag:$0x2], $0x2000, $0x38;
	[tilespmem:$0x11610] =	vst v63  }
0x3ac: {  	_ =	swait.ge [sflag:s6], $0x2000  }
0x3ad: {  	[sflag:s6] =	ssyncset.done $0x0  }
0x3ae: {  	[sflag:s6] =	ssyncadd.s32 $0xFFFFE000  }
0x3af: {  	[spmem:s21] =	stream.linear.scatter [tilespmem:s0], [sflag:$0x2], $0x2000, $0x38;
	[tilespmem:$0x11610] =	vst v63  }
0x3b0: {  	_ =	swait.ge [sflag:s6], $0x2000  }
0x3b1: {  	[sflag:s6] =	ssyncset.done $0x0  }
0x3b2: {  	[sflag:s6] =	ssyncadd.s32 $0xFFFFE000  }
0x3b3: {  	[spmem:s22] =	stream.linear.scatter [tilespmem:s2], [sflag:$0x2], $0x2000, $0x38;
	[tilespmem:$0x11610] =	vst v63  }
0x3b4: {  	_ =	swait.ge [sflag:s6], $0x2000  }
0x3b5: {  	[sflag:s6] =	ssyncset.done $0x0  }
0x3b6: {  	[sflag:s6] =	ssyncadd.s32 $0xFFFFE000  }
0x3b7: {  	[spmem:s23] =	stream.linear.scatter [tilespmem:s0], [sflag:$0x2], $0x2000, $0x38;
	[tilespmem:$0x11610] =	vst v63  }
0x3b8: {  	_ =	swait.ge [sflag:s6], $0x2000  }
0x3b9: {  	[sflag:s6] =	ssyncset.done $0x0  }
0x3ba: {  	[sflag:s6] =	ssyncadd.s32 $0xFFFFE000  }
0x3bb: {  	[spmem:s24] =	stream.linear.scatter [tilespmem:s2], [sflag:$0x2], $0x2000, $0x38;
	[tilespmem:$0x11610] =	vst v63  }
0x3bc: {  	_ =	swait.ge [sflag:s6], $0x2000  }
0x3bd: {  	[sflag:s6] =	ssyncset.done $0x0  }
0x3be: {  	[sflag:s6] =	ssyncadd.s32 $0xFFFFE000  }
0x3bf: {  	s13 =	sadd.s32 $0x0, s28;
	[bflag:$0x0] =	sbarrier.arrive $0xFFFF  }
0x3c0: {  	[tilespmem:s14], [sflag:$0x2] =	stream.linear.gather [hbm4b:s13+s5], $0x40, $0x38;
	[tilespmem:$0x11610] =	vst v63  }
0x3c1: {  	_ =	swait.ge [sflag:s6], $0x40  }
0x3c2: {  	[sflag:s6] =	ssyncset.done $0x0  }
0x3c3: {  	s17 =	sadd.s32 $0x0, s31;
	[sflag:s6] =	ssyncadd.s32 $0xFFFFFFC0  }
0x3c4: {  	[tilespmem:s15], [sflag:$0x2] =	stream.linear.gather [hbm4b:s17+s5], $0x40, $0x38;
	[tilespmem:$0x11610] =	vst v63  }
0x3c5: {  	_ =	swait.ge [sflag:s6], $0x40  }
0x3c6: {  	[sflag:s6] =	ssyncset.done $0x0  }
0x3c7: {  	[sflag:s6] =	ssyncadd.s32 $0xFFFFFFC0  }
0x3c8: {  	v2 =	vld [tilespmem:$0xB540]  }
0x3c9: {  	v3 =	vld [tilespmem:$0xB530]  }
0x3ca: {  	v4 =	vld [tilespmem:$0xB510]  }
0x3cb: {  	v5 =	vld [tilespmem:$0xB520];
	_ =	sdelay $0x1  }
0x3cc: {  	v2 =	vmin.u32 v2, $0x1400  }
0x3cd: {  	v3 =	vmin.u32 v3, $0x1400;
	[tilespmem:$0xB5C0] =	vst v2  }
0x3ce: {  	v2 =	vmin.u32 v4, $0x1400;
	[tilespmem:$0xB5B0] =	vst v3  }
0x3cf: {  	[tilespmem:$0xB590] =	vst v2;
	v2 =	vmin.u32 v5, $0x1400  }
0x3d0: {  	[tilespmem:$0xB5A0] =	vst v2  }
0x3d1: {  	[tilespmem:s0], [sflag:$0x1] =	stream.indirect.gather [hbm4b:s1+s16], $0x80, s14, s16, $0xb8;
	[tilespmem:$0x11610] =	vst v63  }
0x3d2: {  	_ =	swait.ge [sflag:s18], $0x2000  }
0x3d3: {  	[sflag:s18] =	ssyncset.done $0x0  }
0x3d4: {  	[sflag:s18] =	ssyncadd.s32 $0xFFFFE000  }
0x3d5: {  	[spmem:s3] =	stream.indirect.scatter.add.f32 [tilespmem:s0], [sflag:$0x2], $0x80, s19, s16, $0xb8;
	[tilespmem:$0x11610] =	vst v63  }
0x3d6: {  	_ =	swait.ge [sflag:s6], $0x2000  }
0x3d7: {  	[sflag:s6] =	ssyncset.done $0x0  }
0x3d8: {  	s17 =	simm.s32 $0x8;
	[sflag:s6] =	ssyncadd.s32 $0xFFFFE000  }
.LBB2_32:
0x3d9: {  	[spmem:s4] =	stream.indirect.scatter.add.f32 [tilespmem:s20], [sflag:$0x2], $0x10, s19, s16, $0xb8;
	[tilespmem:$0x11610] =	vst v63  }
0x3da: {  	s7 =	smov.u32 s17  }
0x3db: {  	p0 =	sne.s32 s17, $0x4F8;
	s17 =	sadd.s32 $0x8, s17;
	_ =	swait.ge [sflag:s6], $0x400  }
0x3dc: {  	[sflag:s6] =	ssyncset.done $0x0  }
0x3dd: {  	s8 =	sadd.s32 s7, s28;
	[sflag:s6] =	ssyncadd.s32 $0xFFFFFC00  }
0x3de: {  	[tilespmem:s14], [sflag:$0x2] =	stream.linear.gather [hbm4b:s8+s5], $0x40, $0x38;
	[tilespmem:$0x11610] =	vst v63  }
0x3df: {  	_ =	swait.ge [sflag:s6], $0x40  }
0x3e0: {  	[sflag:s6] =	ssyncset.done $0x0  }
0x3e1: {  	s7 =	sadd.s32 s7, s31;
	[sflag:s6] =	ssyncadd.s32 $0xFFFFFFC0  }
0x3e2: {  	[tilespmem:s15], [sflag:$0x2] =	stream.linear.gather [hbm4b:s7+s5], $0x40, $0x38;
	[tilespmem:$0x11610] =	vst v63  }
0x3e3: {  	_ =	swait.ge [sflag:s6], $0x40  }
0x3e4: {  	[sflag:s6] =	ssyncset.done $0x0  }
0x3e5: {  	[sflag:s6] =	ssyncadd.s32 $0xFFFFFFC0  }
0x3e6: {  	v2 =	vld [tilespmem:$0xB540]  }
0x3e7: {  	v3 =	vld [tilespmem:$0xB530]  }
0x3e8: {  	v4 =	vld [tilespmem:$0xB510]  }
0x3e9: {  	v5 =	vld [tilespmem:$0xB520];
	_ =	sdelay $0x1  }
0x3ea: {  	v2 =	vmin.u32 v2, $0x1400  }
0x3eb: {  	v3 =	vmin.u32 v3, $0x1400;
	[tilespmem:$0xB5C0] =	vst v2  }
0x3ec: {  	v2 =	vmin.u32 v4, $0x1400;
	[tilespmem:$0xB5B0] =	vst v3  }
0x3ed: {  	[tilespmem:$0xB590] =	vst v2;
	v2 =	vmin.u32 v5, $0x1400  }
0x3ee: {  	[tilespmem:$0xB5A0] =	vst v2  }
0x3ef: {  	[tilespmem:s0], [sflag:$0x1] =	stream.indirect.gather [hbm4b:s1+s16], $0x80, s14, s16, $0xb8;
	[tilespmem:$0x11610] =	vst v63  }
0x3f0: {  	_ =	swait.ge [sflag:s18], $0x2000  }
0x3f1: {  	[sflag:s18] =	ssyncset.done $0x0  }
.Ltmp15:
0x3f2: {  	[sflag:s18] =	ssyncadd.s32 $0xFFFFE000;
	(pc) =	sbr.rel @p0 .LBB2_32-.Ltmp15, $4  }
0x3f3: {  	[spmem:s3] =	stream.indirect.scatter.add.f32 [tilespmem:s0], [sflag:$0x2], $0x80, s19, s16, $0xb8;
	[tilespmem:$0x11610] =	vst v63  }
0x3f4: {  	_ =	swait.ge [sflag:s6], $0x2000  }
0x3f5: {  	[sflag:s6] =	ssyncset.done $0x0  }
0x3f6: {  	[sflag:s6] =	ssyncadd.s32 $0xFFFFE000  }
0x3f7: {  	[spmem:s4] =	stream.indirect.scatter.add.f32 [tilespmem:s20], [sflag:$0x2], $0x10, s19, s16, $0xb8;
	[tilespmem:$0x11610] =	vst v63  }
0x3f8: {  	_ =	swait.ge [sflag:s6], $0x400  }
0x3f9: {  	[sflag:s6] =	ssyncset.done $0x0  }
0x3fa: {  	[sflag:s6] =	ssyncadd.s32 $0xFFFFFC00  }
0x3fb: {  	[bflag:$0x0] =	sbarrier.arrive $0xFFFF  }
0x3fc: {  	[tilespmem:s0], [sflag:$0x2] =	stream.linear.gather [spmem:s9], $0x2000, $0x38;
	[tilespmem:$0x11610] =	vst v63  }
0x3fd: {  	_ =	swait.ge [sflag:s6], $0x2000  }
0x3fe: {  	s7 =	sld [smem:$0x7EC]  }
0x3ff: {  	[sflag:s6] =	ssyncset.done $0x0  }
0x400: {  	s17 =	simm.s32 $0x0;
	[sflag:s6] =	ssyncadd.s32 $0xFFFFE000  }
0x401: {  	[hbm4b:s7+s17] =	stream.linear.scatter [tilespmem:s0], [sflag:$0x2], $0x2000, $0x38;
	[tilespmem:$0x11610] =	vst v63  }
0x402: {  	_ =	swait.ge [sflag:s6], $0x2000  }
0x403: {  	[sflag:s6] =	ssyncset.done $0x0  }
0x404: {  	[sflag:s6] =	ssyncadd.s32 $0xFFFFE000  }
0x405: {  	[tilespmem:s2], [sflag:$0x2] =	stream.linear.gather [spmem:s10], $0x2000, $0x38;
	[tilespmem:$0x11610] =	vst v63  }
0x406: {  	_ =	swait.ge [sflag:s6], $0x2000  }
0x407: {  	[sflag:s6] =	ssyncset.done $0x0  }
0x408: {  	s13 =	rddreg [dreg:$0xf];
	[sflag:s6] =	ssyncadd.s32 $0xFFFFE000  }
0x409: {  	[hbm4b:s13+s17] =	stream.linear.scatter [tilespmem:s2], [sflag:$0x2], $0x2000, $0x38;
	[tilespmem:$0x11610] =	vst v63  }
0x40a: {  	_ =	swait.ge [sflag:s6], $0x2000  }
0x40b: {  	[sflag:s6] =	ssyncset.done $0x0  }
0x40c: {  	s8 =	rddreg [dreg:$0x7];
	[sflag:s6] =	ssyncadd.s32 $0xFFFFE000  }
0x40d: {  	[tilespmem:s0], [sflag:$0x2] =	stream.linear.gather [spmem:s8], $0x2000, $0x38;
	[tilespmem:$0x11610] =	vst v63  }
0x40e: {  	_ =	swait.ge [sflag:s6], $0x2000  }
0x40f: {  	s13 =	sld [smem:$0x7ED]  }
0x410: {  	[sflag:s6] =	ssyncset.done $0x0  }
0x411: {  	[sflag:s6] =	ssyncadd.s32 $0xFFFFE000  }
0x412: {  	[hbm4b:s13+s17] =	stream.linear.scatter [tilespmem:s0], [sflag:$0x2], $0x2000, $0x38;
	[tilespmem:$0x11610] =	vst v63  }
0x413: {  	_ =	swait.ge [sflag:s6], $0x2000  }
0x414: {  	[sflag:s6] =	ssyncset.done $0x0  }
0x415: {  	s8 =	rddreg [dreg:$0x8];
	[sflag:s6] =	ssyncadd.s32 $0xFFFFE000  }
0x416: {  	[tilespmem:s2], [sflag:$0x2] =	stream.linear.gather [spmem:s8], $0x2000, $0x38;
	[tilespmem:$0x11610] =	vst v63  }
0x417: {  	_ =	swait.ge [sflag:s6], $0x2000  }
0x418: {  	s13 =	sld [smem:$0x7EE]  }
0x419: {  	[sflag:s6] =	ssyncset.done $0x0  }
0x41a: {  	[sflag:s6] =	ssyncadd.s32 $0xFFFFE000  }
0x41b: {  	[hbm4b:s13+s17] =	stream.linear.scatter [tilespmem:s2], [sflag:$0x2], $0x2000, $0x38;
	[tilespmem:$0x11610] =	vst v63  }
0x41c: {  	_ =	swait.ge [sflag:s6], $0x2000  }
0x41d: {  	[sflag:s6] =	ssyncset.done $0x0  }
0x41e: {  	[sflag:s6] =	ssyncadd.s32 $0xFFFFE000  }
0x41f: {  	[tilespmem:s0], [sflag:$0x2] =	stream.linear.gather [spmem:s11], $0x2000, $0x38;
	[tilespmem:$0x11610] =	vst v63  }
0x420: {  	_ =	swait.ge [sflag:s6], $0x2000  }
0x421: {  	s8 =	sld [smem:$0x7EF]  }
0x422: {  	[sflag:s6] =	ssyncset.done $0x0  }
0x423: {  	[sflag:s6] =	ssyncadd.s32 $0xFFFFE000  }
0x424: {  	[hbm4b:s8+s17] =	stream.linear.scatter [tilespmem:s0], [sflag:$0x2], $0x2000, $0x38;
	[tilespmem:$0x11610] =	vst v63  }
0x425: {  	_ =	swait.ge [sflag:s6], $0x2000  }
0x426: {  	[sflag:s6] =	ssyncset.done $0x0  }
0x427: {  	[sflag:s6] =	ssyncadd.s32 $0xFFFFE000  }
0x428: {  	[tilespmem:s2], [sflag:$0x2] =	stream.linear.gather [spmem:s12], $0x2000, $0x38;
	[tilespmem:$0x11610] =	vst v63  }
0x429: {  	_ =	swait.ge [sflag:s6], $0x2000  }
0x42a: {  	s13 =	sld [smem:$0x7F0]  }
0x42b: {  	[sflag:s6] =	ssyncset.done $0x0  }
0x42c: {  	[sflag:s6] =	ssyncadd.s32 $0xFFFFE000  }
0x42d: {  	[hbm4b:s13+s17] =	stream.linear.scatter [tilespmem:s2], [sflag:$0x2], $0x2000, $0x38;
	[tilespmem:$0x11610] =	vst v63  }
0x42e: {  	_ =	swait.ge [sflag:s6], $0x2000  }
0x42f: {  	[sflag:s6] =	ssyncset.done $0x0  }
0x430: {  	[sflag:s6] =	ssyncadd.s32 $0xFFFFE000  }
0x431: {  	[tilespmem:s0], [sflag:$0x2] =	stream.linear.gather [spmem:s21], $0x2000, $0x38;
	[tilespmem:$0x11610] =	vst v63  }
0x432: {  	_ =	swait.ge [sflag:s6], $0x2000  }
0x433: {  	s8 =	sld [smem:$0x7F1]  }
0x434: {  	[sflag:s6] =	ssyncset.done $0x0  }
0x435: {  	[sflag:s6] =	ssyncadd.s32 $0xFFFFE000  }
0x436: {  	[hbm4b:s8+s17] =	stream.linear.scatter [tilespmem:s0], [sflag:$0x2], $0x2000, $0x38;
	[tilespmem:$0x11610] =	vst v63  }
0x437: {  	_ =	swait.ge [sflag:s6], $0x2000  }
0x438: {  	[sflag:s6] =	ssyncset.done $0x0  }
0x439: {  	[sflag:s6] =	ssyncadd.s32 $0xFFFFE000  }
0x43a: {  	[tilespmem:s2], [sflag:$0x2] =	stream.linear.gather [spmem:s22], $0x2000, $0x38;
	[tilespmem:$0x11610] =	vst v63  }
0x43b: {  	_ =	swait.ge [sflag:s6], $0x2000  }
0x43c: {  	s13 =	sld [smem:$0x7F2]  }
0x43d: {  	[sflag:s6] =	ssyncset.done $0x0  }
0x43e: {  	[sflag:s6] =	ssyncadd.s32 $0xFFFFE000  }
0x43f: {  	[hbm4b:s13+s17] =	stream.linear.scatter [tilespmem:s2], [sflag:$0x2], $0x2000, $0x38;
	[tilespmem:$0x11610] =	vst v63  }
0x440: {  	_ =	swait.ge [sflag:s6], $0x2000  }
0x441: {  	[sflag:s6] =	ssyncset.done $0x0  }
0x442: {  	[sflag:s6] =	ssyncadd.s32 $0xFFFFE000  }
0x443: {  	[tilespmem:s0], [sflag:$0x2] =	stream.linear.gather [spmem:s23], $0x2000, $0x38;
	[tilespmem:$0x11610] =	vst v63  }
0x444: {  	_ =	swait.ge [sflag:s6], $0x2000  }
0x445: {  	s8 =	sld [smem:$0x7F3]  }
0x446: {  	[sflag:s6] =	ssyncset.done $0x0  }
0x447: {  	[sflag:s6] =	ssyncadd.s32 $0xFFFFE000  }
0x448: {  	[hbm4b:s8+s17] =	stream.linear.scatter [tilespmem:s0], [sflag:$0x2], $0x2000, $0x38;
	[tilespmem:$0x11610] =	vst v63  }
0x449: {  	_ =	swait.ge [sflag:s6], $0x2000  }
0x44a: {  	[sflag:s6] =	ssyncset.done $0x0  }
0x44b: {  	[sflag:s6] =	ssyncadd.s32 $0xFFFFE000  }
0x44c: {  	[tilespmem:s2], [sflag:$0x2] =	stream.linear.gather [spmem:s24], $0x2000, $0x38;
	[tilespmem:$0x11610] =	vst v63  }
0x44d: {  	_ =	swait.ge [sflag:s6], $0x2000  }
0x44e: {  	s13 =	sld [smem:$0x7F4]  }
0x44f: {  	[sflag:s6] =	ssyncset.done $0x0  }
0x450: {  	[sflag:s6] =	ssyncadd.s32 $0xFFFFE000  }
0x451: {  	[hbm4b:s13+s17] =	stream.linear.scatter [tilespmem:s2], [sflag:$0x2], $0x2000, $0x38;
	[tilespmem:$0x11610] =	vst v63  }
0x452: {  	_ =	swait.ge [sflag:s6], $0x2000  }
0x453: {  	[sflag:s6] =	ssyncset.done $0x0  }
0x454: {  	s7 =	simm.s32 $0x0;
	s13 =	simm.s32 $0x200;
	[sflag:s6] =	ssyncadd.s32 $0xFFFFE000  }
.LBB2_34:
0x455: {  	p0 =	sne.s32 s13, $0x7E00;
	[tilespmem:s7+$0xF610] =	vst v1;
	s7 =	smov.u32 s13;
	s13 =	sadd.s32 $0x200, s13  }
.Ltmp16:
0x456: {  	(pc) =	sbr.rel @p0 .LBB2_34-.Ltmp16, $2  }
0x457: {  	_ =	sdelay $0x2  }
0x458: {  	s7 =	sshra.s32 s7, $0x2  }
0x459: {  	s17 =	simm.s32 $0x0  }
0x45a: {  	s13 =	sand.u32 $0x7E00, s17  }
0x45b: {  	[tilespmem:s7+$0xF610] =	vst v1;
	s8 =	sand.u32 $0x70, s17;
	s7 =	sshrl.u32 s13, $0x2  }
0x45c: {  	[bflag:$0x0] =	sbarrier.arrive $0xFFFF;
	s13 =	simm.s32 $0x40;
	s7 =	sor.u32 s8, s7  }
.LBB2_36:
0x45d: {  	p0 =	seq.s32 s13, $0x7FC0  }
0x45e: {  	[tilespmem:s7+$0xB610] =	vst v1;
	s17 =	sadd.s32 $0x10, s17;
	s7 =	smov.u32 s13;
	s13 =	sadd.s32 $0x40, s13  }
.Ltmp17:
0x45f: {  	(pc) =	sbr.rel @!p0 .LBB2_36-.Ltmp17, $4  }
0x460: {  	_ = 	snop  }
0x461: {  	s7 =	sand.u32 $0x7E00, s7  }
0x462: {  	s8 =	sand.u32 $0x70, s17;
	s7 =	sshrl.u32 s7, $0x2  }
0x463: {  	s7 =	sor.u32 s8, s7  }
0x464: {  	[tilespmem:s7+$0xB610] =	vst v1  }
0x465: {  	[spmem:s9] =	stream.linear.scatter [tilespmem:s0], [sflag:$0x2], $0x2000, $0x38;
	[tilespmem:$0x11610] =	vst v63  }
0x466: {  	_ =	swait.ge [sflag:s6], $0x2000  }
0x467: {  	[sflag:s6] =	ssyncset.done $0x0  }
0x468: {  	[sflag:s6] =	ssyncadd.s32 $0xFFFFE000  }
0x469: {  	[spmem:s10] =	stream.linear.scatter [tilespmem:s2], [sflag:$0x2], $0x2000, $0x38;
	[tilespmem:$0x11610] =	vst v63  }
0x46a: {  	_ =	swait.ge [sflag:s6], $0x2000  }
0x46b: {  	[sflag:s6] =	ssyncset.done $0x0  }
0x46c: {  	s17 =	rddreg [dreg:$0x7];
	[sflag:s6] =	ssyncadd.s32 $0xFFFFE000  }
0x46d: {  	[spmem:s17] =	stream.linear.scatter [tilespmem:s0], [sflag:$0x2], $0x2000, $0x38;
	[tilespmem:$0x11610] =	vst v63  }
0x46e: {  	_ =	swait.ge [sflag:s6], $0x2000  }
0x46f: {  	[sflag:s6] =	ssyncset.done $0x0  }
0x470: {  	s8 =	rddreg [dreg:$0x8];
	[sflag:s6] =	ssyncadd.s32 $0xFFFFE000  }
0x471: {  	[spmem:s8] =	stream.linear.scatter [tilespmem:s2], [sflag:$0x2], $0x2000, $0x38;
	[tilespmem:$0x11610] =	vst v63  }
0x472: {  	_ =	swait.ge [sflag:s6], $0x2000  }
0x473: {  	[sflag:s6] =	ssyncset.done $0x0  }
0x474: {  	[sflag:s6] =	ssyncadd.s32 $0xFFFFE000  }
0x475: {  	[spmem:s11] =	stream.linear.scatter [tilespmem:s0], [sflag:$0x2], $0x2000, $0x38;
	[tilespmem:$0x11610] =	vst v63  }
0x476: {  	_ =	swait.ge [sflag:s6], $0x2000  }
0x477: {  	[sflag:s6] =	ssyncset.done $0x0  }
0x478: {  	[sflag:s6] =	ssyncadd.s32 $0xFFFFE000  }
0x479: {  	[spmem:s12] =	stream.linear.scatter [tilespmem:s2], [sflag:$0x2], $0x2000, $0x38;
	[tilespmem:$0x11610] =	vst v63  }
0x47a: {  	_ =	swait.ge [sflag:s6], $0x2000  }
0x47b: {  	[sflag:s6] =	ssyncset.done $0x0  }
0x47c: {  	[sflag:s6] =	ssyncadd.s32 $0xFFFFE000  }
0x47d: {  	[spmem:s21] =	stream.linear.scatter [tilespmem:s0], [sflag:$0x2], $0x2000, $0x38;
	[tilespmem:$0x11610] =	vst v63  }
0x47e: {  	_ =	swait.ge [sflag:s6], $0x2000  }
0x47f: {  	[sflag:s6] =	ssyncset.done $0x0  }
0x480: {  	[sflag:s6] =	ssyncadd.s32 $0xFFFFE000  }
0x481: {  	[spmem:s22] =	stream.linear.scatter [tilespmem:s2], [sflag:$0x2], $0x2000, $0x38;
	[tilespmem:$0x11610] =	vst v63  }
0x482: {  	_ =	swait.ge [sflag:s6], $0x2000  }
0x483: {  	[sflag:s6] =	ssyncset.done $0x0  }
0x484: {  	[sflag:s6] =	ssyncadd.s32 $0xFFFFE000  }
0x485: {  	[spmem:s23] =	stream.linear.scatter [tilespmem:s0], [sflag:$0x2], $0x2000, $0x38;
	[tilespmem:$0x11610] =	vst v63  }
0x486: {  	_ =	swait.ge [sflag:s6], $0x2000  }
0x487: {  	[sflag:s6] =	ssyncset.done $0x0  }
0x488: {  	[sflag:s6] =	ssyncadd.s32 $0xFFFFE000  }
0x489: {  	[spmem:s24] =	stream.linear.scatter [tilespmem:s2], [sflag:$0x2], $0x2000, $0x38;
	[tilespmem:$0x11610] =	vst v63  }
0x48a: {  	_ =	swait.ge [sflag:s6], $0x2000  }
0x48b: {  	[sflag:s6] =	ssyncset.done $0x0  }
0x48c: {  	[sflag:s6] =	ssyncadd.s32 $0xFFFFE000  }
0x48d: {  	s13 =	sadd.s32 $0x0, s28;
	[bflag:$0x0] =	sbarrier.arrive $0xFFFF  }
0x48e: {  	[tilespmem:s14], [sflag:$0x2] =	stream.linear.gather [hbm4b:s13+s5], $0x40, $0x38;
	[tilespmem:$0x11610] =	vst v63  }
0x48f: {  	_ =	swait.ge [sflag:s6], $0x40  }
0x490: {  	[sflag:s6] =	ssyncset.done $0x0  }
0x491: {  	s17 =	sadd.s32 $0x0, s31;
	[sflag:s6] =	ssyncadd.s32 $0xFFFFFFC0  }
0x492: {  	[tilespmem:s15], [sflag:$0x2] =	stream.linear.gather [hbm4b:s17+s5], $0x40, $0x38;
	[tilespmem:$0x11610] =	vst v63  }
0x493: {  	_ =	swait.ge [sflag:s6], $0x40  }
0x494: {  	[sflag:s6] =	ssyncset.done $0x0  }
0x495: {  	[sflag:s6] =	ssyncadd.s32 $0xFFFFFFC0  }
0x496: {  	v2 =	vld [tilespmem:$0xB540]  }
0x497: {  	v3 =	vld [tilespmem:$0xB530]  }
0x498: {  	v4 =	vld [tilespmem:$0xB510]  }
0x499: {  	v5 =	vld [tilespmem:$0xB520];
	_ =	sdelay $0x1  }
0x49a: {  	v2 =	vadd.s32 $0xFFFFEC00, v2  }
0x49b: {  	v3 =	vadd.s32 $0xFFFFEC00, v3;
	v2 =	vmin.u32 v2, $0x1400  }
0x49c: {  	v4 =	vadd.s32 $0xFFFFEC00, v4;
	v3 =	vmin.u32 v3, $0x1400;
	[tilespmem:$0xB5C0] =	vst v2  }
0x49d: {  	v63 =	vadd.s32 $0xFFFFEC00, v5;
	v2 =	vmin.u32 v4, $0x1400;
	[tilespmem:$0xB5B0] =	vst v3  }
0x49e: {  	[tilespmem:$0xB590] =	vst v2;
	v2 =	vmin.u32 v63, $0x1400  }
0x49f: {  	[tilespmem:$0xB5A0] =	vst v2  }
0x4a0: {  	[tilespmem:s0], [sflag:$0x1] =	stream.indirect.gather [hbm4b:s1+s16], $0x80, s14, s16, $0xb8;
	[tilespmem:$0x11610] =	vst v63  }
0x4a1: {  	_ =	swait.ge [sflag:s18], $0x2000  }
0x4a2: {  	[sflag:s18] =	ssyncset.done $0x0  }
0x4a3: {  	[sflag:s18] =	ssyncadd.s32 $0xFFFFE000  }
0x4a4: {  	[spmem:s3] =	stream.indirect.scatter.add.f32 [tilespmem:s0], [sflag:$0x2], $0x80, s19, s16, $0xb8;
	[tilespmem:$0x11610] =	vst v63  }
0x4a5: {  	_ =	swait.ge [sflag:s6], $0x2000  }
0x4a6: {  	[sflag:s6] =	ssyncset.done $0x0  }
0x4a7: {  	s17 =	simm.s32 $0x8;
	[sflag:s6] =	ssyncadd.s32 $0xFFFFE000  }
.LBB2_38:
0x4a8: {  	[spmem:s4] =	stream.indirect.scatter.add.f32 [tilespmem:s20], [sflag:$0x2], $0x10, s19, s16, $0xb8;
	[tilespmem:$0x11610] =	vst v63  }
0x4a9: {  	s7 =	smov.u32 s17  }
0x4aa: {  	p0 =	sne.s32 s17, $0x4F8;
	s17 =	sadd.s32 $0x8, s17;
	_ =	swait.ge [sflag:s6], $0x400  }
0x4ab: {  	[sflag:s6] =	ssyncset.done $0x0  }
0x4ac: {  	s8 =	sadd.s32 s7, s28;
	[sflag:s6] =	ssyncadd.s32 $0xFFFFFC00  }
0x4ad: {  	[tilespmem:s14], [sflag:$0x2] =	stream.linear.gather [hbm4b:s8+s5], $0x40, $0x38;
	[tilespmem:$0x11610] =	vst v63  }
0x4ae: {  	_ =	swait.ge [sflag:s6], $0x40  }
0x4af: {  	[sflag:s6] =	ssyncset.done $0x0  }
0x4b0: {  	s7 =	sadd.s32 s7, s31;
	[sflag:s6] =	ssyncadd.s32 $0xFFFFFFC0  }
0x4b1: {  	[tilespmem:s15], [sflag:$0x2] =	stream.linear.gather [hbm4b:s7+s5], $0x40, $0x38;
	[tilespmem:$0x11610] =	vst v63  }
0x4b2: {  	_ =	swait.ge [sflag:s6], $0x40  }
0x4b3: {  	[sflag:s6] =	ssyncset.done $0x0  }
0x4b4: {  	[sflag:s6] =	ssyncadd.s32 $0xFFFFFFC0  }
0x4b5: {  	v2 =	vld [tilespmem:$0xB540]  }
0x4b6: {  	v3 =	vld [tilespmem:$0xB530]  }
0x4b7: {  	v4 =	vld [tilespmem:$0xB510]  }
0x4b8: {  	v5 =	vld [tilespmem:$0xB520];
	_ =	sdelay $0x1  }
0x4b9: {  	v2 =	vadd.s32 $0xFFFFEC00, v2  }
0x4ba: {  	v3 =	vadd.s32 $0xFFFFEC00, v3;
	v2 =	vmin.u32 v2, $0x1400  }
0x4bb: {  	v4 =	vadd.s32 $0xFFFFEC00, v4;
	v3 =	vmin.u32 v3, $0x1400;
	[tilespmem:$0xB5C0] =	vst v2  }
0x4bc: {  	v2 =	vmin.u32 v4, $0x1400;
	v4 =	vadd.s32 $0xFFFFEC00, v5;
	[tilespmem:$0xB5B0] =	vst v3  }
0x4bd: {  	[tilespmem:$0xB590] =	vst v2;
	v2 =	vmin.u32 v4, $0x1400  }
0x4be: {  	[tilespmem:$0xB5A0] =	vst v2  }
0x4bf: {  	[tilespmem:s0], [sflag:$0x1] =	stream.indirect.gather [hbm4b:s1+s16], $0x80, s14, s16, $0xb8;
	[tilespmem:$0x11610] =	vst v63  }
0x4c0: {  	_ =	swait.ge [sflag:s18], $0x2000  }
0x4c1: {  	[sflag:s18] =	ssyncset.done $0x0  }
.Ltmp18:
0x4c2: {  	[sflag:s18] =	ssyncadd.s32 $0xFFFFE000;
	(pc) =	sbr.rel @p0 .LBB2_38-.Ltmp18, $4  }
0x4c3: {  	[spmem:s3] =	stream.indirect.scatter.add.f32 [tilespmem:s0], [sflag:$0x2], $0x80, s19, s16, $0xb8;
	[tilespmem:$0x11610] =	vst v63  }
0x4c4: {  	_ =	swait.ge [sflag:s6], $0x2000  }
0x4c5: {  	[sflag:s6] =	ssyncset.done $0x0  }
0x4c6: {  	[sflag:s6] =	ssyncadd.s32 $0xFFFFE000  }
0x4c7: {  	[spmem:s4] =	stream.indirect.scatter.add.f32 [tilespmem:s20], [sflag:$0x2], $0x10, s19, s16, $0xb8;
	[tilespmem:$0x11610] =	vst v63  }
0x4c8: {  	_ =	swait.ge [sflag:s6], $0x400  }
0x4c9: {  	[sflag:s6] =	ssyncset.done $0x0  }
0x4ca: {  	[sflag:s6] =	ssyncadd.s32 $0xFFFFFC00  }
0x4cb: {  	[bflag:$0x0] =	sbarrier.arrive $0xFFFF  }
0x4cc: {  	[tilespmem:s0], [sflag:$0x2] =	stream.linear.gather [spmem:s9], $0x2000, $0x38;
	[tilespmem:$0x11610] =	vst v63  }
0x4cd: {  	_ =	swait.ge [sflag:s6], $0x2000  }
0x4ce: {  	s7 =	sld [smem:$0x7F5]  }
0x4cf: {  	[sflag:s6] =	ssyncset.done $0x0  }
0x4d0: {  	s17 =	simm.s32 $0x0;
	[sflag:s6] =	ssyncadd.s32 $0xFFFFE000  }
0x4d1: {  	[hbm4b:s7+s17] =	stream.linear.scatter [tilespmem:s0], [sflag:$0x2], $0x2000, $0x38;
	[tilespmem:$0x11610] =	vst v63  }
0x4d2: {  	_ =	swait.ge [sflag:s6], $0x2000  }
0x4d3: {  	[sflag:s6] =	ssyncset.done $0x0  }
0x4d4: {  	[sflag:s6] =	ssyncadd.s32 $0xFFFFE000  }
0x4d5: {  	[tilespmem:s2], [sflag:$0x2] =	stream.linear.gather [spmem:s10], $0x2000, $0x38;
	[tilespmem:$0x11610] =	vst v63  }
0x4d6: {  	_ =	swait.ge [sflag:s6], $0x2000  }
0x4d7: {  	[sflag:s6] =	ssyncset.done $0x0  }
0x4d8: {  	s10 =	rddreg [dreg:$0x10];
	[sflag:s6] =	ssyncadd.s32 $0xFFFFE000  }
0x4d9: {  	[hbm4b:s10+s17] =	stream.linear.scatter [tilespmem:s2], [sflag:$0x2], $0x2000, $0x38;
	[tilespmem:$0x11610] =	vst v63  }
0x4da: {  	_ =	swait.ge [sflag:s6], $0x2000  }
0x4db: {  	[sflag:s6] =	ssyncset.done $0x0  }
0x4dc: {  	s13 =	rddreg [dreg:$0x7];
	[sflag:s6] =	ssyncadd.s32 $0xFFFFE000  }
0x4dd: {  	[tilespmem:s0], [sflag:$0x2] =	stream.linear.gather [spmem:s13], $0x2000, $0x38;
	[tilespmem:$0x11610] =	vst v63  }
0x4de: {  	_ =	swait.ge [sflag:s6], $0x2000  }
0x4df: {  	s8 =	sld [smem:$0x7F6]  }
0x4e0: {  	[sflag:s6] =	ssyncset.done $0x0  }
0x4e1: {  	[sflag:s6] =	ssyncadd.s32 $0xFFFFE000  }
0x4e2: {  	[hbm4b:s8+s17] =	stream.linear.scatter [tilespmem:s0], [sflag:$0x2], $0x2000, $0x38;
	[tilespmem:$0x11610] =	vst v63  }
0x4e3: {  	_ =	swait.ge [sflag:s6], $0x2000  }
0x4e4: {  	[sflag:s6] =	ssyncset.done $0x0  }
0x4e5: {  	s10 =	rddreg [dreg:$0x8];
	[sflag:s6] =	ssyncadd.s32 $0xFFFFE000  }
0x4e6: {  	[tilespmem:s2], [sflag:$0x2] =	stream.linear.gather [spmem:s10], $0x2000, $0x38;
	[tilespmem:$0x11610] =	vst v63  }
0x4e7: {  	_ =	swait.ge [sflag:s6], $0x2000  }
0x4e8: {  	s13 =	sld [smem:$0x7F7]  }
0x4e9: {  	[sflag:s6] =	ssyncset.done $0x0  }
0x4ea: {  	[sflag:s6] =	ssyncadd.s32 $0xFFFFE000  }
0x4eb: {  	[hbm4b:s13+s17] =	stream.linear.scatter [tilespmem:s2], [sflag:$0x2], $0x2000, $0x38;
	[tilespmem:$0x11610] =	vst v63  }
0x4ec: {  	_ =	swait.ge [sflag:s6], $0x2000  }
0x4ed: {  	[sflag:s6] =	ssyncset.done $0x0  }
0x4ee: {  	[sflag:s6] =	ssyncadd.s32 $0xFFFFE000  }
0x4ef: {  	[tilespmem:s0], [sflag:$0x2] =	stream.linear.gather [spmem:s11], $0x2000, $0x38;
	[tilespmem:$0x11610] =	vst v63  }
0x4f0: {  	_ =	swait.ge [sflag:s6], $0x2000  }
0x4f1: {  	s8 =	sld [smem:$0x7F8]  }
0x4f2: {  	[sflag:s6] =	ssyncset.done $0x0  }
0x4f3: {  	[sflag:s6] =	ssyncadd.s32 $0xFFFFE000  }
0x4f4: {  	[hbm4b:s8+s17] =	stream.linear.scatter [tilespmem:s0], [sflag:$0x2], $0x2000, $0x38;
	[tilespmem:$0x11610] =	vst v63  }
0x4f5: {  	_ =	swait.ge [sflag:s6], $0x2000  }
0x4f6: {  	[sflag:s6] =	ssyncset.done $0x0  }
0x4f7: {  	[sflag:s6] =	ssyncadd.s32 $0xFFFFE000  }
0x4f8: {  	[tilespmem:s2], [sflag:$0x2] =	stream.linear.gather [spmem:s12], $0x2000, $0x38;
	[tilespmem:$0x11610] =	vst v63  }
0x4f9: {  	_ =	swait.ge [sflag:s6], $0x2000  }
0x4fa: {  	s10 =	sld [smem:$0x7F9]  }
0x4fb: {  	[sflag:s6] =	ssyncset.done $0x0  }
0x4fc: {  	[sflag:s6] =	ssyncadd.s32 $0xFFFFE000  }
0x4fd: {  	[hbm4b:s10+s17] =	stream.linear.scatter [tilespmem:s2], [sflag:$0x2], $0x2000, $0x38;
	[tilespmem:$0x11610] =	vst v63  }
0x4fe: {  	_ =	swait.ge [sflag:s6], $0x2000  }
0x4ff: {  	[sflag:s6] =	ssyncset.done $0x0  }
0x500: {  	[sflag:s6] =	ssyncadd.s32 $0xFFFFE000  }
0x501: {  	[tilespmem:s0], [sflag:$0x2] =	stream.linear.gather [spmem:s21], $0x2000, $0x38;
	[tilespmem:$0x11610] =	vst v63  }
0x502: {  	_ =	swait.ge [sflag:s6], $0x2000  }
0x503: {  	s13 =	sld [smem:$0x7FA]  }
0x504: {  	[sflag:s6] =	ssyncset.done $0x0  }
0x505: {  	[sflag:s6] =	ssyncadd.s32 $0xFFFFE000  }
0x506: {  	[hbm4b:s13+s17] =	stream.linear.scatter [tilespmem:s0], [sflag:$0x2], $0x2000, $0x38;
	[tilespmem:$0x11610] =	vst v63  }
0x507: {  	_ =	swait.ge [sflag:s6], $0x2000  }
0x508: {  	[sflag:s6] =	ssyncset.done $0x0  }
0x509: {  	[sflag:s6] =	ssyncadd.s32 $0xFFFFE000  }
0x50a: {  	[tilespmem:s2], [sflag:$0x2] =	stream.linear.gather [spmem:s22], $0x2000, $0x38;
	[tilespmem:$0x11610] =	vst v63  }
0x50b: {  	_ =	swait.ge [sflag:s6], $0x2000  }
0x50c: {  	s8 =	sld [smem:$0x7FB]  }
0x50d: {  	[sflag:s6] =	ssyncset.done $0x0  }
0x50e: {  	[sflag:s6] =	ssyncadd.s32 $0xFFFFE000  }
0x50f: {  	[hbm4b:s8+s17] =	stream.linear.scatter [tilespmem:s2], [sflag:$0x2], $0x2000, $0x38;
	[tilespmem:$0x11610] =	vst v63  }
0x510: {  	_ =	swait.ge [sflag:s6], $0x2000  }
0x511: {  	[sflag:s6] =	ssyncset.done $0x0  }
0x512: {  	[sflag:s6] =	ssyncadd.s32 $0xFFFFE000  }
0x513: {  	[tilespmem:s0], [sflag:$0x2] =	stream.linear.gather [spmem:s23], $0x2000, $0x38;
	[tilespmem:$0x11610] =	vst v63  }
0x514: {  	_ =	swait.ge [sflag:s6], $0x2000  }
0x515: {  	s10 =	sld [smem:$0x7FC]  }
0x516: {  	[sflag:s6] =	ssyncset.done $0x0  }
0x517: {  	[sflag:s6] =	ssyncadd.s32 $0xFFFFE000  }
0x518: {  	[hbm4b:s10+s17] =	stream.linear.scatter [tilespmem:s0], [sflag:$0x2], $0x2000, $0x38;
	[tilespmem:$0x11610] =	vst v63  }
0x519: {  	_ =	swait.ge [sflag:s6], $0x2000  }
0x51a: {  	[sflag:s6] =	ssyncset.done $0x0  }
0x51b: {  	[sflag:s6] =	ssyncadd.s32 $0xFFFFE000  }
0x51c: {  	[tilespmem:s2], [sflag:$0x2] =	stream.linear.gather [spmem:s24], $0x2000, $0x38;
	[tilespmem:$0x11610] =	vst v63  }
0x51d: {  	_ =	swait.ge [sflag:s6], $0x2000  }
0x51e: {  	s13 =	sld [smem:$0x7FD]  }
0x51f: {  	[sflag:s6] =	ssyncset.done $0x0  }
0x520: {  	[sflag:s6] =	ssyncadd.s32 $0xFFFFE000  }
0x521: {  	[hbm4b:s13+s17] =	stream.linear.scatter [tilespmem:s2], [sflag:$0x2], $0x2000, $0x38;
	[tilespmem:$0x11610] =	vst v63  }
0x522: {  	_ =	swait.ge [sflag:s6], $0x2000  }
0x523: {  	[sflag:s6] =	ssyncset.done $0x0  }
0x524: {  	s7 =	simm.s32 $0x0;
	s13 =	simm.s32 $0x200;
	[sflag:s6] =	ssyncadd.s32 $0xFFFFE000  }
.LBB2_40:
0x525: {  	p0 =	sne.s32 s13, $0x7E00;
	[tilespmem:s7+$0xF610] =	vst v1;
	s7 =	smov.u32 s13;
	s13 =	sadd.s32 $0x200, s13  }
.Ltmp19:
0x526: {  	(pc) =	sbr.rel @p0 .LBB2_40-.Ltmp19, $2  }
0x527: {  	_ =	sdelay $0x2  }
0x528: {  	s7 =	sshra.s32 s7, $0x2  }
0x529: {  	s8 =	sld [smem:$0x7D8];
	_ =	sdelay $0x2  }
0x52a: {  	s17 =	rddreg [dreg:$0x5];
	s8 =	sadd.s32 $0x1, s8  }
0x52b: {  	p0 =	sne.s32 s8, s17  }
.Ltmp20:
0x52c: {  	_ = 	snop;
	(pc) =	sbr.rel @p0 .LBB2_1-.Ltmp20, $3  }
0x52d: {  	_ = 	snop  }
0x52e: {  	[tilespmem:s7+$0xF610] =	vst v1  }
0x52f: {  	[bflag:$0x0] =	sbarrier.arrive $0xFFFF;
	_ =	sdelay $0x1  }
0x530: {  	_ =	sfence.sel $0x180000  }
0x531: {  	[bflag:$0x0] =	sbarrier.arrive $0xFFFF  }
0x532: {  	_ =	strace $0x90000047  }
0x533: {  	s0 =	stileid.u32;
	[bflag:$0x2] =	sbarrier.arrive $0xFFFF  }
0x534: {  	p0 =	sne.s32 s0, $0x0;
	s0 =	rddreg [dreg:$0x4]  }
0x535: {  	s0 =	sadd.s32 @!p0 $0x100000, s0  }
0x536: {  	[sflag:s0] =	ssyncadd.tile.s32 @!p0 $0x1;
	_ =	shalt  }
.Lfunc_end2:
_tile_overlayer_lowered:
.L_overlay_start_2:
0x537: {  	(tag) =	ssettag $0x2  }
0x538: {  	s0 =	rddreg [dreg:$0x0];
	s2 =	stileid.u32  }
0x539: {  	s1 =	rddreg [dreg:$0x1];
	p0 =	sne.s32 s2, $0x0  }
0x53a: {  	s3 =	rddreg [dreg:$0x2];
	[bflag:$0x3] =	sbarrier.arrive $0xFFFF;
	s2 =	simm.s32 @!p0 $0x1C02  }
0x53b: {  	[timem:s3], [sflag:s2] =	dma.local @!p0 [hbm:s0], s1  }
0x53c: {  	s0 =	simm.s32 @!p0 $0x2  }
0x53d: {  	_ =	swait.ge @!p0 [sflag:s0], s1  }
0x53e: {  	s1 =	ssub.s32 @!p0 $0x0, s1;
	[sflag:s0] =	ssyncset.done @!p0 $0x0  }
0x53f: {  	[sflag:s0] =	ssyncadd.s32 @!p0 s1  }
0x540: {  	[bflag:$0x3] =	sbarrier.arrive $0xFFFF  }
0x541: {  	_ =	shalt  }

// kernel: kernel.8.cloned.1.call-start
scs
__scs_entry_jumppad:
0x0: {  	(pc) =	sbr.rel $0x88, $3  }
0x1: {  	(tag) =	ssettag $0x0;
	lr =	simm.s32 $0x1  }
0x2: {  	[smem:$0x3F98] =	sst lr;
	_ =	strace $0xD0000000  }
0x3: {  	_ = 	snop  }
0x4: {  	_ = 	snop  }
0x5: {  	_ = 	snop  }
0x6: {  	_ = 	snop  }
0x7: {  	_ = 	snop  }
__scs_overlays_trampoline_lowered:
0x8: {  	[smem:$0x3FA7] =	sst s0  }
0x9: {  	[smem:$0x3FA8] =	sst s1  }
0xa: {  	[smem:$0x3FA9] =	sst s2  }
0xb: {  	[smem:$0x3FAA] =	sst s3  }
0xc: {  	[smem:$0x3FAB] =	sst s4  }
0xd: {  	[smem:$0x3FAC] =	sst s5  }
0xe: {  	[smem:$0x3FAD] =	sst s6  }
0xf: {  	[smem:$0x3FAE] =	sst s7  }
0x10: {  	[smem:$0x3FAF] =	sst s8  }
0x11: {  	[smem:$0x3FB0] =	sst s9;
	s0 =	simm.s32 @!p0 $0x0  }
0x12: {  	s1 =	sld [smem:$0x3F96];
	s0 =	simm.s32 @p0 $0x1  }
0x13: {  	[smem:$0x3FB1] =	sst s0;
	s0 =	simm.s32 @!p1 $0x0  }
0x14: {  	s2 =	sld [smem:$0x3F95];
	s0 =	simm.s32 @p1 $0x1  }
0x15: {  	[smem:$0x3FB2] =	sst s0;
	s0 =	simm.s32 @!p2 $0x0  }
0x16: {  	s3 =	sld [smem:$0x3FDB];
	s0 =	simm.s32 @p2 $0x1  }
0x17: {  	s4 =	simm.s32 $0x1BF5;
	[smem:$0x3FB4] =	sst s0  }
0x18: {  	s0 =	sld [smem:$0x3F97];
	_ =	swait.ge [sflag:s4], $0x0  }
0x19: {  	s7 =	sld [smem:$0x3F98]  }
0x1a: {  	s8 =	sadd.s32 $0xFFFFE003, lr  }
0x1b: {  	s9 =	sadd.s32 $0xFFFFFEF7, lr;
	s5 =	simm.s32 $0xFFFFFFFF;
	p2 =	slt.u32 s8, $0xFFFFF086  }
0x1c: {  	p1 =	slt.u32 s9, $0xF7A;
	s5 =	simm.s32 @!p2 $0x0  }
0x1d: {  	s5 =	simm.s32 @p1 $0x1;
	p0 =	seq.s32 s7, s2  }
0x1e: {  	s7 =	smul.u32 @!p0 $0xF7A, s2;
	p2 =	seq.s32 @!p0 s5, $0x0  }
0x1f: {  	s9 =	smul.u32 $0xF7A, s1;
	s8 =	simm.s32 @!p0 $0x1BF5;
	p2 =	por !p2, p0  }
0x20: {  	[sflag:s8] =	ssyncset.s32 @!p0 $0xFFFFF086;
	s6 =	sadd.s32 @!p0 s3, s7;
	s7 =	simm.s32 @!p0 $0x108  }
0x21: {  	s3 =	sadd.s32 s3, s9;
	s6 =	sadd.s32 @!p0 $0x88, s6;
	s7 =	simm.s32 @p2 $0x1082  }
0x22: {  	[simem:s7], [sflag:s8] =	dma.local @!p0 [hbm:s6], $0xF7A  }
0x23: {  	s9 =	sor.u32 $0xD0000000, s2;
	s6 =	simm.s32 $0x108;
	_ =	swait.ge @!p0 [sflag:s8], $0x0  }
0x24: {  	s3 =	sadd.s32 $0x88, s3;
	s6 =	simm.s32 @!p1 $0x1082;
	[sflag:s4] =	ssyncset.s32 $0xFFFFF086  }
0x25: {  	[simem:s6], [sflag:s4] =	dma.local [hbm:s3], $0xF7A  }
0x26: {  	[smem:$0x3F98] =	sst s1;
	(tag) =	ssettag s2;
	_ =	strace s9  }
0x27: {  	s1 =	sld [smem:$0x3FA8]  }
0x28: {  	s2 =	sld [smem:$0x3FA9]  }
0x29: {  	s4 =	sld [smem:$0x3FAB]  }
0x2a: {  	p0 =	seq.s32 s5, $0x0;
	s5 =	sld [smem:$0x3FAC]  }
0x2b: {  	s6 =	sld [smem:$0x3FAD]  }
0x2c: {  	s7 =	sld [smem:$0x3FAE]  }
0x2d: {  	s3 =	simm.s32 $0x108;
	s8 =	sld [smem:$0x3FAF]  }
0x2e: {  	s3 =	simm.s32 @!p0 $0x1082;
	s9 =	sld [smem:$0x3FB0]  }
0x2f: {  	lr =	sadd.s32 s0, s3;
	s0 =	sld [smem:$0x3FA7]  }
0x30: {  	s3 =	sld [smem:$0x3FAA]  }
0x31: {  	[smem:$0x3FB3] =	sst s10  }
0x32: {  	s10 =	sld [smem:$0x3FB1];
	_ =	sdelay $0x3  }
0x33: {  	p0 =	seq.s32 s10, $0x1;
	s10 =	sld [smem:$0x3FB3];
	_ =	sdelay $0x3  }
0x34: {  	[smem:$0x3FB3] =	sst s10  }
0x35: {  	s10 =	sld [smem:$0x3FB2];
	_ =	sdelay $0x3  }
0x36: {  	p1 =	seq.s32 s10, $0x1;
	s10 =	sld [smem:$0x3FB3];
	_ =	sdelay $0x3  }
0x37: {  	[smem:$0x3FB3] =	sst s10  }
0x38: {  	s10 =	sld [smem:$0x3FB4]  }
0x39: {  	_ = 	snop;
	(pc) =	sbr.ind lr, $3  }
0x3a: {  	_ = 	snop  }
0x3b: {  	_ = 	snop  }
0x3c: {  	p2 =	seq.s32 s10, $0x1;
	s10 =	sld [smem:$0x3FB3]  }
0x3d: {  	_ =	shalt  }
0x3e: {  	_ =	shalt  }
0x3f: {  	_ =	shalt  }
0x40: {  	_ =	shalt  }
0x41: {  	_ =	shalt  }
0x42: {  	_ =	shalt  }
0x43: {  	_ =	shalt  }
0x44: {  	_ =	shalt  }
0x45: {  	_ =	shalt  }
0x46: {  	_ =	shalt  }
0x47: {  	_ =	shalt  }
0x48: {  	_ =	shalt  }
0x49: {  	_ =	shalt  }
0x4a: {  	_ =	shalt  }
0x4b: {  	_ =	shalt  }
0x4c: {  	_ =	shalt  }
0x4d: {  	_ =	shalt  }
0x4e: {  	_ =	shalt  }
0x4f: {  	_ =	shalt  }
0x50: {  	_ =	shalt  }
0x51: {  	_ =	shalt  }
0x52: {  	_ =	shalt  }
0x53: {  	_ =	shalt  }
0x54: {  	_ =	shalt  }
0x55: {  	_ =	shalt  }
0x56: {  	_ =	shalt  }
0x57: {  	_ =	shalt  }
0x58: {  	_ =	shalt  }
0x59: {  	_ =	shalt  }
0x5a: {  	_ =	shalt  }
0x5b: {  	_ =	shalt  }
0x5c: {  	_ =	shalt  }
0x5d: {  	_ =	shalt  }
0x5e: {  	_ =	shalt  }
0x5f: {  	_ =	shalt  }
0x60: {  	_ =	shalt  }
0x61: {  	_ =	shalt  }
0x62: {  	_ =	shalt  }
0x63: {  	_ =	shalt  }
0x64: {  	_ =	shalt  }
0x65: {  	_ =	shalt  }
0x66: {  	_ =	shalt  }
0x67: {  	_ =	shalt  }
0x68: {  	_ =	shalt  }
0x69: {  	_ =	shalt  }
0x6a: {  	_ =	shalt  }
0x6b: {  	_ =	shalt  }
0x6c: {  	_ =	shalt  }
0x6d: {  	_ =	shalt  }
0x6e: {  	_ =	shalt  }
0x6f: {  	_ =	shalt  }
0x70: {  	_ =	shalt  }
0x71: {  	_ =	shalt  }
0x72: {  	_ =	shalt  }
0x73: {  	_ =	shalt  }
0x74: {  	_ =	shalt  }
0x75: {  	_ =	shalt  }
0x76: {  	_ =	shalt  }
0x77: {  	_ =	shalt  }
0x78: {  	_ =	shalt  }
0x79: {  	_ =	shalt  }
0x7a: {  	_ =	shalt  }
0x7b: {  	_ =	shalt  }
0x7c: {  	_ =	shalt  }
0x7d: {  	_ =	shalt  }
0x7e: {  	_ =	shalt  }
0x7f: {  	_ =	shalt  }
0x80: {  	_ =	shalt  }
0x81: {  	_ =	shalt  }
0x82: {  	_ =	shalt  }
0x83: {  	_ =	shalt  }
0x84: {  	_ =	shalt  }
0x85: {  	_ =	shalt  }
0x86: {  	_ =	shalt  }
0x87: {  	_ =	shalt  }
.Lfunc_end0:
.L_simem_size_0:
called_computation.1_lowered:
.L_overlay_start_0:
0x88: {  	s2 =	sld [smem:$0x3FD9]  }
0x89: {  	s3 =	sld [smem:$0x3FFE];
	_ =	sdelay $0x1  }
0x8a: {  	s1 =	srdreg.scid  }
0x8b: {  	s0 =	sand.u32 $0x1, s1  }
0x8c: {  	s17 =	sshll.u32 s0, $0xA;
	s2 =	sadd.s32 s3, s2  }
0x8d: {  	s2 =	sadd.s32 s2, s17  }
0x8e: {  	[smem:$0x3FBF] =	sst s2  }
0x8f: {  	_ = 	snop  }
0x90: {  	s2 =	sld [smem:$0x3FD0];
	(tm) =	ssettm $0x1  }
0x91: {  	s18 =	sld [smem:$0x3FFB];
	_ =	sdelay $0x3  }
0x92: {  	_ =	strace s18  }
0x93: {  	s3 =	sld [smem:$0x3FFC];
	_ =	sdelay $0x3  }
0x94: {  	_ =	strace s3  }
0x95: {  	s3 =	sld [smem:$0x3FFD];
	_ =	sdelay $0x3  }
0x96: {  	_ =	strace s3  }
0x97: {  	_ =	strace $0x8FFFFFFF  }
0x98: {  	s19 =	sld [smem:$0x3FDB];
	_ =	sdelay $0x1  }
0x99: {  	s4 =	simm.s32 $_scs_section_size  }
0x9a: {  	s5 =	simm.s32 $_size__tile_overlayer_lowered;
	s6 =	simm.s32 $_tile_overlayer_lowered  }
0x9b: {  	s22 =	simm.s32 $0x1BFF;
	s21 =	sshll.u32 s6, $0x1;
	s3 =	sadd.s32 s4, s19  }
0x9c: {  	s7 =	simm.s32 $0x0;
	s20 =	sshll.u32 s5, $0x1;
	s5 =	sadd.s32 s21, s3  }
0x9d: {  	[timem:s7], [sflag:s22] =	dma.local [hbm:s5], s20  }
0x9e: {  	_ =	swait.ge [sflag:s22], s20  }
0x9f: {  	s4 =	ssub.s32 $0x0, s20;
	[sflag:s22] =	ssyncset.done $0x0  }
0xa0: {  	[sflag:s22] =	ssyncadd.s32 s4;
	_ =	sdelay $0x1  }
0xa1: {  	s23 =	simm.s32 $0x1B8B  }
0xa2: {  	_ =	swait.ge [sflag:s23], $0x1  }
0xa3: {  	[sflag:s23] =	ssyncset.done $0x0  }
0xa4: {  	s25 =	simm.s32 $0x1B8E;
	s24 =	sld [smem:$0x3FFE];
	[sflag:s23] =	ssyncadd.s32 $0xFFFFFFFF  }
0xa5: {  	s26 =	simm.s32 $execute0_lowered;
	[smem:$0x3FD2] =	sst s25  }
0xa6: {  	s5 =	sshll.u32 s26, $0x1;
	_ =	strace $0x80000049;
	[dreg:$0x1] =	wrdreg $0xFFFFFFFF  }
0xa7: {  	s28 =	simm.s32 $_size_execute0_lowered;
	s3 =	sadd.s32 s3, s5;
	[dreg:$0x0] =	wrdreg $0x0  }
0xa8: {  	s5 =	sshll.u32 s28, $0x1;
	[dreg:$0x2] =	wrdreg s3  }
0xa9: {  	[dreg:$0x3] =	wrdreg s5  }
0xaa: {  	[dreg:$0x4] =	wrdreg $0xC0  }
0xab: {  	_ =	task [dreg:s7], $0x5FFFF  }
0xac: {  	[dreg:$0x1] =	wrdreg $0xFFFFFFFF  }
0xad: {  	[dreg:$0x0] =	wrdreg $0x60  }
0xae: {  	[dreg:$0x2] =	wrdreg s2  }
0xaf: {  	[dreg:$0x3] =	wrdreg s24  }
0xb0: {  	[dreg:$0x4] =	wrdreg $0x9  }
0xb1: {  	_ =	task.clear_ibuf [dreg:s7], $0x5FFFF;
	_ =	strace $0x90000049  }
0xb2: {  	s29 =	simm.s32 $0x9;
	_ =	strace $0x8000004B  }
0xb3: {  	_ =	swait.ge [sflag:s29], $0x1  }
0xb4: {  	[sflag:s29] =	ssyncadd.s32 $0xFFFFFFFF  }
0xb5: {  	_ =	strace $0x9000004B  }
0xb6: {  	_ =	sfence  }
0xb7: {  	s30 =	sld [smem:$0x0];
	_ =	sdelay $0x2  }
0xb8: {  	s31 =	sshll.u32 s1, $0xD;
	s1 =	sshrl.u32 s1, $0x2  }
0xb9: {  	s3 =	sand.u32 $0x4000, s31;
	s1 =	sadd.s32 s1, s30  }
0xba: {  	s0 =	sor.u32 s3, s0;
	s1 =	sshll.u32 s1, $0x11  }
0xbb: {  	s0 =	sor.u32 s1, s0  }
0xbc: {  	s0 =	sadd.s32 $0x8F2B, s0  }
0xbd: {  	[sflag:s0] =	ssyncadd.remote.s32 $0x1  }
0xbe: {  	_ =	sfence.sel $0xFFFF  }
0xbf: {  	[dreg:$0x0] =	wrdreg $0xFFFFFFFF;
	(pc) =	sbr.abs _section_cstart, $3  }
0xc0: {  	[dreg:$0x1] =	wrdreg $0xFFFFFFFF  }
0xc1: {  	_ =	task.clear_ibuf [dreg:s7], $0x2FFFF;
	_ =	strace $0x9FFFFFFF  }
0xc2: {  	(tm) =	ssettm $0x7FFFFFFF  }
0xc3: {  	_ =	shalt  }
tec
execute0_lowered:
.L_overlay_start_1:
0x0: {  	(tag) =	ssettag $0x1  }
0x1: {  	s2 =	rddreg [dreg:$0x0]  }
0x2: {  	s4 =	rddreg [dreg:$0x1]  }
0x3: {  	s0 =	rddreg [dreg:$0x2];
	s1 =	stileid.u32  }
0x4: {  	s5 =	srdreg.scid;
	s3 =	simm.s32 $0x0;
	s6 =	smul.u32 $0xD00, s1  }
0x5: {  	s10 =	simm.s32 $0x0;
	s5 =	sand.u32 $0x1, s5;
	s8 =	smul.u32 $0xD000, s1  }
0x6: {  	[smem:$0x7FF] =	sst s3;
	s7 =	smul.u32 $0x680, s5;
	s9 =	ssub.s32 $0x2, s5  }
0x7: {  	_ =	strace $0x8000004A;
	s5 =	smul.u32 $0x6800, s5;
	s31 =	sshrl.u32 s9, $0x1  }
0x8: {  	s8 =	sadd.s32 s8, s4;
	s6 =	sadd.s32 s7, s6;
	s7 =	ssub.s32 s9, s31  }
0x9: {  	s5 =	sadd.s32 s5, s8;
	s8 =	simm.s32 $0x80;
	s6 =	sshrl.u32 s6, $0x3  }
0xa: {  	s9 =	simm.s32 $0x1;
	s5 =	sadd.s32 $0xE00, s5;
	s6 =	sadd.s32 s6, s4  }
0xb: {  	s4 =	smax.u32 s7, $0x1;
	s7 =	simm.s32 $0x2;
	s6 =	sadd.s32 $0x20DE00, s6  }
.LBB2_1:
0xc: {  	s11 =	sadd.s32 $0x0, s6  }
0xd: {  	[tilespmem:s3], [sflag:$0x2] =	stream.linear.gather [hbm4b:s11+s3], $0x80, $0x38;
	[tilespmem:$0x4080] =	vst v63  }
0xe: {  	_ =	swait.ge [sflag:s7], $0x80  }
0xf: {  	[sflag:s7] =	ssyncset.done $0x0  }
0x10: {  	[sflag:s7] =	ssyncadd.s32 $0xFFFFFF80  }
0x11: {  	[tilespmem:s8], [sflag:$0x1] =	stream.indirect.gather [hbm4b:s2+s8], $0x80, s3, s8, $0xb8;
	[tilespmem:$0x4080] =	vst v63  }
0x12: {  	_ =	swait.ge [sflag:s9], $0x4000  }
0x13: {  	[sflag:s9] =	ssyncset.done $0x0  }
0x14: {  	[sflag:s9] =	ssyncadd.s32 $0xFFFFC000  }
0x15: {  	[hbm4b:s5+s3] =	stream.linear.scatter [tilespmem:s8], [sflag:$0x2], $0x4000, $0x38;
	[tilespmem:$0x4080] =	vst v63  }
0x16: {  	s12 =	simm.s32 $0x10;
	_ =	swait.ge [sflag:s7], $0x4000  }
0x17: {  	s13 =	simm.s32 $0x20;
	s11 =	sadd.s32 $0x800, s5;
	[sflag:s7] =	ssyncset.done $0x0  }
.LBB2_2:
0x18: {  	s14 =	sadd.s32 s12, s6  }
0x19: {  	[sflag:s7] =	ssyncadd.s32 $0xFFFFC000;
	s12 =	smov.u32 s13;
	s15 =	sadd.s32 $0x10, s13  }
0x1a: {  	[tilespmem:s3], [sflag:$0x2] =	stream.linear.gather [hbm4b:s14+s3], $0x80, $0x38;
	[tilespmem:$0x4080] =	vst v63  }
0x1b: {  	p0 =	sne.s32 s13, $0xC0;
	_ =	swait.ge [sflag:s7], $0x80  }
0x1c: {  	[sflag:s7] =	ssyncset.done $0x0  }
0x1d: {  	[sflag:s7] =	ssyncadd.s32 $0xFFFFFF80  }
0x1e: {  	[tilespmem:s8], [sflag:$0x1] =	stream.indirect.gather [hbm4b:s2+s8], $0x80, s3, s8, $0xb8;
	[tilespmem:$0x4080] =	vst v63  }
0x1f: {  	_ =	swait.ge [sflag:s9], $0x4000  }
.Ltmp0:
0x20: {  	[sflag:s9] =	ssyncset.done $0x0;
	(pc) =	sbr.rel @p0 .LBB2_2-.Ltmp0, $4  }
0x21: {  	[sflag:s9] =	ssyncadd.s32 $0xFFFFC000  }
0x22: {  	[hbm4b:s11+s3] =	stream.linear.scatter [tilespmem:s8], [sflag:$0x2], $0x4000, $0x38;
	[tilespmem:$0x4080] =	vst v63  }
0x23: {  	_ =	swait.ge [sflag:s7], $0x4000  }
0x24: {  	s13 =	smov.u32 s15;
	s11 =	sadd.s32 $0x800, s11;
	[sflag:s7] =	ssyncset.done $0x0  }
0x25: {  	s12 =	sadd.s32 s12, s6;
	[sflag:s7] =	ssyncadd.s32 $0xFFFFC000  }
0x26: {  	[tilespmem:s3], [sflag:$0x2] =	stream.linear.gather [hbm4b:s12+s3], $0x80, $0x38;
	[tilespmem:$0x4080] =	vst v63  }
0x27: {  	_ =	swait.ge [sflag:s7], $0x80  }
0x28: {  	[sflag:s7] =	ssyncset.done $0x0  }
0x29: {  	[sflag:s7] =	ssyncadd.s32 $0xFFFFFF80  }
0x2a: {  	[tilespmem:s8], [sflag:$0x1] =	stream.indirect.gather [hbm4b:s2+s8], $0x80, s3, s8, $0xb8;
	[tilespmem:$0x4080] =	vst v63  }
0x2b: {  	s10 =	sadd.s32 $0x1, s10;
	_ =	swait.ge [sflag:s9], $0x4000  }
0x2c: {  	p0 =	sne.s32 s10, s4;
	[sflag:s9] =	ssyncset.done $0x0  }
.Ltmp1:
0x2d: {  	[sflag:s9] =	ssyncadd.s32 $0xFFFFC000;
	(pc) =	sbr.rel @p0 .LBB2_1-.Ltmp1, $4  }
0x2e: {  	[hbm4b:s11+s3] =	stream.linear.scatter [tilespmem:s8], [sflag:$0x2], $0x4000, $0x38;
	[tilespmem:$0x4080] =	vst v63  }
0x2f: {  	_ =	swait.ge [sflag:s7], $0x4000  }
0x30: {  	[sflag:s7] =	ssyncset.done $0x0  }
0x31: {  	[sflag:s7] =	ssyncadd.s32 $0xFFFFC000  }
0x32: {  	_ =	sfence.sel $0x180000  }
0x33: {  	[bflag:$0x0] =	sbarrier.arrive $0xFFFF  }
0x34: {  	p0 =	sne.s32 s1, $0x0;
	_ =	strace $0x9000004A  }
0x35: {  	s0 =	sadd.s32 @!p0 $0x100000, s0;
	[bflag:$0x2] =	sbarrier.arrive $0xFFFF  }
0x36: {  	[sflag:s0] =	ssyncadd.tile.s32 @!p0 $0x1;
	_ =	shalt  }
.Lfunc_end2:
_tile_overlayer_lowered:
.L_overlay_start_2:
0x37: {  	(tag) =	ssettag $0x2  }
0x38: {  	s0 =	rddreg [dreg:$0x0];
	s2 =	stileid.u32  }
0x39: {  	s1 =	rddreg [dreg:$0x1];
	p0 =	sne.s32 s2, $0x0  }
0x3a: {  	s3 =	rddreg [dreg:$0x2];
	[bflag:$0x3] =	sbarrier.arrive $0xFFFF;
	s2 =	simm.s32 @!p0 $0x1C02  }
0x3b: {  	[timem:s3], [sflag:s2] =	dma.local @!p0 [hbm:s0], s1  }
0x3c: {  	s0 =	simm.s32 @!p0 $0x2  }
0x3d: {  	_ =	swait.ge @!p0 [sflag:s0], s1  }
0x3e: {  	s1 =	ssub.s32 @!p0 $0x0, s1;
	[sflag:s0] =	ssyncset.done @!p0 $0x0  }
0x3f: {  	[sflag:s0] =	ssyncadd.s32 @!p0 s1  }
0x40: {  	[bflag:$0x3] =	sbarrier.arrive $0xFFFF  }
0x41: {  	_ =	shalt  }

</sc_bundles>
